<compile_context>
chip_gen: v7x
topology: tpu7x:2x2x1
jax: 0.10.2.dev20260603
libtpu: 0.0.44.dev20260713+nightly
codegen_flags: <defaults>
</compile_context>

<pallas_src>
import jax
import jax.numpy as jnp
from jax import lax
from jax.experimental import pallas as pl
from jax.experimental.pallas import tpu as pltpu
from jax.experimental.pallas import tpu_sc as plsc

_L = 16
_NC = 2
_NS = 16


def _make_sc_avg(S, D, lo, c_base, c_count):
    C = D // _L
    nw = _NC * _NS
    scale = 1.0 / S

    def compute(buf, acc):
        def _init(r, cs):
            c0, c1, c2, c3 = cs
            b = (S - 1) + 4 * r
            return (
                c0 + buf[b, :],
                c1 + buf[b + 1, :],
                c2 + buf[b + 2, :],
                c3 + buf[b + 3, :],
            )

        z = jnp.zeros((_L,), jnp.float32)
        c0, c1, c2, c3 = lax.fori_loop(0, S // 4, _init, (z, z, z, z), unroll=8)
        w = (c0 + c1) + (c2 + c3)
        acc[0, :] = w * scale

        def _slide4(j, w):
            i = 4 * j
            d1 = buf[(S - 2) - i, :] - buf[(2 * S - 2) - i, :]
            d2 = buf[(S - 3) - i, :] - buf[(2 * S - 3) - i, :]
            d3 = buf[(S - 4) - i, :] - buf[(2 * S - 4) - i, :]
            d4 = buf[(S - 5) - i, :] - buf[(2 * S - 5) - i, :]
            s2 = d1 + d2
            s34 = d3 + d4
            w1 = w + d1
            w2 = w + s2
            w3 = w2 + d3
            w4 = w + (s2 + s34)
            acc[i + 1, :] = w1 * scale
            acc[i + 2, :] = w2 * scale
            acc[i + 3, :] = w3 * scale
            acc[i + 4, :] = w4 * scale
            return w4

        w = lax.fori_loop(0, S // 4 - 1, _slide4, w, unroll=4)

        def _slide1(i, w):
            w = w + buf[(S - 1) - i, :] - buf[(2 * S - 1) - i, :]
            acc[i, :] = w * scale
            return w

        lax.fori_loop(S - 3, S, _slide1, w, unroll=3)

    def body(table_hbm, avg_hbm, buf0, buf1, acc0, acc1, si0, si1, so0, so1):
        wid = lax.axis_index("s") * _NC + lax.axis_index("c")
        chunk0 = c_base + wid
        chunk1 = c_base + wid + nw
        has1 = (wid < c_count) & (wid + nw < c_count)
        has0 = wid < c_count

        def in_cp(chunk, buf, sem):
            return pltpu.make_async_copy(
                table_hbm.at[pl.ds(lo, 2 * S - 1), pl.ds(chunk * _L, _L)],
                buf,
                sem,
            )

        def out_cp(chunk, acc, sem):
            return pltpu.make_async_copy(
                acc, avg_hbm.at[:, pl.ds((chunk - c_base) * _L, _L)], sem
            )

        @pl.when(has0)
        def _():
            in_cp(chunk0, buf0, si0).start()

        @pl.when(has1)
        def _():
            in_cp(chunk1, buf1, si1).start()

        @pl.when(has0)
        def _():
            in_cp(chunk0, buf0, si0).wait()
            compute(buf0, acc0)
            out_cp(chunk0, acc0, so0).start()

        @pl.when(has1)
        def _():
            in_cp(chunk1, buf1, si1).wait()
            compute(buf1, acc1)
            out_cp(chunk1, acc1, so1).start()

        @pl.when(has0)
        def _():
            out_cp(chunk0, acc0, so0).wait()

        @pl.when(has1)
        def _():
            out_cp(chunk1, acc1, so1).wait()

    return pl.kernel(
        body,
        out_type=jax.ShapeDtypeStruct((S, c_count * _L), jnp.float32),
        mesh=plsc.VectorSubcoreMesh(core_axis_name="c", subcore_axis_name="s"),
        scratch_types=[
            pltpu.VMEM((2 * S - 1, _L), jnp.float32),
            pltpu.VMEM((2 * S - 1, _L), jnp.float32),
            pltpu.VMEM((S, _L), jnp.float32),
            pltpu.VMEM((S, _L), jnp.float32),
            pltpu.SemaphoreType.DMA,
            pltpu.SemaphoreType.DMA,
            pltpu.SemaphoreType.DMA,
            pltpu.SemaphoreType.DMA,
        ],
        compiler_params=pltpu.CompilerParams(use_tc_tiling_on_sc=False),
    )


def _add_body(lo_ref, hi_ref, x_ref, o_ref):
    avg = jnp.concatenate([lo_ref[...], hi_ref[...]], axis=-1)
    o_ref[...] = x_ref[...] + avg[None]


def kernel(x, rel_table):
    B, S, D = x.shape
    max_len = (rel_table.shape[0] + 1) // 2
    lo = max_len - S

    h = (D // _L) // 2
    avg_lo = _make_sc_avg(S, D, lo, 0, h)(rel_table)
    avg_hi = _make_sc_avg(S, D, lo, h, h)(rel_table)

    return pl.pallas_call(
        _add_body,
        grid=(B,),
        in_specs=[
            pl.BlockSpec((S, D // 2), lambda b: (0, 0)),
            pl.BlockSpec((S, D // 2), lambda b: (0, 0)),
            pl.BlockSpec((1, S, D), lambda b: (b, 0, 0)),
        ],
        out_specs=pl.BlockSpec((1, S, D), lambda b: (b, 0, 0)),
        out_shape=jax.ShapeDtypeStruct((B, S, D), jnp.float32),
    )(avg_lo, avg_hi, x)

# --- scband reference (transcript-rebuilt; emitter-appended) ---
"""Pipeline reference for scband-relative-positional-encoding-58145267254156 (READ-ONLY COPY).

The authoritative reference and input builder live on the scoring server;
editing this copy changes nothing except your own understanding.
"""

import jax, jax.numpy as jnp
import numpy as np

D_MODEL = 768
MAX_LEN = 4096
BATCH = 4
SEQ_LEN = 512


def setup_inputs(seed: int = 0) -> dict:
    key = jax.random.key(seed)
    k1, k2 = jax.random.split(key)
    x = jax.random.normal(k1, (BATCH, SEQ_LEN, D_MODEL), dtype=jnp.float32)
    # learned embedding table for relative positions: [2*max_len - 1, d_model]
    rel_table = jax.random.normal(k2, (2 * MAX_LEN - 1, D_MODEL), dtype=jnp.float32) * 0.02
    return {"x": x, "rel_table": rel_table}


def reference(x, rel_table):
    batch_size, seq_len, d_model = x.shape
    positions = jnp.arange(seq_len)
    # relative_positions[i, j] = j - i, shifted into [0, 2*max_len-2]
    relative_positions = positions[None, :] - positions[:, None]
    relative_positions = relative_positions + MAX_LEN - 1
    # embedding gather: [S, S, d_model]
    rel_pos_embeddings = jnp.take(rel_table, relative_positions, axis=0)
    # mean over dim=1 -> [S, d_model]
    avg_rel_pos = jnp.mean(rel_pos_embeddings, axis=1)
    return x + jnp.broadcast_to(avg_rel_pos[None, :, :], (batch_size, seq_len, d_model))

if __name__ == "__main__":
    import jax
    _d = setup_inputs()
    print(jax.jit(kernel)(*tuple(_d.values())))

</pallas_src>

<mosaic_0001>
#map = affine_map<(d0, d1) -> (0, 0)>
module attributes {stable_mosaic.version = 14 : i64} {
  func.func @body(%arg0: i32, %arg1: i32, %arg2: memref<8191x768xf32, #tpu.memory_space<hbm>>, %arg3: memref<512x384xf32, #tpu.memory_space<hbm>>, %arg4: memref<1023x16xf32, #tpu.memory_space<vmem>>, %arg5: memref<1023x16xf32, #tpu.memory_space<vmem>>, %arg6: memref<512x16xf32, #tpu.memory_space<vmem>>, %arg7: memref<512x16xf32, #tpu.memory_space<vmem>>, %arg8: memref<!tpu.dma_semaphore, #tpu.memory_space<semaphore_mem>>, %arg9: memref<!tpu.dma_semaphore, #tpu.memory_space<semaphore_mem>>, %arg10: memref<!tpu.dma_semaphore, #tpu.memory_space<semaphore_mem>>, %arg11: memref<!tpu.dma_semaphore, #tpu.memory_space<semaphore_mem>>) attributes {dimension_semantics = [#tpu.dimension_semantics<core_parallel>, #tpu.dimension_semantics<subcore_parallel>], iteration_bounds = array<i64: 2, 16>, scalar_prefetch = 0 : i64, scratch_operands = 8 : i64, tpu.core_type = #tpu.core_type<sc_vector_subcore>, window_params = [{transform_indices = #map}, {transform_indices = #map}]} {
    %mul3A = arith.constant 2 : i32
    %mul3A_0 = arith.muli %arg1, %mul3A : i32
    %add3A = arith.addi %mul3A_0, %arg0 : i32
    %add3A_1 = arith.constant 24 : i32
    %add3A_2 = arith.addi %add3A_1, %add3A : i32
    %add3A_3 = arith.constant 24 : i32
    %add3A_4 = arith.addi %add3A_3, %add3A : i32
    %add3A_5 = arith.constant 32 : i32
    %add3A_6 = arith.addi %add3A_4, %add3A_5 : i32
    %lt3A = arith.constant 24 : i32
    %lt3A_7 = arith.cmpi slt, %add3A, %lt3A : i32
    %add3A_8 = arith.constant 32 : i32
    %add3A_9 = arith.addi %add3A, %add3A_8 : i32
    %lt3A_10 = arith.constant 24 : i32
    %lt3A_11 = arith.cmpi slt, %add3A_9, %lt3A_10 : i32
    %and3A = arith.andi %lt3A_7, %lt3A_11 : i1
    %lt3A_12 = arith.constant 24 : i32
    %lt3A_13 = arith.cmpi slt, %add3A, %lt3A_12 : i32
    %convert_element_type3A = arith.extui %lt3A_13 : i1 to i32
    %cond3A = arith.constant 0 : i32
    %cond3A_14 = arith.cmpi ne, %convert_element_type3A, %cond3A : i32
    scf.if %cond3A_14 {
      %mul3A_30 = arith.constant 16 : i32
      %mul3A_31 = arith.muli %add3A_2, %mul3A_30 : i32
      %dma_start3A = arith.constant 3584 : i32
      %dma_start3A_32 = tpu.memref_slice %arg2[%dma_start3A, %mul3A_31] : memref<8191x768xf32, #tpu.memory_space<hbm>> -> memref<1023x16xf32, #tpu.memory_space<hbm>>
      %dma_start3A_33 = arith.constant 3584 : i32
      %dma_start3A_34 = tpu.memref_slice %arg2[%dma_start3A_33, %mul3A_31] : memref<8191x768xf32, #tpu.memory_space<hbm>> -> memref<1023x16xf32, #tpu.memory_space<hbm>>
      tpu.enqueue_dma source(%dma_start3A_34 : memref<1023x16xf32, #tpu.memory_space<hbm>>) target(%arg4 : memref<1023x16xf32, #tpu.memory_space<vmem>>) target_semaphore(%arg8 : memref<!tpu.dma_semaphore, #tpu.memory_space<semaphore_mem>>)
    } else {
    }
    %convert_element_type3A_15 = arith.extui %and3A : i1 to i32
    %cond3A_16 = arith.constant 0 : i32
    %cond3A_17 = arith.cmpi ne, %convert_element_type3A_15, %cond3A_16 : i32
    scf.if %cond3A_17 {
      %mul3A_30 = arith.constant 16 : i32
      %mul3A_31 = arith.muli %add3A_6, %mul3A_30 : i32
      %dma_start3A = arith.constant 3584 : i32
      %dma_start3A_32 = tpu.memref_slice %arg2[%dma_start3A, %mul3A_31] : memref<8191x768xf32, #tpu.memory_space<hbm>> -> memref<1023x16xf32, #tpu.memory_space<hbm>>
      %dma_start3A_33 = arith.constant 3584 : i32
      %dma_start3A_34 = tpu.memref_slice %arg2[%dma_start3A_33, %mul3A_31] : memref<8191x768xf32, #tpu.memory_space<hbm>> -> memref<1023x16xf32, #tpu.memory_space<hbm>>
      tpu.enqueue_dma source(%dma_start3A_34 : memref<1023x16xf32, #tpu.memory_space<hbm>>) target(%arg5 : memref<1023x16xf32, #tpu.memory_space<vmem>>) target_semaphore(%arg9 : memref<!tpu.dma_semaphore, #tpu.memory_space<semaphore_mem>>)
    } else {
    }
    %convert_element_type3A_18 = arith.extui %lt3A_13 : i1 to i32
    %cond3A_19 = arith.constant 0 : i32
    %cond3A_20 = arith.cmpi ne, %convert_element_type3A_18, %cond3A_19 : i32
    scf.if %cond3A_20 {
      %mul3A_30 = arith.constant 16 : i32
      %mul3A_31 = arith.muli %add3A_2, %mul3A_30 : i32
      %dma_wait3A = arith.constant 3584 : i32
      %dma_wait3A_32 = tpu.memref_slice %arg2[%dma_wait3A, %mul3A_31] : memref<8191x768xf32, #tpu.memory_space<hbm>> -> memref<1023x16xf32, #tpu.memory_space<hbm>>
      %dma_wait3A_33 = arith.constant 3584 : i32
      %dma_wait3A_34 = tpu.memref_slice %arg2[%dma_wait3A_33, %mul3A_31] : memref<8191x768xf32, #tpu.memory_space<hbm>> -> memref<1023x16xf32, #tpu.memory_space<hbm>>
      tpu.wait_dma2 semaphore(%arg8 : memref<!tpu.dma_semaphore, #tpu.memory_space<semaphore_mem>>) src(%dma_wait3A_34 : memref<1023x16xf32, #tpu.memory_space<hbm>>) dst(%arg4 : memref<1023x16xf32, #tpu.memory_space<vmem>>)
      %broadcast_in_dim3A = arith.constant 0.000000e+00 : f32
      %broadcast_in_dim3A_35 = vector.broadcast %broadcast_in_dim3A : f32 to vector<16xf32>
      %scan3A = arith.constant 0 : i32
      %scan3A_36 = arith.constant 128 : i32
      %scan3A_37 = arith.addi %scan3A, %scan3A_36 : i32
      %scan3A_38 = arith.constant 8 : i32
      %scan3A_39:4 = scf.for %scan3A_442 = %scan3A to %scan3A_37 step %scan3A_38 iter_args(%scan3A_443 = %broadcast_in_dim3A_35, %scan3A_444 = %broadcast_in_dim3A_35, %scan3A_445 = %broadcast_in_dim3A_35, %scan3A_446 = %broadcast_in_dim3A_35) -> (vector<16xf32>, vector<16xf32>, vector<16xf32>, vector<16xf32>)  : i32 {
        %mul3A_447 = arith.constant 4 : i32
        %mul3A_448 = arith.muli %mul3A_447, %scan3A_442 : i32
        %add3A_449 = arith.constant 511 : i32
        %add3A_450 = arith.addi %add3A_449, %mul3A_448 : i32
        %get3A_451 = arith.index_cast %add3A_450 : i32 to index
        %get3A_452 = arith.constant 0 : index
        %get3A_453 = tpu.vector_load %arg4[%get3A_451, %get3A_452] {strides = array<i32>} : memref<1023x16xf32, #tpu.memory_space<vmem>>, vector<1x16xf32>,
        %get3A_454 = vector.shape_cast %get3A_453 : vector<1x16xf32> to vector<16xf32>
        %add3A_455 = arith.addf %scan3A_443, %get3A_454 : vector<16xf32>
        %add3A_456 = arith.constant 1 : i32
        %add3A_457 = arith.addi %add3A_450, %add3A_456 : i32
        %get3A_458 = arith.index_cast %add3A_457 : i32 to index
        %get3A_459 = arith.constant 0 : index
        %get3A_460 = tpu.vector_load %arg4[%get3A_458, %get3A_459] {strides = array<i32>} : memref<1023x16xf32, #tpu.memory_space<vmem>>, vector<1x16xf32>,
        %get3A_461 = vector.shape_cast %get3A_460 : vector<1x16xf32> to vector<16xf32>
        %add3A_462 = arith.addf %scan3A_444, %get3A_461 : vector<16xf32>
        %add3A_463 = arith.constant 2 : i32
        %add3A_464 = arith.addi %add3A_450, %add3A_463 : i32
        %get3A_465 = arith.index_cast %add3A_464 : i32 to index
        %get3A_466 = arith.constant 0 : index
        %get3A_467 = tpu.vector_load %arg4[%get3A_465, %get3A_466] {strides = array<i32>} : memref<1023x16xf32, #tpu.memory_space<vmem>>, vector<1x16xf32>,
        %get3A_468 = vector.shape_cast %get3A_467 : vector<1x16xf32> to vector<16xf32>
        %add3A_469 = arith.addf %scan3A_445, %get3A_468 : vector<16xf32>
        %add3A_470 = arith.constant 3 : i32
        %add3A_471 = arith.addi %add3A_450, %add3A_470 : i32
        %get3A_472 = arith.index_cast %add3A_471 : i32 to index
        %get3A_473 = arith.constant 0 : index
        %get3A_474 = tpu.vector_load %arg4[%get3A_472, %get3A_473] {strides = array<i32>} : memref<1023x16xf32, #tpu.memory_space<vmem>>, vector<1x16xf32>,
        %get3A_475 = vector.shape_cast %get3A_474 : vector<1x16xf32> to vector<16xf32>
        %add3A_476 = arith.addf %scan3A_446, %get3A_475 : vector<16xf32>
        %scan3A_477 = arith.constant 1 : i32
        %scan3A_478 = arith.addi %scan3A_442, %scan3A_477 : i32
        %mul3A_479 = arith.constant 4 : i32
        %mul3A_480 = arith.muli %mul3A_479, %scan3A_478 : i32
        %add3A_481 = arith.constant 511 : i32
        %add3A_482 = arith.addi %add3A_481, %mul3A_480 : i32
        %get3A_483 = arith.index_cast %add3A_482 : i32 to index
        %get3A_484 = arith.constant 0 : index
        %get3A_485 = tpu.vector_load %arg4[%get3A_483, %get3A_484] {strides = array<i32>} : memref<1023x16xf32, #tpu.memory_space<vmem>>, vector<1x16xf32>,
        %get3A_486 = vector.shape_cast %get3A_485 : vector<1x16xf32> to vector<16xf32>
        %add3A_487 = arith.addf %add3A_455, %get3A_486 : vector<16xf32>
        %add3A_488 = arith.constant 1 : i32
        %add3A_489 = arith.addi %add3A_482, %add3A_488 : i32
        %get3A_490 = arith.index_cast %add3A_489 : i32 to index
        %get3A_491 = arith.constant 0 : index
        %get3A_492 = tpu.vector_load %arg4[%get3A_490, %get3A_491] {strides = array<i32>} : memref<1023x16xf32, #tpu.memory_space<vmem>>, vector<1x16xf32>,
        %get3A_493 = vector.shape_cast %get3A_492 : vector<1x16xf32> to vector<16xf32>
        %add3A_494 = arith.addf %add3A_462, %get3A_493 : vector<16xf32>
        %add3A_495 = arith.constant 2 : i32
        %add3A_496 = arith.addi %add3A_482, %add3A_495 : i32
        %get3A_497 = arith.index_cast %add3A_496 : i32 to index
        %get3A_498 = arith.constant 0 : index
        %get3A_499 = tpu.vector_load %arg4[%get3A_497, %get3A_498] {strides = array<i32>} : memref<1023x16xf32, #tpu.memory_space<vmem>>, vector<1x16xf32>,
        %get3A_500 = vector.shape_cast %get3A_499 : vector<1x16xf32> to vector<16xf32>
        %add3A_501 = arith.addf %add3A_469, %get3A_500 : vector<16xf32>
        %add3A_502 = arith.constant 3 : i32
        %add3A_503 = arith.addi %add3A_482, %add3A_502 : i32
        %get3A_504 = arith.index_cast %add3A_503 : i32 to index
        %get3A_505 = arith.constant 0 : index
        %get3A_506 = tpu.vector_load %arg4[%get3A_504, %get3A_505] {strides = array<i32>} : memref<1023x16xf32, #tpu.memory_space<vmem>>, vector<1x16xf32>,
        %get3A_507 = vector.shape_cast %get3A_506 : vector<1x16xf32> to vector<16xf32>
        %add3A_508 = arith.addf %add3A_476, %get3A_507 : vector<16xf32>
        %scan3A_509 = arith.constant 2 : i32
        %scan3A_510 = arith.addi %scan3A_442, %scan3A_509 : i32
        %mul3A_511 = arith.constant 4 : i32
        %mul3A_512 = arith.muli %mul3A_511, %scan3A_510 : i32
        %add3A_513 = arith.constant 511 : i32
        %add3A_514 = arith.addi %add3A_513, %mul3A_512 : i32
        %get3A_515 = arith.index_cast %add3A_514 : i32 to index
        %get3A_516 = arith.constant 0 : index
        %get3A_517 = tpu.vector_load %arg4[%get3A_515, %get3A_516] {strides = array<i32>} : memref<1023x16xf32, #tpu.memory_space<vmem>>, vector<1x16xf32>,
        %get3A_518 = vector.shape_cast %get3A_517 : vector<1x16xf32> to vector<16xf32>
        %add3A_519 = arith.addf %add3A_487, %get3A_518 : vector<16xf32>
        %add3A_520 = arith.constant 1 : i32
        %add3A_521 = arith.addi %add3A_514, %add3A_520 : i32
        %get3A_522 = arith.index_cast %add3A_521 : i32 to index
        %get3A_523 = arith.constant 0 : index
        %get3A_524 = tpu.vector_load %arg4[%get3A_522, %get3A_523] {strides = array<i32>} : memref<1023x16xf32, #tpu.memory_space<vmem>>, vector<1x16xf32>,
        %get3A_525 = vector.shape_cast %get3A_524 : vector<1x16xf32> to vector<16xf32>
        %add3A_526 = arith.addf %add3A_494, %get3A_525 : vector<16xf32>
        %add3A_527 = arith.constant 2 : i32
        %add3A_528 = arith.addi %add3A_514, %add3A_527 : i32
        %get3A_529 = arith.index_cast %add3A_528 : i32 to index
        %get3A_530 = arith.constant 0 : index
        %get3A_531 = tpu.vector_load %arg4[%get3A_529, %get3A_530] {strides = array<i32>} : memref<1023x16xf32, #tpu.memory_space<vmem>>, vector<1x16xf32>,
        %get3A_532 = vector.shape_cast %get3A_531 : vector<1x16xf32> to vector<16xf32>
        %add3A_533 = arith.addf %add3A_501, %get3A_532 : vector<16xf32>
        %add3A_534 = arith.constant 3 : i32
        %add3A_535 = arith.addi %add3A_514, %add3A_534 : i32
        %get3A_536 = arith.index_cast %add3A_535 : i32 to index
        %get3A_537 = arith.constant 0 : index
        %get3A_538 = tpu.vector_load %arg4[%get3A_536, %get3A_537] {strides = array<i32>} : memref<1023x16xf32, #tpu.memory_space<vmem>>, vector<1x16xf32>,
        %get3A_539 = vector.shape_cast %get3A_538 : vector<1x16xf32> to vector<16xf32>
        %add3A_540 = arith.addf %add3A_508, %get3A_539 : vector<16xf32>
        %scan3A_541 = arith.constant 3 : i32
        %scan3A_542 = arith.addi %scan3A_442, %scan3A_541 : i32
        %mul3A_543 = arith.constant 4 : i32
        %mul3A_544 = arith.muli %mul3A_543, %scan3A_542 : i32
        %add3A_545 = arith.constant 511 : i32
        %add3A_546 = arith.addi %add3A_545, %mul3A_544 : i32
        %get3A_547 = arith.index_cast %add3A_546 : i32 to index
        %get3A_548 = arith.constant 0 : index
        %get3A_549 = tpu.vector_load %arg4[%get3A_547, %get3A_548] {strides = array<i32>} : memref<1023x16xf32, #tpu.memory_space<vmem>>, vector<1x16xf32>,
        %get3A_550 = vector.shape_cast %get3A_549 : vector<1x16xf32> to vector<16xf32>
        %add3A_551 = arith.addf %add3A_519, %get3A_550 : vector<16xf32>
        %add3A_552 = arith.constant 1 : i32
        %add3A_553 = arith.addi %add3A_546, %add3A_552 : i32
        %get3A_554 = arith.index_cast %add3A_553 : i32 to index
        %get3A_555 = arith.constant 0 : index
        %get3A_556 = tpu.vector_load %arg4[%get3A_554, %get3A_555] {strides = array<i32>} : memref<1023x16xf32, #tpu.memory_space<vmem>>, vector<1x16xf32>,
        %get3A_557 = vector.shape_cast %get3A_556 : vector<1x16xf32> to vector<16xf32>
        %add3A_558 = arith.addf %add3A_526, %get3A_557 : vector<16xf32>
        %add3A_559 = arith.constant 2 : i32
        %add3A_560 = arith.addi %add3A_546, %add3A_559 : i32
        %get3A_561 = arith.index_cast %add3A_560 : i32 to index
        %get3A_562 = arith.constant 0 : index
        %get3A_563 = tpu.vector_load %arg4[%get3A_561, %get3A_562] {strides = array<i32>} : memref<1023x16xf32, #tpu.memory_space<vmem>>, vector<1x16xf32>,
        %get3A_564 = vector.shape_cast %get3A_563 : vector<1x16xf32> to vector<16xf32>
        %add3A_565 = arith.addf %add3A_533, %get3A_564 : vector<16xf32>
        %add3A_566 = arith.constant 3 : i32
        %add3A_567 = arith.addi %add3A_546, %add3A_566 : i32
        %get3A_568 = arith.index_cast %add3A_567 : i32 to index
        %get3A_569 = arith.constant 0 : index
        %get3A_570 = tpu.vector_load %arg4[%get3A_568, %get3A_569] {strides = array<i32>} : memref<1023x16xf32, #tpu.memory_space<vmem>>, vector<1x16xf32>,
        %get3A_571 = vector.shape_cast %get3A_570 : vector<1x16xf32> to vector<16xf32>
        %add3A_572 = arith.addf %add3A_540, %get3A_571 : vector<16xf32>
        %scan3A_573 = arith.constant 4 : i32
        %scan3A_574 = arith.addi %scan3A_442, %scan3A_573 : i32
        %mul3A_575 = arith.constant 4 : i32
        %mul3A_576 = arith.muli %mul3A_575, %scan3A_574 : i32
        %add3A_577 = arith.constant 511 : i32
        %add3A_578 = arith.addi %add3A_577, %mul3A_576 : i32
        %get3A_579 = arith.index_cast %add3A_578 : i32 to index
        %get3A_580 = arith.constant 0 : index
        %get3A_581 = tpu.vector_load %arg4[%get3A_579, %get3A_580] {strides = array<i32>} : memref<1023x16xf32, #tpu.memory_space<vmem>>, vector<1x16xf32>,
        %get3A_582 = vector.shape_cast %get3A_581 : vector<1x16xf32> to vector<16xf32>
        %add3A_583 = arith.addf %add3A_551, %get3A_582 : vector<16xf32>
        %add3A_584 = arith.constant 1 : i32
        %add3A_585 = arith.addi %add3A_578, %add3A_584 : i32
        %get3A_586 = arith.index_cast %add3A_585 : i32 to index
        %get3A_587 = arith.constant 0 : index
        %get3A_588 = tpu.vector_load %arg4[%get3A_586, %get3A_587] {strides = array<i32>} : memref<1023x16xf32, #tpu.memory_space<vmem>>, vector<1x16xf32>,
        %get3A_589 = vector.shape_cast %get3A_588 : vector<1x16xf32> to vector<16xf32>
        %add3A_590 = arith.addf %add3A_558, %get3A_589 : vector<16xf32>
        %add3A_591 = arith.constant 2 : i32
        %add3A_592 = arith.addi %add3A_578, %add3A_591 : i32
        %get3A_593 = arith.index_cast %add3A_592 : i32 to index
        %get3A_594 = arith.constant 0 : index
        %get3A_595 = tpu.vector_load %arg4[%get3A_593, %get3A_594] {strides = array<i32>} : memref<1023x16xf32, #tpu.memory_space<vmem>>, vector<1x16xf32>,
        %get3A_596 = vector.shape_cast %get3A_595 : vector<1x16xf32> to vector<16xf32>
        %add3A_597 = arith.addf %add3A_565, %get3A_596 : vector<16xf32>
        %add3A_598 = arith.constant 3 : i32
        %add3A_599 = arith.addi %add3A_578, %add3A_598 : i32
        %get3A_600 = arith.index_cast %add3A_599 : i32 to index
        %get3A_601 = arith.constant 0 : index
        %get3A_602 = tpu.vector_load %arg4[%get3A_600, %get3A_601] {strides = array<i32>} : memref<1023x16xf32, #tpu.memory_space<vmem>>, vector<1x16xf32>,
        %get3A_603 = vector.shape_cast %get3A_602 : vector<1x16xf32> to vector<16xf32>
        %add3A_604 = arith.addf %add3A_572, %get3A_603 : vector<16xf32>
        %scan3A_605 = arith.constant 5 : i32
        %scan3A_606 = arith.addi %scan3A_442, %scan3A_605 : i32
        %mul3A_607 = arith.constant 4 : i32
        %mul3A_608 = arith.muli %mul3A_607, %scan3A_606 : i32
        %add3A_609 = arith.constant 511 : i32
        %add3A_610 = arith.addi %add3A_609, %mul3A_608 : i32
        %get3A_611 = arith.index_cast %add3A_610 : i32 to index
        %get3A_612 = arith.constant 0 : index
        %get3A_613 = tpu.vector_load %arg4[%get3A_611, %get3A_612] {strides = array<i32>} : memref<1023x16xf32, #tpu.memory_space<vmem>>, vector<1x16xf32>,
        %get3A_614 = vector.shape_cast %get3A_613 : vector<1x16xf32> to vector<16xf32>
        %add3A_615 = arith.addf %add3A_583, %get3A_614 : vector<16xf32>
        %add3A_616 = arith.constant 1 : i32
        %add3A_617 = arith.addi %add3A_610, %add3A_616 : i32
        %get3A_618 = arith.index_cast %add3A_617 : i32 to index
        %get3A_619 = arith.constant 0 : index
        %get3A_620 = tpu.vector_load %arg4[%get3A_618, %get3A_619] {strides = array<i32>} : memref<1023x16xf32, #tpu.memory_space<vmem>>, vector<1x16xf32>,
        %get3A_621 = vector.shape_cast %get3A_620 : vector<1x16xf32> to vector<16xf32>
        %add3A_622 = arith.addf %add3A_590, %get3A_621 : vector<16xf32>
        %add3A_623 = arith.constant 2 : i32
        %add3A_624 = arith.addi %add3A_610, %add3A_623 : i32
        %get3A_625 = arith.index_cast %add3A_624 : i32 to index
        %get3A_626 = arith.constant 0 : index
        %get3A_627 = tpu.vector_load %arg4[%get3A_625, %get3A_626] {strides = array<i32>} : memref<1023x16xf32, #tpu.memory_space<vmem>>, vector<1x16xf32>,
        %get3A_628 = vector.shape_cast %get3A_627 : vector<1x16xf32> to vector<16xf32>
        %add3A_629 = arith.addf %add3A_597, %get3A_628 : vector<16xf32>
        %add3A_630 = arith.constant 3 : i32
        %add3A_631 = arith.addi %add3A_610, %add3A_630 : i32
        %get3A_632 = arith.index_cast %add3A_631 : i32 to index
        %get3A_633 = arith.constant 0 : index
        %get3A_634 = tpu.vector_load %arg4[%get3A_632, %get3A_633] {strides = array<i32>} : memref<1023x16xf32, #tpu.memory_space<vmem>>, vector<1x16xf32>,
        %get3A_635 = vector.shape_cast %get3A_634 : vector<1x16xf32> to vector<16xf32>
        %add3A_636 = arith.addf %add3A_604, %get3A_635 : vector<16xf32>
        %scan3A_637 = arith.constant 6 : i32
        %scan3A_638 = arith.addi %scan3A_442, %scan3A_637 : i32
        %mul3A_639 = arith.constant 4 : i32
        %mul3A_640 = arith.muli %mul3A_639, %scan3A_638 : i32
        %add3A_641 = arith.constant 511 : i32
        %add3A_642 = arith.addi %add3A_641, %mul3A_640 : i32
        %get3A_643 = arith.index_cast %add3A_642 : i32 to index
        %get3A_644 = arith.constant 0 : index
        %get3A_645 = tpu.vector_load %arg4[%get3A_643, %get3A_644] {strides = array<i32>} : memref<1023x16xf32, #tpu.memory_space<vmem>>, vector<1x16xf32>,
        %get3A_646 = vector.shape_cast %get3A_645 : vector<1x16xf32> to vector<16xf32>
        %add3A_647 = arith.addf %add3A_615, %get3A_646 : vector<16xf32>
        %add3A_648 = arith.constant 1 : i32
        %add3A_649 = arith.addi %add3A_642, %add3A_648 : i32
        %get3A_650 = arith.index_cast %add3A_649 : i32 to index
        %get3A_651 = arith.constant 0 : index
        %get3A_652 = tpu.vector_load %arg4[%get3A_650, %get3A_651] {strides = array<i32>} : memref<1023x16xf32, #tpu.memory_space<vmem>>, vector<1x16xf32>,
        %get3A_653 = vector.shape_cast %get3A_652 : vector<1x16xf32> to vector<16xf32>
        %add3A_654 = arith.addf %add3A_622, %get3A_653 : vector<16xf32>
        %add3A_655 = arith.constant 2 : i32
        %add3A_656 = arith.addi %add3A_642, %add3A_655 : i32
        %get3A_657 = arith.index_cast %add3A_656 : i32 to index
        %get3A_658 = arith.constant 0 : index
        %get3A_659 = tpu.vector_load %arg4[%get3A_657, %get3A_658] {strides = array<i32>} : memref<1023x16xf32, #tpu.memory_space<vmem>>, vector<1x16xf32>,
        %get3A_660 = vector.shape_cast %get3A_659 : vector<1x16xf32> to vector<16xf32>
        %add3A_661 = arith.addf %add3A_629, %get3A_660 : vector<16xf32>
        %add3A_662 = arith.constant 3 : i32
        %add3A_663 = arith.addi %add3A_642, %add3A_662 : i32
        %get3A_664 = arith.index_cast %add3A_663 : i32 to index
        %get3A_665 = arith.constant 0 : index
        %get3A_666 = tpu.vector_load %arg4[%get3A_664, %get3A_665] {strides = array<i32>} : memref<1023x16xf32, #tpu.memory_space<vmem>>, vector<1x16xf32>,
        %get3A_667 = vector.shape_cast %get3A_666 : vector<1x16xf32> to vector<16xf32>
        %add3A_668 = arith.addf %add3A_636, %get3A_667 : vector<16xf32>
        %scan3A_669 = arith.constant 7 : i32
        %scan3A_670 = arith.addi %scan3A_442, %scan3A_669 : i32
        %mul3A_671 = arith.constant 4 : i32
        %mul3A_672 = arith.muli %mul3A_671, %scan3A_670 : i32
        %add3A_673 = arith.constant 511 : i32
        %add3A_674 = arith.addi %add3A_673, %mul3A_672 : i32
        %get3A_675 = arith.index_cast %add3A_674 : i32 to index
        %get3A_676 = arith.constant 0 : index
        %get3A_677 = tpu.vector_load %arg4[%get3A_675, %get3A_676] {strides = array<i32>} : memref<1023x16xf32, #tpu.memory_space<vmem>>, vector<1x16xf32>,
        %get3A_678 = vector.shape_cast %get3A_677 : vector<1x16xf32> to vector<16xf32>
        %add3A_679 = arith.addf %add3A_647, %get3A_678 : vector<16xf32>
        %add3A_680 = arith.constant 1 : i32
        %add3A_681 = arith.addi %add3A_674, %add3A_680 : i32
        %get3A_682 = arith.index_cast %add3A_681 : i32 to index
        %get3A_683 = arith.constant 0 : index
        %get3A_684 = tpu.vector_load %arg4[%get3A_682, %get3A_683] {strides = array<i32>} : memref<1023x16xf32, #tpu.memory_space<vmem>>, vector<1x16xf32>,
        %get3A_685 = vector.shape_cast %get3A_684 : vector<1x16xf32> to vector<16xf32>
        %add3A_686 = arith.addf %add3A_654, %get3A_685 : vector<16xf32>
        %add3A_687 = arith.constant 2 : i32
        %add3A_688 = arith.addi %add3A_674, %add3A_687 : i32
        %get3A_689 = arith.index_cast %add3A_688 : i32 to index
        %get3A_690 = arith.constant 0 : index
        %get3A_691 = tpu.vector_load %arg4[%get3A_689, %get3A_690] {strides = array<i32>} : memref<1023x16xf32, #tpu.memory_space<vmem>>, vector<1x16xf32>,
        %get3A_692 = vector.shape_cast %get3A_691 : vector<1x16xf32> to vector<16xf32>
        %add3A_693 = arith.addf %add3A_661, %get3A_692 : vector<16xf32>
        %add3A_694 = arith.constant 3 : i32
        %add3A_695 = arith.addi %add3A_674, %add3A_694 : i32
        %get3A_696 = arith.index_cast %add3A_695 : i32 to index
        %get3A_697 = arith.constant 0 : index
        %get3A_698 = tpu.vector_load %arg4[%get3A_696, %get3A_697] {strides = array<i32>} : memref<1023x16xf32, #tpu.memory_space<vmem>>, vector<1x16xf32>,
        %get3A_699 = vector.shape_cast %get3A_698 : vector<1x16xf32> to vector<16xf32>
        %add3A_700 = arith.addf %add3A_668, %get3A_699 : vector<16xf32>
        scf.yield %add3A_679, %add3A_686, %add3A_693, %add3A_700 : vector<16xf32>, vector<16xf32>, vector<16xf32>, vector<16xf32>
      }
      %scan3A_40 = arith.constant 128 : i32
      %add3A_41 = arith.addf %scan3A_39#0, %scan3A_39#1 : vector<16xf32>
      %add3A_42 = arith.addf %scan3A_39#2, %scan3A_39#3 : vector<16xf32>
      %add3A_43 = arith.addf %add3A_41, %add3A_42 : vector<16xf32>
      %mul3A_44 = arith.constant 0.001953125 : f32
      %mul3A_45 = vector.broadcast %mul3A_44 : f32 to vector<16xf32>
      %mul3A_46 = arith.mulf %add3A_43, %mul3A_45 : vector<16xf32>
      %swap3A = arith.constant 0 : i32
      %swap3A_47 = arith.index_cast %swap3A : i32 to index
      %swap3A_48 = arith.constant 0 : index
      %swap3A_49 = tpu.vector_load %arg6[%swap3A_47, %swap3A_48] {strides = array<i32>} : memref<512x16xf32, #tpu.memory_space<vmem>>, vector<1x16xf32>,
      %swap3A_50 = vector.shape_cast %swap3A_49 : vector<1x16xf32> to vector<16xf32>
      %swap3A_51 = vector.shape_cast %mul3A_46 : vector<16xf32> to vector<1x16xf32>
      tpu.vector_store %arg6[%swap3A_47, %swap3A_48], %swap3A_51 {strides = array<i32>} : memref<512x16xf32, #tpu.memory_space<vmem>>, vector<1x16xf32>,
      %scan3A_52 = arith.constant 0 : i32
      %scan3A_53 = arith.constant 124 : i32
      %scan3A_54 = arith.addi %scan3A_52, %scan3A_53 : i32
      %scan3A_55 = arith.constant 4 : i32
      %scan3A_56 = scf.for %scan3A_442 = %scan3A_52 to %scan3A_54 step %scan3A_55 iter_args(%scan3A_443 = %add3A_43) -> (vector<16xf32>)  : i32 {
        %mul3A_444 = arith.constant 4 : i32
        %mul3A_445 = arith.muli %mul3A_444, %scan3A_442 : i32
        %sub3A_446 = arith.constant 510 : i32
        %sub3A_447 = arith.subi %sub3A_446, %mul3A_445 : i32
        %get3A_448 = arith.index_cast %sub3A_447 : i32 to index
        %get3A_449 = arith.constant 0 : index
        %get3A_450 = tpu.vector_load %arg4[%get3A_448, %get3A_449] {strides = array<i32>} : memref<1023x16xf32, #tpu.memory_space<vmem>>, vector<1x16xf32>,
        %get3A_451 = vector.shape_cast %get3A_450 : vector<1x16xf32> to vector<16xf32>
        %sub3A_452 = arith.constant 1022 : i32
        %sub3A_453 = arith.subi %sub3A_452, %mul3A_445 : i32
        %get3A_454 = arith.index_cast %sub3A_453 : i32 to index
        %get3A_455 = arith.constant 0 : index
        %get3A_456 = tpu.vector_load %arg4[%get3A_454, %get3A_455] {strides = array<i32>} : memref<1023x16xf32, #tpu.memory_space<vmem>>, vector<1x16xf32>,
        %get3A_457 = vector.shape_cast %get3A_456 : vector<1x16xf32> to vector<16xf32>
        %sub3A_458 = arith.subf %get3A_451, %get3A_457 : vector<16xf32>
        %sub3A_459 = arith.constant 509 : i32
        %sub3A_460 = arith.subi %sub3A_459, %mul3A_445 : i32
        %get3A_461 = arith.index_cast %sub3A_460 : i32 to index
        %get3A_462 = arith.constant 0 : index
        %get3A_463 = tpu.vector_load %arg4[%get3A_461, %get3A_462] {strides = array<i32>} : memref<1023x16xf32, #tpu.memory_space<vmem>>, vector<1x16xf32>,
        %get3A_464 = vector.shape_cast %get3A_463 : vector<1x16xf32> to vector<16xf32>
        %sub3A_465 = arith.constant 1021 : i32
        %sub3A_466 = arith.subi %sub3A_465, %mul3A_445 : i32
        %get3A_467 = arith.index_cast %sub3A_466 : i32 to index
        %get3A_468 = arith.constant 0 : index
        %get3A_469 = tpu.vector_load %arg4[%get3A_467, %get3A_468] {strides = array<i32>} : memref<1023x16xf32, #tpu.memory_space<vmem>>, vector<1x16xf32>,
        %get3A_470 = vector.shape_cast %get3A_469 : vector<1x16xf32> to vector<16xf32>
        %sub3A_471 = arith.subf %get3A_464, %get3A_470 : vector<16xf32>
        %sub3A_472 = arith.constant 508 : i32
        %sub3A_473 = arith.subi %sub3A_472, %mul3A_445 : i32
        %get3A_474 = arith.index_cast %sub3A_473 : i32 to index
        %get3A_475 = arith.constant 0 : index
        %get3A_476 = tpu.vector_load %arg4[%get3A_474, %get3A_475] {strides = array<i32>} : memref<1023x16xf32, #tpu.memory_space<vmem>>, vector<1x16xf32>,
        %get3A_477 = vector.shape_cast %get3A_476 : vector<1x16xf32> to vector<16xf32>
        %sub3A_478 = arith.constant 1020 : i32
        %sub3A_479 = arith.subi %sub3A_478, %mul3A_445 : i32
        %get3A_480 = arith.index_cast %sub3A_479 : i32 to index
        %get3A_481 = arith.constant 0 : index
        %get3A_482 = tpu.vector_load %arg4[%get3A_480, %get3A_481] {strides = array<i32>} : memref<1023x16xf32, #tpu.memory_space<vmem>>, vector<1x16xf32>,
        %get3A_483 = vector.shape_cast %get3A_482 : vector<1x16xf32> to vector<16xf32>
        %sub3A_484 = arith.subf %get3A_477, %get3A_483 : vector<16xf32>
        %sub3A_485 = arith.constant 507 : i32
        %sub3A_486 = arith.subi %sub3A_485, %mul3A_445 : i32
        %get3A_487 = arith.index_cast %sub3A_486 : i32 to index
        %get3A_488 = arith.constant 0 : index
        %get3A_489 = tpu.vector_load %arg4[%get3A_487, %get3A_488] {strides = array<i32>} : memref<1023x16xf32, #tpu.memory_space<vmem>>, vector<1x16xf32>,
        %get3A_490 = vector.shape_cast %get3A_489 : vector<1x16xf32> to vector<16xf32>
        %sub3A_491 = arith.constant 1019 : i32
        %sub3A_492 = arith.subi %sub3A_491, %mul3A_445 : i32
        %get3A_493 = arith.index_cast %sub3A_492 : i32 to index
        %get3A_494 = arith.constant 0 : index
        %get3A_495 = tpu.vector_load %arg4[%get3A_493, %get3A_494] {strides = array<i32>} : memref<1023x16xf32, #tpu.memory_space<vmem>>, vector<1x16xf32>,
        %get3A_496 = vector.shape_cast %get3A_495 : vector<1x16xf32> to vector<16xf32>
        %sub3A_497 = arith.subf %get3A_490, %get3A_496 : vector<16xf32>
        %add3A_498 = arith.addf %sub3A_458, %sub3A_471 : vector<16xf32>
        %add3A_499 = arith.addf %sub3A_484, %sub3A_497 : vector<16xf32>
        %add3A_500 = arith.addf %scan3A_443, %sub3A_458 : vector<16xf32>
        %add3A_501 = arith.addf %scan3A_443, %add3A_498 : vector<16xf32>
        %add3A_502 = arith.addf %add3A_501, %sub3A_484 : vector<16xf32>
        %add3A_503 = arith.addf %add3A_498, %add3A_499 : vector<16xf32>
        %add3A_504 = arith.addf %scan3A_443, %add3A_503 : vector<16xf32>
        %mul3A_505 = arith.constant 0.001953125 : f32
        %mul3A_506 = vector.broadcast %mul3A_505 : f32 to vector<16xf32>
        %mul3A_507 = arith.mulf %add3A_500, %mul3A_506 : vector<16xf32>
        %add3A_508 = arith.constant 1 : i32
        %add3A_509 = arith.addi %mul3A_445, %add3A_508 : i32
        %swap3A_510 = arith.index_cast %add3A_509 : i32 to index
        %swap3A_511 = arith.constant 0 : index
        %swap3A_512 = tpu.vector_load %arg6[%swap3A_510, %swap3A_511] {strides = array<i32>} : memref<512x16xf32, #tpu.memory_space<vmem>>, vector<1x16xf32>,
        %swap3A_513 = vector.shape_cast %swap3A_512 : vector<1x16xf32> to vector<16xf32>
        %swap3A_514 = vector.shape_cast %mul3A_507 : vector<16xf32> to vector<1x16xf32>
        tpu.vector_store %arg6[%swap3A_510, %swap3A_511], %swap3A_514 {strides = array<i32>} : memref<512x16xf32, #tpu.memory_space<vmem>>, vector<1x16xf32>,
        %mul3A_515 = arith.constant 0.001953125 : f32
        %mul3A_516 = vector.broadcast %mul3A_515 : f32 to vector<16xf32>
        %mul3A_517 = arith.mulf %add3A_501, %mul3A_516 : vector<16xf32>
        %add3A_518 = arith.constant 2 : i32
        %add3A_519 = arith.addi %mul3A_445, %add3A_518 : i32
        %swap3A_520 = arith.index_cast %add3A_519 : i32 to index
        %swap3A_521 = arith.constant 0 : index
        %swap3A_522 = tpu.vector_load %arg6[%swap3A_520, %swap3A_521] {strides = array<i32>} : memref<512x16xf32, #tpu.memory_space<vmem>>, vector<1x16xf32>,
        %swap3A_523 = vector.shape_cast %swap3A_522 : vector<1x16xf32> to vector<16xf32>
        %swap3A_524 = vector.shape_cast %mul3A_517 : vector<16xf32> to vector<1x16xf32>
        tpu.vector_store %arg6[%swap3A_520, %swap3A_521], %swap3A_524 {strides = array<i32>} : memref<512x16xf32, #tpu.memory_space<vmem>>, vector<1x16xf32>,
        %mul3A_525 = arith.constant 0.001953125 : f32
        %mul3A_526 = vector.broadcast %mul3A_525 : f32 to vector<16xf32>
        %mul3A_527 = arith.mulf %add3A_502, %mul3A_526 : vector<16xf32>
        %add3A_528 = arith.constant 3 : i32
        %add3A_529 = arith.addi %mul3A_445, %add3A_528 : i32
        %swap3A_530 = arith.index_cast %add3A_529 : i32 to index
        %swap3A_531 = arith.constant 0 : index
        %swap3A_532 = tpu.vector_load %arg6[%swap3A_530, %swap3A_531] {strides = array<i32>} : memref<512x16xf32, #tpu.memory_space<vmem>>, vector<1x16xf32>,
        %swap3A_533 = vector.shape_cast %swap3A_532 : vector<1x16xf32> to vector<16xf32>
        %swap3A_534 = vector.shape_cast %mul3A_527 : vector<16xf32> to vector<1x16xf32>
        tpu.vector_store %arg6[%swap3A_530, %swap3A_531], %swap3A_534 {strides = array<i32>} : memref<512x16xf32, #tpu.memory_space<vmem>>, vector<1x16xf32>,
        %mul3A_535 = arith.constant 0.001953125 : f32
        %mul3A_536 = vector.broadcast %mul3A_535 : f32 to vector<16xf32>
        %mul3A_537 = arith.mulf %add3A_504, %mul3A_536 : vector<16xf32>
        %add3A_538 = arith.constant 4 : i32
        %add3A_539 = arith.addi %mul3A_445, %add3A_538 : i32
        %swap3A_540 = arith.index_cast %add3A_539 : i32 to index
        %swap3A_541 = arith.constant 0 : index
        %swap3A_542 = tpu.vector_load %arg6[%swap3A_540, %swap3A_541] {strides = array<i32>} : memref<512x16xf32, #tpu.memory_space<vmem>>, vector<1x16xf32>,
        %swap3A_543 = vector.shape_cast %swap3A_542 : vector<1x16xf32> to vector<16xf32>
        %swap3A_544 = vector.shape_cast %mul3A_537 : vector<16xf32> to vector<1x16xf32>
        tpu.vector_store %arg6[%swap3A_540, %swap3A_541], %swap3A_544 {strides = array<i32>} : memref<512x16xf32, #tpu.memory_space<vmem>>, vector<1x16xf32>,
        %scan3A_545 = arith.constant 1 : i32
        %scan3A_546 = arith.addi %scan3A_442, %scan3A_545 : i32
        %mul3A_547 = arith.constant 4 : i32
        %mul3A_548 = arith.muli %mul3A_547, %scan3A_546 : i32
        %sub3A_549 = arith.constant 510 : i32
        %sub3A_550 = arith.subi %sub3A_549, %mul3A_548 : i32
        %get3A_551 = arith.index_cast %sub3A_550 : i32 to index
        %get3A_552 = arith.constant 0 : index
        %get3A_553 = tpu.vector_load %arg4[%get3A_551, %get3A_552] {strides = array<i32>} : memref<1023x16xf32, #tpu.memory_space<vmem>>, vector<1x16xf32>,
        %get3A_554 = vector.shape_cast %get3A_553 : vector<1x16xf32> to vector<16xf32>
        %sub3A_555 = arith.constant 1022 : i32
        %sub3A_556 = arith.subi %sub3A_555, %mul3A_548 : i32
        %get3A_557 = arith.index_cast %sub3A_556 : i32 to index
        %get3A_558 = arith.constant 0 : index
        %get3A_559 = tpu.vector_load %arg4[%get3A_557, %get3A_558] {strides = array<i32>} : memref<1023x16xf32, #tpu.memory_space<vmem>>, vector<1x16xf32>,
        %get3A_560 = vector.shape_cast %get3A_559 : vector<1x16xf32> to vector<16xf32>
        %sub3A_561 = arith.subf %get3A_554, %get3A_560 : vector<16xf32>
        %sub3A_562 = arith.constant 509 : i32
        %sub3A_563 = arith.subi %sub3A_562, %mul3A_548 : i32
        %get3A_564 = arith.index_cast %sub3A_563 : i32 to index
        %get3A_565 = arith.constant 0 : index
        %get3A_566 = tpu.vector_load %arg4[%get3A_564, %get3A_565] {strides = array<i32>} : memref<1023x16xf32, #tpu.memory_space<vmem>>, vector<1x16xf32>,
        %get3A_567 = vector.shape_cast %get3A_566 : vector<1x16xf32> to vector<16xf32>
        %sub3A_568 = arith.constant 1021 : i32
        %sub3A_569 = arith.subi %sub3A_568, %mul3A_548 : i32
        %get3A_570 = arith.index_cast %sub3A_569 : i32 to index
        %get3A_571 = arith.constant 0 : index
        %get3A_572 = tpu.vector_load %arg4[%get3A_570, %get3A_571] {strides = array<i32>} : memref<1023x16xf32, #tpu.memory_space<vmem>>, vector<1x16xf32>,
        %get3A_573 = vector.shape_cast %get3A_572 : vector<1x16xf32> to vector<16xf32>
        %sub3A_574 = arith.subf %get3A_567, %get3A_573 : vector<16xf32>
        %sub3A_575 = arith.constant 508 : i32
        %sub3A_576 = arith.subi %sub3A_575, %mul3A_548 : i32
        %get3A_577 = arith.index_cast %sub3A_576 : i32 to index
        %get3A_578 = arith.constant 0 : index
        %get3A_579 = tpu.vector_load %arg4[%get3A_577, %get3A_578] {strides = array<i32>} : memref<1023x16xf32, #tpu.memory_space<vmem>>, vector<1x16xf32>,
        %get3A_580 = vector.shape_cast %get3A_579 : vector<1x16xf32> to vector<16xf32>
        %sub3A_581 = arith.constant 1020 : i32
        %sub3A_582 = arith.subi %sub3A_581, %mul3A_548 : i32
        %get3A_583 = arith.index_cast %sub3A_582 : i32 to index
        %get3A_584 = arith.constant 0 : index
        %get3A_585 = tpu.vector_load %arg4[%get3A_583, %get3A_584] {strides = array<i32>} : memref<1023x16xf32, #tpu.memory_space<vmem>>, vector<1x16xf32>,
        %get3A_586 = vector.shape_cast %get3A_585 : vector<1x16xf32> to vector<16xf32>
        %sub3A_587 = arith.subf %get3A_580, %get3A_586 : vector<16xf32>
        %sub3A_588 = arith.constant 507 : i32
        %sub3A_589 = arith.subi %sub3A_588, %mul3A_548 : i32
        %get3A_590 = arith.index_cast %sub3A_589 : i32 to index
        %get3A_591 = arith.constant 0 : index
        %get3A_592 = tpu.vector_load %arg4[%get3A_590, %get3A_591] {strides = array<i32>} : memref<1023x16xf32, #tpu.memory_space<vmem>>, vector<1x16xf32>,
        %get3A_593 = vector.shape_cast %get3A_592 : vector<1x16xf32> to vector<16xf32>
        %sub3A_594 = arith.constant 1019 : i32
        %sub3A_595 = arith.subi %sub3A_594, %mul3A_548 : i32
        %get3A_596 = arith.index_cast %sub3A_595 : i32 to index
        %get3A_597 = arith.constant 0 : index
        %get3A_598 = tpu.vector_load %arg4[%get3A_596, %get3A_597] {strides = array<i32>} : memref<1023x16xf32, #tpu.memory_space<vmem>>, vector<1x16xf32>,
        %get3A_599 = vector.shape_cast %get3A_598 : vector<1x16xf32> to vector<16xf32>
        %sub3A_600 = arith.subf %get3A_593, %get3A_599 : vector<16xf32>
        %add3A_601 = arith.addf %sub3A_561, %sub3A_574 : vector<16xf32>
        %add3A_602 = arith.addf %sub3A_587, %sub3A_600 : vector<16xf32>
        %add3A_603 = arith.addf %add3A_504, %sub3A_561 : vector<16xf32>
        %add3A_604 = arith.addf %add3A_504, %add3A_601 : vector<16xf32>
        %add3A_605 = arith.addf %add3A_604, %sub3A_587 : vector<16xf32>
        %add3A_606 = arith.addf %add3A_601, %add3A_602 : vector<16xf32>
        %add3A_607 = arith.addf %add3A_504, %add3A_606 : vector<16xf32>
        %mul3A_608 = arith.constant 0.001953125 : f32
        %mul3A_609 = vector.broadcast %mul3A_608 : f32 to vector<16xf32>
        %mul3A_610 = arith.mulf %add3A_603, %mul3A_609 : vector<16xf32>
        %add3A_611 = arith.constant 1 : i32
        %add3A_612 = arith.addi %mul3A_548, %add3A_611 : i32
        %swap3A_613 = arith.index_cast %add3A_612 : i32 to index
        %swap3A_614 = arith.constant 0 : index
        %swap3A_615 = tpu.vector_load %arg6[%swap3A_613, %swap3A_614] {strides = array<i32>} : memref<512x16xf32, #tpu.memory_space<vmem>>, vector<1x16xf32>,
        %swap3A_616 = vector.shape_cast %swap3A_615 : vector<1x16xf32> to vector<16xf32>
        %swap3A_617 = vector.shape_cast %mul3A_610 : vector<16xf32> to vector<1x16xf32>
        tpu.vector_store %arg6[%swap3A_613, %swap3A_614], %swap3A_617 {strides = array<i32>} : memref<512x16xf32, #tpu.memory_space<vmem>>, vector<1x16xf32>,
        %mul3A_618 = arith.constant 0.001953125 : f32
        %mul3A_619 = vector.broadcast %mul3A_618 : f32 to vector<16xf32>
        %mul3A_620 = arith.mulf %add3A_604, %mul3A_619 : vector<16xf32>
        %add3A_621 = arith.constant 2 : i32
        %add3A_622 = arith.addi %mul3A_548, %add3A_621 : i32
        %swap3A_623 = arith.index_cast %add3A_622 : i32 to index
        %swap3A_624 = arith.constant 0 : index
        %swap3A_625 = tpu.vector_load %arg6[%swap3A_623, %swap3A_624] {strides = array<i32>} : memref<512x16xf32, #tpu.memory_space<vmem>>, vector<1x16xf32>,
        %swap3A_626 = vector.shape_cast %swap3A_625 : vector<1x16xf32> to vector<16xf32>
        %swap3A_627 = vector.shape_cast %mul3A_620 : vector<16xf32> to vector<1x16xf32>
        tpu.vector_store %arg6[%swap3A_623, %swap3A_624], %swap3A_627 {strides = array<i32>} : memref<512x16xf32, #tpu.memory_space<vmem>>, vector<1x16xf32>,
        %mul3A_628 = arith.constant 0.001953125 : f32
        %mul3A_629 = vector.broadcast %mul3A_628 : f32 to vector<16xf32>
        %mul3A_630 = arith.mulf %add3A_605, %mul3A_629 : vector<16xf32>
        %add3A_631 = arith.constant 3 : i32
        %add3A_632 = arith.addi %mul3A_548, %add3A_631 : i32
        %swap3A_633 = arith.index_cast %add3A_632 : i32 to index
        %swap3A_634 = arith.constant 0 : index
        %swap3A_635 = tpu.vector_load %arg6[%swap3A_633, %swap3A_634] {strides = array<i32>} : memref<512x16xf32, #tpu.memory_space<vmem>>, vector<1x16xf32>,
        %swap3A_636 = vector.shape_cast %swap3A_635 : vector<1x16xf32> to vector<16xf32>
        %swap3A_637 = vector.shape_cast %mul3A_630 : vector<16xf32> to vector<1x16xf32>
        tpu.vector_store %arg6[%swap3A_633, %swap3A_634], %swap3A_637 {strides = array<i32>} : memref<512x16xf32, #tpu.memory_space<vmem>>, vector<1x16xf32>,
        %mul3A_638 = arith.constant 0.001953125 : f32
        %mul3A_639 = vector.broadcast %mul3A_638 : f32 to vector<16xf32>
        %mul3A_640 = arith.mulf %add3A_607, %mul3A_639 : vector<16xf32>
        %add3A_641 = arith.constant 4 : i32
        %add3A_642 = arith.addi %mul3A_548, %add3A_641 : i32
        %swap3A_643 = arith.index_cast %add3A_642 : i32 to index
        %swap3A_644 = arith.constant 0 : index
        %swap3A_645 = tpu.vector_load %arg6[%swap3A_643, %swap3A_644] {strides = array<i32>} : memref<512x16xf32, #tpu.memory_space<vmem>>, vector<1x16xf32>,
        %swap3A_646 = vector.shape_cast %swap3A_645 : vector<1x16xf32> to vector<16xf32>
        %swap3A_647 = vector.shape_cast %mul3A_640 : vector<16xf32> to vector<1x16xf32>
        tpu.vector_store %arg6[%swap3A_643, %swap3A_644], %swap3A_647 {strides = array<i32>} : memref<512x16xf32, #tpu.memory_space<vmem>>, vector<1x16xf32>,
        %scan3A_648 = arith.constant 2 : i32
        %scan3A_649 = arith.addi %scan3A_442, %scan3A_648 : i32
        %mul3A_650 = arith.constant 4 : i32
        %mul3A_651 = arith.muli %mul3A_650, %scan3A_649 : i32
        %sub3A_652 = arith.constant 510 : i32
        %sub3A_653 = arith.subi %sub3A_652, %mul3A_651 : i32
        %get3A_654 = arith.index_cast %sub3A_653 : i32 to index
        %get3A_655 = arith.constant 0 : index
        %get3A_656 = tpu.vector_load %arg4[%get3A_654, %get3A_655] {strides = array<i32>} : memref<1023x16xf32, #tpu.memory_space<vmem>>, vector<1x16xf32>,
        %get3A_657 = vector.shape_cast %get3A_656 : vector<1x16xf32> to vector<16xf32>
        %sub3A_658 = arith.constant 1022 : i32
        %sub3A_659 = arith.subi %sub3A_658, %mul3A_651 : i32
        %get3A_660 = arith.index_cast %sub3A_659 : i32 to index
        %get3A_661 = arith.constant 0 : index
        %get3A_662 = tpu.vector_load %arg4[%get3A_660, %get3A_661] {strides = array<i32>} : memref<1023x16xf32, #tpu.memory_space<vmem>>, vector<1x16xf32>,
        %get3A_663 = vector.shape_cast %get3A_662 : vector<1x16xf32> to vector<16xf32>
        %sub3A_664 = arith.subf %get3A_657, %get3A_663 : vector<16xf32>
        %sub3A_665 = arith.constant 509 : i32
        %sub3A_666 = arith.subi %sub3A_665, %mul3A_651 : i32
        %get3A_667 = arith.index_cast %sub3A_666 : i32 to index
        %get3A_668 = arith.constant 0 : index
        %get3A_669 = tpu.vector_load %arg4[%get3A_667, %get3A_668] {strides = array<i32>} : memref<1023x16xf32, #tpu.memory_space<vmem>>, vector<1x16xf32>,
        %get3A_670 = vector.shape_cast %get3A_669 : vector<1x16xf32> to vector<16xf32>
        %sub3A_671 = arith.constant 1021 : i32
        %sub3A_672 = arith.subi %sub3A_671, %mul3A_651 : i32
        %get3A_673 = arith.index_cast %sub3A_672 : i32 to index
        %get3A_674 = arith.constant 0 : index
        %get3A_675 = tpu.vector_load %arg4[%get3A_673, %get3A_674] {strides = array<i32>} : memref<1023x16xf32, #tpu.memory_space<vmem>>, vector<1x16xf32>,
        %get3A_676 = vector.shape_cast %get3A_675 : vector<1x16xf32> to vector<16xf32>
        %sub3A_677 = arith.subf %get3A_670, %get3A_676 : vector<16xf32>
        %sub3A_678 = arith.constant 508 : i32
        %sub3A_679 = arith.subi %sub3A_678, %mul3A_651 : i32
        %get3A_680 = arith.index_cast %sub3A_679 : i32 to index
        %get3A_681 = arith.constant 0 : index
        %get3A_682 = tpu.vector_load %arg4[%get3A_680, %get3A_681] {strides = array<i32>} : memref<1023x16xf32, #tpu.memory_space<vmem>>, vector<1x16xf32>,
        %get3A_683 = vector.shape_cast %get3A_682 : vector<1x16xf32> to vector<16xf32>
        %sub3A_684 = arith.constant 1020 : i32
        %sub3A_685 = arith.subi %sub3A_684, %mul3A_651 : i32
        %get3A_686 = arith.index_cast %sub3A_685 : i32 to index
        %get3A_687 = arith.constant 0 : index
        %get3A_688 = tpu.vector_load %arg4[%get3A_686, %get3A_687] {strides = array<i32>} : memref<1023x16xf32, #tpu.memory_space<vmem>>, vector<1x16xf32>,
        %get3A_689 = vector.shape_cast %get3A_688 : vector<1x16xf32> to vector<16xf32>
        %sub3A_690 = arith.subf %get3A_683, %get3A_689 : vector<16xf32>
        %sub3A_691 = arith.constant 507 : i32
        %sub3A_692 = arith.subi %sub3A_691, %mul3A_651 : i32
        %get3A_693 = arith.index_cast %sub3A_692 : i32 to index
        %get3A_694 = arith.constant 0 : index
        %get3A_695 = tpu.vector_load %arg4[%get3A_693, %get3A_694] {strides = array<i32>} : memref<1023x16xf32, #tpu.memory_space<vmem>>, vector<1x16xf32>,
        %get3A_696 = vector.shape_cast %get3A_695 : vector<1x16xf32> to vector<16xf32>
        %sub3A_697 = arith.constant 1019 : i32
        %sub3A_698 = arith.subi %sub3A_697, %mul3A_651 : i32
        %get3A_699 = arith.index_cast %sub3A_698 : i32 to index
        %get3A_700 = arith.constant 0 : index
        %get3A_701 = tpu.vector_load %arg4[%get3A_699, %get3A_700] {strides = array<i32>} : memref<1023x16xf32, #tpu.memory_space<vmem>>, vector<1x16xf32>,
        %get3A_702 = vector.shape_cast %get3A_701 : vector<1x16xf32> to vector<16xf32>
        %sub3A_703 = arith.subf %get3A_696, %get3A_702 : vector<16xf32>
        %add3A_704 = arith.addf %sub3A_664, %sub3A_677 : vector<16xf32>
        %add3A_705 = arith.addf %sub3A_690, %sub3A_703 : vector<16xf32>
        %add3A_706 = arith.addf %add3A_607, %sub3A_664 : vector<16xf32>
        %add3A_707 = arith.addf %add3A_607, %add3A_704 : vector<16xf32>
        %add3A_708 = arith.addf %add3A_707, %sub3A_690 : vector<16xf32>
        %add3A_709 = arith.addf %add3A_704, %add3A_705 : vector<16xf32>
        %add3A_710 = arith.addf %add3A_607, %add3A_709 : vector<16xf32>
        %mul3A_711 = arith.constant 0.001953125 : f32
        %mul3A_712 = vector.broadcast %mul3A_711 : f32 to vector<16xf32>
        %mul3A_713 = arith.mulf %add3A_706, %mul3A_712 : vector<16xf32>
        %add3A_714 = arith.constant 1 : i32
        %add3A_715 = arith.addi %mul3A_651, %add3A_714 : i32
        %swap3A_716 = arith.index_cast %add3A_715 : i32 to index
        %swap3A_717 = arith.constant 0 : index
        %swap3A_718 = tpu.vector_load %arg6[%swap3A_716, %swap3A_717] {strides = array<i32>} : memref<512x16xf32, #tpu.memory_space<vmem>>, vector<1x16xf32>,
        %swap3A_719 = vector.shape_cast %swap3A_718 : vector<1x16xf32> to vector<16xf32>
        %swap3A_720 = vector.shape_cast %mul3A_713 : vector<16xf32> to vector<1x16xf32>
        tpu.vector_store %arg6[%swap3A_716, %swap3A_717], %swap3A_720 {strides = array<i32>} : memref<512x16xf32, #tpu.memory_space<vmem>>, vector<1x16xf32>,
        %mul3A_721 = arith.constant 0.001953125 : f32
        %mul3A_722 = vector.broadcast %mul3A_721 : f32 to vector<16xf32>
        %mul3A_723 = arith.mulf %add3A_707, %mul3A_722 : vector<16xf32>
        %add3A_724 = arith.constant 2 : i32
        %add3A_725 = arith.addi %mul3A_651, %add3A_724 : i32
        %swap3A_726 = arith.index_cast %add3A_725 : i32 to index
        %swap3A_727 = arith.constant 0 : index
        %swap3A_728 = tpu.vector_load %arg6[%swap3A_726, %swap3A_727] {strides = array<i32>} : memref<512x16xf32, #tpu.memory_space<vmem>>, vector<1x16xf32>,
        %swap3A_729 = vector.shape_cast %swap3A_728 : vector<1x16xf32> to vector<16xf32>
        %swap3A_730 = vector.shape_cast %mul3A_723 : vector<16xf32> to vector<1x16xf32>
        tpu.vector_store %arg6[%swap3A_726, %swap3A_727], %swap3A_730 {strides = array<i32>} : memref<512x16xf32, #tpu.memory_space<vmem>>, vector<1x16xf32>,
        %mul3A_731 = arith.constant 0.001953125 : f32
        %mul3A_732 = vector.broadcast %mul3A_731 : f32 to vector<16xf32>
        %mul3A_733 = arith.mulf %add3A_708, %mul3A_732 : vector<16xf32>
        %add3A_734 = arith.constant 3 : i32
        %add3A_735 = arith.addi %mul3A_651, %add3A_734 : i32
        %swap3A_736 = arith.index_cast %add3A_735 : i32 to index
        %swap3A_737 = arith.constant 0 : index
        %swap3A_738 = tpu.vector_load %arg6[%swap3A_736, %swap3A_737] {strides = array<i32>} : memref<512x16xf32, #tpu.memory_space<vmem>>, vector<1x16xf32>,
        %swap3A_739 = vector.shape_cast %swap3A_738 : vector<1x16xf32> to vector<16xf32>
        %swap3A_740 = vector.shape_cast %mul3A_733 : vector<16xf32> to vector<1x16xf32>
        tpu.vector_store %arg6[%swap3A_736, %swap3A_737], %swap3A_740 {strides = array<i32>} : memref<512x16xf32, #tpu.memory_space<vmem>>, vector<1x16xf32>,
        %mul3A_741 = arith.constant 0.001953125 : f32
        %mul3A_742 = vector.broadcast %mul3A_741 : f32 to vector<16xf32>
        %mul3A_743 = arith.mulf %add3A_710, %mul3A_742 : vector<16xf32>
        %add3A_744 = arith.constant 4 : i32
        %add3A_745 = arith.addi %mul3A_651, %add3A_744 : i32
        %swap3A_746 = arith.index_cast %add3A_745 : i32 to index
        %swap3A_747 = arith.constant 0 : index
        %swap3A_748 = tpu.vector_load %arg6[%swap3A_746, %swap3A_747] {strides = array<i32>} : memref<512x16xf32, #tpu.memory_space<vmem>>, vector<1x16xf32>,
        %swap3A_749 = vector.shape_cast %swap3A_748 : vector<1x16xf32> to vector<16xf32>
        %swap3A_750 = vector.shape_cast %mul3A_743 : vector<16xf32> to vector<1x16xf32>
        tpu.vector_store %arg6[%swap3A_746, %swap3A_747], %swap3A_750 {strides = array<i32>} : memref<512x16xf32, #tpu.memory_space<vmem>>, vector<1x16xf32>,
        %scan3A_751 = arith.constant 3 : i32
        %scan3A_752 = arith.addi %scan3A_442, %scan3A_751 : i32
        %mul3A_753 = arith.constant 4 : i32
        %mul3A_754 = arith.muli %mul3A_753, %scan3A_752 : i32
        %sub3A_755 = arith.constant 510 : i32
        %sub3A_756 = arith.subi %sub3A_755, %mul3A_754 : i32
        %get3A_757 = arith.index_cast %sub3A_756 : i32 to index
        %get3A_758 = arith.constant 0 : index
        %get3A_759 = tpu.vector_load %arg4[%get3A_757, %get3A_758] {strides = array<i32>} : memref<1023x16xf32, #tpu.memory_space<vmem>>, vector<1x16xf32>,
        %get3A_760 = vector.shape_cast %get3A_759 : vector<1x16xf32> to vector<16xf32>
        %sub3A_761 = arith.constant 1022 : i32
        %sub3A_762 = arith.subi %sub3A_761, %mul3A_754 : i32
        %get3A_763 = arith.index_cast %sub3A_762 : i32 to index
        %get3A_764 = arith.constant 0 : index
        %get3A_765 = tpu.vector_load %arg4[%get3A_763, %get3A_764] {strides = array<i32>} : memref<1023x16xf32, #tpu.memory_space<vmem>>, vector<1x16xf32>,
        %get3A_766 = vector.shape_cast %get3A_765 : vector<1x16xf32> to vector<16xf32>
        %sub3A_767 = arith.subf %get3A_760, %get3A_766 : vector<16xf32>
        %sub3A_768 = arith.constant 509 : i32
        %sub3A_769 = arith.subi %sub3A_768, %mul3A_754 : i32
        %get3A_770 = arith.index_cast %sub3A_769 : i32 to index
        %get3A_771 = arith.constant 0 : index
        %get3A_772 = tpu.vector_load %arg4[%get3A_770, %get3A_771] {strides = array<i32>} : memref<1023x16xf32, #tpu.memory_space<vmem>>, vector<1x16xf32>,
        %get3A_773 = vector.shape_cast %get3A_772 : vector<1x16xf32> to vector<16xf32>
        %sub3A_774 = arith.constant 1021 : i32
        %sub3A_775 = arith.subi %sub3A_774, %mul3A_754 : i32
        %get3A_776 = arith.index_cast %sub3A_775 : i32 to index
        %get3A_777 = arith.constant 0 : index
        %get3A_778 = tpu.vector_load %arg4[%get3A_776, %get3A_777] {strides = array<i32>} : memref<1023x16xf32, #tpu.memory_space<vmem>>, vector<1x16xf32>,
        %get3A_779 = vector.shape_cast %get3A_778 : vector<1x16xf32> to vector<16xf32>
        %sub3A_780 = arith.subf %get3A_773, %get3A_779 : vector<16xf32>
        %sub3A_781 = arith.constant 508 : i32
        %sub3A_782 = arith.subi %sub3A_781, %mul3A_754 : i32
        %get3A_783 = arith.index_cast %sub3A_782 : i32 to index
        %get3A_784 = arith.constant 0 : index
        %get3A_785 = tpu.vector_load %arg4[%get3A_783, %get3A_784] {strides = array<i32>} : memref<1023x16xf32, #tpu.memory_space<vmem>>, vector<1x16xf32>,
        %get3A_786 = vector.shape_cast %get3A_785 : vector<1x16xf32> to vector<16xf32>
        %sub3A_787 = arith.constant 1020 : i32
        %sub3A_788 = arith.subi %sub3A_787, %mul3A_754 : i32
        %get3A_789 = arith.index_cast %sub3A_788 : i32 to index
        %get3A_790 = arith.constant 0 : index
        %get3A_791 = tpu.vector_load %arg4[%get3A_789, %get3A_790] {strides = array<i32>} : memref<1023x16xf32, #tpu.memory_space<vmem>>, vector<1x16xf32>,
        %get3A_792 = vector.shape_cast %get3A_791 : vector<1x16xf32> to vector<16xf32>
        %sub3A_793 = arith.subf %get3A_786, %get3A_792 : vector<16xf32>
        %sub3A_794 = arith.constant 507 : i32
        %sub3A_795 = arith.subi %sub3A_794, %mul3A_754 : i32
        %get3A_796 = arith.index_cast %sub3A_795 : i32 to index
        %get3A_797 = arith.constant 0 : index
        %get3A_798 = tpu.vector_load %arg4[%get3A_796, %get3A_797] {strides = array<i32>} : memref<1023x16xf32, #tpu.memory_space<vmem>>, vector<1x16xf32>,
        %get3A_799 = vector.shape_cast %get3A_798 : vector<1x16xf32> to vector<16xf32>
        %sub3A_800 = arith.constant 1019 : i32
        %sub3A_801 = arith.subi %sub3A_800, %mul3A_754 : i32
        %get3A_802 = arith.index_cast %sub3A_801 : i32 to index
        %get3A_803 = arith.constant 0 : index
        %get3A_804 = tpu.vector_load %arg4[%get3A_802, %get3A_803] {strides = array<i32>} : memref<1023x16xf32, #tpu.memory_space<vmem>>, vector<1x16xf32>,
        %get3A_805 = vector.shape_cast %get3A_804 : vector<1x16xf32> to vector<16xf32>
        %sub3A_806 = arith.subf %get3A_799, %get3A_805 : vector<16xf32>
        %add3A_807 = arith.addf %sub3A_767, %sub3A_780 : vector<16xf32>
        %add3A_808 = arith.addf %sub3A_793, %sub3A_806 : vector<16xf32>
        %add3A_809 = arith.addf %add3A_710, %sub3A_767 : vector<16xf32>
        %add3A_810 = arith.addf %add3A_710, %add3A_807 : vector<16xf32>
        %add3A_811 = arith.addf %add3A_810, %sub3A_793 : vector<16xf32>
        %add3A_812 = arith.addf %add3A_807, %add3A_808 : vector<16xf32>
        %add3A_813 = arith.addf %add3A_710, %add3A_812 : vector<16xf32>
        %mul3A_814 = arith.constant 0.001953125 : f32
        %mul3A_815 = vector.broadcast %mul3A_814 : f32 to vector<16xf32>
        %mul3A_816 = arith.mulf %add3A_809, %mul3A_815 : vector<16xf32>
        %add3A_817 = arith.constant 1 : i32
        %add3A_818 = arith.addi %mul3A_754, %add3A_817 : i32
        %swap3A_819 = arith.index_cast %add3A_818 : i32 to index
        %swap3A_820 = arith.constant 0 : index
        %swap3A_821 = tpu.vector_load %arg6[%swap3A_819, %swap3A_820] {strides = array<i32>} : memref<512x16xf32, #tpu.memory_space<vmem>>, vector<1x16xf32>,
        %swap3A_822 = vector.shape_cast %swap3A_821 : vector<1x16xf32> to vector<16xf32>
        %swap3A_823 = vector.shape_cast %mul3A_816 : vector<16xf32> to vector<1x16xf32>
        tpu.vector_store %arg6[%swap3A_819, %swap3A_820], %swap3A_823 {strides = array<i32>} : memref<512x16xf32, #tpu.memory_space<vmem>>, vector<1x16xf32>,
        %mul3A_824 = arith.constant 0.001953125 : f32
        %mul3A_825 = vector.broadcast %mul3A_824 : f32 to vector<16xf32>
        %mul3A_826 = arith.mulf %add3A_810, %mul3A_825 : vector<16xf32>
        %add3A_827 = arith.constant 2 : i32
        %add3A_828 = arith.addi %mul3A_754, %add3A_827 : i32
        %swap3A_829 = arith.index_cast %add3A_828 : i32 to index
        %swap3A_830 = arith.constant 0 : index
        %swap3A_831 = tpu.vector_load %arg6[%swap3A_829, %swap3A_830] {strides = array<i32>} : memref<512x16xf32, #tpu.memory_space<vmem>>, vector<1x16xf32>,
        %swap3A_832 = vector.shape_cast %swap3A_831 : vector<1x16xf32> to vector<16xf32>
        %swap3A_833 = vector.shape_cast %mul3A_826 : vector<16xf32> to vector<1x16xf32>
        tpu.vector_store %arg6[%swap3A_829, %swap3A_830], %swap3A_833 {strides = array<i32>} : memref<512x16xf32, #tpu.memory_space<vmem>>, vector<1x16xf32>,
        %mul3A_834 = arith.constant 0.001953125 : f32
        %mul3A_835 = vector.broadcast %mul3A_834 : f32 to vector<16xf32>
        %mul3A_836 = arith.mulf %add3A_811, %mul3A_835 : vector<16xf32>
        %add3A_837 = arith.constant 3 : i32
        %add3A_838 = arith.addi %mul3A_754, %add3A_837 : i32
        %swap3A_839 = arith.index_cast %add3A_838 : i32 to index
        %swap3A_840 = arith.constant 0 : index
        %swap3A_841 = tpu.vector_load %arg6[%swap3A_839, %swap3A_840] {strides = array<i32>} : memref<512x16xf32, #tpu.memory_space<vmem>>, vector<1x16xf32>,
        %swap3A_842 = vector.shape_cast %swap3A_841 : vector<1x16xf32> to vector<16xf32>
        %swap3A_843 = vector.shape_cast %mul3A_836 : vector<16xf32> to vector<1x16xf32>
        tpu.vector_store %arg6[%swap3A_839, %swap3A_840], %swap3A_843 {strides = array<i32>} : memref<512x16xf32, #tpu.memory_space<vmem>>, vector<1x16xf32>,
        %mul3A_844 = arith.constant 0.001953125 : f32
        %mul3A_845 = vector.broadcast %mul3A_844 : f32 to vector<16xf32>
        %mul3A_846 = arith.mulf %add3A_813, %mul3A_845 : vector<16xf32>
        %add3A_847 = arith.constant 4 : i32
        %add3A_848 = arith.addi %mul3A_754, %add3A_847 : i32
        %swap3A_849 = arith.index_cast %add3A_848 : i32 to index
        %swap3A_850 = arith.constant 0 : index
        %swap3A_851 = tpu.vector_load %arg6[%swap3A_849, %swap3A_850] {strides = array<i32>} : memref<512x16xf32, #tpu.memory_space<vmem>>, vector<1x16xf32>,
        %swap3A_852 = vector.shape_cast %swap3A_851 : vector<1x16xf32> to vector<16xf32>
        %swap3A_853 = vector.shape_cast %mul3A_846 : vector<16xf32> to vector<1x16xf32>
        tpu.vector_store %arg6[%swap3A_849, %swap3A_850], %swap3A_853 {strides = array<i32>} : memref<512x16xf32, #tpu.memory_space<vmem>>, vector<1x16xf32>,
        scf.yield %add3A_813 : vector<16xf32>
      }
      %scan3A_57 = arith.constant 124 : i32
      %scan3A_58 = arith.addi %scan3A_52, %scan3A_57 : i32
      %mul3A_59 = arith.constant 4 : i32
      %mul3A_60 = arith.muli %mul3A_59, %scan3A_58 : i32
      %sub3A = arith.constant 510 : i32
      %sub3A_61 = arith.subi %sub3A, %mul3A_60 : i32
      %get3A = arith.index_cast %sub3A_61 : i32 to index
      %get3A_62 = arith.constant 0 : index
      %get3A_63 = tpu.vector_load %arg4[%get3A, %get3A_62] {strides = array<i32>} : memref<1023x16xf32, #tpu.memory_space<vmem>>, vector<1x16xf32>,
      %get3A_64 = vector.shape_cast %get3A_63 : vector<1x16xf32> to vector<16xf32>
      %sub3A_65 = arith.constant 1022 : i32
      %sub3A_66 = arith.subi %sub3A_65, %mul3A_60 : i32
      %get3A_67 = arith.index_cast %sub3A_66 : i32 to index
      %get3A_68 = arith.constant 0 : index
      %get3A_69 = tpu.vector_load %arg4[%get3A_67, %get3A_68] {strides = array<i32>} : memref<1023x16xf32, #tpu.memory_space<vmem>>, vector<1x16xf32>,
      %get3A_70 = vector.shape_cast %get3A_69 : vector<1x16xf32> to vector<16xf32>
      %sub3A_71 = arith.subf %get3A_64, %get3A_70 : vector<16xf32>
      %sub3A_72 = arith.constant 509 : i32
      %sub3A_73 = arith.subi %sub3A_72, %mul3A_60 : i32
      %get3A_74 = arith.index_cast %sub3A_73 : i32 to index
      %get3A_75 = arith.constant 0 : index
      %get3A_76 = tpu.vector_load %arg4[%get3A_74, %get3A_75] {strides = array<i32>} : memref<1023x16xf32, #tpu.memory_space<vmem>>, vector<1x16xf32>,
      %get3A_77 = vector.shape_cast %get3A_76 : vector<1x16xf32> to vector<16xf32>
      %sub3A_78 = arith.constant 1021 : i32
      %sub3A_79 = arith.subi %sub3A_78, %mul3A_60 : i32
      %get3A_80 = arith.index_cast %sub3A_79 : i32 to index
      %get3A_81 = arith.constant 0 : index
      %get3A_82 = tpu.vector_load %arg4[%get3A_80, %get3A_81] {strides = array<i32>} : memref<1023x16xf32, #tpu.memory_space<vmem>>, vector<1x16xf32>,
      %get3A_83 = vector.shape_cast %get3A_82 : vector<1x16xf32> to vector<16xf32>
      %sub3A_84 = arith.subf %get3A_77, %get3A_83 : vector<16xf32>
      %sub3A_85 = arith.constant 508 : i32
      %sub3A_86 = arith.subi %sub3A_85, %mul3A_60 : i32
      %get3A_87 = arith.index_cast %sub3A_86 : i32 to index
      %get3A_88 = arith.constant 0 : index
      %get3A_89 = tpu.vector_load %arg4[%get3A_87, %get3A_88] {strides = array<i32>} : memref<1023x16xf32, #tpu.memory_space<vmem>>, vector<1x16xf32>,
      %get3A_90 = vector.shape_cast %get3A_89 : vector<1x16xf32> to vector<16xf32>
      %sub3A_91 = arith.constant 1020 : i32
      %sub3A_92 = arith.subi %sub3A_91, %mul3A_60 : i32
      %get3A_93 = arith.index_cast %sub3A_92 : i32 to index
      %get3A_94 = arith.constant 0 : index
      %get3A_95 = tpu.vector_load %arg4[%get3A_93, %get3A_94] {strides = array<i32>} : memref<1023x16xf32, #tpu.memory_space<vmem>>, vector<1x16xf32>,
      %get3A_96 = vector.shape_cast %get3A_95 : vector<1x16xf32> to vector<16xf32>
      %sub3A_97 = arith.subf %get3A_90, %get3A_96 : vector<16xf32>
      %sub3A_98 = arith.constant 507 : i32
      %sub3A_99 = arith.subi %sub3A_98, %mul3A_60 : i32
      %get3A_100 = arith.index_cast %sub3A_99 : i32 to index
      %get3A_101 = arith.constant 0 : index
      %get3A_102 = tpu.vector_load %arg4[%get3A_100, %get3A_101] {strides = array<i32>} : memref<1023x16xf32, #tpu.memory_space<vmem>>, vector<1x16xf32>,
      %get3A_103 = vector.shape_cast %get3A_102 : vector<1x16xf32> to vector<16xf32>
      %sub3A_104 = arith.constant 1019 : i32
      %sub3A_105 = arith.subi %sub3A_104, %mul3A_60 : i32
      %get3A_106 = arith.index_cast %sub3A_105 : i32 to index
      %get3A_107 = arith.constant 0 : index
      %get3A_108 = tpu.vector_load %arg4[%get3A_106, %get3A_107] {strides = array<i32>} : memref<1023x16xf32, #tpu.memory_space<vmem>>, vector<1x16xf32>,
      %get3A_109 = vector.shape_cast %get3A_108 : vector<1x16xf32> to vector<16xf32>
      %sub3A_110 = arith.subf %get3A_103, %get3A_109 : vector<16xf32>
      %add3A_111 = arith.addf %sub3A_71, %sub3A_84 : vector<16xf32>
      %add3A_112 = arith.addf %sub3A_97, %sub3A_110 : vector<16xf32>
      %add3A_113 = arith.addf %scan3A_56, %sub3A_71 : vector<16xf32>
      %add3A_114 = arith.addf %scan3A_56, %add3A_111 : vector<16xf32>
      %add3A_115 = arith.addf %add3A_114, %sub3A_97 : vector<16xf32>
      %add3A_116 = arith.addf %add3A_111, %add3A_112 : vector<16xf32>
      %add3A_117 = arith.addf %scan3A_56, %add3A_116 : vector<16xf32>
      %mul3A_118 = arith.constant 0.001953125 : f32
      %mul3A_119 = vector.broadcast %mul3A_118 : f32 to vector<16xf32>
      %mul3A_120 = arith.mulf %add3A_113, %mul3A_119 : vector<16xf32>
      %add3A_121 = arith.constant 1 : i32
      %add3A_122 = arith.addi %mul3A_60, %add3A_121 : i32
      %swap3A_123 = arith.index_cast %add3A_122 : i32 to index
      %swap3A_124 = arith.constant 0 : index
      %swap3A_125 = tpu.vector_load %arg6[%swap3A_123, %swap3A_124] {strides = array<i32>} : memref<512x16xf32, #tpu.memory_space<vmem>>, vector<1x16xf32>,
      %swap3A_126 = vector.shape_cast %swap3A_125 : vector<1x16xf32> to vector<16xf32>
      %swap3A_127 = vector.shape_cast %mul3A_120 : vector<16xf32> to vector<1x16xf32>
      tpu.vector_store %arg6[%swap3A_123, %swap3A_124], %swap3A_127 {strides = array<i32>} : memref<512x16xf32, #tpu.memory_space<vmem>>, vector<1x16xf32>,
      %mul3A_128 = arith.constant 0.001953125 : f32
      %mul3A_129 = vector.broadcast %mul3A_128 : f32 to vector<16xf32>
      %mul3A_130 = arith.mulf %add3A_114, %mul3A_129 : vector<16xf32>
      %add3A_131 = arith.constant 2 : i32
      %add3A_132 = arith.addi %mul3A_60, %add3A_131 : i32
      %swap3A_133 = arith.index_cast %add3A_132 : i32 to index
      %swap3A_134 = arith.constant 0 : index
      %swap3A_135 = tpu.vector_load %arg6[%swap3A_133, %swap3A_134] {strides = array<i32>} : memref<512x16xf32, #tpu.memory_space<vmem>>, vector<1x16xf32>,
      %swap3A_136 = vector.shape_cast %swap3A_135 : vector<1x16xf32> to vector<16xf32>
      %swap3A_137 = vector.shape_cast %mul3A_130 : vector<16xf32> to vector<1x16xf32>
      tpu.vector_store %arg6[%swap3A_133, %swap3A_134], %swap3A_137 {strides = array<i32>} : memref<512x16xf32, #tpu.memory_space<vmem>>, vector<1x16xf32>,
      %mul3A_138 = arith.constant 0.001953125 : f32
      %mul3A_139 = vector.broadcast %mul3A_138 : f32 to vector<16xf32>
      %mul3A_140 = arith.mulf %add3A_115, %mul3A_139 : vector<16xf32>
      %add3A_141 = arith.constant 3 : i32
      %add3A_142 = arith.addi %mul3A_60, %add3A_141 : i32
      %swap3A_143 = arith.index_cast %add3A_142 : i32 to index
      %swap3A_144 = arith.constant 0 : index
      %swap3A_145 = tpu.vector_load %arg6[%swap3A_143, %swap3A_144] {strides = array<i32>} : memref<512x16xf32, #tpu.memory_space<vmem>>, vector<1x16xf32>,
      %swap3A_146 = vector.shape_cast %swap3A_145 : vector<1x16xf32> to vector<16xf32>
      %swap3A_147 = vector.shape_cast %mul3A_140 : vector<16xf32> to vector<1x16xf32>
      tpu.vector_store %arg6[%swap3A_143, %swap3A_144], %swap3A_147 {strides = array<i32>} : memref<512x16xf32, #tpu.memory_space<vmem>>, vector<1x16xf32>,
      %mul3A_148 = arith.constant 0.001953125 : f32
      %mul3A_149 = vector.broadcast %mul3A_148 : f32 to vector<16xf32>
      %mul3A_150 = arith.mulf %add3A_117, %mul3A_149 : vector<16xf32>
      %add3A_151 = arith.constant 4 : i32
      %add3A_152 = arith.addi %mul3A_60, %add3A_151 : i32
      %swap3A_153 = arith.index_cast %add3A_152 : i32 to index
      %swap3A_154 = arith.constant 0 : index
      %swap3A_155 = tpu.vector_load %arg6[%swap3A_153, %swap3A_154] {strides = array<i32>} : memref<512x16xf32, #tpu.memory_space<vmem>>, vector<1x16xf32>,
      %swap3A_156 = vector.shape_cast %swap3A_155 : vector<1x16xf32> to vector<16xf32>
      %swap3A_157 = vector.shape_cast %mul3A_150 : vector<16xf32> to vector<1x16xf32>
      tpu.vector_store %arg6[%swap3A_153, %swap3A_154], %swap3A_157 {strides = array<i32>} : memref<512x16xf32, #tpu.memory_space<vmem>>, vector<1x16xf32>,
      %scan3A_158 = arith.constant 125 : i32
      %scan3A_159 = arith.addi %scan3A_52, %scan3A_158 : i32
      %mul3A_160 = arith.constant 4 : i32
      %mul3A_161 = arith.muli %mul3A_160, %scan3A_159 : i32
      %sub3A_162 = arith.constant 510 : i32
      %sub3A_163 = arith.subi %sub3A_162, %mul3A_161 : i32
      %get3A_164 = arith.index_cast %sub3A_163 : i32 to index
      %get3A_165 = arith.constant 0 : index
      %get3A_166 = tpu.vector_load %arg4[%get3A_164, %get3A_165] {strides = array<i32>} : memref<1023x16xf32, #tpu.memory_space<vmem>>, vector<1x16xf32>,
      %get3A_167 = vector.shape_cast %get3A_166 : vector<1x16xf32> to vector<16xf32>
      %sub3A_168 = arith.constant 1022 : i32
      %sub3A_169 = arith.subi %sub3A_168, %mul3A_161 : i32
      %get3A_170 = arith.index_cast %sub3A_169 : i32 to index
      %get3A_171 = arith.constant 0 : index
      %get3A_172 = tpu.vector_load %arg4[%get3A_170, %get3A_171] {strides = array<i32>} : memref<1023x16xf32, #tpu.memory_space<vmem>>, vector<1x16xf32>,
      %get3A_173 = vector.shape_cast %get3A_172 : vector<1x16xf32> to vector<16xf32>
      %sub3A_174 = arith.subf %get3A_167, %get3A_173 : vector<16xf32>
      %sub3A_175 = arith.constant 509 : i32
      %sub3A_176 = arith.subi %sub3A_175, %mul3A_161 : i32
      %get3A_177 = arith.index_cast %sub3A_176 : i32 to index
      %get3A_178 = arith.constant 0 : index
      %get3A_179 = tpu.vector_load %arg4[%get3A_177, %get3A_178] {strides = array<i32>} : memref<1023x16xf32, #tpu.memory_space<vmem>>, vector<1x16xf32>,
      %get3A_180 = vector.shape_cast %get3A_179 : vector<1x16xf32> to vector<16xf32>
      %sub3A_181 = arith.constant 1021 : i32
      %sub3A_182 = arith.subi %sub3A_181, %mul3A_161 : i32
      %get3A_183 = arith.index_cast %sub3A_182 : i32 to index
      %get3A_184 = arith.constant 0 : index
      %get3A_185 = tpu.vector_load %arg4[%get3A_183, %get3A_184] {strides = array<i32>} : memref<1023x16xf32, #tpu.memory_space<vmem>>, vector<1x16xf32>,
      %get3A_186 = vector.shape_cast %get3A_185 : vector<1x16xf32> to vector<16xf32>
      %sub3A_187 = arith.subf %get3A_180, %get3A_186 : vector<16xf32>
      %sub3A_188 = arith.constant 508 : i32
      %sub3A_189 = arith.subi %sub3A_188, %mul3A_161 : i32
      %get3A_190 = arith.index_cast %sub3A_189 : i32 to index
      %get3A_191 = arith.constant 0 : index
      %get3A_192 = tpu.vector_load %arg4[%get3A_190, %get3A_191] {strides = array<i32>} : memref<1023x16xf32, #tpu.memory_space<vmem>>, vector<1x16xf32>,
      %get3A_193 = vector.shape_cast %get3A_192 : vector<1x16xf32> to vector<16xf32>
      %sub3A_194 = arith.constant 1020 : i32
      %sub3A_195 = arith.subi %sub3A_194, %mul3A_161 : i32
      %get3A_196 = arith.index_cast %sub3A_195 : i32 to index
      %get3A_197 = arith.constant 0 : index
      %get3A_198 = tpu.vector_load %arg4[%get3A_196, %get3A_197] {strides = array<i32>} : memref<1023x16xf32, #tpu.memory_space<vmem>>, vector<1x16xf32>,
      %get3A_199 = vector.shape_cast %get3A_198 : vector<1x16xf32> to vector<16xf32>
      %sub3A_200 = arith.subf %get3A_193, %get3A_199 : vector<16xf32>
      %sub3A_201 = arith.constant 507 : i32
      %sub3A_202 = arith.subi %sub3A_201, %mul3A_161 : i32
      %get3A_203 = arith.index_cast %sub3A_202 : i32 to index
      %get3A_204 = arith.constant 0 : index
      %get3A_205 = tpu.vector_load %arg4[%get3A_203, %get3A_204] {strides = array<i32>} : memref<1023x16xf32, #tpu.memory_space<vmem>>, vector<1x16xf32>,
      %get3A_206 = vector.shape_cast %get3A_205 : vector<1x16xf32> to vector<16xf32>
      %sub3A_207 = arith.constant 1019 : i32
      %sub3A_208 = arith.subi %sub3A_207, %mul3A_161 : i32
      %get3A_209 = arith.index_cast %sub3A_208 : i32 to index
      %get3A_210 = arith.constant 0 : index
      %get3A_211 = tpu.vector_load %arg4[%get3A_209, %get3A_210] {strides = array<i32>} : memref<1023x16xf32, #tpu.memory_space<vmem>>, vector<1x16xf32>,
      %get3A_212 = vector.shape_cast %get3A_211 : vector<1x16xf32> to vector<16xf32>
      %sub3A_213 = arith.subf %get3A_206, %get3A_212 : vector<16xf32>
      %add3A_214 = arith.addf %sub3A_174, %sub3A_187 : vector<16xf32>
      %add3A_215 = arith.addf %sub3A_200, %sub3A_213 : vector<16xf32>
      %add3A_216 = arith.addf %add3A_117, %sub3A_174 : vector<16xf32>
      %add3A_217 = arith.addf %add3A_117, %add3A_214 : vector<16xf32>
      %add3A_218 = arith.addf %add3A_217, %sub3A_200 : vector<16xf32>
      %add3A_219 = arith.addf %add3A_214, %add3A_215 : vector<16xf32>
      %add3A_220 = arith.addf %add3A_117, %add3A_219 : vector<16xf32>
      %mul3A_221 = arith.constant 0.001953125 : f32
      %mul3A_222 = vector.broadcast %mul3A_221 : f32 to vector<16xf32>
      %mul3A_223 = arith.mulf %add3A_216, %mul3A_222 : vector<16xf32>
      %add3A_224 = arith.constant 1 : i32
      %add3A_225 = arith.addi %mul3A_161, %add3A_224 : i32
      %swap3A_226 = arith.index_cast %add3A_225 : i32 to index
      %swap3A_227 = arith.constant 0 : index
      %swap3A_228 = tpu.vector_load %arg6[%swap3A_226, %swap3A_227] {strides = array<i32>} : memref<512x16xf32, #tpu.memory_space<vmem>>, vector<1x16xf32>,
      %swap3A_229 = vector.shape_cast %swap3A_228 : vector<1x16xf32> to vector<16xf32>
      %swap3A_230 = vector.shape_cast %mul3A_223 : vector<16xf32> to vector<1x16xf32>
      tpu.vector_store %arg6[%swap3A_226, %swap3A_227], %swap3A_230 {strides = array<i32>} : memref<512x16xf32, #tpu.memory_space<vmem>>, vector<1x16xf32>,
      %mul3A_231 = arith.constant 0.001953125 : f32
      %mul3A_232 = vector.broadcast %mul3A_231 : f32 to vector<16xf32>
      %mul3A_233 = arith.mulf %add3A_217, %mul3A_232 : vector<16xf32>
      %add3A_234 = arith.constant 2 : i32
      %add3A_235 = arith.addi %mul3A_161, %add3A_234 : i32
      %swap3A_236 = arith.index_cast %add3A_235 : i32 to index
      %swap3A_237 = arith.constant 0 : index
      %swap3A_238 = tpu.vector_load %arg6[%swap3A_236, %swap3A_237] {strides = array<i32>} : memref<512x16xf32, #tpu.memory_space<vmem>>, vector<1x16xf32>,
      %swap3A_239 = vector.shape_cast %swap3A_238 : vector<1x16xf32> to vector<16xf32>
      %swap3A_240 = vector.shape_cast %mul3A_233 : vector<16xf32> to vector<1x16xf32>
      tpu.vector_store %arg6[%swap3A_236, %swap3A_237], %swap3A_240 {strides = array<i32>} : memref<512x16xf32, #tpu.memory_space<vmem>>, vector<1x16xf32>,
      %mul3A_241 = arith.constant 0.001953125 : f32
      %mul3A_242 = vector.broadcast %mul3A_241 : f32 to vector<16xf32>
      %mul3A_243 = arith.mulf %add3A_218, %mul3A_242 : vector<16xf32>
      %add3A_244 = arith.constant 3 : i32
      %add3A_245 = arith.addi %mul3A_161, %add3A_244 : i32
      %swap3A_246 = arith.index_cast %add3A_245 : i32 to index
      %swap3A_247 = arith.constant 0 : index
      %swap3A_248 = tpu.vector_load %arg6[%swap3A_246, %swap3A_247] {strides = array<i32>} : memref<512x16xf32, #tpu.memory_space<vmem>>, vector<1x16xf32>,
      %swap3A_249 = vector.shape_cast %swap3A_248 : vector<1x16xf32> to vector<16xf32>
      %swap3A_250 = vector.shape_cast %mul3A_243 : vector<16xf32> to vector<1x16xf32>
      tpu.vector_store %arg6[%swap3A_246, %swap3A_247], %swap3A_250 {strides = array<i32>} : memref<512x16xf32, #tpu.memory_space<vmem>>, vector<1x16xf32>,
      %mul3A_251 = arith.constant 0.001953125 : f32
      %mul3A_252 = vector.broadcast %mul3A_251 : f32 to vector<16xf32>
      %mul3A_253 = arith.mulf %add3A_220, %mul3A_252 : vector<16xf32>
      %add3A_254 = arith.constant 4 : i32
      %add3A_255 = arith.addi %mul3A_161, %add3A_254 : i32
      %swap3A_256 = arith.index_cast %add3A_255 : i32 to index
      %swap3A_257 = arith.constant 0 : index
      %swap3A_258 = tpu.vector_load %arg6[%swap3A_256, %swap3A_257] {strides = array<i32>} : memref<512x16xf32, #tpu.memory_space<vmem>>, vector<1x16xf32>,
      %swap3A_259 = vector.shape_cast %swap3A_258 : vector<1x16xf32> to vector<16xf32>
      %swap3A_260 = vector.shape_cast %mul3A_253 : vector<16xf32> to vector<1x16xf32>
      tpu.vector_store %arg6[%swap3A_256, %swap3A_257], %swap3A_260 {strides = array<i32>} : memref<512x16xf32, #tpu.memory_space<vmem>>, vector<1x16xf32>,
      %scan3A_261 = arith.constant 126 : i32
      %scan3A_262 = arith.addi %scan3A_52, %scan3A_261 : i32
      %mul3A_263 = arith.constant 4 : i32
      %mul3A_264 = arith.muli %mul3A_263, %scan3A_262 : i32
      %sub3A_265 = arith.constant 510 : i32
      %sub3A_266 = arith.subi %sub3A_265, %mul3A_264 : i32
      %get3A_267 = arith.index_cast %sub3A_266 : i32 to index
      %get3A_268 = arith.constant 0 : index
      %get3A_269 = tpu.vector_load %arg4[%get3A_267, %get3A_268] {strides = array<i32>} : memref<1023x16xf32, #tpu.memory_space<vmem>>, vector<1x16xf32>,
      %get3A_270 = vector.shape_cast %get3A_269 : vector<1x16xf32> to vector<16xf32>
      %sub3A_271 = arith.constant 1022 : i32
      %sub3A_272 = arith.subi %sub3A_271, %mul3A_264 : i32
      %get3A_273 = arith.index_cast %sub3A_272 : i32 to index
      %get3A_274 = arith.constant 0 : index
      %get3A_275 = tpu.vector_load %arg4[%get3A_273, %get3A_274] {strides = array<i32>} : memref<1023x16xf32, #tpu.memory_space<vmem>>, vector<1x16xf32>,
      %get3A_276 = vector.shape_cast %get3A_275 : vector<1x16xf32> to vector<16xf32>
      %sub3A_277 = arith.subf %get3A_270, %get3A_276 : vector<16xf32>
      %sub3A_278 = arith.constant 509 : i32
      %sub3A_279 = arith.subi %sub3A_278, %mul3A_264 : i32
      %get3A_280 = arith.index_cast %sub3A_279 : i32 to index
      %get3A_281 = arith.constant 0 : index
      %get3A_282 = tpu.vector_load %arg4[%get3A_280, %get3A_281] {strides = array<i32>} : memref<1023x16xf32, #tpu.memory_space<vmem>>, vector<1x16xf32>,
      %get3A_283 = vector.shape_cast %get3A_282 : vector<1x16xf32> to vector<16xf32>
      %sub3A_284 = arith.constant 1021 : i32
      %sub3A_285 = arith.subi %sub3A_284, %mul3A_264 : i32
      %get3A_286 = arith.index_cast %sub3A_285 : i32 to index
      %get3A_287 = arith.constant 0 : index
      %get3A_288 = tpu.vector_load %arg4[%get3A_286, %get3A_287] {strides = array<i32>} : memref<1023x16xf32, #tpu.memory_space<vmem>>, vector<1x16xf32>,
      %get3A_289 = vector.shape_cast %get3A_288 : vector<1x16xf32> to vector<16xf32>
      %sub3A_290 = arith.subf %get3A_283, %get3A_289 : vector<16xf32>
      %sub3A_291 = arith.constant 508 : i32
      %sub3A_292 = arith.subi %sub3A_291, %mul3A_264 : i32
      %get3A_293 = arith.index_cast %sub3A_292 : i32 to index
      %get3A_294 = arith.constant 0 : index
      %get3A_295 = tpu.vector_load %arg4[%get3A_293, %get3A_294] {strides = array<i32>} : memref<1023x16xf32, #tpu.memory_space<vmem>>, vector<1x16xf32>,
      %get3A_296 = vector.shape_cast %get3A_295 : vector<1x16xf32> to vector<16xf32>
      %sub3A_297 = arith.constant 1020 : i32
      %sub3A_298 = arith.subi %sub3A_297, %mul3A_264 : i32
      %get3A_299 = arith.index_cast %sub3A_298 : i32 to index
      %get3A_300 = arith.constant 0 : index
      %get3A_301 = tpu.vector_load %arg4[%get3A_299, %get3A_300] {strides = array<i32>} : memref<1023x16xf32, #tpu.memory_space<vmem>>, vector<1x16xf32>,
      %get3A_302 = vector.shape_cast %get3A_301 : vector<1x16xf32> to vector<16xf32>
      %sub3A_303 = arith.subf %get3A_296, %get3A_302 : vector<16xf32>
      %sub3A_304 = arith.constant 507 : i32
      %sub3A_305 = arith.subi %sub3A_304, %mul3A_264 : i32
      %get3A_306 = arith.index_cast %sub3A_305 : i32 to index
      %get3A_307 = arith.constant 0 : index
      %get3A_308 = tpu.vector_load %arg4[%get3A_306, %get3A_307] {strides = array<i32>} : memref<1023x16xf32, #tpu.memory_space<vmem>>, vector<1x16xf32>,
      %get3A_309 = vector.shape_cast %get3A_308 : vector<1x16xf32> to vector<16xf32>
      %sub3A_310 = arith.constant 1019 : i32
      %sub3A_311 = arith.subi %sub3A_310, %mul3A_264 : i32
      %get3A_312 = arith.index_cast %sub3A_311 : i32 to index
      %get3A_313 = arith.constant 0 : index
      %get3A_314 = tpu.vector_load %arg4[%get3A_312, %get3A_313] {strides = array<i32>} : memref<1023x16xf32, #tpu.memory_space<vmem>>, vector<1x16xf32>,
      %get3A_315 = vector.shape_cast %get3A_314 : vector<1x16xf32> to vector<16xf32>
      %sub3A_316 = arith.subf %get3A_309, %get3A_315 : vector<16xf32>
      %add3A_317 = arith.addf %sub3A_277, %sub3A_290 : vector<16xf32>
      %add3A_318 = arith.addf %sub3A_303, %sub3A_316 : vector<16xf32>
      %add3A_319 = arith.addf %add3A_220, %sub3A_277 : vector<16xf32>
      %add3A_320 = arith.addf %add3A_220, %add3A_317 : vector<16xf32>
      %add3A_321 = arith.addf %add3A_320, %sub3A_303 : vector<16xf32>
      %add3A_322 = arith.addf %add3A_317, %add3A_318 : vector<16xf32>
      %add3A_323 = arith.addf %add3A_220, %add3A_322 : vector<16xf32>
      %mul3A_324 = arith.constant 0.001953125 : f32
      %mul3A_325 = vector.broadcast %mul3A_324 : f32 to vector<16xf32>
      %mul3A_326 = arith.mulf %add3A_319, %mul3A_325 : vector<16xf32>
      %add3A_327 = arith.constant 1 : i32
      %add3A_328 = arith.addi %mul3A_264, %add3A_327 : i32
      %swap3A_329 = arith.index_cast %add3A_328 : i32 to index
      %swap3A_330 = arith.constant 0 : index
      %swap3A_331 = tpu.vector_load %arg6[%swap3A_329, %swap3A_330] {strides = array<i32>} : memref<512x16xf32, #tpu.memory_space<vmem>>, vector<1x16xf32>,
      %swap3A_332 = vector.shape_cast %swap3A_331 : vector<1x16xf32> to vector<16xf32>
      %swap3A_333 = vector.shape_cast %mul3A_326 : vector<16xf32> to vector<1x16xf32>
      tpu.vector_store %arg6[%swap3A_329, %swap3A_330], %swap3A_333 {strides = array<i32>} : memref<512x16xf32, #tpu.memory_space<vmem>>, vector<1x16xf32>,
      %mul3A_334 = arith.constant 0.001953125 : f32
      %mul3A_335 = vector.broadcast %mul3A_334 : f32 to vector<16xf32>
      %mul3A_336 = arith.mulf %add3A_320, %mul3A_335 : vector<16xf32>
      %add3A_337 = arith.constant 2 : i32
      %add3A_338 = arith.addi %mul3A_264, %add3A_337 : i32
      %swap3A_339 = arith.index_cast %add3A_338 : i32 to index
      %swap3A_340 = arith.constant 0 : index
      %swap3A_341 = tpu.vector_load %arg6[%swap3A_339, %swap3A_340] {strides = array<i32>} : memref<512x16xf32, #tpu.memory_space<vmem>>, vector<1x16xf32>,
      %swap3A_342 = vector.shape_cast %swap3A_341 : vector<1x16xf32> to vector<16xf32>
      %swap3A_343 = vector.shape_cast %mul3A_336 : vector<16xf32> to vector<1x16xf32>
      tpu.vector_store %arg6[%swap3A_339, %swap3A_340], %swap3A_343 {strides = array<i32>} : memref<512x16xf32, #tpu.memory_space<vmem>>, vector<1x16xf32>,
      %mul3A_344 = arith.constant 0.001953125 : f32
      %mul3A_345 = vector.broadcast %mul3A_344 : f32 to vector<16xf32>
      %mul3A_346 = arith.mulf %add3A_321, %mul3A_345 : vector<16xf32>
      %add3A_347 = arith.constant 3 : i32
      %add3A_348 = arith.addi %mul3A_264, %add3A_347 : i32
      %swap3A_349 = arith.index_cast %add3A_348 : i32 to index
      %swap3A_350 = arith.constant 0 : index
      %swap3A_351 = tpu.vector_load %arg6[%swap3A_349, %swap3A_350] {strides = array<i32>} : memref<512x16xf32, #tpu.memory_space<vmem>>, vector<1x16xf32>,
      %swap3A_352 = vector.shape_cast %swap3A_351 : vector<1x16xf32> to vector<16xf32>
      %swap3A_353 = vector.shape_cast %mul3A_346 : vector<16xf32> to vector<1x16xf32>
      tpu.vector_store %arg6[%swap3A_349, %swap3A_350], %swap3A_353 {strides = array<i32>} : memref<512x16xf32, #tpu.memory_space<vmem>>, vector<1x16xf32>,
      %mul3A_354 = arith.constant 0.001953125 : f32
      %mul3A_355 = vector.broadcast %mul3A_354 : f32 to vector<16xf32>
      %mul3A_356 = arith.mulf %add3A_323, %mul3A_355 : vector<16xf32>
      %add3A_357 = arith.constant 4 : i32
      %add3A_358 = arith.addi %mul3A_264, %add3A_357 : i32
      %swap3A_359 = arith.index_cast %add3A_358 : i32 to index
      %swap3A_360 = arith.constant 0 : index
      %swap3A_361 = tpu.vector_load %arg6[%swap3A_359, %swap3A_360] {strides = array<i32>} : memref<512x16xf32, #tpu.memory_space<vmem>>, vector<1x16xf32>,
      %swap3A_362 = vector.shape_cast %swap3A_361 : vector<1x16xf32> to vector<16xf32>
      %swap3A_363 = vector.shape_cast %mul3A_356 : vector<16xf32> to vector<1x16xf32>
      tpu.vector_store %arg6[%swap3A_359, %swap3A_360], %swap3A_363 {strides = array<i32>} : memref<512x16xf32, #tpu.memory_space<vmem>>, vector<1x16xf32>,
      %scan3A_364 = arith.constant 127 : i32
      %scan3A_365 = arith.constant 509 : i32
      %sub3A_366 = arith.constant 511 : i32
      %sub3A_367 = arith.subi %sub3A_366, %scan3A_365 : i32
      %get3A_368 = arith.index_cast %sub3A_367 : i32 to index
      %get3A_369 = arith.constant 0 : index
      %get3A_370 = tpu.vector_load %arg4[%get3A_368, %get3A_369] {strides = array<i32>} : memref<1023x16xf32, #tpu.memory_space<vmem>>, vector<1x16xf32>,
      %get3A_371 = vector.shape_cast %get3A_370 : vector<1x16xf32> to vector<16xf32>
      %add3A_372 = arith.addf %add3A_323, %get3A_371 : vector<16xf32>
      %sub3A_373 = arith.constant 1023 : i32
      %sub3A_374 = arith.subi %sub3A_373, %scan3A_365 : i32
      %get3A_375 = arith.index_cast %sub3A_374 : i32 to index
      %get3A_376 = arith.constant 0 : index
      %get3A_377 = tpu.vector_load %arg4[%get3A_375, %get3A_376] {strides = array<i32>} : memref<1023x16xf32, #tpu.memory_space<vmem>>, vector<1x16xf32>,
      %get3A_378 = vector.shape_cast %get3A_377 : vector<1x16xf32> to vector<16xf32>
      %sub3A_379 = arith.subf %add3A_372, %get3A_378 : vector<16xf32>
      %mul3A_380 = arith.constant 0.001953125 : f32
      %mul3A_381 = vector.broadcast %mul3A_380 : f32 to vector<16xf32>
      %mul3A_382 = arith.mulf %sub3A_379, %mul3A_381 : vector<16xf32>
      %swap3A_383 = arith.index_cast %scan3A_365 : i32 to index
      %swap3A_384 = arith.constant 0 : index
      %swap3A_385 = tpu.vector_load %arg6[%swap3A_383, %swap3A_384] {strides = array<i32>} : memref<512x16xf32, #tpu.memory_space<vmem>>, vector<1x16xf32>,
      %swap3A_386 = vector.shape_cast %swap3A_385 : vector<1x16xf32> to vector<16xf32>
      %swap3A_387 = vector.shape_cast %mul3A_382 : vector<16xf32> to vector<1x16xf32>
      tpu.vector_store %arg6[%swap3A_383, %swap3A_384], %swap3A_387 {strides = array<i32>} : memref<512x16xf32, #tpu.memory_space<vmem>>, vector<1x16xf32>,
      %scan3A_388 = arith.constant 510 : i32
      %sub3A_389 = arith.constant 511 : i32
      %sub3A_390 = arith.subi %sub3A_389, %scan3A_388 : i32
      %get3A_391 = arith.index_cast %sub3A_390 : i32 to index
      %get3A_392 = arith.constant 0 : index
      %get3A_393 = tpu.vector_load %arg4[%get3A_391, %get3A_392] {strides = array<i32>} : memref<1023x16xf32, #tpu.memory_space<vmem>>, vector<1x16xf32>,
      %get3A_394 = vector.shape_cast %get3A_393 : vector<1x16xf32> to vector<16xf32>
      %add3A_395 = arith.addf %sub3A_379, %get3A_394 : vector<16xf32>
      %sub3A_396 = arith.constant 1023 : i32
      %sub3A_397 = arith.subi %sub3A_396, %scan3A_388 : i32
      %get3A_398 = arith.index_cast %sub3A_397 : i32 to index
      %get3A_399 = arith.constant 0 : index
      %get3A_400 = tpu.vector_load %arg4[%get3A_398, %get3A_399] {strides = array<i32>} : memref<1023x16xf32, #tpu.memory_space<vmem>>, vector<1x16xf32>,
      %get3A_401 = vector.shape_cast %get3A_400 : vector<1x16xf32> to vector<16xf32>
      %sub3A_402 = arith.subf %add3A_395, %get3A_401 : vector<16xf32>
      %mul3A_403 = arith.constant 0.001953125 : f32
      %mul3A_404 = vector.broadcast %mul3A_403 : f32 to vector<16xf32>
      %mul3A_405 = arith.mulf %sub3A_402, %mul3A_404 : vector<16xf32>
      %swap3A_406 = arith.index_cast %scan3A_388 : i32 to index
      %swap3A_407 = arith.constant 0 : index
      %swap3A_408 = tpu.vector_load %arg6[%swap3A_406, %swap3A_407] {strides = array<i32>} : memref<512x16xf32, #tpu.memory_space<vmem>>, vector<1x16xf32>,
      %swap3A_409 = vector.shape_cast %swap3A_408 : vector<1x16xf32> to vector<16xf32>
      %swap3A_410 = vector.shape_cast %mul3A_405 : vector<16xf32> to vector<1x16xf32>
      tpu.vector_store %arg6[%swap3A_406, %swap3A_407], %swap3A_410 {strides = array<i32>} : memref<512x16xf32, #tpu.memory_space<vmem>>, vector<1x16xf32>,
      %scan3A_411 = arith.constant 511 : i32
      %sub3A_412 = arith.constant 511 : i32
      %sub3A_413 = arith.subi %sub3A_412, %scan3A_411 : i32
      %get3A_414 = arith.index_cast %sub3A_413 : i32 to index
      %get3A_415 = arith.constant 0 : index
      %get3A_416 = tpu.vector_load %arg4[%get3A_414, %get3A_415] {strides = array<i32>} : memref<1023x16xf32, #tpu.memory_space<vmem>>, vector<1x16xf32>,
      %get3A_417 = vector.shape_cast %get3A_416 : vector<1x16xf32> to vector<16xf32>
      %add3A_418 = arith.addf %sub3A_402, %get3A_417 : vector<16xf32>
      %sub3A_419 = arith.constant 1023 : i32
      %sub3A_420 = arith.subi %sub3A_419, %scan3A_411 : i32
      %get3A_421 = arith.index_cast %sub3A_420 : i32 to index
      %get3A_422 = arith.constant 0 : index
      %get3A_423 = tpu.vector_load %arg4[%get3A_421, %get3A_422] {strides = array<i32>} : memref<1023x16xf32, #tpu.memory_space<vmem>>, vector<1x16xf32>,
      %get3A_424 = vector.shape_cast %get3A_423 : vector<1x16xf32> to vector<16xf32>
      %sub3A_425 = arith.subf %add3A_418, %get3A_424 : vector<16xf32>
      %mul3A_426 = arith.constant 0.001953125 : f32
      %mul3A_427 = vector.broadcast %mul3A_426 : f32 to vector<16xf32>
      %mul3A_428 = arith.mulf %sub3A_425, %mul3A_427 : vector<16xf32>
      %swap3A_429 = arith.index_cast %scan3A_411 : i32 to index
      %swap3A_430 = arith.constant 0 : index
      %swap3A_431 = tpu.vector_load %arg6[%swap3A_429, %swap3A_430] {strides = array<i32>} : memref<512x16xf32, #tpu.memory_space<vmem>>, vector<1x16xf32>,
      %swap3A_432 = vector.shape_cast %swap3A_431 : vector<1x16xf32> to vector<16xf32>
      %swap3A_433 = vector.shape_cast %mul3A_428 : vector<16xf32> to vector<1x16xf32>
      tpu.vector_store %arg6[%swap3A_429, %swap3A_430], %swap3A_433 {strides = array<i32>} : memref<512x16xf32, #tpu.memory_space<vmem>>, vector<1x16xf32>,
      %scan3A_434 = arith.constant 3 : i32
      %sub3A_435 = arith.constant 24 : i32
      %sub3A_436 = arith.subi %add3A_2, %sub3A_435 : i32
      %mul3A_437 = arith.constant 16 : i32
      %mul3A_438 = arith.muli %sub3A_436, %mul3A_437 : i32
      %dma_start3A = arith.constant 0 : i32
      %dma_start3A_439 = tpu.memref_slice %arg3[%dma_start3A, %mul3A_438] : memref<512x384xf32, #tpu.memory_space<hbm>> -> memref<512x16xf32, #tpu.memory_space<hbm>>
      %dma_start3A_440 = arith.constant 0 : i32
      %dma_start3A_441 = tpu.memref_slice %arg3[%dma_start3A_440, %mul3A_438] : memref<512x384xf32, #tpu.memory_space<hbm>> -> memref<512x16xf32, #tpu.memory_space<hbm>>
      tpu.enqueue_dma source(%arg6 : memref<512x16xf32, #tpu.memory_space<vmem>>) target(%dma_start3A_441 : memref<512x16xf32, #tpu.memory_space<hbm>>) target_semaphore(%arg10 : memref<!tpu.dma_semaphore, #tpu.memory_space<semaphore_mem>>)
    } else {
    }
    %convert_element_type3A_21 = arith.extui %and3A : i1 to i32
    %cond3A_22 = arith.constant 0 : i32
    %cond3A_23 = arith.cmpi ne, %convert_element_type3A_21, %cond3A_22 : i32
    scf.if %cond3A_23 {
      %mul3A_30 = arith.constant 16 : i32
      %mul3A_31 = arith.muli %add3A_6, %mul3A_30 : i32
      %dma_wait3A = arith.constant 3584 : i32
      %dma_wait3A_32 = tpu.memref_slice %arg2[%dma_wait3A, %mul3A_31] : memref<8191x768xf32, #tpu.memory_space<hbm>> -> memref<1023x16xf32, #tpu.memory_space<hbm>>
      %dma_wait3A_33 = arith.constant 3584 : i32
      %dma_wait3A_34 = tpu.memref_slice %arg2[%dma_wait3A_33, %mul3A_31] : memref<8191x768xf32, #tpu.memory_space<hbm>> -> memref<1023x16xf32, #tpu.memory_space<hbm>>
      tpu.wait_dma2 semaphore(%arg9 : memref<!tpu.dma_semaphore, #tpu.memory_space<semaphore_mem>>) src(%dma_wait3A_34 : memref<1023x16xf32, #tpu.memory_space<hbm>>) dst(%arg5 : memref<1023x16xf32, #tpu.memory_space<vmem>>)
      %broadcast_in_dim3A = arith.constant 0.000000e+00 : f32
      %broadcast_in_dim3A_35 = vector.broadcast %broadcast_in_dim3A : f32 to vector<16xf32>
      %scan3A = arith.constant 0 : i32
      %scan3A_36 = arith.constant 128 : i32
      %scan3A_37 = arith.addi %scan3A, %scan3A_36 : i32
      %scan3A_38 = arith.constant 8 : i32
      %scan3A_39:4 = scf.for %scan3A_442 = %scan3A to %scan3A_37 step %scan3A_38 iter_args(%scan3A_443 = %broadcast_in_dim3A_35, %scan3A_444 = %broadcast_in_dim3A_35, %scan3A_445 = %broadcast_in_dim3A_35, %scan3A_446 = %broadcast_in_dim3A_35) -> (vector<16xf32>, vector<16xf32>, vector<16xf32>, vector<16xf32>)  : i32 {
        %mul3A_447 = arith.constant 4 : i32
        %mul3A_448 = arith.muli %mul3A_447, %scan3A_442 : i32
        %add3A_449 = arith.constant 511 : i32
        %add3A_450 = arith.addi %add3A_449, %mul3A_448 : i32
        %get3A_451 = arith.index_cast %add3A_450 : i32 to index
        %get3A_452 = arith.constant 0 : index
        %get3A_453 = tpu.vector_load %arg5[%get3A_451, %get3A_452] {strides = array<i32>} : memref<1023x16xf32, #tpu.memory_space<vmem>>, vector<1x16xf32>,
        %get3A_454 = vector.shape_cast %get3A_453 : vector<1x16xf32> to vector<16xf32>
        %add3A_455 = arith.addf %scan3A_443, %get3A_454 : vector<16xf32>
        %add3A_456 = arith.constant 1 : i32
        %add3A_457 = arith.addi %add3A_450, %add3A_456 : i32
        %get3A_458 = arith.index_cast %add3A_457 : i32 to index
        %get3A_459 = arith.constant 0 : index
        %get3A_460 = tpu.vector_load %arg5[%get3A_458, %get3A_459] {strides = array<i32>} : memref<1023x16xf32, #tpu.memory_space<vmem>>, vector<1x16xf32>,
        %get3A_461 = vector.shape_cast %get3A_460 : vector<1x16xf32> to vector<16xf32>
        %add3A_462 = arith.addf %scan3A_444, %get3A_461 : vector<16xf32>
        %add3A_463 = arith.constant 2 : i32
        %add3A_464 = arith.addi %add3A_450, %add3A_463 : i32
        %get3A_465 = arith.index_cast %add3A_464 : i32 to index
        %get3A_466 = arith.constant 0 : index
        %get3A_467 = tpu.vector_load %arg5[%get3A_465, %get3A_466] {strides = array<i32>} : memref<1023x16xf32, #tpu.memory_space<vmem>>, vector<1x16xf32>,
        %get3A_468 = vector.shape_cast %get3A_467 : vector<1x16xf32> to vector<16xf32>
        %add3A_469 = arith.addf %scan3A_445, %get3A_468 : vector<16xf32>
        %add3A_470 = arith.constant 3 : i32
        %add3A_471 = arith.addi %add3A_450, %add3A_470 : i32
        %get3A_472 = arith.index_cast %add3A_471 : i32 to index
        %get3A_473 = arith.constant 0 : index
        %get3A_474 = tpu.vector_load %arg5[%get3A_472, %get3A_473] {strides = array<i32>} : memref<1023x16xf32, #tpu.memory_space<vmem>>, vector<1x16xf32>,
        %get3A_475 = vector.shape_cast %get3A_474 : vector<1x16xf32> to vector<16xf32>
        %add3A_476 = arith.addf %scan3A_446, %get3A_475 : vector<16xf32>
        %scan3A_477 = arith.constant 1 : i32
        %scan3A_478 = arith.addi %scan3A_442, %scan3A_477 : i32
        %mul3A_479 = arith.constant 4 : i32
        %mul3A_480 = arith.muli %mul3A_479, %scan3A_478 : i32
        %add3A_481 = arith.constant 511 : i32
        %add3A_482 = arith.addi %add3A_481, %mul3A_480 : i32
        %get3A_483 = arith.index_cast %add3A_482 : i32 to index
        %get3A_484 = arith.constant 0 : index
        %get3A_485 = tpu.vector_load %arg5[%get3A_483, %get3A_484] {strides = array<i32>} : memref<1023x16xf32, #tpu.memory_space<vmem>>, vector<1x16xf32>,
        %get3A_486 = vector.shape_cast %get3A_485 : vector<1x16xf32> to vector<16xf32>
        %add3A_487 = arith.addf %add3A_455, %get3A_486 : vector<16xf32>
        %add3A_488 = arith.constant 1 : i32
        %add3A_489 = arith.addi %add3A_482, %add3A_488 : i32
        %get3A_490 = arith.index_cast %add3A_489 : i32 to index
        %get3A_491 = arith.constant 0 : index
        %get3A_492 = tpu.vector_load %arg5[%get3A_490, %get3A_491] {strides = array<i32>} : memref<1023x16xf32, #tpu.memory_space<vmem>>, vector<1x16xf32>,
        %get3A_493 = vector.shape_cast %get3A_492 : vector<1x16xf32> to vector<16xf32>
        %add3A_494 = arith.addf %add3A_462, %get3A_493 : vector<16xf32>
        %add3A_495 = arith.constant 2 : i32
        %add3A_496 = arith.addi %add3A_482, %add3A_495 : i32
        %get3A_497 = arith.index_cast %add3A_496 : i32 to index
        %get3A_498 = arith.constant 0 : index
        %get3A_499 = tpu.vector_load %arg5[%get3A_497, %get3A_498] {strides = array<i32>} : memref<1023x16xf32, #tpu.memory_space<vmem>>, vector<1x16xf32>,
        %get3A_500 = vector.shape_cast %get3A_499 : vector<1x16xf32> to vector<16xf32>
        %add3A_501 = arith.addf %add3A_469, %get3A_500 : vector<16xf32>
        %add3A_502 = arith.constant 3 : i32
        %add3A_503 = arith.addi %add3A_482, %add3A_502 : i32
        %get3A_504 = arith.index_cast %add3A_503 : i32 to index
        %get3A_505 = arith.constant 0 : index
        %get3A_506 = tpu.vector_load %arg5[%get3A_504, %get3A_505] {strides = array<i32>} : memref<1023x16xf32, #tpu.memory_space<vmem>>, vector<1x16xf32>,
        %get3A_507 = vector.shape_cast %get3A_506 : vector<1x16xf32> to vector<16xf32>
        %add3A_508 = arith.addf %add3A_476, %get3A_507 : vector<16xf32>
        %scan3A_509 = arith.constant 2 : i32
        %scan3A_510 = arith.addi %scan3A_442, %scan3A_509 : i32
        %mul3A_511 = arith.constant 4 : i32
        %mul3A_512 = arith.muli %mul3A_511, %scan3A_510 : i32
        %add3A_513 = arith.constant 511 : i32
        %add3A_514 = arith.addi %add3A_513, %mul3A_512 : i32
        %get3A_515 = arith.index_cast %add3A_514 : i32 to index
        %get3A_516 = arith.constant 0 : index
        %get3A_517 = tpu.vector_load %arg5[%get3A_515, %get3A_516] {strides = array<i32>} : memref<1023x16xf32, #tpu.memory_space<vmem>>, vector<1x16xf32>,
        %get3A_518 = vector.shape_cast %get3A_517 : vector<1x16xf32> to vector<16xf32>
        %add3A_519 = arith.addf %add3A_487, %get3A_518 : vector<16xf32>
        %add3A_520 = arith.constant 1 : i32
        %add3A_521 = arith.addi %add3A_514, %add3A_520 : i32
        %get3A_522 = arith.index_cast %add3A_521 : i32 to index
        %get3A_523 = arith.constant 0 : index
        %get3A_524 = tpu.vector_load %arg5[%get3A_522, %get3A_523] {strides = array<i32>} : memref<1023x16xf32, #tpu.memory_space<vmem>>, vector<1x16xf32>,
        %get3A_525 = vector.shape_cast %get3A_524 : vector<1x16xf32> to vector<16xf32>
        %add3A_526 = arith.addf %add3A_494, %get3A_525 : vector<16xf32>
        %add3A_527 = arith.constant 2 : i32
        %add3A_528 = arith.addi %add3A_514, %add3A_527 : i32
        %get3A_529 = arith.index_cast %add3A_528 : i32 to index
        %get3A_530 = arith.constant 0 : index
        %get3A_531 = tpu.vector_load %arg5[%get3A_529, %get3A_530] {strides = array<i32>} : memref<1023x16xf32, #tpu.memory_space<vmem>>, vector<1x16xf32>,
        %get3A_532 = vector.shape_cast %get3A_531 : vector<1x16xf32> to vector<16xf32>
        %add3A_533 = arith.addf %add3A_501, %get3A_532 : vector<16xf32>
        %add3A_534 = arith.constant 3 : i32
        %add3A_535 = arith.addi %add3A_514, %add3A_534 : i32
        %get3A_536 = arith.index_cast %add3A_535 : i32 to index
        %get3A_537 = arith.constant 0 : index
        %get3A_538 = tpu.vector_load %arg5[%get3A_536, %get3A_537] {strides = array<i32>} : memref<1023x16xf32, #tpu.memory_space<vmem>>, vector<1x16xf32>,
        %get3A_539 = vector.shape_cast %get3A_538 : vector<1x16xf32> to vector<16xf32>
        %add3A_540 = arith.addf %add3A_508, %get3A_539 : vector<16xf32>
        %scan3A_541 = arith.constant 3 : i32
        %scan3A_542 = arith.addi %scan3A_442, %scan3A_541 : i32
        %mul3A_543 = arith.constant 4 : i32
        %mul3A_544 = arith.muli %mul3A_543, %scan3A_542 : i32
        %add3A_545 = arith.constant 511 : i32
        %add3A_546 = arith.addi %add3A_545, %mul3A_544 : i32
        %get3A_547 = arith.index_cast %add3A_546 : i32 to index
        %get3A_548 = arith.constant 0 : index
        %get3A_549 = tpu.vector_load %arg5[%get3A_547, %get3A_548] {strides = array<i32>} : memref<1023x16xf32, #tpu.memory_space<vmem>>, vector<1x16xf32>,
        %get3A_550 = vector.shape_cast %get3A_549 : vector<1x16xf32> to vector<16xf32>
        %add3A_551 = arith.addf %add3A_519, %get3A_550 : vector<16xf32>
        %add3A_552 = arith.constant 1 : i32
        %add3A_553 = arith.addi %add3A_546, %add3A_552 : i32
        %get3A_554 = arith.index_cast %add3A_553 : i32 to index
        %get3A_555 = arith.constant 0 : index
        %get3A_556 = tpu.vector_load %arg5[%get3A_554, %get3A_555] {strides = array<i32>} : memref<1023x16xf32, #tpu.memory_space<vmem>>, vector<1x16xf32>,
        %get3A_557 = vector.shape_cast %get3A_556 : vector<1x16xf32> to vector<16xf32>
        %add3A_558 = arith.addf %add3A_526, %get3A_557 : vector<16xf32>
        %add3A_559 = arith.constant 2 : i32
        %add3A_560 = arith.addi %add3A_546, %add3A_559 : i32
        %get3A_561 = arith.index_cast %add3A_560 : i32 to index
        %get3A_562 = arith.constant 0 : index
        %get3A_563 = tpu.vector_load %arg5[%get3A_561, %get3A_562] {strides = array<i32>} : memref<1023x16xf32, #tpu.memory_space<vmem>>, vector<1x16xf32>,
        %get3A_564 = vector.shape_cast %get3A_563 : vector<1x16xf32> to vector<16xf32>
        %add3A_565 = arith.addf %add3A_533, %get3A_564 : vector<16xf32>
        %add3A_566 = arith.constant 3 : i32
        %add3A_567 = arith.addi %add3A_546, %add3A_566 : i32
        %get3A_568 = arith.index_cast %add3A_567 : i32 to index
        %get3A_569 = arith.constant 0 : index
        %get3A_570 = tpu.vector_load %arg5[%get3A_568, %get3A_569] {strides = array<i32>} : memref<1023x16xf32, #tpu.memory_space<vmem>>, vector<1x16xf32>,
        %get3A_571 = vector.shape_cast %get3A_570 : vector<1x16xf32> to vector<16xf32>
        %add3A_572 = arith.addf %add3A_540, %get3A_571 : vector<16xf32>
        %scan3A_573 = arith.constant 4 : i32
        %scan3A_574 = arith.addi %scan3A_442, %scan3A_573 : i32
        %mul3A_575 = arith.constant 4 : i32
        %mul3A_576 = arith.muli %mul3A_575, %scan3A_574 : i32
        %add3A_577 = arith.constant 511 : i32
        %add3A_578 = arith.addi %add3A_577, %mul3A_576 : i32
        %get3A_579 = arith.index_cast %add3A_578 : i32 to index
        %get3A_580 = arith.constant 0 : index
        %get3A_581 = tpu.vector_load %arg5[%get3A_579, %get3A_580] {strides = array<i32>} : memref<1023x16xf32, #tpu.memory_space<vmem>>, vector<1x16xf32>,
        %get3A_582 = vector.shape_cast %get3A_581 : vector<1x16xf32> to vector<16xf32>
        %add3A_583 = arith.addf %add3A_551, %get3A_582 : vector<16xf32>
        %add3A_584 = arith.constant 1 : i32
        %add3A_585 = arith.addi %add3A_578, %add3A_584 : i32
        %get3A_586 = arith.index_cast %add3A_585 : i32 to index
        %get3A_587 = arith.constant 0 : index
        %get3A_588 = tpu.vector_load %arg5[%get3A_586, %get3A_587] {strides = array<i32>} : memref<1023x16xf32, #tpu.memory_space<vmem>>, vector<1x16xf32>,
        %get3A_589 = vector.shape_cast %get3A_588 : vector<1x16xf32> to vector<16xf32>
        %add3A_590 = arith.addf %add3A_558, %get3A_589 : vector<16xf32>
        %add3A_591 = arith.constant 2 : i32
        %add3A_592 = arith.addi %add3A_578, %add3A_591 : i32
        %get3A_593 = arith.index_cast %add3A_592 : i32 to index
        %get3A_594 = arith.constant 0 : index
        %get3A_595 = tpu.vector_load %arg5[%get3A_593, %get3A_594] {strides = array<i32>} : memref<1023x16xf32, #tpu.memory_space<vmem>>, vector<1x16xf32>,
        %get3A_596 = vector.shape_cast %get3A_595 : vector<1x16xf32> to vector<16xf32>
        %add3A_597 = arith.addf %add3A_565, %get3A_596 : vector<16xf32>
        %add3A_598 = arith.constant 3 : i32
        %add3A_599 = arith.addi %add3A_578, %add3A_598 : i32
        %get3A_600 = arith.index_cast %add3A_599 : i32 to index
        %get3A_601 = arith.constant 0 : index
        %get3A_602 = tpu.vector_load %arg5[%get3A_600, %get3A_601] {strides = array<i32>} : memref<1023x16xf32, #tpu.memory_space<vmem>>, vector<1x16xf32>,
        %get3A_603 = vector.shape_cast %get3A_602 : vector<1x16xf32> to vector<16xf32>
        %add3A_604 = arith.addf %add3A_572, %get3A_603 : vector<16xf32>
        %scan3A_605 = arith.constant 5 : i32
        %scan3A_606 = arith.addi %scan3A_442, %scan3A_605 : i32
        %mul3A_607 = arith.constant 4 : i32
        %mul3A_608 = arith.muli %mul3A_607, %scan3A_606 : i32
        %add3A_609 = arith.constant 511 : i32
        %add3A_610 = arith.addi %add3A_609, %mul3A_608 : i32
        %get3A_611 = arith.index_cast %add3A_610 : i32 to index
        %get3A_612 = arith.constant 0 : index
        %get3A_613 = tpu.vector_load %arg5[%get3A_611, %get3A_612] {strides = array<i32>} : memref<1023x16xf32, #tpu.memory_space<vmem>>, vector<1x16xf32>,
        %get3A_614 = vector.shape_cast %get3A_613 : vector<1x16xf32> to vector<16xf32>
        %add3A_615 = arith.addf %add3A_583, %get3A_614 : vector<16xf32>
        %add3A_616 = arith.constant 1 : i32
        %add3A_617 = arith.addi %add3A_610, %add3A_616 : i32
        %get3A_618 = arith.index_cast %add3A_617 : i32 to index
        %get3A_619 = arith.constant 0 : index
        %get3A_620 = tpu.vector_load %arg5[%get3A_618, %get3A_619] {strides = array<i32>} : memref<1023x16xf32, #tpu.memory_space<vmem>>, vector<1x16xf32>,
        %get3A_621 = vector.shape_cast %get3A_620 : vector<1x16xf32> to vector<16xf32>
        %add3A_622 = arith.addf %add3A_590, %get3A_621 : vector<16xf32>
        %add3A_623 = arith.constant 2 : i32
        %add3A_624 = arith.addi %add3A_610, %add3A_623 : i32
        %get3A_625 = arith.index_cast %add3A_624 : i32 to index
        %get3A_626 = arith.constant 0 : index
        %get3A_627 = tpu.vector_load %arg5[%get3A_625, %get3A_626] {strides = array<i32>} : memref<1023x16xf32, #tpu.memory_space<vmem>>, vector<1x16xf32>,
        %get3A_628 = vector.shape_cast %get3A_627 : vector<1x16xf32> to vector<16xf32>
        %add3A_629 = arith.addf %add3A_597, %get3A_628 : vector<16xf32>
        %add3A_630 = arith.constant 3 : i32
        %add3A_631 = arith.addi %add3A_610, %add3A_630 : i32
        %get3A_632 = arith.index_cast %add3A_631 : i32 to index
        %get3A_633 = arith.constant 0 : index
        %get3A_634 = tpu.vector_load %arg5[%get3A_632, %get3A_633] {strides = array<i32>} : memref<1023x16xf32, #tpu.memory_space<vmem>>, vector<1x16xf32>,
        %get3A_635 = vector.shape_cast %get3A_634 : vector<1x16xf32> to vector<16xf32>
        %add3A_636 = arith.addf %add3A_604, %get3A_635 : vector<16xf32>
        %scan3A_637 = arith.constant 6 : i32
        %scan3A_638 = arith.addi %scan3A_442, %scan3A_637 : i32
        %mul3A_639 = arith.constant 4 : i32
        %mul3A_640 = arith.muli %mul3A_639, %scan3A_638 : i32
        %add3A_641 = arith.constant 511 : i32
        %add3A_642 = arith.addi %add3A_641, %mul3A_640 : i32
        %get3A_643 = arith.index_cast %add3A_642 : i32 to index
        %get3A_644 = arith.constant 0 : index
        %get3A_645 = tpu.vector_load %arg5[%get3A_643, %get3A_644] {strides = array<i32>} : memref<1023x16xf32, #tpu.memory_space<vmem>>, vector<1x16xf32>,
        %get3A_646 = vector.shape_cast %get3A_645 : vector<1x16xf32> to vector<16xf32>
        %add3A_647 = arith.addf %add3A_615, %get3A_646 : vector<16xf32>
        %add3A_648 = arith.constant 1 : i32
        %add3A_649 = arith.addi %add3A_642, %add3A_648 : i32
        %get3A_650 = arith.index_cast %add3A_649 : i32 to index
        %get3A_651 = arith.constant 0 : index
        %get3A_652 = tpu.vector_load %arg5[%get3A_650, %get3A_651] {strides = array<i32>} : memref<1023x16xf32, #tpu.memory_space<vmem>>, vector<1x16xf32>,
        %get3A_653 = vector.shape_cast %get3A_652 : vector<1x16xf32> to vector<16xf32>
        %add3A_654 = arith.addf %add3A_622, %get3A_653 : vector<16xf32>
        %add3A_655 = arith.constant 2 : i32
        %add3A_656 = arith.addi %add3A_642, %add3A_655 : i32
        %get3A_657 = arith.index_cast %add3A_656 : i32 to index
        %get3A_658 = arith.constant 0 : index
        %get3A_659 = tpu.vector_load %arg5[%get3A_657, %get3A_658] {strides = array<i32>} : memref<1023x16xf32, #tpu.memory_space<vmem>>, vector<1x16xf32>,
        %get3A_660 = vector.shape_cast %get3A_659 : vector<1x16xf32> to vector<16xf32>
        %add3A_661 = arith.addf %add3A_629, %get3A_660 : vector<16xf32>
        %add3A_662 = arith.constant 3 : i32
        %add3A_663 = arith.addi %add3A_642, %add3A_662 : i32
        %get3A_664 = arith.index_cast %add3A_663 : i32 to index
        %get3A_665 = arith.constant 0 : index
        %get3A_666 = tpu.vector_load %arg5[%get3A_664, %get3A_665] {strides = array<i32>} : memref<1023x16xf32, #tpu.memory_space<vmem>>, vector<1x16xf32>,
        %get3A_667 = vector.shape_cast %get3A_666 : vector<1x16xf32> to vector<16xf32>
        %add3A_668 = arith.addf %add3A_636, %get3A_667 : vector<16xf32>
        %scan3A_669 = arith.constant 7 : i32
        %scan3A_670 = arith.addi %scan3A_442, %scan3A_669 : i32
        %mul3A_671 = arith.constant 4 : i32
        %mul3A_672 = arith.muli %mul3A_671, %scan3A_670 : i32
        %add3A_673 = arith.constant 511 : i32
        %add3A_674 = arith.addi %add3A_673, %mul3A_672 : i32
        %get3A_675 = arith.index_cast %add3A_674 : i32 to index
        %get3A_676 = arith.constant 0 : index
        %get3A_677 = tpu.vector_load %arg5[%get3A_675, %get3A_676] {strides = array<i32>} : memref<1023x16xf32, #tpu.memory_space<vmem>>, vector<1x16xf32>,
        %get3A_678 = vector.shape_cast %get3A_677 : vector<1x16xf32> to vector<16xf32>
        %add3A_679 = arith.addf %add3A_647, %get3A_678 : vector<16xf32>
        %add3A_680 = arith.constant 1 : i32
        %add3A_681 = arith.addi %add3A_674, %add3A_680 : i32
        %get3A_682 = arith.index_cast %add3A_681 : i32 to index
        %get3A_683 = arith.constant 0 : index
        %get3A_684 = tpu.vector_load %arg5[%get3A_682, %get3A_683] {strides = array<i32>} : memref<1023x16xf32, #tpu.memory_space<vmem>>, vector<1x16xf32>,
        %get3A_685 = vector.shape_cast %get3A_684 : vector<1x16xf32> to vector<16xf32>
        %add3A_686 = arith.addf %add3A_654, %get3A_685 : vector<16xf32>
        %add3A_687 = arith.constant 2 : i32
        %add3A_688 = arith.addi %add3A_674, %add3A_687 : i32
        %get3A_689 = arith.index_cast %add3A_688 : i32 to index
        %get3A_690 = arith.constant 0 : index
        %get3A_691 = tpu.vector_load %arg5[%get3A_689, %get3A_690] {strides = array<i32>} : memref<1023x16xf32, #tpu.memory_space<vmem>>, vector<1x16xf32>,
        %get3A_692 = vector.shape_cast %get3A_691 : vector<1x16xf32> to vector<16xf32>
        %add3A_693 = arith.addf %add3A_661, %get3A_692 : vector<16xf32>
        %add3A_694 = arith.constant 3 : i32
        %add3A_695 = arith.addi %add3A_674, %add3A_694 : i32
        %get3A_696 = arith.index_cast %add3A_695 : i32 to index
        %get3A_697 = arith.constant 0 : index
        %get3A_698 = tpu.vector_load %arg5[%get3A_696, %get3A_697] {strides = array<i32>} : memref<1023x16xf32, #tpu.memory_space<vmem>>, vector<1x16xf32>,
        %get3A_699 = vector.shape_cast %get3A_698 : vector<1x16xf32> to vector<16xf32>
        %add3A_700 = arith.addf %add3A_668, %get3A_699 : vector<16xf32>
        scf.yield %add3A_679, %add3A_686, %add3A_693, %add3A_700 : vector<16xf32>, vector<16xf32>, vector<16xf32>, vector<16xf32>
      }
      %scan3A_40 = arith.constant 128 : i32
      %add3A_41 = arith.addf %scan3A_39#0, %scan3A_39#1 : vector<16xf32>
      %add3A_42 = arith.addf %scan3A_39#2, %scan3A_39#3 : vector<16xf32>
      %add3A_43 = arith.addf %add3A_41, %add3A_42 : vector<16xf32>
      %mul3A_44 = arith.constant 0.001953125 : f32
      %mul3A_45 = vector.broadcast %mul3A_44 : f32 to vector<16xf32>
      %mul3A_46 = arith.mulf %add3A_43, %mul3A_45 : vector<16xf32>
      %swap3A = arith.constant 0 : i32
      %swap3A_47 = arith.index_cast %swap3A : i32 to index
      %swap3A_48 = arith.constant 0 : index
      %swap3A_49 = tpu.vector_load %arg7[%swap3A_47, %swap3A_48] {strides = array<i32>} : memref<512x16xf32, #tpu.memory_space<vmem>>, vector<1x16xf32>,
      %swap3A_50 = vector.shape_cast %swap3A_49 : vector<1x16xf32> to vector<16xf32>
      %swap3A_51 = vector.shape_cast %mul3A_46 : vector<16xf32> to vector<1x16xf32>
      tpu.vector_store %arg7[%swap3A_47, %swap3A_48], %swap3A_51 {strides = array<i32>} : memref<512x16xf32, #tpu.memory_space<vmem>>, vector<1x16xf32>,
      %scan3A_52 = arith.constant 0 : i32
      %scan3A_53 = arith.constant 124 : i32
      %scan3A_54 = arith.addi %scan3A_52, %scan3A_53 : i32
      %scan3A_55 = arith.constant 4 : i32
      %scan3A_56 = scf.for %scan3A_442 = %scan3A_52 to %scan3A_54 step %scan3A_55 iter_args(%scan3A_443 = %add3A_43) -> (vector<16xf32>)  : i32 {
        %mul3A_444 = arith.constant 4 : i32
        %mul3A_445 = arith.muli %mul3A_444, %scan3A_442 : i32
        %sub3A_446 = arith.constant 510 : i32
        %sub3A_447 = arith.subi %sub3A_446, %mul3A_445 : i32
        %get3A_448 = arith.index_cast %sub3A_447 : i32 to index
        %get3A_449 = arith.constant 0 : index
        %get3A_450 = tpu.vector_load %arg5[%get3A_448, %get3A_449] {strides = array<i32>} : memref<1023x16xf32, #tpu.memory_space<vmem>>, vector<1x16xf32>,
        %get3A_451 = vector.shape_cast %get3A_450 : vector<1x16xf32> to vector<16xf32>
        %sub3A_452 = arith.constant 1022 : i32
        %sub3A_453 = arith.subi %sub3A_452, %mul3A_445 : i32
        %get3A_454 = arith.index_cast %sub3A_453 : i32 to index
        %get3A_455 = arith.constant 0 : index
        %get3A_456 = tpu.vector_load %arg5[%get3A_454, %get3A_455] {strides = array<i32>} : memref<1023x16xf32, #tpu.memory_space<vmem>>, vector<1x16xf32>,
        %get3A_457 = vector.shape_cast %get3A_456 : vector<1x16xf32> to vector<16xf32>
        %sub3A_458 = arith.subf %get3A_451, %get3A_457 : vector<16xf32>
        %sub3A_459 = arith.constant 509 : i32
        %sub3A_460 = arith.subi %sub3A_459, %mul3A_445 : i32
        %get3A_461 = arith.index_cast %sub3A_460 : i32 to index
        %get3A_462 = arith.constant 0 : index
        %get3A_463 = tpu.vector_load %arg5[%get3A_461, %get3A_462] {strides = array<i32>} : memref<1023x16xf32, #tpu.memory_space<vmem>>, vector<1x16xf32>,
        %get3A_464 = vector.shape_cast %get3A_463 : vector<1x16xf32> to vector<16xf32>
        %sub3A_465 = arith.constant 1021 : i32
        %sub3A_466 = arith.subi %sub3A_465, %mul3A_445 : i32
        %get3A_467 = arith.index_cast %sub3A_466 : i32 to index
        %get3A_468 = arith.constant 0 : index
        %get3A_469 = tpu.vector_load %arg5[%get3A_467, %get3A_468] {strides = array<i32>} : memref<1023x16xf32, #tpu.memory_space<vmem>>, vector<1x16xf32>,
        %get3A_470 = vector.shape_cast %get3A_469 : vector<1x16xf32> to vector<16xf32>
        %sub3A_471 = arith.subf %get3A_464, %get3A_470 : vector<16xf32>
        %sub3A_472 = arith.constant 508 : i32
        %sub3A_473 = arith.subi %sub3A_472, %mul3A_445 : i32
        %get3A_474 = arith.index_cast %sub3A_473 : i32 to index
        %get3A_475 = arith.constant 0 : index
        %get3A_476 = tpu.vector_load %arg5[%get3A_474, %get3A_475] {strides = array<i32>} : memref<1023x16xf32, #tpu.memory_space<vmem>>, vector<1x16xf32>,
        %get3A_477 = vector.shape_cast %get3A_476 : vector<1x16xf32> to vector<16xf32>
        %sub3A_478 = arith.constant 1020 : i32
        %sub3A_479 = arith.subi %sub3A_478, %mul3A_445 : i32
        %get3A_480 = arith.index_cast %sub3A_479 : i32 to index
        %get3A_481 = arith.constant 0 : index
        %get3A_482 = tpu.vector_load %arg5[%get3A_480, %get3A_481] {strides = array<i32>} : memref<1023x16xf32, #tpu.memory_space<vmem>>, vector<1x16xf32>,
        %get3A_483 = vector.shape_cast %get3A_482 : vector<1x16xf32> to vector<16xf32>
        %sub3A_484 = arith.subf %get3A_477, %get3A_483 : vector<16xf32>
        %sub3A_485 = arith.constant 507 : i32
        %sub3A_486 = arith.subi %sub3A_485, %mul3A_445 : i32
        %get3A_487 = arith.index_cast %sub3A_486 : i32 to index
        %get3A_488 = arith.constant 0 : index
        %get3A_489 = tpu.vector_load %arg5[%get3A_487, %get3A_488] {strides = array<i32>} : memref<1023x16xf32, #tpu.memory_space<vmem>>, vector<1x16xf32>,
        %get3A_490 = vector.shape_cast %get3A_489 : vector<1x16xf32> to vector<16xf32>
        %sub3A_491 = arith.constant 1019 : i32
        %sub3A_492 = arith.subi %sub3A_491, %mul3A_445 : i32
        %get3A_493 = arith.index_cast %sub3A_492 : i32 to index
        %get3A_494 = arith.constant 0 : index
        %get3A_495 = tpu.vector_load %arg5[%get3A_493, %get3A_494] {strides = array<i32>} : memref<1023x16xf32, #tpu.memory_space<vmem>>, vector<1x16xf32>,
        %get3A_496 = vector.shape_cast %get3A_495 : vector<1x16xf32> to vector<16xf32>
        %sub3A_497 = arith.subf %get3A_490, %get3A_496 : vector<16xf32>
        %add3A_498 = arith.addf %sub3A_458, %sub3A_471 : vector<16xf32>
        %add3A_499 = arith.addf %sub3A_484, %sub3A_497 : vector<16xf32>
        %add3A_500 = arith.addf %scan3A_443, %sub3A_458 : vector<16xf32>
        %add3A_501 = arith.addf %scan3A_443, %add3A_498 : vector<16xf32>
        %add3A_502 = arith.addf %add3A_501, %sub3A_484 : vector<16xf32>
        %add3A_503 = arith.addf %add3A_498, %add3A_499 : vector<16xf32>
        %add3A_504 = arith.addf %scan3A_443, %add3A_503 : vector<16xf32>
        %mul3A_505 = arith.constant 0.001953125 : f32
        %mul3A_506 = vector.broadcast %mul3A_505 : f32 to vector<16xf32>
        %mul3A_507 = arith.mulf %add3A_500, %mul3A_506 : vector<16xf32>
        %add3A_508 = arith.constant 1 : i32
        %add3A_509 = arith.addi %mul3A_445, %add3A_508 : i32
        %swap3A_510 = arith.index_cast %add3A_509 : i32 to index
        %swap3A_511 = arith.constant 0 : index
        %swap3A_512 = tpu.vector_load %arg7[%swap3A_510, %swap3A_511] {strides = array<i32>} : memref<512x16xf32, #tpu.memory_space<vmem>>, vector<1x16xf32>,
        %swap3A_513 = vector.shape_cast %swap3A_512 : vector<1x16xf32> to vector<16xf32>
        %swap3A_514 = vector.shape_cast %mul3A_507 : vector<16xf32> to vector<1x16xf32>
        tpu.vector_store %arg7[%swap3A_510, %swap3A_511], %swap3A_514 {strides = array<i32>} : memref<512x16xf32, #tpu.memory_space<vmem>>, vector<1x16xf32>,
        %mul3A_515 = arith.constant 0.001953125 : f32
        %mul3A_516 = vector.broadcast %mul3A_515 : f32 to vector<16xf32>
        %mul3A_517 = arith.mulf %add3A_501, %mul3A_516 : vector<16xf32>
        %add3A_518 = arith.constant 2 : i32
        %add3A_519 = arith.addi %mul3A_445, %add3A_518 : i32
        %swap3A_520 = arith.index_cast %add3A_519 : i32 to index
        %swap3A_521 = arith.constant 0 : index
        %swap3A_522 = tpu.vector_load %arg7[%swap3A_520, %swap3A_521] {strides = array<i32>} : memref<512x16xf32, #tpu.memory_space<vmem>>, vector<1x16xf32>,
        %swap3A_523 = vector.shape_cast %swap3A_522 : vector<1x16xf32> to vector<16xf32>
        %swap3A_524 = vector.shape_cast %mul3A_517 : vector<16xf32> to vector<1x16xf32>
        tpu.vector_store %arg7[%swap3A_520, %swap3A_521], %swap3A_524 {strides = array<i32>} : memref<512x16xf32, #tpu.memory_space<vmem>>, vector<1x16xf32>,
        %mul3A_525 = arith.constant 0.001953125 : f32
        %mul3A_526 = vector.broadcast %mul3A_525 : f32 to vector<16xf32>
        %mul3A_527 = arith.mulf %add3A_502, %mul3A_526 : vector<16xf32>
        %add3A_528 = arith.constant 3 : i32
        %add3A_529 = arith.addi %mul3A_445, %add3A_528 : i32
        %swap3A_530 = arith.index_cast %add3A_529 : i32 to index
        %swap3A_531 = arith.constant 0 : index
        %swap3A_532 = tpu.vector_load %arg7[%swap3A_530, %swap3A_531] {strides = array<i32>} : memref<512x16xf32, #tpu.memory_space<vmem>>, vector<1x16xf32>,
        %swap3A_533 = vector.shape_cast %swap3A_532 : vector<1x16xf32> to vector<16xf32>
        %swap3A_534 = vector.shape_cast %mul3A_527 : vector<16xf32> to vector<1x16xf32>
        tpu.vector_store %arg7[%swap3A_530, %swap3A_531], %swap3A_534 {strides = array<i32>} : memref<512x16xf32, #tpu.memory_space<vmem>>, vector<1x16xf32>,
        %mul3A_535 = arith.constant 0.001953125 : f32
        %mul3A_536 = vector.broadcast %mul3A_535 : f32 to vector<16xf32>
        %mul3A_537 = arith.mulf %add3A_504, %mul3A_536 : vector<16xf32>
        %add3A_538 = arith.constant 4 : i32
        %add3A_539 = arith.addi %mul3A_445, %add3A_538 : i32
        %swap3A_540 = arith.index_cast %add3A_539 : i32 to index
        %swap3A_541 = arith.constant 0 : index
        %swap3A_542 = tpu.vector_load %arg7[%swap3A_540, %swap3A_541] {strides = array<i32>} : memref<512x16xf32, #tpu.memory_space<vmem>>, vector<1x16xf32>,
        %swap3A_543 = vector.shape_cast %swap3A_542 : vector<1x16xf32> to vector<16xf32>
        %swap3A_544 = vector.shape_cast %mul3A_537 : vector<16xf32> to vector<1x16xf32>
        tpu.vector_store %arg7[%swap3A_540, %swap3A_541], %swap3A_544 {strides = array<i32>} : memref<512x16xf32, #tpu.memory_space<vmem>>, vector<1x16xf32>,
        %scan3A_545 = arith.constant 1 : i32
        %scan3A_546 = arith.addi %scan3A_442, %scan3A_545 : i32
        %mul3A_547 = arith.constant 4 : i32
        %mul3A_548 = arith.muli %mul3A_547, %scan3A_546 : i32
        %sub3A_549 = arith.constant 510 : i32
        %sub3A_550 = arith.subi %sub3A_549, %mul3A_548 : i32
        %get3A_551 = arith.index_cast %sub3A_550 : i32 to index
        %get3A_552 = arith.constant 0 : index
        %get3A_553 = tpu.vector_load %arg5[%get3A_551, %get3A_552] {strides = array<i32>} : memref<1023x16xf32, #tpu.memory_space<vmem>>, vector<1x16xf32>,
        %get3A_554 = vector.shape_cast %get3A_553 : vector<1x16xf32> to vector<16xf32>
        %sub3A_555 = arith.constant 1022 : i32
        %sub3A_556 = arith.subi %sub3A_555, %mul3A_548 : i32
        %get3A_557 = arith.index_cast %sub3A_556 : i32 to index
        %get3A_558 = arith.constant 0 : index
        %get3A_559 = tpu.vector_load %arg5[%get3A_557, %get3A_558] {strides = array<i32>} : memref<1023x16xf32, #tpu.memory_space<vmem>>, vector<1x16xf32>,
        %get3A_560 = vector.shape_cast %get3A_559 : vector<1x16xf32> to vector<16xf32>
        %sub3A_561 = arith.subf %get3A_554, %get3A_560 : vector<16xf32>
        %sub3A_562 = arith.constant 509 : i32
        %sub3A_563 = arith.subi %sub3A_562, %mul3A_548 : i32
        %get3A_564 = arith.index_cast %sub3A_563 : i32 to index
        %get3A_565 = arith.constant 0 : index
        %get3A_566 = tpu.vector_load %arg5[%get3A_564, %get3A_565] {strides = array<i32>} : memref<1023x16xf32, #tpu.memory_space<vmem>>, vector<1x16xf32>,
        %get3A_567 = vector.shape_cast %get3A_566 : vector<1x16xf32> to vector<16xf32>
        %sub3A_568 = arith.constant 1021 : i32
        %sub3A_569 = arith.subi %sub3A_568, %mul3A_548 : i32
        %get3A_570 = arith.index_cast %sub3A_569 : i32 to index
        %get3A_571 = arith.constant 0 : index
        %get3A_572 = tpu.vector_load %arg5[%get3A_570, %get3A_571] {strides = array<i32>} : memref<1023x16xf32, #tpu.memory_space<vmem>>, vector<1x16xf32>,
        %get3A_573 = vector.shape_cast %get3A_572 : vector<1x16xf32> to vector<16xf32>
        %sub3A_574 = arith.subf %get3A_567, %get3A_573 : vector<16xf32>
        %sub3A_575 = arith.constant 508 : i32
        %sub3A_576 = arith.subi %sub3A_575, %mul3A_548 : i32
        %get3A_577 = arith.index_cast %sub3A_576 : i32 to index
        %get3A_578 = arith.constant 0 : index
        %get3A_579 = tpu.vector_load %arg5[%get3A_577, %get3A_578] {strides = array<i32>} : memref<1023x16xf32, #tpu.memory_space<vmem>>, vector<1x16xf32>,
        %get3A_580 = vector.shape_cast %get3A_579 : vector<1x16xf32> to vector<16xf32>
        %sub3A_581 = arith.constant 1020 : i32
        %sub3A_582 = arith.subi %sub3A_581, %mul3A_548 : i32
        %get3A_583 = arith.index_cast %sub3A_582 : i32 to index
        %get3A_584 = arith.constant 0 : index
        %get3A_585 = tpu.vector_load %arg5[%get3A_583, %get3A_584] {strides = array<i32>} : memref<1023x16xf32, #tpu.memory_space<vmem>>, vector<1x16xf32>,
        %get3A_586 = vector.shape_cast %get3A_585 : vector<1x16xf32> to vector<16xf32>
        %sub3A_587 = arith.subf %get3A_580, %get3A_586 : vector<16xf32>
        %sub3A_588 = arith.constant 507 : i32
        %sub3A_589 = arith.subi %sub3A_588, %mul3A_548 : i32
        %get3A_590 = arith.index_cast %sub3A_589 : i32 to index
        %get3A_591 = arith.constant 0 : index
        %get3A_592 = tpu.vector_load %arg5[%get3A_590, %get3A_591] {strides = array<i32>} : memref<1023x16xf32, #tpu.memory_space<vmem>>, vector<1x16xf32>,
        %get3A_593 = vector.shape_cast %get3A_592 : vector<1x16xf32> to vector<16xf32>
        %sub3A_594 = arith.constant 1019 : i32
        %sub3A_595 = arith.subi %sub3A_594, %mul3A_548 : i32
        %get3A_596 = arith.index_cast %sub3A_595 : i32 to index
        %get3A_597 = arith.constant 0 : index
        %get3A_598 = tpu.vector_load %arg5[%get3A_596, %get3A_597] {strides = array<i32>} : memref<1023x16xf32, #tpu.memory_space<vmem>>, vector<1x16xf32>,
        %get3A_599 = vector.shape_cast %get3A_598 : vector<1x16xf32> to vector<16xf32>
        %sub3A_600 = arith.subf %get3A_593, %get3A_599 : vector<16xf32>
        %add3A_601 = arith.addf %sub3A_561, %sub3A_574 : vector<16xf32>
        %add3A_602 = arith.addf %sub3A_587, %sub3A_600 : vector<16xf32>
        %add3A_603 = arith.addf %add3A_504, %sub3A_561 : vector<16xf32>
        %add3A_604 = arith.addf %add3A_504, %add3A_601 : vector<16xf32>
        %add3A_605 = arith.addf %add3A_604, %sub3A_587 : vector<16xf32>
        %add3A_606 = arith.addf %add3A_601, %add3A_602 : vector<16xf32>
        %add3A_607 = arith.addf %add3A_504, %add3A_606 : vector<16xf32>
        %mul3A_608 = arith.constant 0.001953125 : f32
        %mul3A_609 = vector.broadcast %mul3A_608 : f32 to vector<16xf32>
        %mul3A_610 = arith.mulf %add3A_603, %mul3A_609 : vector<16xf32>
        %add3A_611 = arith.constant 1 : i32
        %add3A_612 = arith.addi %mul3A_548, %add3A_611 : i32
        %swap3A_613 = arith.index_cast %add3A_612 : i32 to index
        %swap3A_614 = arith.constant 0 : index
        %swap3A_615 = tpu.vector_load %arg7[%swap3A_613, %swap3A_614] {strides = array<i32>} : memref<512x16xf32, #tpu.memory_space<vmem>>, vector<1x16xf32>,
        %swap3A_616 = vector.shape_cast %swap3A_615 : vector<1x16xf32> to vector<16xf32>
        %swap3A_617 = vector.shape_cast %mul3A_610 : vector<16xf32> to vector<1x16xf32>
        tpu.vector_store %arg7[%swap3A_613, %swap3A_614], %swap3A_617 {strides = array<i32>} : memref<512x16xf32, #tpu.memory_space<vmem>>, vector<1x16xf32>,
        %mul3A_618 = arith.constant 0.001953125 : f32
        %mul3A_619 = vector.broadcast %mul3A_618 : f32 to vector<16xf32>
        %mul3A_620 = arith.mulf %add3A_604, %mul3A_619 : vector<16xf32>
        %add3A_621 = arith.constant 2 : i32
        %add3A_622 = arith.addi %mul3A_548, %add3A_621 : i32
        %swap3A_623 = arith.index_cast %add3A_622 : i32 to index
        %swap3A_624 = arith.constant 0 : index
        %swap3A_625 = tpu.vector_load %arg7[%swap3A_623, %swap3A_624] {strides = array<i32>} : memref<512x16xf32, #tpu.memory_space<vmem>>, vector<1x16xf32>,
        %swap3A_626 = vector.shape_cast %swap3A_625 : vector<1x16xf32> to vector<16xf32>
        %swap3A_627 = vector.shape_cast %mul3A_620 : vector<16xf32> to vector<1x16xf32>
        tpu.vector_store %arg7[%swap3A_623, %swap3A_624], %swap3A_627 {strides = array<i32>} : memref<512x16xf32, #tpu.memory_space<vmem>>, vector<1x16xf32>,
        %mul3A_628 = arith.constant 0.001953125 : f32
        %mul3A_629 = vector.broadcast %mul3A_628 : f32 to vector<16xf32>
        %mul3A_630 = arith.mulf %add3A_605, %mul3A_629 : vector<16xf32>
        %add3A_631 = arith.constant 3 : i32
        %add3A_632 = arith.addi %mul3A_548, %add3A_631 : i32
        %swap3A_633 = arith.index_cast %add3A_632 : i32 to index
        %swap3A_634 = arith.constant 0 : index
        %swap3A_635 = tpu.vector_load %arg7[%swap3A_633, %swap3A_634] {strides = array<i32>} : memref<512x16xf32, #tpu.memory_space<vmem>>, vector<1x16xf32>,
        %swap3A_636 = vector.shape_cast %swap3A_635 : vector<1x16xf32> to vector<16xf32>
        %swap3A_637 = vector.shape_cast %mul3A_630 : vector<16xf32> to vector<1x16xf32>
        tpu.vector_store %arg7[%swap3A_633, %swap3A_634], %swap3A_637 {strides = array<i32>} : memref<512x16xf32, #tpu.memory_space<vmem>>, vector<1x16xf32>,
        %mul3A_638 = arith.constant 0.001953125 : f32
        %mul3A_639 = vector.broadcast %mul3A_638 : f32 to vector<16xf32>
        %mul3A_640 = arith.mulf %add3A_607, %mul3A_639 : vector<16xf32>
        %add3A_641 = arith.constant 4 : i32
        %add3A_642 = arith.addi %mul3A_548, %add3A_641 : i32
        %swap3A_643 = arith.index_cast %add3A_642 : i32 to index
        %swap3A_644 = arith.constant 0 : index
        %swap3A_645 = tpu.vector_load %arg7[%swap3A_643, %swap3A_644] {strides = array<i32>} : memref<512x16xf32, #tpu.memory_space<vmem>>, vector<1x16xf32>,
        %swap3A_646 = vector.shape_cast %swap3A_645 : vector<1x16xf32> to vector<16xf32>
        %swap3A_647 = vector.shape_cast %mul3A_640 : vector<16xf32> to vector<1x16xf32>
        tpu.vector_store %arg7[%swap3A_643, %swap3A_644], %swap3A_647 {strides = array<i32>} : memref<512x16xf32, #tpu.memory_space<vmem>>, vector<1x16xf32>,
        %scan3A_648 = arith.constant 2 : i32
        %scan3A_649 = arith.addi %scan3A_442, %scan3A_648 : i32
        %mul3A_650 = arith.constant 4 : i32
        %mul3A_651 = arith.muli %mul3A_650, %scan3A_649 : i32
        %sub3A_652 = arith.constant 510 : i32
        %sub3A_653 = arith.subi %sub3A_652, %mul3A_651 : i32
        %get3A_654 = arith.index_cast %sub3A_653 : i32 to index
        %get3A_655 = arith.constant 0 : index
        %get3A_656 = tpu.vector_load %arg5[%get3A_654, %get3A_655] {strides = array<i32>} : memref<1023x16xf32, #tpu.memory_space<vmem>>, vector<1x16xf32>,
        %get3A_657 = vector.shape_cast %get3A_656 : vector<1x16xf32> to vector<16xf32>
        %sub3A_658 = arith.constant 1022 : i32
        %sub3A_659 = arith.subi %sub3A_658, %mul3A_651 : i32
        %get3A_660 = arith.index_cast %sub3A_659 : i32 to index
        %get3A_661 = arith.constant 0 : index
        %get3A_662 = tpu.vector_load %arg5[%get3A_660, %get3A_661] {strides = array<i32>} : memref<1023x16xf32, #tpu.memory_space<vmem>>, vector<1x16xf32>,
        %get3A_663 = vector.shape_cast %get3A_662 : vector<1x16xf32> to vector<16xf32>
        %sub3A_664 = arith.subf %get3A_657, %get3A_663 : vector<16xf32>
        %sub3A_665 = arith.constant 509 : i32
        %sub3A_666 = arith.subi %sub3A_665, %mul3A_651 : i32
        %get3A_667 = arith.index_cast %sub3A_666 : i32 to index
        %get3A_668 = arith.constant 0 : index
        %get3A_669 = tpu.vector_load %arg5[%get3A_667, %get3A_668] {strides = array<i32>} : memref<1023x16xf32, #tpu.memory_space<vmem>>, vector<1x16xf32>,
        %get3A_670 = vector.shape_cast %get3A_669 : vector<1x16xf32> to vector<16xf32>
        %sub3A_671 = arith.constant 1021 : i32
        %sub3A_672 = arith.subi %sub3A_671, %mul3A_651 : i32
        %get3A_673 = arith.index_cast %sub3A_672 : i32 to index
        %get3A_674 = arith.constant 0 : index
        %get3A_675 = tpu.vector_load %arg5[%get3A_673, %get3A_674] {strides = array<i32>} : memref<1023x16xf32, #tpu.memory_space<vmem>>, vector<1x16xf32>,
        %get3A_676 = vector.shape_cast %get3A_675 : vector<1x16xf32> to vector<16xf32>
        %sub3A_677 = arith.subf %get3A_670, %get3A_676 : vector<16xf32>
        %sub3A_678 = arith.constant 508 : i32
        %sub3A_679 = arith.subi %sub3A_678, %mul3A_651 : i32
        %get3A_680 = arith.index_cast %sub3A_679 : i32 to index
        %get3A_681 = arith.constant 0 : index
        %get3A_682 = tpu.vector_load %arg5[%get3A_680, %get3A_681] {strides = array<i32>} : memref<1023x16xf32, #tpu.memory_space<vmem>>, vector<1x16xf32>,
        %get3A_683 = vector.shape_cast %get3A_682 : vector<1x16xf32> to vector<16xf32>
        %sub3A_684 = arith.constant 1020 : i32
        %sub3A_685 = arith.subi %sub3A_684, %mul3A_651 : i32
        %get3A_686 = arith.index_cast %sub3A_685 : i32 to index
        %get3A_687 = arith.constant 0 : index
        %get3A_688 = tpu.vector_load %arg5[%get3A_686, %get3A_687] {strides = array<i32>} : memref<1023x16xf32, #tpu.memory_space<vmem>>, vector<1x16xf32>,
        %get3A_689 = vector.shape_cast %get3A_688 : vector<1x16xf32> to vector<16xf32>
        %sub3A_690 = arith.subf %get3A_683, %get3A_689 : vector<16xf32>
        %sub3A_691 = arith.constant 507 : i32
        %sub3A_692 = arith.subi %sub3A_691, %mul3A_651 : i32
        %get3A_693 = arith.index_cast %sub3A_692 : i32 to index
        %get3A_694 = arith.constant 0 : index
        %get3A_695 = tpu.vector_load %arg5[%get3A_693, %get3A_694] {strides = array<i32>} : memref<1023x16xf32, #tpu.memory_space<vmem>>, vector<1x16xf32>,
        %get3A_696 = vector.shape_cast %get3A_695 : vector<1x16xf32> to vector<16xf32>
        %sub3A_697 = arith.constant 1019 : i32
        %sub3A_698 = arith.subi %sub3A_697, %mul3A_651 : i32
        %get3A_699 = arith.index_cast %sub3A_698 : i32 to index
        %get3A_700 = arith.constant 0 : index
        %get3A_701 = tpu.vector_load %arg5[%get3A_699, %get3A_700] {strides = array<i32>} : memref<1023x16xf32, #tpu.memory_space<vmem>>, vector<1x16xf32>,
        %get3A_702 = vector.shape_cast %get3A_701 : vector<1x16xf32> to vector<16xf32>
        %sub3A_703 = arith.subf %get3A_696, %get3A_702 : vector<16xf32>
        %add3A_704 = arith.addf %sub3A_664, %sub3A_677 : vector<16xf32>
        %add3A_705 = arith.addf %sub3A_690, %sub3A_703 : vector<16xf32>
        %add3A_706 = arith.addf %add3A_607, %sub3A_664 : vector<16xf32>
        %add3A_707 = arith.addf %add3A_607, %add3A_704 : vector<16xf32>
        %add3A_708 = arith.addf %add3A_707, %sub3A_690 : vector<16xf32>
        %add3A_709 = arith.addf %add3A_704, %add3A_705 : vector<16xf32>
        %add3A_710 = arith.addf %add3A_607, %add3A_709 : vector<16xf32>
        %mul3A_711 = arith.constant 0.001953125 : f32
        %mul3A_712 = vector.broadcast %mul3A_711 : f32 to vector<16xf32>
        %mul3A_713 = arith.mulf %add3A_706, %mul3A_712 : vector<16xf32>
        %add3A_714 = arith.constant 1 : i32
        %add3A_715 = arith.addi %mul3A_651, %add3A_714 : i32
        %swap3A_716 = arith.index_cast %add3A_715 : i32 to index
        %swap3A_717 = arith.constant 0 : index
        %swap3A_718 = tpu.vector_load %arg7[%swap3A_716, %swap3A_717] {strides = array<i32>} : memref<512x16xf32, #tpu.memory_space<vmem>>, vector<1x16xf32>,
        %swap3A_719 = vector.shape_cast %swap3A_718 : vector<1x16xf32> to vector<16xf32>
        %swap3A_720 = vector.shape_cast %mul3A_713 : vector<16xf32> to vector<1x16xf32>
        tpu.vector_store %arg7[%swap3A_716, %swap3A_717], %swap3A_720 {strides = array<i32>} : memref<512x16xf32, #tpu.memory_space<vmem>>, vector<1x16xf32>,
        %mul3A_721 = arith.constant 0.001953125 : f32
        %mul3A_722 = vector.broadcast %mul3A_721 : f32 to vector<16xf32>
        %mul3A_723 = arith.mulf %add3A_707, %mul3A_722 : vector<16xf32>
        %add3A_724 = arith.constant 2 : i32
        %add3A_725 = arith.addi %mul3A_651, %add3A_724 : i32
        %swap3A_726 = arith.index_cast %add3A_725 : i32 to index
        %swap3A_727 = arith.constant 0 : index
        %swap3A_728 = tpu.vector_load %arg7[%swap3A_726, %swap3A_727] {strides = array<i32>} : memref<512x16xf32, #tpu.memory_space<vmem>>, vector<1x16xf32>,
        %swap3A_729 = vector.shape_cast %swap3A_728 : vector<1x16xf32> to vector<16xf32>
        %swap3A_730 = vector.shape_cast %mul3A_723 : vector<16xf32> to vector<1x16xf32>
        tpu.vector_store %arg7[%swap3A_726, %swap3A_727], %swap3A_730 {strides = array<i32>} : memref<512x16xf32, #tpu.memory_space<vmem>>, vector<1x16xf32>,
        %mul3A_731 = arith.constant 0.001953125 : f32
        %mul3A_732 = vector.broadcast %mul3A_731 : f32 to vector<16xf32>
        %mul3A_733 = arith.mulf %add3A_708, %mul3A_732 : vector<16xf32>
        %add3A_734 = arith.constant 3 : i32
        %add3A_735 = arith.addi %mul3A_651, %add3A_734 : i32
        %swap3A_736 = arith.index_cast %add3A_735 : i32 to index
        %swap3A_737 = arith.constant 0 : index
        %swap3A_738 = tpu.vector_load %arg7[%swap3A_736, %swap3A_737] {strides = array<i32>} : memref<512x16xf32, #tpu.memory_space<vmem>>, vector<1x16xf32>,
        %swap3A_739 = vector.shape_cast %swap3A_738 : vector<1x16xf32> to vector<16xf32>
        %swap3A_740 = vector.shape_cast %mul3A_733 : vector<16xf32> to vector<1x16xf32>
        tpu.vector_store %arg7[%swap3A_736, %swap3A_737], %swap3A_740 {strides = array<i32>} : memref<512x16xf32, #tpu.memory_space<vmem>>, vector<1x16xf32>,
        %mul3A_741 = arith.constant 0.001953125 : f32
        %mul3A_742 = vector.broadcast %mul3A_741 : f32 to vector<16xf32>
        %mul3A_743 = arith.mulf %add3A_710, %mul3A_742 : vector<16xf32>
        %add3A_744 = arith.constant 4 : i32
        %add3A_745 = arith.addi %mul3A_651, %add3A_744 : i32
        %swap3A_746 = arith.index_cast %add3A_745 : i32 to index
        %swap3A_747 = arith.constant 0 : index
        %swap3A_748 = tpu.vector_load %arg7[%swap3A_746, %swap3A_747] {strides = array<i32>} : memref<512x16xf32, #tpu.memory_space<vmem>>, vector<1x16xf32>,
        %swap3A_749 = vector.shape_cast %swap3A_748 : vector<1x16xf32> to vector<16xf32>
        %swap3A_750 = vector.shape_cast %mul3A_743 : vector<16xf32> to vector<1x16xf32>
        tpu.vector_store %arg7[%swap3A_746, %swap3A_747], %swap3A_750 {strides = array<i32>} : memref<512x16xf32, #tpu.memory_space<vmem>>, vector<1x16xf32>,
        %scan3A_751 = arith.constant 3 : i32
        %scan3A_752 = arith.addi %scan3A_442, %scan3A_751 : i32
        %mul3A_753 = arith.constant 4 : i32
        %mul3A_754 = arith.muli %mul3A_753, %scan3A_752 : i32
        %sub3A_755 = arith.constant 510 : i32
        %sub3A_756 = arith.subi %sub3A_755, %mul3A_754 : i32
        %get3A_757 = arith.index_cast %sub3A_756 : i32 to index
        %get3A_758 = arith.constant 0 : index
        %get3A_759 = tpu.vector_load %arg5[%get3A_757, %get3A_758] {strides = array<i32>} : memref<1023x16xf32, #tpu.memory_space<vmem>>, vector<1x16xf32>,
        %get3A_760 = vector.shape_cast %get3A_759 : vector<1x16xf32> to vector<16xf32>
        %sub3A_761 = arith.constant 1022 : i32
        %sub3A_762 = arith.subi %sub3A_761, %mul3A_754 : i32
        %get3A_763 = arith.index_cast %sub3A_762 : i32 to index
        %get3A_764 = arith.constant 0 : index
        %get3A_765 = tpu.vector_load %arg5[%get3A_763, %get3A_764] {strides = array<i32>} : memref<1023x16xf32, #tpu.memory_space<vmem>>, vector<1x16xf32>,
        %get3A_766 = vector.shape_cast %get3A_765 : vector<1x16xf32> to vector<16xf32>
        %sub3A_767 = arith.subf %get3A_760, %get3A_766 : vector<16xf32>
        %sub3A_768 = arith.constant 509 : i32
        %sub3A_769 = arith.subi %sub3A_768, %mul3A_754 : i32
        %get3A_770 = arith.index_cast %sub3A_769 : i32 to index
        %get3A_771 = arith.constant 0 : index
        %get3A_772 = tpu.vector_load %arg5[%get3A_770, %get3A_771] {strides = array<i32>} : memref<1023x16xf32, #tpu.memory_space<vmem>>, vector<1x16xf32>,
        %get3A_773 = vector.shape_cast %get3A_772 : vector<1x16xf32> to vector<16xf32>
        %sub3A_774 = arith.constant 1021 : i32
        %sub3A_775 = arith.subi %sub3A_774, %mul3A_754 : i32
        %get3A_776 = arith.index_cast %sub3A_775 : i32 to index
        %get3A_777 = arith.constant 0 : index
        %get3A_778 = tpu.vector_load %arg5[%get3A_776, %get3A_777] {strides = array<i32>} : memref<1023x16xf32, #tpu.memory_space<vmem>>, vector<1x16xf32>,
        %get3A_779 = vector.shape_cast %get3A_778 : vector<1x16xf32> to vector<16xf32>
        %sub3A_780 = arith.subf %get3A_773, %get3A_779 : vector<16xf32>
        %sub3A_781 = arith.constant 508 : i32
        %sub3A_782 = arith.subi %sub3A_781, %mul3A_754 : i32
        %get3A_783 = arith.index_cast %sub3A_782 : i32 to index
        %get3A_784 = arith.constant 0 : index
        %get3A_785 = tpu.vector_load %arg5[%get3A_783, %get3A_784] {strides = array<i32>} : memref<1023x16xf32, #tpu.memory_space<vmem>>, vector<1x16xf32>,
        %get3A_786 = vector.shape_cast %get3A_785 : vector<1x16xf32> to vector<16xf32>
        %sub3A_787 = arith.constant 1020 : i32
        %sub3A_788 = arith.subi %sub3A_787, %mul3A_754 : i32
        %get3A_789 = arith.index_cast %sub3A_788 : i32 to index
        %get3A_790 = arith.constant 0 : index
        %get3A_791 = tpu.vector_load %arg5[%get3A_789, %get3A_790] {strides = array<i32>} : memref<1023x16xf32, #tpu.memory_space<vmem>>, vector<1x16xf32>,
        %get3A_792 = vector.shape_cast %get3A_791 : vector<1x16xf32> to vector<16xf32>
        %sub3A_793 = arith.subf %get3A_786, %get3A_792 : vector<16xf32>
        %sub3A_794 = arith.constant 507 : i32
        %sub3A_795 = arith.subi %sub3A_794, %mul3A_754 : i32
        %get3A_796 = arith.index_cast %sub3A_795 : i32 to index
        %get3A_797 = arith.constant 0 : index
        %get3A_798 = tpu.vector_load %arg5[%get3A_796, %get3A_797] {strides = array<i32>} : memref<1023x16xf32, #tpu.memory_space<vmem>>, vector<1x16xf32>,
        %get3A_799 = vector.shape_cast %get3A_798 : vector<1x16xf32> to vector<16xf32>
        %sub3A_800 = arith.constant 1019 : i32
        %sub3A_801 = arith.subi %sub3A_800, %mul3A_754 : i32
        %get3A_802 = arith.index_cast %sub3A_801 : i32 to index
        %get3A_803 = arith.constant 0 : index
        %get3A_804 = tpu.vector_load %arg5[%get3A_802, %get3A_803] {strides = array<i32>} : memref<1023x16xf32, #tpu.memory_space<vmem>>, vector<1x16xf32>,
        %get3A_805 = vector.shape_cast %get3A_804 : vector<1x16xf32> to vector<16xf32>
        %sub3A_806 = arith.subf %get3A_799, %get3A_805 : vector<16xf32>
        %add3A_807 = arith.addf %sub3A_767, %sub3A_780 : vector<16xf32>
        %add3A_808 = arith.addf %sub3A_793, %sub3A_806 : vector<16xf32>
        %add3A_809 = arith.addf %add3A_710, %sub3A_767 : vector<16xf32>
        %add3A_810 = arith.addf %add3A_710, %add3A_807 : vector<16xf32>
        %add3A_811 = arith.addf %add3A_810, %sub3A_793 : vector<16xf32>
        %add3A_812 = arith.addf %add3A_807, %add3A_808 : vector<16xf32>
        %add3A_813 = arith.addf %add3A_710, %add3A_812 : vector<16xf32>
        %mul3A_814 = arith.constant 0.001953125 : f32
        %mul3A_815 = vector.broadcast %mul3A_814 : f32 to vector<16xf32>
        %mul3A_816 = arith.mulf %add3A_809, %mul3A_815 : vector<16xf32>
        %add3A_817 = arith.constant 1 : i32
        %add3A_818 = arith.addi %mul3A_754, %add3A_817 : i32
        %swap3A_819 = arith.index_cast %add3A_818 : i32 to index
        %swap3A_820 = arith.constant 0 : index
        %swap3A_821 = tpu.vector_load %arg7[%swap3A_819, %swap3A_820] {strides = array<i32>} : memref<512x16xf32, #tpu.memory_space<vmem>>, vector<1x16xf32>,
        %swap3A_822 = vector.shape_cast %swap3A_821 : vector<1x16xf32> to vector<16xf32>
        %swap3A_823 = vector.shape_cast %mul3A_816 : vector<16xf32> to vector<1x16xf32>
        tpu.vector_store %arg7[%swap3A_819, %swap3A_820], %swap3A_823 {strides = array<i32>} : memref<512x16xf32, #tpu.memory_space<vmem>>, vector<1x16xf32>,
        %mul3A_824 = arith.constant 0.001953125 : f32
        %mul3A_825 = vector.broadcast %mul3A_824 : f32 to vector<16xf32>
        %mul3A_826 = arith.mulf %add3A_810, %mul3A_825 : vector<16xf32>
        %add3A_827 = arith.constant 2 : i32
        %add3A_828 = arith.addi %mul3A_754, %add3A_827 : i32
        %swap3A_829 = arith.index_cast %add3A_828 : i32 to index
        %swap3A_830 = arith.constant 0 : index
        %swap3A_831 = tpu.vector_load %arg7[%swap3A_829, %swap3A_830] {strides = array<i32>} : memref<512x16xf32, #tpu.memory_space<vmem>>, vector<1x16xf32>,
        %swap3A_832 = vector.shape_cast %swap3A_831 : vector<1x16xf32> to vector<16xf32>
        %swap3A_833 = vector.shape_cast %mul3A_826 : vector<16xf32> to vector<1x16xf32>
        tpu.vector_store %arg7[%swap3A_829, %swap3A_830], %swap3A_833 {strides = array<i32>} : memref<512x16xf32, #tpu.memory_space<vmem>>, vector<1x16xf32>,
        %mul3A_834 = arith.constant 0.001953125 : f32
        %mul3A_835 = vector.broadcast %mul3A_834 : f32 to vector<16xf32>
        %mul3A_836 = arith.mulf %add3A_811, %mul3A_835 : vector<16xf32>
        %add3A_837 = arith.constant 3 : i32
        %add3A_838 = arith.addi %mul3A_754, %add3A_837 : i32
        %swap3A_839 = arith.index_cast %add3A_838 : i32 to index
        %swap3A_840 = arith.constant 0 : index
        %swap3A_841 = tpu.vector_load %arg7[%swap3A_839, %swap3A_840] {strides = array<i32>} : memref<512x16xf32, #tpu.memory_space<vmem>>, vector<1x16xf32>,
        %swap3A_842 = vector.shape_cast %swap3A_841 : vector<1x16xf32> to vector<16xf32>
        %swap3A_843 = vector.shape_cast %mul3A_836 : vector<16xf32> to vector<1x16xf32>
        tpu.vector_store %arg7[%swap3A_839, %swap3A_840], %swap3A_843 {strides = array<i32>} : memref<512x16xf32, #tpu.memory_space<vmem>>, vector<1x16xf32>,
        %mul3A_844 = arith.constant 0.001953125 : f32
        %mul3A_845 = vector.broadcast %mul3A_844 : f32 to vector<16xf32>
        %mul3A_846 = arith.mulf %add3A_813, %mul3A_845 : vector<16xf32>
        %add3A_847 = arith.constant 4 : i32
        %add3A_848 = arith.addi %mul3A_754, %add3A_847 : i32
        %swap3A_849 = arith.index_cast %add3A_848 : i32 to index
        %swap3A_850 = arith.constant 0 : index
        %swap3A_851 = tpu.vector_load %arg7[%swap3A_849, %swap3A_850] {strides = array<i32>} : memref<512x16xf32, #tpu.memory_space<vmem>>, vector<1x16xf32>,
        %swap3A_852 = vector.shape_cast %swap3A_851 : vector<1x16xf32> to vector<16xf32>
        %swap3A_853 = vector.shape_cast %mul3A_846 : vector<16xf32> to vector<1x16xf32>
        tpu.vector_store %arg7[%swap3A_849, %swap3A_850], %swap3A_853 {strides = array<i32>} : memref<512x16xf32, #tpu.memory_space<vmem>>, vector<1x16xf32>,
        scf.yield %add3A_813 : vector<16xf32>
      }
      %scan3A_57 = arith.constant 124 : i32
      %scan3A_58 = arith.addi %scan3A_52, %scan3A_57 : i32
      %mul3A_59 = arith.constant 4 : i32
      %mul3A_60 = arith.muli %mul3A_59, %scan3A_58 : i32
      %sub3A = arith.constant 510 : i32
      %sub3A_61 = arith.subi %sub3A, %mul3A_60 : i32
      %get3A = arith.index_cast %sub3A_61 : i32 to index
      %get3A_62 = arith.constant 0 : index
      %get3A_63 = tpu.vector_load %arg5[%get3A, %get3A_62] {strides = array<i32>} : memref<1023x16xf32, #tpu.memory_space<vmem>>, vector<1x16xf32>,
      %get3A_64 = vector.shape_cast %get3A_63 : vector<1x16xf32> to vector<16xf32>
      %sub3A_65 = arith.constant 1022 : i32
      %sub3A_66 = arith.subi %sub3A_65, %mul3A_60 : i32
      %get3A_67 = arith.index_cast %sub3A_66 : i32 to index
      %get3A_68 = arith.constant 0 : index
      %get3A_69 = tpu.vector_load %arg5[%get3A_67, %get3A_68] {strides = array<i32>} : memref<1023x16xf32, #tpu.memory_space<vmem>>, vector<1x16xf32>,
      %get3A_70 = vector.shape_cast %get3A_69 : vector<1x16xf32> to vector<16xf32>
      %sub3A_71 = arith.subf %get3A_64, %get3A_70 : vector<16xf32>
      %sub3A_72 = arith.constant 509 : i32
      %sub3A_73 = arith.subi %sub3A_72, %mul3A_60 : i32
      %get3A_74 = arith.index_cast %sub3A_73 : i32 to index
      %get3A_75 = arith.constant 0 : index
      %get3A_76 = tpu.vector_load %arg5[%get3A_74, %get3A_75] {strides = array<i32>} : memref<1023x16xf32, #tpu.memory_space<vmem>>, vector<1x16xf32>,
      %get3A_77 = vector.shape_cast %get3A_76 : vector<1x16xf32> to vector<16xf32>
      %sub3A_78 = arith.constant 1021 : i32
      %sub3A_79 = arith.subi %sub3A_78, %mul3A_60 : i32
      %get3A_80 = arith.index_cast %sub3A_79 : i32 to index
      %get3A_81 = arith.constant 0 : index
      %get3A_82 = tpu.vector_load %arg5[%get3A_80, %get3A_81] {strides = array<i32>} : memref<1023x16xf32, #tpu.memory_space<vmem>>, vector<1x16xf32>,
      %get3A_83 = vector.shape_cast %get3A_82 : vector<1x16xf32> to vector<16xf32>
      %sub3A_84 = arith.subf %get3A_77, %get3A_83 : vector<16xf32>
      %sub3A_85 = arith.constant 508 : i32
      %sub3A_86 = arith.subi %sub3A_85, %mul3A_60 : i32
      %get3A_87 = arith.index_cast %sub3A_86 : i32 to index
      %get3A_88 = arith.constant 0 : index
      %get3A_89 = tpu.vector_load %arg5[%get3A_87, %get3A_88] {strides = array<i32>} : memref<1023x16xf32, #tpu.memory_space<vmem>>, vector<1x16xf32>,
      %get3A_90 = vector.shape_cast %get3A_89 : vector<1x16xf32> to vector<16xf32>
      %sub3A_91 = arith.constant 1020 : i32
      %sub3A_92 = arith.subi %sub3A_91, %mul3A_60 : i32
      %get3A_93 = arith.index_cast %sub3A_92 : i32 to index
      %get3A_94 = arith.constant 0 : index
      %get3A_95 = tpu.vector_load %arg5[%get3A_93, %get3A_94] {strides = array<i32>} : memref<1023x16xf32, #tpu.memory_space<vmem>>, vector<1x16xf32>,
      %get3A_96 = vector.shape_cast %get3A_95 : vector<1x16xf32> to vector<16xf32>
      %sub3A_97 = arith.subf %get3A_90, %get3A_96 : vector<16xf32>
      %sub3A_98 = arith.constant 507 : i32
      %sub3A_99 = arith.subi %sub3A_98, %mul3A_60 : i32
      %get3A_100 = arith.index_cast %sub3A_99 : i32 to index
      %get3A_101 = arith.constant 0 : index
      %get3A_102 = tpu.vector_load %arg5[%get3A_100, %get3A_101] {strides = array<i32>} : memref<1023x16xf32, #tpu.memory_space<vmem>>, vector<1x16xf32>,
      %get3A_103 = vector.shape_cast %get3A_102 : vector<1x16xf32> to vector<16xf32>
      %sub3A_104 = arith.constant 1019 : i32
      %sub3A_105 = arith.subi %sub3A_104, %mul3A_60 : i32
      %get3A_106 = arith.index_cast %sub3A_105 : i32 to index
      %get3A_107 = arith.constant 0 : index
      %get3A_108 = tpu.vector_load %arg5[%get3A_106, %get3A_107] {strides = array<i32>} : memref<1023x16xf32, #tpu.memory_space<vmem>>, vector<1x16xf32>,
      %get3A_109 = vector.shape_cast %get3A_108 : vector<1x16xf32> to vector<16xf32>
      %sub3A_110 = arith.subf %get3A_103, %get3A_109 : vector<16xf32>
      %add3A_111 = arith.addf %sub3A_71, %sub3A_84 : vector<16xf32>
      %add3A_112 = arith.addf %sub3A_97, %sub3A_110 : vector<16xf32>
      %add3A_113 = arith.addf %scan3A_56, %sub3A_71 : vector<16xf32>
      %add3A_114 = arith.addf %scan3A_56, %add3A_111 : vector<16xf32>
      %add3A_115 = arith.addf %add3A_114, %sub3A_97 : vector<16xf32>
      %add3A_116 = arith.addf %add3A_111, %add3A_112 : vector<16xf32>
      %add3A_117 = arith.addf %scan3A_56, %add3A_116 : vector<16xf32>
      %mul3A_118 = arith.constant 0.001953125 : f32
      %mul3A_119 = vector.broadcast %mul3A_118 : f32 to vector<16xf32>
      %mul3A_120 = arith.mulf %add3A_113, %mul3A_119 : vector<16xf32>
      %add3A_121 = arith.constant 1 : i32
      %add3A_122 = arith.addi %mul3A_60, %add3A_121 : i32
      %swap3A_123 = arith.index_cast %add3A_122 : i32 to index
      %swap3A_124 = arith.constant 0 : index
      %swap3A_125 = tpu.vector_load %arg7[%swap3A_123, %swap3A_124] {strides = array<i32>} : memref<512x16xf32, #tpu.memory_space<vmem>>, vector<1x16xf32>,
      %swap3A_126 = vector.shape_cast %swap3A_125 : vector<1x16xf32> to vector<16xf32>
      %swap3A_127 = vector.shape_cast %mul3A_120 : vector<16xf32> to vector<1x16xf32>
      tpu.vector_store %arg7[%swap3A_123, %swap3A_124], %swap3A_127 {strides = array<i32>} : memref<512x16xf32, #tpu.memory_space<vmem>>, vector<1x16xf32>,
      %mul3A_128 = arith.constant 0.001953125 : f32
      %mul3A_129 = vector.broadcast %mul3A_128 : f32 to vector<16xf32>
      %mul3A_130 = arith.mulf %add3A_114, %mul3A_129 : vector<16xf32>
      %add3A_131 = arith.constant 2 : i32
      %add3A_132 = arith.addi %mul3A_60, %add3A_131 : i32
      %swap3A_133 = arith.index_cast %add3A_132 : i32 to index
      %swap3A_134 = arith.constant 0 : index
      %swap3A_135 = tpu.vector_load %arg7[%swap3A_133, %swap3A_134] {strides = array<i32>} : memref<512x16xf32, #tpu.memory_space<vmem>>, vector<1x16xf32>,
      %swap3A_136 = vector.shape_cast %swap3A_135 : vector<1x16xf32> to vector<16xf32>
      %swap3A_137 = vector.shape_cast %mul3A_130 : vector<16xf32> to vector<1x16xf32>
      tpu.vector_store %arg7[%swap3A_133, %swap3A_134], %swap3A_137 {strides = array<i32>} : memref<512x16xf32, #tpu.memory_space<vmem>>, vector<1x16xf32>,
      %mul3A_138 = arith.constant 0.001953125 : f32
      %mul3A_139 = vector.broadcast %mul3A_138 : f32 to vector<16xf32>
      %mul3A_140 = arith.mulf %add3A_115, %mul3A_139 : vector<16xf32>
      %add3A_141 = arith.constant 3 : i32
      %add3A_142 = arith.addi %mul3A_60, %add3A_141 : i32
      %swap3A_143 = arith.index_cast %add3A_142 : i32 to index
      %swap3A_144 = arith.constant 0 : index
      %swap3A_145 = tpu.vector_load %arg7[%swap3A_143, %swap3A_144] {strides = array<i32>} : memref<512x16xf32, #tpu.memory_space<vmem>>, vector<1x16xf32>,
      %swap3A_146 = vector.shape_cast %swap3A_145 : vector<1x16xf32> to vector<16xf32>
      %swap3A_147 = vector.shape_cast %mul3A_140 : vector<16xf32> to vector<1x16xf32>
      tpu.vector_store %arg7[%swap3A_143, %swap3A_144], %swap3A_147 {strides = array<i32>} : memref<512x16xf32, #tpu.memory_space<vmem>>, vector<1x16xf32>,
      %mul3A_148 = arith.constant 0.001953125 : f32
      %mul3A_149 = vector.broadcast %mul3A_148 : f32 to vector<16xf32>
      %mul3A_150 = arith.mulf %add3A_117, %mul3A_149 : vector<16xf32>
      %add3A_151 = arith.constant 4 : i32
      %add3A_152 = arith.addi %mul3A_60, %add3A_151 : i32
      %swap3A_153 = arith.index_cast %add3A_152 : i32 to index
      %swap3A_154 = arith.constant 0 : index
      %swap3A_155 = tpu.vector_load %arg7[%swap3A_153, %swap3A_154] {strides = array<i32>} : memref<512x16xf32, #tpu.memory_space<vmem>>, vector<1x16xf32>,
      %swap3A_156 = vector.shape_cast %swap3A_155 : vector<1x16xf32> to vector<16xf32>
      %swap3A_157 = vector.shape_cast %mul3A_150 : vector<16xf32> to vector<1x16xf32>
      tpu.vector_store %arg7[%swap3A_153, %swap3A_154], %swap3A_157 {strides = array<i32>} : memref<512x16xf32, #tpu.memory_space<vmem>>, vector<1x16xf32>,
      %scan3A_158 = arith.constant 125 : i32
      %scan3A_159 = arith.addi %scan3A_52, %scan3A_158 : i32
      %mul3A_160 = arith.constant 4 : i32
      %mul3A_161 = arith.muli %mul3A_160, %scan3A_159 : i32
      %sub3A_162 = arith.constant 510 : i32
      %sub3A_163 = arith.subi %sub3A_162, %mul3A_161 : i32
      %get3A_164 = arith.index_cast %sub3A_163 : i32 to index
      %get3A_165 = arith.constant 0 : index
      %get3A_166 = tpu.vector_load %arg5[%get3A_164, %get3A_165] {strides = array<i32>} : memref<1023x16xf32, #tpu.memory_space<vmem>>, vector<1x16xf32>,
      %get3A_167 = vector.shape_cast %get3A_166 : vector<1x16xf32> to vector<16xf32>
      %sub3A_168 = arith.constant 1022 : i32
      %sub3A_169 = arith.subi %sub3A_168, %mul3A_161 : i32
      %get3A_170 = arith.index_cast %sub3A_169 : i32 to index
      %get3A_171 = arith.constant 0 : index
      %get3A_172 = tpu.vector_load %arg5[%get3A_170, %get3A_171] {strides = array<i32>} : memref<1023x16xf32, #tpu.memory_space<vmem>>, vector<1x16xf32>,
      %get3A_173 = vector.shape_cast %get3A_172 : vector<1x16xf32> to vector<16xf32>
      %sub3A_174 = arith.subf %get3A_167, %get3A_173 : vector<16xf32>
      %sub3A_175 = arith.constant 509 : i32
      %sub3A_176 = arith.subi %sub3A_175, %mul3A_161 : i32
      %get3A_177 = arith.index_cast %sub3A_176 : i32 to index
      %get3A_178 = arith.constant 0 : index
      %get3A_179 = tpu.vector_load %arg5[%get3A_177, %get3A_178] {strides = array<i32>} : memref<1023x16xf32, #tpu.memory_space<vmem>>, vector<1x16xf32>,
      %get3A_180 = vector.shape_cast %get3A_179 : vector<1x16xf32> to vector<16xf32>
      %sub3A_181 = arith.constant 1021 : i32
      %sub3A_182 = arith.subi %sub3A_181, %mul3A_161 : i32
      %get3A_183 = arith.index_cast %sub3A_182 : i32 to index
      %get3A_184 = arith.constant 0 : index
      %get3A_185 = tpu.vector_load %arg5[%get3A_183, %get3A_184] {strides = array<i32>} : memref<1023x16xf32, #tpu.memory_space<vmem>>, vector<1x16xf32>,
      %get3A_186 = vector.shape_cast %get3A_185 : vector<1x16xf32> to vector<16xf32>
      %sub3A_187 = arith.subf %get3A_180, %get3A_186 : vector<16xf32>
      %sub3A_188 = arith.constant 508 : i32
      %sub3A_189 = arith.subi %sub3A_188, %mul3A_161 : i32
      %get3A_190 = arith.index_cast %sub3A_189 : i32 to index
      %get3A_191 = arith.constant 0 : index
      %get3A_192 = tpu.vector_load %arg5[%get3A_190, %get3A_191] {strides = array<i32>} : memref<1023x16xf32, #tpu.memory_space<vmem>>, vector<1x16xf32>,
      %get3A_193 = vector.shape_cast %get3A_192 : vector<1x16xf32> to vector<16xf32>
      %sub3A_194 = arith.constant 1020 : i32
      %sub3A_195 = arith.subi %sub3A_194, %mul3A_161 : i32
      %get3A_196 = arith.index_cast %sub3A_195 : i32 to index
      %get3A_197 = arith.constant 0 : index
      %get3A_198 = tpu.vector_load %arg5[%get3A_196, %get3A_197] {strides = array<i32>} : memref<1023x16xf32, #tpu.memory_space<vmem>>, vector<1x16xf32>,
      %get3A_199 = vector.shape_cast %get3A_198 : vector<1x16xf32> to vector<16xf32>
      %sub3A_200 = arith.subf %get3A_193, %get3A_199 : vector<16xf32>
      %sub3A_201 = arith.constant 507 : i32
      %sub3A_202 = arith.subi %sub3A_201, %mul3A_161 : i32
      %get3A_203 = arith.index_cast %sub3A_202 : i32 to index
      %get3A_204 = arith.constant 0 : index
      %get3A_205 = tpu.vector_load %arg5[%get3A_203, %get3A_204] {strides = array<i32>} : memref<1023x16xf32, #tpu.memory_space<vmem>>, vector<1x16xf32>,
      %get3A_206 = vector.shape_cast %get3A_205 : vector<1x16xf32> to vector<16xf32>
      %sub3A_207 = arith.constant 1019 : i32
      %sub3A_208 = arith.subi %sub3A_207, %mul3A_161 : i32
      %get3A_209 = arith.index_cast %sub3A_208 : i32 to index
      %get3A_210 = arith.constant 0 : index
      %get3A_211 = tpu.vector_load %arg5[%get3A_209, %get3A_210] {strides = array<i32>} : memref<1023x16xf32, #tpu.memory_space<vmem>>, vector<1x16xf32>,
      %get3A_212 = vector.shape_cast %get3A_211 : vector<1x16xf32> to vector<16xf32>
      %sub3A_213 = arith.subf %get3A_206, %get3A_212 : vector<16xf32>
      %add3A_214 = arith.addf %sub3A_174, %sub3A_187 : vector<16xf32>
      %add3A_215 = arith.addf %sub3A_200, %sub3A_213 : vector<16xf32>
      %add3A_216 = arith.addf %add3A_117, %sub3A_174 : vector<16xf32>
      %add3A_217 = arith.addf %add3A_117, %add3A_214 : vector<16xf32>
      %add3A_218 = arith.addf %add3A_217, %sub3A_200 : vector<16xf32>
      %add3A_219 = arith.addf %add3A_214, %add3A_215 : vector<16xf32>
      %add3A_220 = arith.addf %add3A_117, %add3A_219 : vector<16xf32>
      %mul3A_221 = arith.constant 0.001953125 : f32
      %mul3A_222 = vector.broadcast %mul3A_221 : f32 to vector<16xf32>
      %mul3A_223 = arith.mulf %add3A_216, %mul3A_222 : vector<16xf32>
      %add3A_224 = arith.constant 1 : i32
      %add3A_225 = arith.addi %mul3A_161, %add3A_224 : i32
      %swap3A_226 = arith.index_cast %add3A_225 : i32 to index
      %swap3A_227 = arith.constant 0 : index
      %swap3A_228 = tpu.vector_load %arg7[%swap3A_226, %swap3A_227] {strides = array<i32>} : memref<512x16xf32, #tpu.memory_space<vmem>>, vector<1x16xf32>,
      %swap3A_229 = vector.shape_cast %swap3A_228 : vector<1x16xf32> to vector<16xf32>
      %swap3A_230 = vector.shape_cast %mul3A_223 : vector<16xf32> to vector<1x16xf32>
      tpu.vector_store %arg7[%swap3A_226, %swap3A_227], %swap3A_230 {strides = array<i32>} : memref<512x16xf32, #tpu.memory_space<vmem>>, vector<1x16xf32>,
      %mul3A_231 = arith.constant 0.001953125 : f32
      %mul3A_232 = vector.broadcast %mul3A_231 : f32 to vector<16xf32>
      %mul3A_233 = arith.mulf %add3A_217, %mul3A_232 : vector<16xf32>
      %add3A_234 = arith.constant 2 : i32
      %add3A_235 = arith.addi %mul3A_161, %add3A_234 : i32
      %swap3A_236 = arith.index_cast %add3A_235 : i32 to index
      %swap3A_237 = arith.constant 0 : index
      %swap3A_238 = tpu.vector_load %arg7[%swap3A_236, %swap3A_237] {strides = array<i32>} : memref<512x16xf32, #tpu.memory_space<vmem>>, vector<1x16xf32>,
      %swap3A_239 = vector.shape_cast %swap3A_238 : vector<1x16xf32> to vector<16xf32>
      %swap3A_240 = vector.shape_cast %mul3A_233 : vector<16xf32> to vector<1x16xf32>
      tpu.vector_store %arg7[%swap3A_236, %swap3A_237], %swap3A_240 {strides = array<i32>} : memref<512x16xf32, #tpu.memory_space<vmem>>, vector<1x16xf32>,
      %mul3A_241 = arith.constant 0.001953125 : f32
      %mul3A_242 = vector.broadcast %mul3A_241 : f32 to vector<16xf32>
      %mul3A_243 = arith.mulf %add3A_218, %mul3A_242 : vector<16xf32>
      %add3A_244 = arith.constant 3 : i32
      %add3A_245 = arith.addi %mul3A_161, %add3A_244 : i32
      %swap3A_246 = arith.index_cast %add3A_245 : i32 to index
      %swap3A_247 = arith.constant 0 : index
      %swap3A_248 = tpu.vector_load %arg7[%swap3A_246, %swap3A_247] {strides = array<i32>} : memref<512x16xf32, #tpu.memory_space<vmem>>, vector<1x16xf32>,
      %swap3A_249 = vector.shape_cast %swap3A_248 : vector<1x16xf32> to vector<16xf32>
      %swap3A_250 = vector.shape_cast %mul3A_243 : vector<16xf32> to vector<1x16xf32>
      tpu.vector_store %arg7[%swap3A_246, %swap3A_247], %swap3A_250 {strides = array<i32>} : memref<512x16xf32, #tpu.memory_space<vmem>>, vector<1x16xf32>,
      %mul3A_251 = arith.constant 0.001953125 : f32
      %mul3A_252 = vector.broadcast %mul3A_251 : f32 to vector<16xf32>
      %mul3A_253 = arith.mulf %add3A_220, %mul3A_252 : vector<16xf32>
      %add3A_254 = arith.constant 4 : i32
      %add3A_255 = arith.addi %mul3A_161, %add3A_254 : i32
      %swap3A_256 = arith.index_cast %add3A_255 : i32 to index
      %swap3A_257 = arith.constant 0 : index
      %swap3A_258 = tpu.vector_load %arg7[%swap3A_256, %swap3A_257] {strides = array<i32>} : memref<512x16xf32, #tpu.memory_space<vmem>>, vector<1x16xf32>,
      %swap3A_259 = vector.shape_cast %swap3A_258 : vector<1x16xf32> to vector<16xf32>
      %swap3A_260 = vector.shape_cast %mul3A_253 : vector<16xf32> to vector<1x16xf32>
      tpu.vector_store %arg7[%swap3A_256, %swap3A_257], %swap3A_260 {strides = array<i32>} : memref<512x16xf32, #tpu.memory_space<vmem>>, vector<1x16xf32>,
      %scan3A_261 = arith.constant 126 : i32
      %scan3A_262 = arith.addi %scan3A_52, %scan3A_261 : i32
      %mul3A_263 = arith.constant 4 : i32
      %mul3A_264 = arith.muli %mul3A_263, %scan3A_262 : i32
      %sub3A_265 = arith.constant 510 : i32
      %sub3A_266 = arith.subi %sub3A_265, %mul3A_264 : i32
      %get3A_267 = arith.index_cast %sub3A_266 : i32 to index
      %get3A_268 = arith.constant 0 : index
      %get3A_269 = tpu.vector_load %arg5[%get3A_267, %get3A_268] {strides = array<i32>} : memref<1023x16xf32, #tpu.memory_space<vmem>>, vector<1x16xf32>,
      %get3A_270 = vector.shape_cast %get3A_269 : vector<1x16xf32> to vector<16xf32>
      %sub3A_271 = arith.constant 1022 : i32
      %sub3A_272 = arith.subi %sub3A_271, %mul3A_264 : i32
      %get3A_273 = arith.index_cast %sub3A_272 : i32 to index
      %get3A_274 = arith.constant 0 : index
      %get3A_275 = tpu.vector_load %arg5[%get3A_273, %get3A_274] {strides = array<i32>} : memref<1023x16xf32, #tpu.memory_space<vmem>>, vector<1x16xf32>,
      %get3A_276 = vector.shape_cast %get3A_275 : vector<1x16xf32> to vector<16xf32>
      %sub3A_277 = arith.subf %get3A_270, %get3A_276 : vector<16xf32>
      %sub3A_278 = arith.constant 509 : i32
      %sub3A_279 = arith.subi %sub3A_278, %mul3A_264 : i32
      %get3A_280 = arith.index_cast %sub3A_279 : i32 to index
      %get3A_281 = arith.constant 0 : index
      %get3A_282 = tpu.vector_load %arg5[%get3A_280, %get3A_281] {strides = array<i32>} : memref<1023x16xf32, #tpu.memory_space<vmem>>, vector<1x16xf32>,
      %get3A_283 = vector.shape_cast %get3A_282 : vector<1x16xf32> to vector<16xf32>
      %sub3A_284 = arith.constant 1021 : i32
      %sub3A_285 = arith.subi %sub3A_284, %mul3A_264 : i32
      %get3A_286 = arith.index_cast %sub3A_285 : i32 to index
      %get3A_287 = arith.constant 0 : index
      %get3A_288 = tpu.vector_load %arg5[%get3A_286, %get3A_287] {strides = array<i32>} : memref<1023x16xf32, #tpu.memory_space<vmem>>, vector<1x16xf32>,
      %get3A_289 = vector.shape_cast %get3A_288 : vector<1x16xf32> to vector<16xf32>
      %sub3A_290 = arith.subf %get3A_283, %get3A_289 : vector<16xf32>
      %sub3A_291 = arith.constant 508 : i32
      %sub3A_292 = arith.subi %sub3A_291, %mul3A_264 : i32
      %get3A_293 = arith.index_cast %sub3A_292 : i32 to index
      %get3A_294 = arith.constant 0 : index
      %get3A_295 = tpu.vector_load %arg5[%get3A_293, %get3A_294] {strides = array<i32>} : memref<1023x16xf32, #tpu.memory_space<vmem>>, vector<1x16xf32>,
      %get3A_296 = vector.shape_cast %get3A_295 : vector<1x16xf32> to vector<16xf32>
      %sub3A_297 = arith.constant 1020 : i32
      %sub3A_298 = arith.subi %sub3A_297, %mul3A_264 : i32
      %get3A_299 = arith.index_cast %sub3A_298 : i32 to index
      %get3A_300 = arith.constant 0 : index
      %get3A_301 = tpu.vector_load %arg5[%get3A_299, %get3A_300] {strides = array<i32>} : memref<1023x16xf32, #tpu.memory_space<vmem>>, vector<1x16xf32>,
      %get3A_302 = vector.shape_cast %get3A_301 : vector<1x16xf32> to vector<16xf32>
      %sub3A_303 = arith.subf %get3A_296, %get3A_302 : vector<16xf32>
      %sub3A_304 = arith.constant 507 : i32
      %sub3A_305 = arith.subi %sub3A_304, %mul3A_264 : i32
      %get3A_306 = arith.index_cast %sub3A_305 : i32 to index
      %get3A_307 = arith.constant 0 : index
      %get3A_308 = tpu.vector_load %arg5[%get3A_306, %get3A_307] {strides = array<i32>} : memref<1023x16xf32, #tpu.memory_space<vmem>>, vector<1x16xf32>,
      %get3A_309 = vector.shape_cast %get3A_308 : vector<1x16xf32> to vector<16xf32>
      %sub3A_310 = arith.constant 1019 : i32
      %sub3A_311 = arith.subi %sub3A_310, %mul3A_264 : i32
      %get3A_312 = arith.index_cast %sub3A_311 : i32 to index
      %get3A_313 = arith.constant 0 : index
      %get3A_314 = tpu.vector_load %arg5[%get3A_312, %get3A_313] {strides = array<i32>} : memref<1023x16xf32, #tpu.memory_space<vmem>>, vector<1x16xf32>,
      %get3A_315 = vector.shape_cast %get3A_314 : vector<1x16xf32> to vector<16xf32>
      %sub3A_316 = arith.subf %get3A_309, %get3A_315 : vector<16xf32>
      %add3A_317 = arith.addf %sub3A_277, %sub3A_290 : vector<16xf32>
      %add3A_318 = arith.addf %sub3A_303, %sub3A_316 : vector<16xf32>
      %add3A_319 = arith.addf %add3A_220, %sub3A_277 : vector<16xf32>
      %add3A_320 = arith.addf %add3A_220, %add3A_317 : vector<16xf32>
      %add3A_321 = arith.addf %add3A_320, %sub3A_303 : vector<16xf32>
      %add3A_322 = arith.addf %add3A_317, %add3A_318 : vector<16xf32>
      %add3A_323 = arith.addf %add3A_220, %add3A_322 : vector<16xf32>
      %mul3A_324 = arith.constant 0.001953125 : f32
      %mul3A_325 = vector.broadcast %mul3A_324 : f32 to vector<16xf32>
      %mul3A_326 = arith.mulf %add3A_319, %mul3A_325 : vector<16xf32>
      %add3A_327 = arith.constant 1 : i32
      %add3A_328 = arith.addi %mul3A_264, %add3A_327 : i32
      %swap3A_329 = arith.index_cast %add3A_328 : i32 to index
      %swap3A_330 = arith.constant 0 : index
      %swap3A_331 = tpu.vector_load %arg7[%swap3A_329, %swap3A_330] {strides = array<i32>} : memref<512x16xf32, #tpu.memory_space<vmem>>, vector<1x16xf32>,
      %swap3A_332 = vector.shape_cast %swap3A_331 : vector<1x16xf32> to vector<16xf32>
      %swap3A_333 = vector.shape_cast %mul3A_326 : vector<16xf32> to vector<1x16xf32>
      tpu.vector_store %arg7[%swap3A_329, %swap3A_330], %swap3A_333 {strides = array<i32>} : memref<512x16xf32, #tpu.memory_space<vmem>>, vector<1x16xf32>,
      %mul3A_334 = arith.constant 0.001953125 : f32
      %mul3A_335 = vector.broadcast %mul3A_334 : f32 to vector<16xf32>
      %mul3A_336 = arith.mulf %add3A_320, %mul3A_335 : vector<16xf32>
      %add3A_337 = arith.constant 2 : i32
      %add3A_338 = arith.addi %mul3A_264, %add3A_337 : i32
      %swap3A_339 = arith.index_cast %add3A_338 : i32 to index
      %swap3A_340 = arith.constant 0 : index
      %swap3A_341 = tpu.vector_load %arg7[%swap3A_339, %swap3A_340] {strides = array<i32>} : memref<512x16xf32, #tpu.memory_space<vmem>>, vector<1x16xf32>,
      %swap3A_342 = vector.shape_cast %swap3A_341 : vector<1x16xf32> to vector<16xf32>
      %swap3A_343 = vector.shape_cast %mul3A_336 : vector<16xf32> to vector<1x16xf32>
      tpu.vector_store %arg7[%swap3A_339, %swap3A_340], %swap3A_343 {strides = array<i32>} : memref<512x16xf32, #tpu.memory_space<vmem>>, vector<1x16xf32>,
      %mul3A_344 = arith.constant 0.001953125 : f32
      %mul3A_345 = vector.broadcast %mul3A_344 : f32 to vector<16xf32>
      %mul3A_346 = arith.mulf %add3A_321, %mul3A_345 : vector<16xf32>
      %add3A_347 = arith.constant 3 : i32
      %add3A_348 = arith.addi %mul3A_264, %add3A_347 : i32
      %swap3A_349 = arith.index_cast %add3A_348 : i32 to index
      %swap3A_350 = arith.constant 0 : index
      %swap3A_351 = tpu.vector_load %arg7[%swap3A_349, %swap3A_350] {strides = array<i32>} : memref<512x16xf32, #tpu.memory_space<vmem>>, vector<1x16xf32>,
      %swap3A_352 = vector.shape_cast %swap3A_351 : vector<1x16xf32> to vector<16xf32>
      %swap3A_353 = vector.shape_cast %mul3A_346 : vector<16xf32> to vector<1x16xf32>
      tpu.vector_store %arg7[%swap3A_349, %swap3A_350], %swap3A_353 {strides = array<i32>} : memref<512x16xf32, #tpu.memory_space<vmem>>, vector<1x16xf32>,
      %mul3A_354 = arith.constant 0.001953125 : f32
      %mul3A_355 = vector.broadcast %mul3A_354 : f32 to vector<16xf32>
      %mul3A_356 = arith.mulf %add3A_323, %mul3A_355 : vector<16xf32>
      %add3A_357 = arith.constant 4 : i32
      %add3A_358 = arith.addi %mul3A_264, %add3A_357 : i32
      %swap3A_359 = arith.index_cast %add3A_358 : i32 to index
      %swap3A_360 = arith.constant 0 : index
      %swap3A_361 = tpu.vector_load %arg7[%swap3A_359, %swap3A_360] {strides = array<i32>} : memref<512x16xf32, #tpu.memory_space<vmem>>, vector<1x16xf32>,
      %swap3A_362 = vector.shape_cast %swap3A_361 : vector<1x16xf32> to vector<16xf32>
      %swap3A_363 = vector.shape_cast %mul3A_356 : vector<16xf32> to vector<1x16xf32>
      tpu.vector_store %arg7[%swap3A_359, %swap3A_360], %swap3A_363 {strides = array<i32>} : memref<512x16xf32, #tpu.memory_space<vmem>>, vector<1x16xf32>,
      %scan3A_364 = arith.constant 127 : i32
      %scan3A_365 = arith.constant 509 : i32
      %sub3A_366 = arith.constant 511 : i32
      %sub3A_367 = arith.subi %sub3A_366, %scan3A_365 : i32
      %get3A_368 = arith.index_cast %sub3A_367 : i32 to index
      %get3A_369 = arith.constant 0 : index
      %get3A_370 = tpu.vector_load %arg5[%get3A_368, %get3A_369] {strides = array<i32>} : memref<1023x16xf32, #tpu.memory_space<vmem>>, vector<1x16xf32>,
      %get3A_371 = vector.shape_cast %get3A_370 : vector<1x16xf32> to vector<16xf32>
      %add3A_372 = arith.addf %add3A_323, %get3A_371 : vector<16xf32>
      %sub3A_373 = arith.constant 1023 : i32
      %sub3A_374 = arith.subi %sub3A_373, %scan3A_365 : i32
      %get3A_375 = arith.index_cast %sub3A_374 : i32 to index
      %get3A_376 = arith.constant 0 : index
      %get3A_377 = tpu.vector_load %arg5[%get3A_375, %get3A_376] {strides = array<i32>} : memref<1023x16xf32, #tpu.memory_space<vmem>>, vector<1x16xf32>,
      %get3A_378 = vector.shape_cast %get3A_377 : vector<1x16xf32> to vector<16xf32>
      %sub3A_379 = arith.subf %add3A_372, %get3A_378 : vector<16xf32>
      %mul3A_380 = arith.constant 0.001953125 : f32
      %mul3A_381 = vector.broadcast %mul3A_380 : f32 to vector<16xf32>
      %mul3A_382 = arith.mulf %sub3A_379, %mul3A_381 : vector<16xf32>
      %swap3A_383 = arith.index_cast %scan3A_365 : i32 to index
      %swap3A_384 = arith.constant 0 : index
      %swap3A_385 = tpu.vector_load %arg7[%swap3A_383, %swap3A_384] {strides = array<i32>} : memref<512x16xf32, #tpu.memory_space<vmem>>, vector<1x16xf32>,
      %swap3A_386 = vector.shape_cast %swap3A_385 : vector<1x16xf32> to vector<16xf32>
      %swap3A_387 = vector.shape_cast %mul3A_382 : vector<16xf32> to vector<1x16xf32>
      tpu.vector_store %arg7[%swap3A_383, %swap3A_384], %swap3A_387 {strides = array<i32>} : memref<512x16xf32, #tpu.memory_space<vmem>>, vector<1x16xf32>,
      %scan3A_388 = arith.constant 510 : i32
      %sub3A_389 = arith.constant 511 : i32
      %sub3A_390 = arith.subi %sub3A_389, %scan3A_388 : i32
      %get3A_391 = arith.index_cast %sub3A_390 : i32 to index
      %get3A_392 = arith.constant 0 : index
      %get3A_393 = tpu.vector_load %arg5[%get3A_391, %get3A_392] {strides = array<i32>} : memref<1023x16xf32, #tpu.memory_space<vmem>>, vector<1x16xf32>,
      %get3A_394 = vector.shape_cast %get3A_393 : vector<1x16xf32> to vector<16xf32>
      %add3A_395 = arith.addf %sub3A_379, %get3A_394 : vector<16xf32>
      %sub3A_396 = arith.constant 1023 : i32
      %sub3A_397 = arith.subi %sub3A_396, %scan3A_388 : i32
      %get3A_398 = arith.index_cast %sub3A_397 : i32 to index
      %get3A_399 = arith.constant 0 : index
      %get3A_400 = tpu.vector_load %arg5[%get3A_398, %get3A_399] {strides = array<i32>} : memref<1023x16xf32, #tpu.memory_space<vmem>>, vector<1x16xf32>,
      %get3A_401 = vector.shape_cast %get3A_400 : vector<1x16xf32> to vector<16xf32>
      %sub3A_402 = arith.subf %add3A_395, %get3A_401 : vector<16xf32>
      %mul3A_403 = arith.constant 0.001953125 : f32
      %mul3A_404 = vector.broadcast %mul3A_403 : f32 to vector<16xf32>
      %mul3A_405 = arith.mulf %sub3A_402, %mul3A_404 : vector<16xf32>
      %swap3A_406 = arith.index_cast %scan3A_388 : i32 to index
      %swap3A_407 = arith.constant 0 : index
      %swap3A_408 = tpu.vector_load %arg7[%swap3A_406, %swap3A_407] {strides = array<i32>} : memref<512x16xf32, #tpu.memory_space<vmem>>, vector<1x16xf32>,
      %swap3A_409 = vector.shape_cast %swap3A_408 : vector<1x16xf32> to vector<16xf32>
      %swap3A_410 = vector.shape_cast %mul3A_405 : vector<16xf32> to vector<1x16xf32>
      tpu.vector_store %arg7[%swap3A_406, %swap3A_407], %swap3A_410 {strides = array<i32>} : memref<512x16xf32, #tpu.memory_space<vmem>>, vector<1x16xf32>,
      %scan3A_411 = arith.constant 511 : i32
      %sub3A_412 = arith.constant 511 : i32
      %sub3A_413 = arith.subi %sub3A_412, %scan3A_411 : i32
      %get3A_414 = arith.index_cast %sub3A_413 : i32 to index
      %get3A_415 = arith.constant 0 : index
      %get3A_416 = tpu.vector_load %arg5[%get3A_414, %get3A_415] {strides = array<i32>} : memref<1023x16xf32, #tpu.memory_space<vmem>>, vector<1x16xf32>,
      %get3A_417 = vector.shape_cast %get3A_416 : vector<1x16xf32> to vector<16xf32>
      %add3A_418 = arith.addf %sub3A_402, %get3A_417 : vector<16xf32>
      %sub3A_419 = arith.constant 1023 : i32
      %sub3A_420 = arith.subi %sub3A_419, %scan3A_411 : i32
      %get3A_421 = arith.index_cast %sub3A_420 : i32 to index
      %get3A_422 = arith.constant 0 : index
      %get3A_423 = tpu.vector_load %arg5[%get3A_421, %get3A_422] {strides = array<i32>} : memref<1023x16xf32, #tpu.memory_space<vmem>>, vector<1x16xf32>,
      %get3A_424 = vector.shape_cast %get3A_423 : vector<1x16xf32> to vector<16xf32>
      %sub3A_425 = arith.subf %add3A_418, %get3A_424 : vector<16xf32>
      %mul3A_426 = arith.constant 0.001953125 : f32
      %mul3A_427 = vector.broadcast %mul3A_426 : f32 to vector<16xf32>
      %mul3A_428 = arith.mulf %sub3A_425, %mul3A_427 : vector<16xf32>
      %swap3A_429 = arith.index_cast %scan3A_411 : i32 to index
      %swap3A_430 = arith.constant 0 : index
      %swap3A_431 = tpu.vector_load %arg7[%swap3A_429, %swap3A_430] {strides = array<i32>} : memref<512x16xf32, #tpu.memory_space<vmem>>, vector<1x16xf32>,
      %swap3A_432 = vector.shape_cast %swap3A_431 : vector<1x16xf32> to vector<16xf32>
      %swap3A_433 = vector.shape_cast %mul3A_428 : vector<16xf32> to vector<1x16xf32>
      tpu.vector_store %arg7[%swap3A_429, %swap3A_430], %swap3A_433 {strides = array<i32>} : memref<512x16xf32, #tpu.memory_space<vmem>>, vector<1x16xf32>,
      %scan3A_434 = arith.constant 3 : i32
      %sub3A_435 = arith.constant 24 : i32
      %sub3A_436 = arith.subi %add3A_6, %sub3A_435 : i32
      %mul3A_437 = arith.constant 16 : i32
      %mul3A_438 = arith.muli %sub3A_436, %mul3A_437 : i32
      %dma_start3A = arith.constant 0 : i32
      %dma_start3A_439 = tpu.memref_slice %arg3[%dma_start3A, %mul3A_438] : memref<512x384xf32, #tpu.memory_space<hbm>> -> memref<512x16xf32, #tpu.memory_space<hbm>>
      %dma_start3A_440 = arith.constant 0 : i32
      %dma_start3A_441 = tpu.memref_slice %arg3[%dma_start3A_440, %mul3A_438] : memref<512x384xf32, #tpu.memory_space<hbm>> -> memref<512x16xf32, #tpu.memory_space<hbm>>
      tpu.enqueue_dma source(%arg7 : memref<512x16xf32, #tpu.memory_space<vmem>>) target(%dma_start3A_441 : memref<512x16xf32, #tpu.memory_space<hbm>>) target_semaphore(%arg11 : memref<!tpu.dma_semaphore, #tpu.memory_space<semaphore_mem>>)
    } else {
    }
    %convert_element_type3A_24 = arith.extui %lt3A_13 : i1 to i32
    %cond3A_25 = arith.constant 0 : i32
    %cond3A_26 = arith.cmpi ne, %convert_element_type3A_24, %cond3A_25 : i32
    scf.if %cond3A_26 {
      %sub3A = arith.constant 24 : i32
      %sub3A_30 = arith.subi %add3A_2, %sub3A : i32
      %mul3A_31 = arith.constant 16 : i32
      %mul3A_32 = arith.muli %sub3A_30, %mul3A_31 : i32
      %dma_wait3A = arith.constant 0 : i32
      %dma_wait3A_33 = tpu.memref_slice %arg3[%dma_wait3A, %mul3A_32] : memref<512x384xf32, #tpu.memory_space<hbm>> -> memref<512x16xf32, #tpu.memory_space<hbm>>
      %dma_wait3A_34 = arith.constant 0 : i32
      %dma_wait3A_35 = tpu.memref_slice %arg3[%dma_wait3A_34, %mul3A_32] : memref<512x384xf32, #tpu.memory_space<hbm>> -> memref<512x16xf32, #tpu.memory_space<hbm>>
      tpu.wait_dma2 semaphore(%arg10 : memref<!tpu.dma_semaphore, #tpu.memory_space<semaphore_mem>>) src(%arg6 : memref<512x16xf32, #tpu.memory_space<vmem>>) dst(%dma_wait3A_35 : memref<512x16xf32, #tpu.memory_space<hbm>>)
    } else {
    }
    %convert_element_type3A_27 = arith.extui %and3A : i1 to i32
    %cond3A_28 = arith.constant 0 : i32
    %cond3A_29 = arith.cmpi ne, %convert_element_type3A_27, %cond3A_28 : i32
    scf.if %cond3A_29 {
      %sub3A = arith.constant 24 : i32
      %sub3A_30 = arith.subi %add3A_6, %sub3A : i32
      %mul3A_31 = arith.constant 16 : i32
      %mul3A_32 = arith.muli %sub3A_30, %mul3A_31 : i32
      %dma_wait3A = arith.constant 0 : i32
      %dma_wait3A_33 = tpu.memref_slice %arg3[%dma_wait3A, %mul3A_32] : memref<512x384xf32, #tpu.memory_space<hbm>> -> memref<512x16xf32, #tpu.memory_space<hbm>>
      %dma_wait3A_34 = arith.constant 0 : i32
      %dma_wait3A_35 = tpu.memref_slice %arg3[%dma_wait3A_34, %mul3A_32] : memref<512x384xf32, #tpu.memory_space<hbm>> -> memref<512x16xf32, #tpu.memory_space<hbm>>
      tpu.wait_dma2 semaphore(%arg11 : memref<!tpu.dma_semaphore, #tpu.memory_space<semaphore_mem>>) src(%arg7 : memref<512x16xf32, #tpu.memory_space<vmem>>) dst(%dma_wait3A_35 : memref<512x16xf32, #tpu.memory_space<hbm>>)
    } else {
    }
    return
  }
}

#map = affine_map<(d0, d1) -> (0, 0)>
module attributes {stable_mosaic.version = 14 : i64} {
  func.func @body(%arg0: i32, %arg1: i32, %arg2: memref<8191x768xf32, #tpu.memory_space<hbm>>, %arg3: memref<512x384xf32, #tpu.memory_space<hbm>>, %arg4: memref<1023x16xf32, #tpu.memory_space<vmem>>, %arg5: memref<1023x16xf32, #tpu.memory_space<vmem>>, %arg6: memref<512x16xf32, #tpu.memory_space<vmem>>, %arg7: memref<512x16xf32, #tpu.memory_space<vmem>>, %arg8: memref<!tpu.dma_semaphore, #tpu.memory_space<semaphore_mem>>, %arg9: memref<!tpu.dma_semaphore, #tpu.memory_space<semaphore_mem>>, %arg10: memref<!tpu.dma_semaphore, #tpu.memory_space<semaphore_mem>>, %arg11: memref<!tpu.dma_semaphore, #tpu.memory_space<semaphore_mem>>) attributes {dimension_semantics = [#tpu.dimension_semantics<core_parallel>, #tpu.dimension_semantics<subcore_parallel>], iteration_bounds = array<i64: 2, 16>, scalar_prefetch = 0 : i64, scratch_operands = 8 : i64, tpu.core_type = #tpu.core_type<sc_vector_subcore>, window_params = [{transform_indices = #map}, {transform_indices = #map}]} {
    %mul3A = arith.constant 2 : i32
    %mul3A_0 = arith.muli %arg1, %mul3A : i32
    %add3A = arith.addi %mul3A_0, %arg0 : i32
    %add3A_1 = arith.constant 0 : i32
    %add3A_2 = arith.addi %add3A_1, %add3A : i32
    %add3A_3 = arith.constant 0 : i32
    %add3A_4 = arith.addi %add3A_3, %add3A : i32
    %add3A_5 = arith.constant 32 : i32
    %add3A_6 = arith.addi %add3A_4, %add3A_5 : i32
    %lt3A = arith.constant 24 : i32
    %lt3A_7 = arith.cmpi slt, %add3A, %lt3A : i32
    %add3A_8 = arith.constant 32 : i32
    %add3A_9 = arith.addi %add3A, %add3A_8 : i32
    %lt3A_10 = arith.constant 24 : i32
    %lt3A_11 = arith.cmpi slt, %add3A_9, %lt3A_10 : i32
    %and3A = arith.andi %lt3A_7, %lt3A_11 : i1
    %lt3A_12 = arith.constant 24 : i32
    %lt3A_13 = arith.cmpi slt, %add3A, %lt3A_12 : i32
    %convert_element_type3A = arith.extui %lt3A_13 : i1 to i32
    %cond3A = arith.constant 0 : i32
    %cond3A_14 = arith.cmpi ne, %convert_element_type3A, %cond3A : i32
    scf.if %cond3A_14 {
      %mul3A_30 = arith.constant 16 : i32
      %mul3A_31 = arith.muli %add3A_2, %mul3A_30 : i32
      %dma_start3A = arith.constant 3584 : i32
      %dma_start3A_32 = tpu.memref_slice %arg2[%dma_start3A, %mul3A_31] : memref<8191x768xf32, #tpu.memory_space<hbm>> -> memref<1023x16xf32, #tpu.memory_space<hbm>>
      %dma_start3A_33 = arith.constant 3584 : i32
      %dma_start3A_34 = tpu.memref_slice %arg2[%dma_start3A_33, %mul3A_31] : memref<8191x768xf32, #tpu.memory_space<hbm>> -> memref<1023x16xf32, #tpu.memory_space<hbm>>
      tpu.enqueue_dma source(%dma_start3A_34 : memref<1023x16xf32, #tpu.memory_space<hbm>>) target(%arg4 : memref<1023x16xf32, #tpu.memory_space<vmem>>) target_semaphore(%arg8 : memref<!tpu.dma_semaphore, #tpu.memory_space<semaphore_mem>>)
    } else {
    }
    %convert_element_type3A_15 = arith.extui %and3A : i1 to i32
    %cond3A_16 = arith.constant 0 : i32
    %cond3A_17 = arith.cmpi ne, %convert_element_type3A_15, %cond3A_16 : i32
    scf.if %cond3A_17 {
      %mul3A_30 = arith.constant 16 : i32
      %mul3A_31 = arith.muli %add3A_6, %mul3A_30 : i32
      %dma_start3A = arith.constant 3584 : i32
      %dma_start3A_32 = tpu.memref_slice %arg2[%dma_start3A, %mul3A_31] : memref<8191x768xf32, #tpu.memory_space<hbm>> -> memref<1023x16xf32, #tpu.memory_space<hbm>>
      %dma_start3A_33 = arith.constant 3584 : i32
      %dma_start3A_34 = tpu.memref_slice %arg2[%dma_start3A_33, %mul3A_31] : memref<8191x768xf32, #tpu.memory_space<hbm>> -> memref<1023x16xf32, #tpu.memory_space<hbm>>
      tpu.enqueue_dma source(%dma_start3A_34 : memref<1023x16xf32, #tpu.memory_space<hbm>>) target(%arg5 : memref<1023x16xf32, #tpu.memory_space<vmem>>) target_semaphore(%arg9 : memref<!tpu.dma_semaphore, #tpu.memory_space<semaphore_mem>>)
    } else {
    }
    %convert_element_type3A_18 = arith.extui %lt3A_13 : i1 to i32
    %cond3A_19 = arith.constant 0 : i32
    %cond3A_20 = arith.cmpi ne, %convert_element_type3A_18, %cond3A_19 : i32
    scf.if %cond3A_20 {
      %mul3A_30 = arith.constant 16 : i32
      %mul3A_31 = arith.muli %add3A_2, %mul3A_30 : i32
      %dma_wait3A = arith.constant 3584 : i32
      %dma_wait3A_32 = tpu.memref_slice %arg2[%dma_wait3A, %mul3A_31] : memref<8191x768xf32, #tpu.memory_space<hbm>> -> memref<1023x16xf32, #tpu.memory_space<hbm>>
      %dma_wait3A_33 = arith.constant 3584 : i32
      %dma_wait3A_34 = tpu.memref_slice %arg2[%dma_wait3A_33, %mul3A_31] : memref<8191x768xf32, #tpu.memory_space<hbm>> -> memref<1023x16xf32, #tpu.memory_space<hbm>>
      tpu.wait_dma2 semaphore(%arg8 : memref<!tpu.dma_semaphore, #tpu.memory_space<semaphore_mem>>) src(%dma_wait3A_34 : memref<1023x16xf32, #tpu.memory_space<hbm>>) dst(%arg4 : memref<1023x16xf32, #tpu.memory_space<vmem>>)
      %broadcast_in_dim3A = arith.constant 0.000000e+00 : f32
      %broadcast_in_dim3A_35 = vector.broadcast %broadcast_in_dim3A : f32 to vector<16xf32>
      %scan3A = arith.constant 0 : i32
      %scan3A_36 = arith.constant 128 : i32
      %scan3A_37 = arith.addi %scan3A, %scan3A_36 : i32
      %scan3A_38 = arith.constant 8 : i32
      %scan3A_39:4 = scf.for %scan3A_442 = %scan3A to %scan3A_37 step %scan3A_38 iter_args(%scan3A_443 = %broadcast_in_dim3A_35, %scan3A_444 = %broadcast_in_dim3A_35, %scan3A_445 = %broadcast_in_dim3A_35, %scan3A_446 = %broadcast_in_dim3A_35) -> (vector<16xf32>, vector<16xf32>, vector<16xf32>, vector<16xf32>)  : i32 {
        %mul3A_447 = arith.constant 4 : i32
        %mul3A_448 = arith.muli %mul3A_447, %scan3A_442 : i32
        %add3A_449 = arith.constant 511 : i32
        %add3A_450 = arith.addi %add3A_449, %mul3A_448 : i32
        %get3A_451 = arith.index_cast %add3A_450 : i32 to index
        %get3A_452 = arith.constant 0 : index
        %get3A_453 = tpu.vector_load %arg4[%get3A_451, %get3A_452] {strides = array<i32>} : memref<1023x16xf32, #tpu.memory_space<vmem>>, vector<1x16xf32>,
        %get3A_454 = vector.shape_cast %get3A_453 : vector<1x16xf32> to vector<16xf32>
        %add3A_455 = arith.addf %scan3A_443, %get3A_454 : vector<16xf32>
        %add3A_456 = arith.constant 1 : i32
        %add3A_457 = arith.addi %add3A_450, %add3A_456 : i32
        %get3A_458 = arith.index_cast %add3A_457 : i32 to index
        %get3A_459 = arith.constant 0 : index
        %get3A_460 = tpu.vector_load %arg4[%get3A_458, %get3A_459] {strides = array<i32>} : memref<1023x16xf32, #tpu.memory_space<vmem>>, vector<1x16xf32>,
        %get3A_461 = vector.shape_cast %get3A_460 : vector<1x16xf32> to vector<16xf32>
        %add3A_462 = arith.addf %scan3A_444, %get3A_461 : vector<16xf32>
        %add3A_463 = arith.constant 2 : i32
        %add3A_464 = arith.addi %add3A_450, %add3A_463 : i32
        %get3A_465 = arith.index_cast %add3A_464 : i32 to index
        %get3A_466 = arith.constant 0 : index
        %get3A_467 = tpu.vector_load %arg4[%get3A_465, %get3A_466] {strides = array<i32>} : memref<1023x16xf32, #tpu.memory_space<vmem>>, vector<1x16xf32>,
        %get3A_468 = vector.shape_cast %get3A_467 : vector<1x16xf32> to vector<16xf32>
        %add3A_469 = arith.addf %scan3A_445, %get3A_468 : vector<16xf32>
        %add3A_470 = arith.constant 3 : i32
        %add3A_471 = arith.addi %add3A_450, %add3A_470 : i32
        %get3A_472 = arith.index_cast %add3A_471 : i32 to index
        %get3A_473 = arith.constant 0 : index
        %get3A_474 = tpu.vector_load %arg4[%get3A_472, %get3A_473] {strides = array<i32>} : memref<1023x16xf32, #tpu.memory_space<vmem>>, vector<1x16xf32>,
        %get3A_475 = vector.shape_cast %get3A_474 : vector<1x16xf32> to vector<16xf32>
        %add3A_476 = arith.addf %scan3A_446, %get3A_475 : vector<16xf32>
        %scan3A_477 = arith.constant 1 : i32
        %scan3A_478 = arith.addi %scan3A_442, %scan3A_477 : i32
        %mul3A_479 = arith.constant 4 : i32
        %mul3A_480 = arith.muli %mul3A_479, %scan3A_478 : i32
        %add3A_481 = arith.constant 511 : i32
        %add3A_482 = arith.addi %add3A_481, %mul3A_480 : i32
        %get3A_483 = arith.index_cast %add3A_482 : i32 to index
        %get3A_484 = arith.constant 0 : index
        %get3A_485 = tpu.vector_load %arg4[%get3A_483, %get3A_484] {strides = array<i32>} : memref<1023x16xf32, #tpu.memory_space<vmem>>, vector<1x16xf32>,
        %get3A_486 = vector.shape_cast %get3A_485 : vector<1x16xf32> to vector<16xf32>
        %add3A_487 = arith.addf %add3A_455, %get3A_486 : vector<16xf32>
        %add3A_488 = arith.constant 1 : i32
        %add3A_489 = arith.addi %add3A_482, %add3A_488 : i32
        %get3A_490 = arith.index_cast %add3A_489 : i32 to index
        %get3A_491 = arith.constant 0 : index
        %get3A_492 = tpu.vector_load %arg4[%get3A_490, %get3A_491] {strides = array<i32>} : memref<1023x16xf32, #tpu.memory_space<vmem>>, vector<1x16xf32>,
        %get3A_493 = vector.shape_cast %get3A_492 : vector<1x16xf32> to vector<16xf32>
        %add3A_494 = arith.addf %add3A_462, %get3A_493 : vector<16xf32>
        %add3A_495 = arith.constant 2 : i32
        %add3A_496 = arith.addi %add3A_482, %add3A_495 : i32
        %get3A_497 = arith.index_cast %add3A_496 : i32 to index
        %get3A_498 = arith.constant 0 : index
        %get3A_499 = tpu.vector_load %arg4[%get3A_497, %get3A_498] {strides = array<i32>} : memref<1023x16xf32, #tpu.memory_space<vmem>>, vector<1x16xf32>,
        %get3A_500 = vector.shape_cast %get3A_499 : vector<1x16xf32> to vector<16xf32>
        %add3A_501 = arith.addf %add3A_469, %get3A_500 : vector<16xf32>
        %add3A_502 = arith.constant 3 : i32
        %add3A_503 = arith.addi %add3A_482, %add3A_502 : i32
        %get3A_504 = arith.index_cast %add3A_503 : i32 to index
        %get3A_505 = arith.constant 0 : index
        %get3A_506 = tpu.vector_load %arg4[%get3A_504, %get3A_505] {strides = array<i32>} : memref<1023x16xf32, #tpu.memory_space<vmem>>, vector<1x16xf32>,
        %get3A_507 = vector.shape_cast %get3A_506 : vector<1x16xf32> to vector<16xf32>
        %add3A_508 = arith.addf %add3A_476, %get3A_507 : vector<16xf32>
        %scan3A_509 = arith.constant 2 : i32
        %scan3A_510 = arith.addi %scan3A_442, %scan3A_509 : i32
        %mul3A_511 = arith.constant 4 : i32
        %mul3A_512 = arith.muli %mul3A_511, %scan3A_510 : i32
        %add3A_513 = arith.constant 511 : i32
        %add3A_514 = arith.addi %add3A_513, %mul3A_512 : i32
        %get3A_515 = arith.index_cast %add3A_514 : i32 to index
        %get3A_516 = arith.constant 0 : index
        %get3A_517 = tpu.vector_load %arg4[%get3A_515, %get3A_516] {strides = array<i32>} : memref<1023x16xf32, #tpu.memory_space<vmem>>, vector<1x16xf32>,
        %get3A_518 = vector.shape_cast %get3A_517 : vector<1x16xf32> to vector<16xf32>
        %add3A_519 = arith.addf %add3A_487, %get3A_518 : vector<16xf32>
        %add3A_520 = arith.constant 1 : i32
        %add3A_521 = arith.addi %add3A_514, %add3A_520 : i32
        %get3A_522 = arith.index_cast %add3A_521 : i32 to index
        %get3A_523 = arith.constant 0 : index
        %get3A_524 = tpu.vector_load %arg4[%get3A_522, %get3A_523] {strides = array<i32>} : memref<1023x16xf32, #tpu.memory_space<vmem>>, vector<1x16xf32>,
        %get3A_525 = vector.shape_cast %get3A_524 : vector<1x16xf32> to vector<16xf32>
        %add3A_526 = arith.addf %add3A_494, %get3A_525 : vector<16xf32>
        %add3A_527 = arith.constant 2 : i32
        %add3A_528 = arith.addi %add3A_514, %add3A_527 : i32
        %get3A_529 = arith.index_cast %add3A_528 : i32 to index
        %get3A_530 = arith.constant 0 : index
        %get3A_531 = tpu.vector_load %arg4[%get3A_529, %get3A_530] {strides = array<i32>} : memref<1023x16xf32, #tpu.memory_space<vmem>>, vector<1x16xf32>,
        %get3A_532 = vector.shape_cast %get3A_531 : vector<1x16xf32> to vector<16xf32>
        %add3A_533 = arith.addf %add3A_501, %get3A_532 : vector<16xf32>
        %add3A_534 = arith.constant 3 : i32
        %add3A_535 = arith.addi %add3A_514, %add3A_534 : i32
        %get3A_536 = arith.index_cast %add3A_535 : i32 to index
        %get3A_537 = arith.constant 0 : index
        %get3A_538 = tpu.vector_load %arg4[%get3A_536, %get3A_537] {strides = array<i32>} : memref<1023x16xf32, #tpu.memory_space<vmem>>, vector<1x16xf32>,
        %get3A_539 = vector.shape_cast %get3A_538 : vector<1x16xf32> to vector<16xf32>
        %add3A_540 = arith.addf %add3A_508, %get3A_539 : vector<16xf32>
        %scan3A_541 = arith.constant 3 : i32
        %scan3A_542 = arith.addi %scan3A_442, %scan3A_541 : i32
        %mul3A_543 = arith.constant 4 : i32
        %mul3A_544 = arith.muli %mul3A_543, %scan3A_542 : i32
        %add3A_545 = arith.constant 511 : i32
        %add3A_546 = arith.addi %add3A_545, %mul3A_544 : i32
        %get3A_547 = arith.index_cast %add3A_546 : i32 to index
        %get3A_548 = arith.constant 0 : index
        %get3A_549 = tpu.vector_load %arg4[%get3A_547, %get3A_548] {strides = array<i32>} : memref<1023x16xf32, #tpu.memory_space<vmem>>, vector<1x16xf32>,
        %get3A_550 = vector.shape_cast %get3A_549 : vector<1x16xf32> to vector<16xf32>
        %add3A_551 = arith.addf %add3A_519, %get3A_550 : vector<16xf32>
        %add3A_552 = arith.constant 1 : i32
        %add3A_553 = arith.addi %add3A_546, %add3A_552 : i32
        %get3A_554 = arith.index_cast %add3A_553 : i32 to index
        %get3A_555 = arith.constant 0 : index
        %get3A_556 = tpu.vector_load %arg4[%get3A_554, %get3A_555] {strides = array<i32>} : memref<1023x16xf32, #tpu.memory_space<vmem>>, vector<1x16xf32>,
        %get3A_557 = vector.shape_cast %get3A_556 : vector<1x16xf32> to vector<16xf32>
        %add3A_558 = arith.addf %add3A_526, %get3A_557 : vector<16xf32>
        %add3A_559 = arith.constant 2 : i32
        %add3A_560 = arith.addi %add3A_546, %add3A_559 : i32
        %get3A_561 = arith.index_cast %add3A_560 : i32 to index
        %get3A_562 = arith.constant 0 : index
        %get3A_563 = tpu.vector_load %arg4[%get3A_561, %get3A_562] {strides = array<i32>} : memref<1023x16xf32, #tpu.memory_space<vmem>>, vector<1x16xf32>,
        %get3A_564 = vector.shape_cast %get3A_563 : vector<1x16xf32> to vector<16xf32>
        %add3A_565 = arith.addf %add3A_533, %get3A_564 : vector<16xf32>
        %add3A_566 = arith.constant 3 : i32
        %add3A_567 = arith.addi %add3A_546, %add3A_566 : i32
        %get3A_568 = arith.index_cast %add3A_567 : i32 to index
        %get3A_569 = arith.constant 0 : index
        %get3A_570 = tpu.vector_load %arg4[%get3A_568, %get3A_569] {strides = array<i32>} : memref<1023x16xf32, #tpu.memory_space<vmem>>, vector<1x16xf32>,
        %get3A_571 = vector.shape_cast %get3A_570 : vector<1x16xf32> to vector<16xf32>
        %add3A_572 = arith.addf %add3A_540, %get3A_571 : vector<16xf32>
        %scan3A_573 = arith.constant 4 : i32
        %scan3A_574 = arith.addi %scan3A_442, %scan3A_573 : i32
        %mul3A_575 = arith.constant 4 : i32
        %mul3A_576 = arith.muli %mul3A_575, %scan3A_574 : i32
        %add3A_577 = arith.constant 511 : i32
        %add3A_578 = arith.addi %add3A_577, %mul3A_576 : i32
        %get3A_579 = arith.index_cast %add3A_578 : i32 to index
        %get3A_580 = arith.constant 0 : index
        %get3A_581 = tpu.vector_load %arg4[%get3A_579, %get3A_580] {strides = array<i32>} : memref<1023x16xf32, #tpu.memory_space<vmem>>, vector<1x16xf32>,
        %get3A_582 = vector.shape_cast %get3A_581 : vector<1x16xf32> to vector<16xf32>
        %add3A_583 = arith.addf %add3A_551, %get3A_582 : vector<16xf32>
        %add3A_584 = arith.constant 1 : i32
        %add3A_585 = arith.addi %add3A_578, %add3A_584 : i32
        %get3A_586 = arith.index_cast %add3A_585 : i32 to index
        %get3A_587 = arith.constant 0 : index
        %get3A_588 = tpu.vector_load %arg4[%get3A_586, %get3A_587] {strides = array<i32>} : memref<1023x16xf32, #tpu.memory_space<vmem>>, vector<1x16xf32>,
        %get3A_589 = vector.shape_cast %get3A_588 : vector<1x16xf32> to vector<16xf32>
        %add3A_590 = arith.addf %add3A_558, %get3A_589 : vector<16xf32>
        %add3A_591 = arith.constant 2 : i32
        %add3A_592 = arith.addi %add3A_578, %add3A_591 : i32
        %get3A_593 = arith.index_cast %add3A_592 : i32 to index
        %get3A_594 = arith.constant 0 : index
        %get3A_595 = tpu.vector_load %arg4[%get3A_593, %get3A_594] {strides = array<i32>} : memref<1023x16xf32, #tpu.memory_space<vmem>>, vector<1x16xf32>,
        %get3A_596 = vector.shape_cast %get3A_595 : vector<1x16xf32> to vector<16xf32>
        %add3A_597 = arith.addf %add3A_565, %get3A_596 : vector<16xf32>
        %add3A_598 = arith.constant 3 : i32
        %add3A_599 = arith.addi %add3A_578, %add3A_598 : i32
        %get3A_600 = arith.index_cast %add3A_599 : i32 to index
        %get3A_601 = arith.constant 0 : index
        %get3A_602 = tpu.vector_load %arg4[%get3A_600, %get3A_601] {strides = array<i32>} : memref<1023x16xf32, #tpu.memory_space<vmem>>, vector<1x16xf32>,
        %get3A_603 = vector.shape_cast %get3A_602 : vector<1x16xf32> to vector<16xf32>
        %add3A_604 = arith.addf %add3A_572, %get3A_603 : vector<16xf32>
        %scan3A_605 = arith.constant 5 : i32
        %scan3A_606 = arith.addi %scan3A_442, %scan3A_605 : i32
        %mul3A_607 = arith.constant 4 : i32
        %mul3A_608 = arith.muli %mul3A_607, %scan3A_606 : i32
        %add3A_609 = arith.constant 511 : i32
        %add3A_610 = arith.addi %add3A_609, %mul3A_608 : i32
        %get3A_611 = arith.index_cast %add3A_610 : i32 to index
        %get3A_612 = arith.constant 0 : index
        %get3A_613 = tpu.vector_load %arg4[%get3A_611, %get3A_612] {strides = array<i32>} : memref<1023x16xf32, #tpu.memory_space<vmem>>, vector<1x16xf32>,
        %get3A_614 = vector.shape_cast %get3A_613 : vector<1x16xf32> to vector<16xf32>
        %add3A_615 = arith.addf %add3A_583, %get3A_614 : vector<16xf32>
        %add3A_616 = arith.constant 1 : i32
        %add3A_617 = arith.addi %add3A_610, %add3A_616 : i32
        %get3A_618 = arith.index_cast %add3A_617 : i32 to index
        %get3A_619 = arith.constant 0 : index
        %get3A_620 = tpu.vector_load %arg4[%get3A_618, %get3A_619] {strides = array<i32>} : memref<1023x16xf32, #tpu.memory_space<vmem>>, vector<1x16xf32>,
        %get3A_621 = vector.shape_cast %get3A_620 : vector<1x16xf32> to vector<16xf32>
        %add3A_622 = arith.addf %add3A_590, %get3A_621 : vector<16xf32>
        %add3A_623 = arith.constant 2 : i32
        %add3A_624 = arith.addi %add3A_610, %add3A_623 : i32
        %get3A_625 = arith.index_cast %add3A_624 : i32 to index
        %get3A_626 = arith.constant 0 : index
        %get3A_627 = tpu.vector_load %arg4[%get3A_625, %get3A_626] {strides = array<i32>} : memref<1023x16xf32, #tpu.memory_space<vmem>>, vector<1x16xf32>,
        %get3A_628 = vector.shape_cast %get3A_627 : vector<1x16xf32> to vector<16xf32>
        %add3A_629 = arith.addf %add3A_597, %get3A_628 : vector<16xf32>
        %add3A_630 = arith.constant 3 : i32
        %add3A_631 = arith.addi %add3A_610, %add3A_630 : i32
        %get3A_632 = arith.index_cast %add3A_631 : i32 to index
        %get3A_633 = arith.constant 0 : index
        %get3A_634 = tpu.vector_load %arg4[%get3A_632, %get3A_633] {strides = array<i32>} : memref<1023x16xf32, #tpu.memory_space<vmem>>, vector<1x16xf32>,
        %get3A_635 = vector.shape_cast %get3A_634 : vector<1x16xf32> to vector<16xf32>
        %add3A_636 = arith.addf %add3A_604, %get3A_635 : vector<16xf32>
        %scan3A_637 = arith.constant 6 : i32
        %scan3A_638 = arith.addi %scan3A_442, %scan3A_637 : i32
        %mul3A_639 = arith.constant 4 : i32
        %mul3A_640 = arith.muli %mul3A_639, %scan3A_638 : i32
        %add3A_641 = arith.constant 511 : i32
        %add3A_642 = arith.addi %add3A_641, %mul3A_640 : i32
        %get3A_643 = arith.index_cast %add3A_642 : i32 to index
        %get3A_644 = arith.constant 0 : index
        %get3A_645 = tpu.vector_load %arg4[%get3A_643, %get3A_644] {strides = array<i32>} : memref<1023x16xf32, #tpu.memory_space<vmem>>, vector<1x16xf32>,
        %get3A_646 = vector.shape_cast %get3A_645 : vector<1x16xf32> to vector<16xf32>
        %add3A_647 = arith.addf %add3A_615, %get3A_646 : vector<16xf32>
        %add3A_648 = arith.constant 1 : i32
        %add3A_649 = arith.addi %add3A_642, %add3A_648 : i32
        %get3A_650 = arith.index_cast %add3A_649 : i32 to index
        %get3A_651 = arith.constant 0 : index
        %get3A_652 = tpu.vector_load %arg4[%get3A_650, %get3A_651] {strides = array<i32>} : memref<1023x16xf32, #tpu.memory_space<vmem>>, vector<1x16xf32>,
        %get3A_653 = vector.shape_cast %get3A_652 : vector<1x16xf32> to vector<16xf32>
        %add3A_654 = arith.addf %add3A_622, %get3A_653 : vector<16xf32>
        %add3A_655 = arith.constant 2 : i32
        %add3A_656 = arith.addi %add3A_642, %add3A_655 : i32
        %get3A_657 = arith.index_cast %add3A_656 : i32 to index
        %get3A_658 = arith.constant 0 : index
        %get3A_659 = tpu.vector_load %arg4[%get3A_657, %get3A_658] {strides = array<i32>} : memref<1023x16xf32, #tpu.memory_space<vmem>>, vector<1x16xf32>,
        %get3A_660 = vector.shape_cast %get3A_659 : vector<1x16xf32> to vector<16xf32>
        %add3A_661 = arith.addf %add3A_629, %get3A_660 : vector<16xf32>
        %add3A_662 = arith.constant 3 : i32
        %add3A_663 = arith.addi %add3A_642, %add3A_662 : i32
        %get3A_664 = arith.index_cast %add3A_663 : i32 to index
        %get3A_665 = arith.constant 0 : index
        %get3A_666 = tpu.vector_load %arg4[%get3A_664, %get3A_665] {strides = array<i32>} : memref<1023x16xf32, #tpu.memory_space<vmem>>, vector<1x16xf32>,
        %get3A_667 = vector.shape_cast %get3A_666 : vector<1x16xf32> to vector<16xf32>
        %add3A_668 = arith.addf %add3A_636, %get3A_667 : vector<16xf32>
        %scan3A_669 = arith.constant 7 : i32
        %scan3A_670 = arith.addi %scan3A_442, %scan3A_669 : i32
        %mul3A_671 = arith.constant 4 : i32
        %mul3A_672 = arith.muli %mul3A_671, %scan3A_670 : i32
        %add3A_673 = arith.constant 511 : i32
        %add3A_674 = arith.addi %add3A_673, %mul3A_672 : i32
        %get3A_675 = arith.index_cast %add3A_674 : i32 to index
        %get3A_676 = arith.constant 0 : index
        %get3A_677 = tpu.vector_load %arg4[%get3A_675, %get3A_676] {strides = array<i32>} : memref<1023x16xf32, #tpu.memory_space<vmem>>, vector<1x16xf32>,
        %get3A_678 = vector.shape_cast %get3A_677 : vector<1x16xf32> to vector<16xf32>
        %add3A_679 = arith.addf %add3A_647, %get3A_678 : vector<16xf32>
        %add3A_680 = arith.constant 1 : i32
        %add3A_681 = arith.addi %add3A_674, %add3A_680 : i32
        %get3A_682 = arith.index_cast %add3A_681 : i32 to index
        %get3A_683 = arith.constant 0 : index
        %get3A_684 = tpu.vector_load %arg4[%get3A_682, %get3A_683] {strides = array<i32>} : memref<1023x16xf32, #tpu.memory_space<vmem>>, vector<1x16xf32>,
        %get3A_685 = vector.shape_cast %get3A_684 : vector<1x16xf32> to vector<16xf32>
        %add3A_686 = arith.addf %add3A_654, %get3A_685 : vector<16xf32>
        %add3A_687 = arith.constant 2 : i32
        %add3A_688 = arith.addi %add3A_674, %add3A_687 : i32
        %get3A_689 = arith.index_cast %add3A_688 : i32 to index
        %get3A_690 = arith.constant 0 : index
        %get3A_691 = tpu.vector_load %arg4[%get3A_689, %get3A_690] {strides = array<i32>} : memref<1023x16xf32, #tpu.memory_space<vmem>>, vector<1x16xf32>,
        %get3A_692 = vector.shape_cast %get3A_691 : vector<1x16xf32> to vector<16xf32>
        %add3A_693 = arith.addf %add3A_661, %get3A_692 : vector<16xf32>
        %add3A_694 = arith.constant 3 : i32
        %add3A_695 = arith.addi %add3A_674, %add3A_694 : i32
        %get3A_696 = arith.index_cast %add3A_695 : i32 to index
        %get3A_697 = arith.constant 0 : index
        %get3A_698 = tpu.vector_load %arg4[%get3A_696, %get3A_697] {strides = array<i32>} : memref<1023x16xf32, #tpu.memory_space<vmem>>, vector<1x16xf32>,
        %get3A_699 = vector.shape_cast %get3A_698 : vector<1x16xf32> to vector<16xf32>
        %add3A_700 = arith.addf %add3A_668, %get3A_699 : vector<16xf32>
        scf.yield %add3A_679, %add3A_686, %add3A_693, %add3A_700 : vector<16xf32>, vector<16xf32>, vector<16xf32>, vector<16xf32>
      }
      %scan3A_40 = arith.constant 128 : i32
      %add3A_41 = arith.addf %scan3A_39#0, %scan3A_39#1 : vector<16xf32>
      %add3A_42 = arith.addf %scan3A_39#2, %scan3A_39#3 : vector<16xf32>
      %add3A_43 = arith.addf %add3A_41, %add3A_42 : vector<16xf32>
      %mul3A_44 = arith.constant 0.001953125 : f32
      %mul3A_45 = vector.broadcast %mul3A_44 : f32 to vector<16xf32>
      %mul3A_46 = arith.mulf %add3A_43, %mul3A_45 : vector<16xf32>
      %swap3A = arith.constant 0 : i32
      %swap3A_47 = arith.index_cast %swap3A : i32 to index
      %swap3A_48 = arith.constant 0 : index
      %swap3A_49 = tpu.vector_load %arg6[%swap3A_47, %swap3A_48] {strides = array<i32>} : memref<512x16xf32, #tpu.memory_space<vmem>>, vector<1x16xf32>,
      %swap3A_50 = vector.shape_cast %swap3A_49 : vector<1x16xf32> to vector<16xf32>
      %swap3A_51 = vector.shape_cast %mul3A_46 : vector<16xf32> to vector<1x16xf32>
      tpu.vector_store %arg6[%swap3A_47, %swap3A_48], %swap3A_51 {strides = array<i32>} : memref<512x16xf32, #tpu.memory_space<vmem>>, vector<1x16xf32>,
      %scan3A_52 = arith.constant 0 : i32
      %scan3A_53 = arith.constant 124 : i32
      %scan3A_54 = arith.addi %scan3A_52, %scan3A_53 : i32
      %scan3A_55 = arith.constant 4 : i32
      %scan3A_56 = scf.for %scan3A_442 = %scan3A_52 to %scan3A_54 step %scan3A_55 iter_args(%scan3A_443 = %add3A_43) -> (vector<16xf32>)  : i32 {
        %mul3A_444 = arith.constant 4 : i32
        %mul3A_445 = arith.muli %mul3A_444, %scan3A_442 : i32
        %sub3A_446 = arith.constant 510 : i32
        %sub3A_447 = arith.subi %sub3A_446, %mul3A_445 : i32
        %get3A_448 = arith.index_cast %sub3A_447 : i32 to index
        %get3A_449 = arith.constant 0 : index
        %get3A_450 = tpu.vector_load %arg4[%get3A_448, %get3A_449] {strides = array<i32>} : memref<1023x16xf32, #tpu.memory_space<vmem>>, vector<1x16xf32>,
        %get3A_451 = vector.shape_cast %get3A_450 : vector<1x16xf32> to vector<16xf32>
        %sub3A_452 = arith.constant 1022 : i32
        %sub3A_453 = arith.subi %sub3A_452, %mul3A_445 : i32
        %get3A_454 = arith.index_cast %sub3A_453 : i32 to index
        %get3A_455 = arith.constant 0 : index
        %get3A_456 = tpu.vector_load %arg4[%get3A_454, %get3A_455] {strides = array<i32>} : memref<1023x16xf32, #tpu.memory_space<vmem>>, vector<1x16xf32>,
        %get3A_457 = vector.shape_cast %get3A_456 : vector<1x16xf32> to vector<16xf32>
        %sub3A_458 = arith.subf %get3A_451, %get3A_457 : vector<16xf32>
        %sub3A_459 = arith.constant 509 : i32
        %sub3A_460 = arith.subi %sub3A_459, %mul3A_445 : i32
        %get3A_461 = arith.index_cast %sub3A_460 : i32 to index
        %get3A_462 = arith.constant 0 : index
        %get3A_463 = tpu.vector_load %arg4[%get3A_461, %get3A_462] {strides = array<i32>} : memref<1023x16xf32, #tpu.memory_space<vmem>>, vector<1x16xf32>,
        %get3A_464 = vector.shape_cast %get3A_463 : vector<1x16xf32> to vector<16xf32>
        %sub3A_465 = arith.constant 1021 : i32
        %sub3A_466 = arith.subi %sub3A_465, %mul3A_445 : i32
        %get3A_467 = arith.index_cast %sub3A_466 : i32 to index
        %get3A_468 = arith.constant 0 : index
        %get3A_469 = tpu.vector_load %arg4[%get3A_467, %get3A_468] {strides = array<i32>} : memref<1023x16xf32, #tpu.memory_space<vmem>>, vector<1x16xf32>,
        %get3A_470 = vector.shape_cast %get3A_469 : vector<1x16xf32> to vector<16xf32>
        %sub3A_471 = arith.subf %get3A_464, %get3A_470 : vector<16xf32>
        %sub3A_472 = arith.constant 508 : i32
        %sub3A_473 = arith.subi %sub3A_472, %mul3A_445 : i32
        %get3A_474 = arith.index_cast %sub3A_473 : i32 to index
        %get3A_475 = arith.constant 0 : index
        %get3A_476 = tpu.vector_load %arg4[%get3A_474, %get3A_475] {strides = array<i32>} : memref<1023x16xf32, #tpu.memory_space<vmem>>, vector<1x16xf32>,
        %get3A_477 = vector.shape_cast %get3A_476 : vector<1x16xf32> to vector<16xf32>
        %sub3A_478 = arith.constant 1020 : i32
        %sub3A_479 = arith.subi %sub3A_478, %mul3A_445 : i32
        %get3A_480 = arith.index_cast %sub3A_479 : i32 to index
        %get3A_481 = arith.constant 0 : index
        %get3A_482 = tpu.vector_load %arg4[%get3A_480, %get3A_481] {strides = array<i32>} : memref<1023x16xf32, #tpu.memory_space<vmem>>, vector<1x16xf32>,
        %get3A_483 = vector.shape_cast %get3A_482 : vector<1x16xf32> to vector<16xf32>
        %sub3A_484 = arith.subf %get3A_477, %get3A_483 : vector<16xf32>
        %sub3A_485 = arith.constant 507 : i32
        %sub3A_486 = arith.subi %sub3A_485, %mul3A_445 : i32
        %get3A_487 = arith.index_cast %sub3A_486 : i32 to index
        %get3A_488 = arith.constant 0 : index
        %get3A_489 = tpu.vector_load %arg4[%get3A_487, %get3A_488] {strides = array<i32>} : memref<1023x16xf32, #tpu.memory_space<vmem>>, vector<1x16xf32>,
        %get3A_490 = vector.shape_cast %get3A_489 : vector<1x16xf32> to vector<16xf32>
        %sub3A_491 = arith.constant 1019 : i32
        %sub3A_492 = arith.subi %sub3A_491, %mul3A_445 : i32
        %get3A_493 = arith.index_cast %sub3A_492 : i32 to index
        %get3A_494 = arith.constant 0 : index
        %get3A_495 = tpu.vector_load %arg4[%get3A_493, %get3A_494] {strides = array<i32>} : memref<1023x16xf32, #tpu.memory_space<vmem>>, vector<1x16xf32>,
        %get3A_496 = vector.shape_cast %get3A_495 : vector<1x16xf32> to vector<16xf32>
        %sub3A_497 = arith.subf %get3A_490, %get3A_496 : vector<16xf32>
        %add3A_498 = arith.addf %sub3A_458, %sub3A_471 : vector<16xf32>
        %add3A_499 = arith.addf %sub3A_484, %sub3A_497 : vector<16xf32>
        %add3A_500 = arith.addf %scan3A_443, %sub3A_458 : vector<16xf32>
        %add3A_501 = arith.addf %scan3A_443, %add3A_498 : vector<16xf32>
        %add3A_502 = arith.addf %add3A_501, %sub3A_484 : vector<16xf32>
        %add3A_503 = arith.addf %add3A_498, %add3A_499 : vector<16xf32>
        %add3A_504 = arith.addf %scan3A_443, %add3A_503 : vector<16xf32>
        %mul3A_505 = arith.constant 0.001953125 : f32
        %mul3A_506 = vector.broadcast %mul3A_505 : f32 to vector<16xf32>
        %mul3A_507 = arith.mulf %add3A_500, %mul3A_506 : vector<16xf32>
        %add3A_508 = arith.constant 1 : i32
        %add3A_509 = arith.addi %mul3A_445, %add3A_508 : i32
        %swap3A_510 = arith.index_cast %add3A_509 : i32 to index
        %swap3A_511 = arith.constant 0 : index
        %swap3A_512 = tpu.vector_load %arg6[%swap3A_510, %swap3A_511] {strides = array<i32>} : memref<512x16xf32, #tpu.memory_space<vmem>>, vector<1x16xf32>,
        %swap3A_513 = vector.shape_cast %swap3A_512 : vector<1x16xf32> to vector<16xf32>
        %swap3A_514 = vector.shape_cast %mul3A_507 : vector<16xf32> to vector<1x16xf32>
        tpu.vector_store %arg6[%swap3A_510, %swap3A_511], %swap3A_514 {strides = array<i32>} : memref<512x16xf32, #tpu.memory_space<vmem>>, vector<1x16xf32>,
        %mul3A_515 = arith.constant 0.001953125 : f32
        %mul3A_516 = vector.broadcast %mul3A_515 : f32 to vector<16xf32>
        %mul3A_517 = arith.mulf %add3A_501, %mul3A_516 : vector<16xf32>
        %add3A_518 = arith.constant 2 : i32
        %add3A_519 = arith.addi %mul3A_445, %add3A_518 : i32
        %swap3A_520 = arith.index_cast %add3A_519 : i32 to index
        %swap3A_521 = arith.constant 0 : index
        %swap3A_522 = tpu.vector_load %arg6[%swap3A_520, %swap3A_521] {strides = array<i32>} : memref<512x16xf32, #tpu.memory_space<vmem>>, vector<1x16xf32>,
        %swap3A_523 = vector.shape_cast %swap3A_522 : vector<1x16xf32> to vector<16xf32>
        %swap3A_524 = vector.shape_cast %mul3A_517 : vector<16xf32> to vector<1x16xf32>
        tpu.vector_store %arg6[%swap3A_520, %swap3A_521], %swap3A_524 {strides = array<i32>} : memref<512x16xf32, #tpu.memory_space<vmem>>, vector<1x16xf32>,
        %mul3A_525 = arith.constant 0.001953125 : f32
        %mul3A_526 = vector.broadcast %mul3A_525 : f32 to vector<16xf32>
        %mul3A_527 = arith.mulf %add3A_502, %mul3A_526 : vector<16xf32>
        %add3A_528 = arith.constant 3 : i32
        %add3A_529 = arith.addi %mul3A_445, %add3A_528 : i32
        %swap3A_530 = arith.index_cast %add3A_529 : i32 to index
        %swap3A_531 = arith.constant 0 : index
        %swap3A_532 = tpu.vector_load %arg6[%swap3A_530, %swap3A_531] {strides = array<i32>} : memref<512x16xf32, #tpu.memory_space<vmem>>, vector<1x16xf32>,
        %swap3A_533 = vector.shape_cast %swap3A_532 : vector<1x16xf32> to vector<16xf32>
        %swap3A_534 = vector.shape_cast %mul3A_527 : vector<16xf32> to vector<1x16xf32>
        tpu.vector_store %arg6[%swap3A_530, %swap3A_531], %swap3A_534 {strides = array<i32>} : memref<512x16xf32, #tpu.memory_space<vmem>>, vector<1x16xf32>,
        %mul3A_535 = arith.constant 0.001953125 : f32
        %mul3A_536 = vector.broadcast %mul3A_535 : f32 to vector<16xf32>
        %mul3A_537 = arith.mulf %add3A_504, %mul3A_536 : vector<16xf32>
        %add3A_538 = arith.constant 4 : i32
        %add3A_539 = arith.addi %mul3A_445, %add3A_538 : i32
        %swap3A_540 = arith.index_cast %add3A_539 : i32 to index
        %swap3A_541 = arith.constant 0 : index
        %swap3A_542 = tpu.vector_load %arg6[%swap3A_540, %swap3A_541] {strides = array<i32>} : memref<512x16xf32, #tpu.memory_space<vmem>>, vector<1x16xf32>,
        %swap3A_543 = vector.shape_cast %swap3A_542 : vector<1x16xf32> to vector<16xf32>
        %swap3A_544 = vector.shape_cast %mul3A_537 : vector<16xf32> to vector<1x16xf32>
        tpu.vector_store %arg6[%swap3A_540, %swap3A_541], %swap3A_544 {strides = array<i32>} : memref<512x16xf32, #tpu.memory_space<vmem>>, vector<1x16xf32>,
        %scan3A_545 = arith.constant 1 : i32
        %scan3A_546 = arith.addi %scan3A_442, %scan3A_545 : i32
        %mul3A_547 = arith.constant 4 : i32
        %mul3A_548 = arith.muli %mul3A_547, %scan3A_546 : i32
        %sub3A_549 = arith.constant 510 : i32
        %sub3A_550 = arith.subi %sub3A_549, %mul3A_548 : i32
        %get3A_551 = arith.index_cast %sub3A_550 : i32 to index
        %get3A_552 = arith.constant 0 : index
        %get3A_553 = tpu.vector_load %arg4[%get3A_551, %get3A_552] {strides = array<i32>} : memref<1023x16xf32, #tpu.memory_space<vmem>>, vector<1x16xf32>,
        %get3A_554 = vector.shape_cast %get3A_553 : vector<1x16xf32> to vector<16xf32>
        %sub3A_555 = arith.constant 1022 : i32
        %sub3A_556 = arith.subi %sub3A_555, %mul3A_548 : i32
        %get3A_557 = arith.index_cast %sub3A_556 : i32 to index
        %get3A_558 = arith.constant 0 : index
        %get3A_559 = tpu.vector_load %arg4[%get3A_557, %get3A_558] {strides = array<i32>} : memref<1023x16xf32, #tpu.memory_space<vmem>>, vector<1x16xf32>,
        %get3A_560 = vector.shape_cast %get3A_559 : vector<1x16xf32> to vector<16xf32>
        %sub3A_561 = arith.subf %get3A_554, %get3A_560 : vector<16xf32>
        %sub3A_562 = arith.constant 509 : i32
        %sub3A_563 = arith.subi %sub3A_562, %mul3A_548 : i32
        %get3A_564 = arith.index_cast %sub3A_563 : i32 to index
        %get3A_565 = arith.constant 0 : index
        %get3A_566 = tpu.vector_load %arg4[%get3A_564, %get3A_565] {strides = array<i32>} : memref<1023x16xf32, #tpu.memory_space<vmem>>, vector<1x16xf32>,
        %get3A_567 = vector.shape_cast %get3A_566 : vector<1x16xf32> to vector<16xf32>
        %sub3A_568 = arith.constant 1021 : i32
        %sub3A_569 = arith.subi %sub3A_568, %mul3A_548 : i32
        %get3A_570 = arith.index_cast %sub3A_569 : i32 to index
        %get3A_571 = arith.constant 0 : index
        %get3A_572 = tpu.vector_load %arg4[%get3A_570, %get3A_571] {strides = array<i32>} : memref<1023x16xf32, #tpu.memory_space<vmem>>, vector<1x16xf32>,
        %get3A_573 = vector.shape_cast %get3A_572 : vector<1x16xf32> to vector<16xf32>
        %sub3A_574 = arith.subf %get3A_567, %get3A_573 : vector<16xf32>
        %sub3A_575 = arith.constant 508 : i32
        %sub3A_576 = arith.subi %sub3A_575, %mul3A_548 : i32
        %get3A_577 = arith.index_cast %sub3A_576 : i32 to index
        %get3A_578 = arith.constant 0 : index
        %get3A_579 = tpu.vector_load %arg4[%get3A_577, %get3A_578] {strides = array<i32>} : memref<1023x16xf32, #tpu.memory_space<vmem>>, vector<1x16xf32>,
        %get3A_580 = vector.shape_cast %get3A_579 : vector<1x16xf32> to vector<16xf32>
        %sub3A_581 = arith.constant 1020 : i32
        %sub3A_582 = arith.subi %sub3A_581, %mul3A_548 : i32
        %get3A_583 = arith.index_cast %sub3A_582 : i32 to index
        %get3A_584 = arith.constant 0 : index
        %get3A_585 = tpu.vector_load %arg4[%get3A_583, %get3A_584] {strides = array<i32>} : memref<1023x16xf32, #tpu.memory_space<vmem>>, vector<1x16xf32>,
        %get3A_586 = vector.shape_cast %get3A_585 : vector<1x16xf32> to vector<16xf32>
        %sub3A_587 = arith.subf %get3A_580, %get3A_586 : vector<16xf32>
        %sub3A_588 = arith.constant 507 : i32
        %sub3A_589 = arith.subi %sub3A_588, %mul3A_548 : i32
        %get3A_590 = arith.index_cast %sub3A_589 : i32 to index
        %get3A_591 = arith.constant 0 : index
        %get3A_592 = tpu.vector_load %arg4[%get3A_590, %get3A_591] {strides = array<i32>} : memref<1023x16xf32, #tpu.memory_space<vmem>>, vector<1x16xf32>,
        %get3A_593 = vector.shape_cast %get3A_592 : vector<1x16xf32> to vector<16xf32>
        %sub3A_594 = arith.constant 1019 : i32
        %sub3A_595 = arith.subi %sub3A_594, %mul3A_548 : i32
        %get3A_596 = arith.index_cast %sub3A_595 : i32 to index
        %get3A_597 = arith.constant 0 : index
        %get3A_598 = tpu.vector_load %arg4[%get3A_596, %get3A_597] {strides = array<i32>} : memref<1023x16xf32, #tpu.memory_space<vmem>>, vector<1x16xf32>,
        %get3A_599 = vector.shape_cast %get3A_598 : vector<1x16xf32> to vector<16xf32>
        %sub3A_600 = arith.subf %get3A_593, %get3A_599 : vector<16xf32>
        %add3A_601 = arith.addf %sub3A_561, %sub3A_574 : vector<16xf32>
        %add3A_602 = arith.addf %sub3A_587, %sub3A_600 : vector<16xf32>
        %add3A_603 = arith.addf %add3A_504, %sub3A_561 : vector<16xf32>
        %add3A_604 = arith.addf %add3A_504, %add3A_601 : vector<16xf32>
        %add3A_605 = arith.addf %add3A_604, %sub3A_587 : vector<16xf32>
        %add3A_606 = arith.addf %add3A_601, %add3A_602 : vector<16xf32>
        %add3A_607 = arith.addf %add3A_504, %add3A_606 : vector<16xf32>
        %mul3A_608 = arith.constant 0.001953125 : f32
        %mul3A_609 = vector.broadcast %mul3A_608 : f32 to vector<16xf32>
        %mul3A_610 = arith.mulf %add3A_603, %mul3A_609 : vector<16xf32>
        %add3A_611 = arith.constant 1 : i32
        %add3A_612 = arith.addi %mul3A_548, %add3A_611 : i32
        %swap3A_613 = arith.index_cast %add3A_612 : i32 to index
        %swap3A_614 = arith.constant 0 : index
        %swap3A_615 = tpu.vector_load %arg6[%swap3A_613, %swap3A_614] {strides = array<i32>} : memref<512x16xf32, #tpu.memory_space<vmem>>, vector<1x16xf32>,
        %swap3A_616 = vector.shape_cast %swap3A_615 : vector<1x16xf32> to vector<16xf32>
        %swap3A_617 = vector.shape_cast %mul3A_610 : vector<16xf32> to vector<1x16xf32>
        tpu.vector_store %arg6[%swap3A_613, %swap3A_614], %swap3A_617 {strides = array<i32>} : memref<512x16xf32, #tpu.memory_space<vmem>>, vector<1x16xf32>,
        %mul3A_618 = arith.constant 0.001953125 : f32
        %mul3A_619 = vector.broadcast %mul3A_618 : f32 to vector<16xf32>
        %mul3A_620 = arith.mulf %add3A_604, %mul3A_619 : vector<16xf32>
        %add3A_621 = arith.constant 2 : i32
        %add3A_622 = arith.addi %mul3A_548, %add3A_621 : i32
        %swap3A_623 = arith.index_cast %add3A_622 : i32 to index
        %swap3A_624 = arith.constant 0 : index
        %swap3A_625 = tpu.vector_load %arg6[%swap3A_623, %swap3A_624] {strides = array<i32>} : memref<512x16xf32, #tpu.memory_space<vmem>>, vector<1x16xf32>,
        %swap3A_626 = vector.shape_cast %swap3A_625 : vector<1x16xf32> to vector<16xf32>
        %swap3A_627 = vector.shape_cast %mul3A_620 : vector<16xf32> to vector<1x16xf32>
        tpu.vector_store %arg6[%swap3A_623, %swap3A_624], %swap3A_627 {strides = array<i32>} : memref<512x16xf32, #tpu.memory_space<vmem>>, vector<1x16xf32>,
        %mul3A_628 = arith.constant 0.001953125 : f32
        %mul3A_629 = vector.broadcast %mul3A_628 : f32 to vector<16xf32>
        %mul3A_630 = arith.mulf %add3A_605, %mul3A_629 : vector<16xf32>
        %add3A_631 = arith.constant 3 : i32
        %add3A_632 = arith.addi %mul3A_548, %add3A_631 : i32
        %swap3A_633 = arith.index_cast %add3A_632 : i32 to index
        %swap3A_634 = arith.constant 0 : index
        %swap3A_635 = tpu.vector_load %arg6[%swap3A_633, %swap3A_634] {strides = array<i32>} : memref<512x16xf32, #tpu.memory_space<vmem>>, vector<1x16xf32>,
        %swap3A_636 = vector.shape_cast %swap3A_635 : vector<1x16xf32> to vector<16xf32>
        %swap3A_637 = vector.shape_cast %mul3A_630 : vector<16xf32> to vector<1x16xf32>
        tpu.vector_store %arg6[%swap3A_633, %swap3A_634], %swap3A_637 {strides = array<i32>} : memref<512x16xf32, #tpu.memory_space<vmem>>, vector<1x16xf32>,
        %mul3A_638 = arith.constant 0.001953125 : f32
        %mul3A_639 = vector.broadcast %mul3A_638 : f32 to vector<16xf32>
        %mul3A_640 = arith.mulf %add3A_607, %mul3A_639 : vector<16xf32>
        %add3A_641 = arith.constant 4 : i32
        %add3A_642 = arith.addi %mul3A_548, %add3A_641 : i32
        %swap3A_643 = arith.index_cast %add3A_642 : i32 to index
        %swap3A_644 = arith.constant 0 : index
        %swap3A_645 = tpu.vector_load %arg6[%swap3A_643, %swap3A_644] {strides = array<i32>} : memref<512x16xf32, #tpu.memory_space<vmem>>, vector<1x16xf32>,
        %swap3A_646 = vector.shape_cast %swap3A_645 : vector<1x16xf32> to vector<16xf32>
        %swap3A_647 = vector.shape_cast %mul3A_640 : vector<16xf32> to vector<1x16xf32>
        tpu.vector_store %arg6[%swap3A_643, %swap3A_644], %swap3A_647 {strides = array<i32>} : memref<512x16xf32, #tpu.memory_space<vmem>>, vector<1x16xf32>,
        %scan3A_648 = arith.constant 2 : i32
        %scan3A_649 = arith.addi %scan3A_442, %scan3A_648 : i32
        %mul3A_650 = arith.constant 4 : i32
        %mul3A_651 = arith.muli %mul3A_650, %scan3A_649 : i32
        %sub3A_652 = arith.constant 510 : i32
        %sub3A_653 = arith.subi %sub3A_652, %mul3A_651 : i32
        %get3A_654 = arith.index_cast %sub3A_653 : i32 to index
        %get3A_655 = arith.constant 0 : index
        %get3A_656 = tpu.vector_load %arg4[%get3A_654, %get3A_655] {strides = array<i32>} : memref<1023x16xf32, #tpu.memory_space<vmem>>, vector<1x16xf32>,
        %get3A_657 = vector.shape_cast %get3A_656 : vector<1x16xf32> to vector<16xf32>
        %sub3A_658 = arith.constant 1022 : i32
        %sub3A_659 = arith.subi %sub3A_658, %mul3A_651 : i32
        %get3A_660 = arith.index_cast %sub3A_659 : i32 to index
        %get3A_661 = arith.constant 0 : index
        %get3A_662 = tpu.vector_load %arg4[%get3A_660, %get3A_661] {strides = array<i32>} : memref<1023x16xf32, #tpu.memory_space<vmem>>, vector<1x16xf32>,
        %get3A_663 = vector.shape_cast %get3A_662 : vector<1x16xf32> to vector<16xf32>
        %sub3A_664 = arith.subf %get3A_657, %get3A_663 : vector<16xf32>
        %sub3A_665 = arith.constant 509 : i32
        %sub3A_666 = arith.subi %sub3A_665, %mul3A_651 : i32
        %get3A_667 = arith.index_cast %sub3A_666 : i32 to index
        %get3A_668 = arith.constant 0 : index
        %get3A_669 = tpu.vector_load %arg4[%get3A_667, %get3A_668] {strides = array<i32>} : memref<1023x16xf32, #tpu.memory_space<vmem>>, vector<1x16xf32>,
        %get3A_670 = vector.shape_cast %get3A_669 : vector<1x16xf32> to vector<16xf32>
        %sub3A_671 = arith.constant 1021 : i32
        %sub3A_672 = arith.subi %sub3A_671, %mul3A_651 : i32
        %get3A_673 = arith.index_cast %sub3A_672 : i32 to index
        %get3A_674 = arith.constant 0 : index
        %get3A_675 = tpu.vector_load %arg4[%get3A_673, %get3A_674] {strides = array<i32>} : memref<1023x16xf32, #tpu.memory_space<vmem>>, vector<1x16xf32>,
        %get3A_676 = vector.shape_cast %get3A_675 : vector<1x16xf32> to vector<16xf32>
        %sub3A_677 = arith.subf %get3A_670, %get3A_676 : vector<16xf32>
        %sub3A_678 = arith.constant 508 : i32
        %sub3A_679 = arith.subi %sub3A_678, %mul3A_651 : i32
        %get3A_680 = arith.index_cast %sub3A_679 : i32 to index
        %get3A_681 = arith.constant 0 : index
        %get3A_682 = tpu.vector_load %arg4[%get3A_680, %get3A_681] {strides = array<i32>} : memref<1023x16xf32, #tpu.memory_space<vmem>>, vector<1x16xf32>,
        %get3A_683 = vector.shape_cast %get3A_682 : vector<1x16xf32> to vector<16xf32>
        %sub3A_684 = arith.constant 1020 : i32
        %sub3A_685 = arith.subi %sub3A_684, %mul3A_651 : i32
        %get3A_686 = arith.index_cast %sub3A_685 : i32 to index
        %get3A_687 = arith.constant 0 : index
        %get3A_688 = tpu.vector_load %arg4[%get3A_686, %get3A_687] {strides = array<i32>} : memref<1023x16xf32, #tpu.memory_space<vmem>>, vector<1x16xf32>,
        %get3A_689 = vector.shape_cast %get3A_688 : vector<1x16xf32> to vector<16xf32>
        %sub3A_690 = arith.subf %get3A_683, %get3A_689 : vector<16xf32>
        %sub3A_691 = arith.constant 507 : i32
        %sub3A_692 = arith.subi %sub3A_691, %mul3A_651 : i32
        %get3A_693 = arith.index_cast %sub3A_692 : i32 to index
        %get3A_694 = arith.constant 0 : index
        %get3A_695 = tpu.vector_load %arg4[%get3A_693, %get3A_694] {strides = array<i32>} : memref<1023x16xf32, #tpu.memory_space<vmem>>, vector<1x16xf32>,
        %get3A_696 = vector.shape_cast %get3A_695 : vector<1x16xf32> to vector<16xf32>
        %sub3A_697 = arith.constant 1019 : i32
        %sub3A_698 = arith.subi %sub3A_697, %mul3A_651 : i32
        %get3A_699 = arith.index_cast %sub3A_698 : i32 to index
        %get3A_700 = arith.constant 0 : index
        %get3A_701 = tpu.vector_load %arg4[%get3A_699, %get3A_700] {strides = array<i32>} : memref<1023x16xf32, #tpu.memory_space<vmem>>, vector<1x16xf32>,
        %get3A_702 = vector.shape_cast %get3A_701 : vector<1x16xf32> to vector<16xf32>
        %sub3A_703 = arith.subf %get3A_696, %get3A_702 : vector<16xf32>
        %add3A_704 = arith.addf %sub3A_664, %sub3A_677 : vector<16xf32>
        %add3A_705 = arith.addf %sub3A_690, %sub3A_703 : vector<16xf32>
        %add3A_706 = arith.addf %add3A_607, %sub3A_664 : vector<16xf32>
        %add3A_707 = arith.addf %add3A_607, %add3A_704 : vector<16xf32>
        %add3A_708 = arith.addf %add3A_707, %sub3A_690 : vector<16xf32>
        %add3A_709 = arith.addf %add3A_704, %add3A_705 : vector<16xf32>
        %add3A_710 = arith.addf %add3A_607, %add3A_709 : vector<16xf32>
        %mul3A_711 = arith.constant 0.001953125 : f32
        %mul3A_712 = vector.broadcast %mul3A_711 : f32 to vector<16xf32>
        %mul3A_713 = arith.mulf %add3A_706, %mul3A_712 : vector<16xf32>
        %add3A_714 = arith.constant 1 : i32
        %add3A_715 = arith.addi %mul3A_651, %add3A_714 : i32
        %swap3A_716 = arith.index_cast %add3A_715 : i32 to index
        %swap3A_717 = arith.constant 0 : index
        %swap3A_718 = tpu.vector_load %arg6[%swap3A_716, %swap3A_717] {strides = array<i32>} : memref<512x16xf32, #tpu.memory_space<vmem>>, vector<1x16xf32>,
        %swap3A_719 = vector.shape_cast %swap3A_718 : vector<1x16xf32> to vector<16xf32>
        %swap3A_720 = vector.shape_cast %mul3A_713 : vector<16xf32> to vector<1x16xf32>
        tpu.vector_store %arg6[%swap3A_716, %swap3A_717], %swap3A_720 {strides = array<i32>} : memref<512x16xf32, #tpu.memory_space<vmem>>, vector<1x16xf32>,
        %mul3A_721 = arith.constant 0.001953125 : f32
        %mul3A_722 = vector.broadcast %mul3A_721 : f32 to vector<16xf32>
        %mul3A_723 = arith.mulf %add3A_707, %mul3A_722 : vector<16xf32>
        %add3A_724 = arith.constant 2 : i32
        %add3A_725 = arith.addi %mul3A_651, %add3A_724 : i32
        %swap3A_726 = arith.index_cast %add3A_725 : i32 to index
        %swap3A_727 = arith.constant 0 : index
        %swap3A_728 = tpu.vector_load %arg6[%swap3A_726, %swap3A_727] {strides = array<i32>} : memref<512x16xf32, #tpu.memory_space<vmem>>, vector<1x16xf32>,
        %swap3A_729 = vector.shape_cast %swap3A_728 : vector<1x16xf32> to vector<16xf32>
        %swap3A_730 = vector.shape_cast %mul3A_723 : vector<16xf32> to vector<1x16xf32>
        tpu.vector_store %arg6[%swap3A_726, %swap3A_727], %swap3A_730 {strides = array<i32>} : memref<512x16xf32, #tpu.memory_space<vmem>>, vector<1x16xf32>,
        %mul3A_731 = arith.constant 0.001953125 : f32
        %mul3A_732 = vector.broadcast %mul3A_731 : f32 to vector<16xf32>
        %mul3A_733 = arith.mulf %add3A_708, %mul3A_732 : vector<16xf32>
        %add3A_734 = arith.constant 3 : i32
        %add3A_735 = arith.addi %mul3A_651, %add3A_734 : i32
        %swap3A_736 = arith.index_cast %add3A_735 : i32 to index
        %swap3A_737 = arith.constant 0 : index
        %swap3A_738 = tpu.vector_load %arg6[%swap3A_736, %swap3A_737] {strides = array<i32>} : memref<512x16xf32, #tpu.memory_space<vmem>>, vector<1x16xf32>,
        %swap3A_739 = vector.shape_cast %swap3A_738 : vector<1x16xf32> to vector<16xf32>
        %swap3A_740 = vector.shape_cast %mul3A_733 : vector<16xf32> to vector<1x16xf32>
        tpu.vector_store %arg6[%swap3A_736, %swap3A_737], %swap3A_740 {strides = array<i32>} : memref<512x16xf32, #tpu.memory_space<vmem>>, vector<1x16xf32>,
        %mul3A_741 = arith.constant 0.001953125 : f32
        %mul3A_742 = vector.broadcast %mul3A_741 : f32 to vector<16xf32>
        %mul3A_743 = arith.mulf %add3A_710, %mul3A_742 : vector<16xf32>
        %add3A_744 = arith.constant 4 : i32
        %add3A_745 = arith.addi %mul3A_651, %add3A_744 : i32
        %swap3A_746 = arith.index_cast %add3A_745 : i32 to index
        %swap3A_747 = arith.constant 0 : index
        %swap3A_748 = tpu.vector_load %arg6[%swap3A_746, %swap3A_747] {strides = array<i32>} : memref<512x16xf32, #tpu.memory_space<vmem>>, vector<1x16xf32>,
        %swap3A_749 = vector.shape_cast %swap3A_748 : vector<1x16xf32> to vector<16xf32>
        %swap3A_750 = vector.shape_cast %mul3A_743 : vector<16xf32> to vector<1x16xf32>
        tpu.vector_store %arg6[%swap3A_746, %swap3A_747], %swap3A_750 {strides = array<i32>} : memref<512x16xf32, #tpu.memory_space<vmem>>, vector<1x16xf32>,
        %scan3A_751 = arith.constant 3 : i32
        %scan3A_752 = arith.addi %scan3A_442, %scan3A_751 : i32
        %mul3A_753 = arith.constant 4 : i32
        %mul3A_754 = arith.muli %mul3A_753, %scan3A_752 : i32
        %sub3A_755 = arith.constant 510 : i32
        %sub3A_756 = arith.subi %sub3A_755, %mul3A_754 : i32
        %get3A_757 = arith.index_cast %sub3A_756 : i32 to index
        %get3A_758 = arith.constant 0 : index
        %get3A_759 = tpu.vector_load %arg4[%get3A_757, %get3A_758] {strides = array<i32>} : memref<1023x16xf32, #tpu.memory_space<vmem>>, vector<1x16xf32>,
        %get3A_760 = vector.shape_cast %get3A_759 : vector<1x16xf32> to vector<16xf32>
        %sub3A_761 = arith.constant 1022 : i32
        %sub3A_762 = arith.subi %sub3A_761, %mul3A_754 : i32
        %get3A_763 = arith.index_cast %sub3A_762 : i32 to index
        %get3A_764 = arith.constant 0 : index
        %get3A_765 = tpu.vector_load %arg4[%get3A_763, %get3A_764] {strides = array<i32>} : memref<1023x16xf32, #tpu.memory_space<vmem>>, vector<1x16xf32>,
        %get3A_766 = vector.shape_cast %get3A_765 : vector<1x16xf32> to vector<16xf32>
        %sub3A_767 = arith.subf %get3A_760, %get3A_766 : vector<16xf32>
        %sub3A_768 = arith.constant 509 : i32
        %sub3A_769 = arith.subi %sub3A_768, %mul3A_754 : i32
        %get3A_770 = arith.index_cast %sub3A_769 : i32 to index
        %get3A_771 = arith.constant 0 : index
        %get3A_772 = tpu.vector_load %arg4[%get3A_770, %get3A_771] {strides = array<i32>} : memref<1023x16xf32, #tpu.memory_space<vmem>>, vector<1x16xf32>,
        %get3A_773 = vector.shape_cast %get3A_772 : vector<1x16xf32> to vector<16xf32>
        %sub3A_774 = arith.constant 1021 : i32
        %sub3A_775 = arith.subi %sub3A_774, %mul3A_754 : i32
        %get3A_776 = arith.index_cast %sub3A_775 : i32 to index
        %get3A_777 = arith.constant 0 : index
        %get3A_778 = tpu.vector_load %arg4[%get3A_776, %get3A_777] {strides = array<i32>} : memref<1023x16xf32, #tpu.memory_space<vmem>>, vector<1x16xf32>,
        %get3A_779 = vector.shape_cast %get3A_778 : vector<1x16xf32> to vector<16xf32>
        %sub3A_780 = arith.subf %get3A_773, %get3A_779 : vector<16xf32>
        %sub3A_781 = arith.constant 508 : i32
        %sub3A_782 = arith.subi %sub3A_781, %mul3A_754 : i32
        %get3A_783 = arith.index_cast %sub3A_782 : i32 to index
        %get3A_784 = arith.constant 0 : index
        %get3A_785 = tpu.vector_load %arg4[%get3A_783, %get3A_784] {strides = array<i32>} : memref<1023x16xf32, #tpu.memory_space<vmem>>, vector<1x16xf32>,
        %get3A_786 = vector.shape_cast %get3A_785 : vector<1x16xf32> to vector<16xf32>
        %sub3A_787 = arith.constant 1020 : i32
        %sub3A_788 = arith.subi %sub3A_787, %mul3A_754 : i32
        %get3A_789 = arith.index_cast %sub3A_788 : i32 to index
        %get3A_790 = arith.constant 0 : index
        %get3A_791 = tpu.vector_load %arg4[%get3A_789, %get3A_790] {strides = array<i32>} : memref<1023x16xf32, #tpu.memory_space<vmem>>, vector<1x16xf32>,
        %get3A_792 = vector.shape_cast %get3A_791 : vector<1x16xf32> to vector<16xf32>
        %sub3A_793 = arith.subf %get3A_786, %get3A_792 : vector<16xf32>
        %sub3A_794 = arith.constant 507 : i32
        %sub3A_795 = arith.subi %sub3A_794, %mul3A_754 : i32
        %get3A_796 = arith.index_cast %sub3A_795 : i32 to index
        %get3A_797 = arith.constant 0 : index
        %get3A_798 = tpu.vector_load %arg4[%get3A_796, %get3A_797] {strides = array<i32>} : memref<1023x16xf32, #tpu.memory_space<vmem>>, vector<1x16xf32>,
        %get3A_799 = vector.shape_cast %get3A_798 : vector<1x16xf32> to vector<16xf32>
        %sub3A_800 = arith.constant 1019 : i32
        %sub3A_801 = arith.subi %sub3A_800, %mul3A_754 : i32
        %get3A_802 = arith.index_cast %sub3A_801 : i32 to index
        %get3A_803 = arith.constant 0 : index
        %get3A_804 = tpu.vector_load %arg4[%get3A_802, %get3A_803] {strides = array<i32>} : memref<1023x16xf32, #tpu.memory_space<vmem>>, vector<1x16xf32>,
        %get3A_805 = vector.shape_cast %get3A_804 : vector<1x16xf32> to vector<16xf32>
        %sub3A_806 = arith.subf %get3A_799, %get3A_805 : vector<16xf32>
        %add3A_807 = arith.addf %sub3A_767, %sub3A_780 : vector<16xf32>
        %add3A_808 = arith.addf %sub3A_793, %sub3A_806 : vector<16xf32>
        %add3A_809 = arith.addf %add3A_710, %sub3A_767 : vector<16xf32>
        %add3A_810 = arith.addf %add3A_710, %add3A_807 : vector<16xf32>
        %add3A_811 = arith.addf %add3A_810, %sub3A_793 : vector<16xf32>
        %add3A_812 = arith.addf %add3A_807, %add3A_808 : vector<16xf32>
        %add3A_813 = arith.addf %add3A_710, %add3A_812 : vector<16xf32>
        %mul3A_814 = arith.constant 0.001953125 : f32
        %mul3A_815 = vector.broadcast %mul3A_814 : f32 to vector<16xf32>
        %mul3A_816 = arith.mulf %add3A_809, %mul3A_815 : vector<16xf32>
        %add3A_817 = arith.constant 1 : i32
        %add3A_818 = arith.addi %mul3A_754, %add3A_817 : i32
        %swap3A_819 = arith.index_cast %add3A_818 : i32 to index
        %swap3A_820 = arith.constant 0 : index
        %swap3A_821 = tpu.vector_load %arg6[%swap3A_819, %swap3A_820] {strides = array<i32>} : memref<512x16xf32, #tpu.memory_space<vmem>>, vector<1x16xf32>,
        %swap3A_822 = vector.shape_cast %swap3A_821 : vector<1x16xf32> to vector<16xf32>
        %swap3A_823 = vector.shape_cast %mul3A_816 : vector<16xf32> to vector<1x16xf32>
        tpu.vector_store %arg6[%swap3A_819, %swap3A_820], %swap3A_823 {strides = array<i32>} : memref<512x16xf32, #tpu.memory_space<vmem>>, vector<1x16xf32>,
        %mul3A_824 = arith.constant 0.001953125 : f32
        %mul3A_825 = vector.broadcast %mul3A_824 : f32 to vector<16xf32>
        %mul3A_826 = arith.mulf %add3A_810, %mul3A_825 : vector<16xf32>
        %add3A_827 = arith.constant 2 : i32
        %add3A_828 = arith.addi %mul3A_754, %add3A_827 : i32
        %swap3A_829 = arith.index_cast %add3A_828 : i32 to index
        %swap3A_830 = arith.constant 0 : index
        %swap3A_831 = tpu.vector_load %arg6[%swap3A_829, %swap3A_830] {strides = array<i32>} : memref<512x16xf32, #tpu.memory_space<vmem>>, vector<1x16xf32>,
        %swap3A_832 = vector.shape_cast %swap3A_831 : vector<1x16xf32> to vector<16xf32>
        %swap3A_833 = vector.shape_cast %mul3A_826 : vector<16xf32> to vector<1x16xf32>
        tpu.vector_store %arg6[%swap3A_829, %swap3A_830], %swap3A_833 {strides = array<i32>} : memref<512x16xf32, #tpu.memory_space<vmem>>, vector<1x16xf32>,
        %mul3A_834 = arith.constant 0.001953125 : f32
        %mul3A_835 = vector.broadcast %mul3A_834 : f32 to vector<16xf32>
        %mul3A_836 = arith.mulf %add3A_811, %mul3A_835 : vector<16xf32>
        %add3A_837 = arith.constant 3 : i32
        %add3A_838 = arith.addi %mul3A_754, %add3A_837 : i32
        %swap3A_839 = arith.index_cast %add3A_838 : i32 to index
        %swap3A_840 = arith.constant 0 : index
        %swap3A_841 = tpu.vector_load %arg6[%swap3A_839, %swap3A_840] {strides = array<i32>} : memref<512x16xf32, #tpu.memory_space<vmem>>, vector<1x16xf32>,
        %swap3A_842 = vector.shape_cast %swap3A_841 : vector<1x16xf32> to vector<16xf32>
        %swap3A_843 = vector.shape_cast %mul3A_836 : vector<16xf32> to vector<1x16xf32>
        tpu.vector_store %arg6[%swap3A_839, %swap3A_840], %swap3A_843 {strides = array<i32>} : memref<512x16xf32, #tpu.memory_space<vmem>>, vector<1x16xf32>,
        %mul3A_844 = arith.constant 0.001953125 : f32
        %mul3A_845 = vector.broadcast %mul3A_844 : f32 to vector<16xf32>
        %mul3A_846 = arith.mulf %add3A_813, %mul3A_845 : vector<16xf32>
        %add3A_847 = arith.constant 4 : i32
        %add3A_848 = arith.addi %mul3A_754, %add3A_847 : i32
        %swap3A_849 = arith.index_cast %add3A_848 : i32 to index
        %swap3A_850 = arith.constant 0 : index
        %swap3A_851 = tpu.vector_load %arg6[%swap3A_849, %swap3A_850] {strides = array<i32>} : memref<512x16xf32, #tpu.memory_space<vmem>>, vector<1x16xf32>,
        %swap3A_852 = vector.shape_cast %swap3A_851 : vector<1x16xf32> to vector<16xf32>
        %swap3A_853 = vector.shape_cast %mul3A_846 : vector<16xf32> to vector<1x16xf32>
        tpu.vector_store %arg6[%swap3A_849, %swap3A_850], %swap3A_853 {strides = array<i32>} : memref<512x16xf32, #tpu.memory_space<vmem>>, vector<1x16xf32>,
        scf.yield %add3A_813 : vector<16xf32>
      }
      %scan3A_57 = arith.constant 124 : i32
      %scan3A_58 = arith.addi %scan3A_52, %scan3A_57 : i32
      %mul3A_59 = arith.constant 4 : i32
      %mul3A_60 = arith.muli %mul3A_59, %scan3A_58 : i32
      %sub3A = arith.constant 510 : i32
      %sub3A_61 = arith.subi %sub3A, %mul3A_60 : i32
      %get3A = arith.index_cast %sub3A_61 : i32 to index
      %get3A_62 = arith.constant 0 : index
      %get3A_63 = tpu.vector_load %arg4[%get3A, %get3A_62] {strides = array<i32>} : memref<1023x16xf32, #tpu.memory_space<vmem>>, vector<1x16xf32>,
      %get3A_64 = vector.shape_cast %get3A_63 : vector<1x16xf32> to vector<16xf32>
      %sub3A_65 = arith.constant 1022 : i32
      %sub3A_66 = arith.subi %sub3A_65, %mul3A_60 : i32
      %get3A_67 = arith.index_cast %sub3A_66 : i32 to index
      %get3A_68 = arith.constant 0 : index
      %get3A_69 = tpu.vector_load %arg4[%get3A_67, %get3A_68] {strides = array<i32>} : memref<1023x16xf32, #tpu.memory_space<vmem>>, vector<1x16xf32>,
      %get3A_70 = vector.shape_cast %get3A_69 : vector<1x16xf32> to vector<16xf32>
      %sub3A_71 = arith.subf %get3A_64, %get3A_70 : vector<16xf32>
      %sub3A_72 = arith.constant 509 : i32
      %sub3A_73 = arith.subi %sub3A_72, %mul3A_60 : i32
      %get3A_74 = arith.index_cast %sub3A_73 : i32 to index
      %get3A_75 = arith.constant 0 : index
      %get3A_76 = tpu.vector_load %arg4[%get3A_74, %get3A_75] {strides = array<i32>} : memref<1023x16xf32, #tpu.memory_space<vmem>>, vector<1x16xf32>,
      %get3A_77 = vector.shape_cast %get3A_76 : vector<1x16xf32> to vector<16xf32>
      %sub3A_78 = arith.constant 1021 : i32
      %sub3A_79 = arith.subi %sub3A_78, %mul3A_60 : i32
      %get3A_80 = arith.index_cast %sub3A_79 : i32 to index
      %get3A_81 = arith.constant 0 : index
      %get3A_82 = tpu.vector_load %arg4[%get3A_80, %get3A_81] {strides = array<i32>} : memref<1023x16xf32, #tpu.memory_space<vmem>>, vector<1x16xf32>,
      %get3A_83 = vector.shape_cast %get3A_82 : vector<1x16xf32> to vector<16xf32>
      %sub3A_84 = arith.subf %get3A_77, %get3A_83 : vector<16xf32>
      %sub3A_85 = arith.constant 508 : i32
      %sub3A_86 = arith.subi %sub3A_85, %mul3A_60 : i32
      %get3A_87 = arith.index_cast %sub3A_86 : i32 to index
      %get3A_88 = arith.constant 0 : index
      %get3A_89 = tpu.vector_load %arg4[%get3A_87, %get3A_88] {strides = array<i32>} : memref<1023x16xf32, #tpu.memory_space<vmem>>, vector<1x16xf32>,
      %get3A_90 = vector.shape_cast %get3A_89 : vector<1x16xf32> to vector<16xf32>
      %sub3A_91 = arith.constant 1020 : i32
      %sub3A_92 = arith.subi %sub3A_91, %mul3A_60 : i32
      %get3A_93 = arith.index_cast %sub3A_92 : i32 to index
      %get3A_94 = arith.constant 0 : index
      %get3A_95 = tpu.vector_load %arg4[%get3A_93, %get3A_94] {strides = array<i32>} : memref<1023x16xf32, #tpu.memory_space<vmem>>, vector<1x16xf32>,
      %get3A_96 = vector.shape_cast %get3A_95 : vector<1x16xf32> to vector<16xf32>
      %sub3A_97 = arith.subf %get3A_90, %get3A_96 : vector<16xf32>
      %sub3A_98 = arith.constant 507 : i32
      %sub3A_99 = arith.subi %sub3A_98, %mul3A_60 : i32
      %get3A_100 = arith.index_cast %sub3A_99 : i32 to index
      %get3A_101 = arith.constant 0 : index
      %get3A_102 = tpu.vector_load %arg4[%get3A_100, %get3A_101] {strides = array<i32>} : memref<1023x16xf32, #tpu.memory_space<vmem>>, vector<1x16xf32>,
      %get3A_103 = vector.shape_cast %get3A_102 : vector<1x16xf32> to vector<16xf32>
      %sub3A_104 = arith.constant 1019 : i32
      %sub3A_105 = arith.subi %sub3A_104, %mul3A_60 : i32
      %get3A_106 = arith.index_cast %sub3A_105 : i32 to index
      %get3A_107 = arith.constant 0 : index
      %get3A_108 = tpu.vector_load %arg4[%get3A_106, %get3A_107] {strides = array<i32>} : memref<1023x16xf32, #tpu.memory_space<vmem>>, vector<1x16xf32>,
      %get3A_109 = vector.shape_cast %get3A_108 : vector<1x16xf32> to vector<16xf32>
      %sub3A_110 = arith.subf %get3A_103, %get3A_109 : vector<16xf32>
      %add3A_111 = arith.addf %sub3A_71, %sub3A_84 : vector<16xf32>
      %add3A_112 = arith.addf %sub3A_97, %sub3A_110 : vector<16xf32>
      %add3A_113 = arith.addf %scan3A_56, %sub3A_71 : vector<16xf32>
      %add3A_114 = arith.addf %scan3A_56, %add3A_111 : vector<16xf32>
      %add3A_115 = arith.addf %add3A_114, %sub3A_97 : vector<16xf32>
      %add3A_116 = arith.addf %add3A_111, %add3A_112 : vector<16xf32>
      %add3A_117 = arith.addf %scan3A_56, %add3A_116 : vector<16xf32>
      %mul3A_118 = arith.constant 0.001953125 : f32
      %mul3A_119 = vector.broadcast %mul3A_118 : f32 to vector<16xf32>
      %mul3A_120 = arith.mulf %add3A_113, %mul3A_119 : vector<16xf32>
      %add3A_121 = arith.constant 1 : i32
      %add3A_122 = arith.addi %mul3A_60, %add3A_121 : i32
      %swap3A_123 = arith.index_cast %add3A_122 : i32 to index
      %swap3A_124 = arith.constant 0 : index
      %swap3A_125 = tpu.vector_load %arg6[%swap3A_123, %swap3A_124] {strides = array<i32>} : memref<512x16xf32, #tpu.memory_space<vmem>>, vector<1x16xf32>,
      %swap3A_126 = vector.shape_cast %swap3A_125 : vector<1x16xf32> to vector<16xf32>
      %swap3A_127 = vector.shape_cast %mul3A_120 : vector<16xf32> to vector<1x16xf32>
      tpu.vector_store %arg6[%swap3A_123, %swap3A_124], %swap3A_127 {strides = array<i32>} : memref<512x16xf32, #tpu.memory_space<vmem>>, vector<1x16xf32>,
      %mul3A_128 = arith.constant 0.001953125 : f32
      %mul3A_129 = vector.broadcast %mul3A_128 : f32 to vector<16xf32>
      %mul3A_130 = arith.mulf %add3A_114, %mul3A_129 : vector<16xf32>
      %add3A_131 = arith.constant 2 : i32
      %add3A_132 = arith.addi %mul3A_60, %add3A_131 : i32
      %swap3A_133 = arith.index_cast %add3A_132 : i32 to index
      %swap3A_134 = arith.constant 0 : index
      %swap3A_135 = tpu.vector_load %arg6[%swap3A_133, %swap3A_134] {strides = array<i32>} : memref<512x16xf32, #tpu.memory_space<vmem>>, vector<1x16xf32>,
      %swap3A_136 = vector.shape_cast %swap3A_135 : vector<1x16xf32> to vector<16xf32>
      %swap3A_137 = vector.shape_cast %mul3A_130 : vector<16xf32> to vector<1x16xf32>
      tpu.vector_store %arg6[%swap3A_133, %swap3A_134], %swap3A_137 {strides = array<i32>} : memref<512x16xf32, #tpu.memory_space<vmem>>, vector<1x16xf32>,
      %mul3A_138 = arith.constant 0.001953125 : f32
      %mul3A_139 = vector.broadcast %mul3A_138 : f32 to vector<16xf32>
      %mul3A_140 = arith.mulf %add3A_115, %mul3A_139 : vector<16xf32>
      %add3A_141 = arith.constant 3 : i32
      %add3A_142 = arith.addi %mul3A_60, %add3A_141 : i32
      %swap3A_143 = arith.index_cast %add3A_142 : i32 to index
      %swap3A_144 = arith.constant 0 : index
      %swap3A_145 = tpu.vector_load %arg6[%swap3A_143, %swap3A_144] {strides = array<i32>} : memref<512x16xf32, #tpu.memory_space<vmem>>, vector<1x16xf32>,
      %swap3A_146 = vector.shape_cast %swap3A_145 : vector<1x16xf32> to vector<16xf32>
      %swap3A_147 = vector.shape_cast %mul3A_140 : vector<16xf32> to vector<1x16xf32>
      tpu.vector_store %arg6[%swap3A_143, %swap3A_144], %swap3A_147 {strides = array<i32>} : memref<512x16xf32, #tpu.memory_space<vmem>>, vector<1x16xf32>,
      %mul3A_148 = arith.constant 0.001953125 : f32
      %mul3A_149 = vector.broadcast %mul3A_148 : f32 to vector<16xf32>
      %mul3A_150 = arith.mulf %add3A_117, %mul3A_149 : vector<16xf32>
      %add3A_151 = arith.constant 4 : i32
      %add3A_152 = arith.addi %mul3A_60, %add3A_151 : i32
      %swap3A_153 = arith.index_cast %add3A_152 : i32 to index
      %swap3A_154 = arith.constant 0 : index
      %swap3A_155 = tpu.vector_load %arg6[%swap3A_153, %swap3A_154] {strides = array<i32>} : memref<512x16xf32, #tpu.memory_space<vmem>>, vector<1x16xf32>,
      %swap3A_156 = vector.shape_cast %swap3A_155 : vector<1x16xf32> to vector<16xf32>
      %swap3A_157 = vector.shape_cast %mul3A_150 : vector<16xf32> to vector<1x16xf32>
      tpu.vector_store %arg6[%swap3A_153, %swap3A_154], %swap3A_157 {strides = array<i32>} : memref<512x16xf32, #tpu.memory_space<vmem>>, vector<1x16xf32>,
      %scan3A_158 = arith.constant 125 : i32
      %scan3A_159 = arith.addi %scan3A_52, %scan3A_158 : i32
      %mul3A_160 = arith.constant 4 : i32
      %mul3A_161 = arith.muli %mul3A_160, %scan3A_159 : i32
      %sub3A_162 = arith.constant 510 : i32
      %sub3A_163 = arith.subi %sub3A_162, %mul3A_161 : i32
      %get3A_164 = arith.index_cast %sub3A_163 : i32 to index
      %get3A_165 = arith.constant 0 : index
      %get3A_166 = tpu.vector_load %arg4[%get3A_164, %get3A_165] {strides = array<i32>} : memref<1023x16xf32, #tpu.memory_space<vmem>>, vector<1x16xf32>,
      %get3A_167 = vector.shape_cast %get3A_166 : vector<1x16xf32> to vector<16xf32>
      %sub3A_168 = arith.constant 1022 : i32
      %sub3A_169 = arith.subi %sub3A_168, %mul3A_161 : i32
      %get3A_170 = arith.index_cast %sub3A_169 : i32 to index
      %get3A_171 = arith.constant 0 : index
      %get3A_172 = tpu.vector_load %arg4[%get3A_170, %get3A_171] {strides = array<i32>} : memref<1023x16xf32, #tpu.memory_space<vmem>>, vector<1x16xf32>,
      %get3A_173 = vector.shape_cast %get3A_172 : vector<1x16xf32> to vector<16xf32>
      %sub3A_174 = arith.subf %get3A_167, %get3A_173 : vector<16xf32>
      %sub3A_175 = arith.constant 509 : i32
      %sub3A_176 = arith.subi %sub3A_175, %mul3A_161 : i32
      %get3A_177 = arith.index_cast %sub3A_176 : i32 to index
      %get3A_178 = arith.constant 0 : index
      %get3A_179 = tpu.vector_load %arg4[%get3A_177, %get3A_178] {strides = array<i32>} : memref<1023x16xf32, #tpu.memory_space<vmem>>, vector<1x16xf32>,
      %get3A_180 = vector.shape_cast %get3A_179 : vector<1x16xf32> to vector<16xf32>
      %sub3A_181 = arith.constant 1021 : i32
      %sub3A_182 = arith.subi %sub3A_181, %mul3A_161 : i32
      %get3A_183 = arith.index_cast %sub3A_182 : i32 to index
      %get3A_184 = arith.constant 0 : index
      %get3A_185 = tpu.vector_load %arg4[%get3A_183, %get3A_184] {strides = array<i32>} : memref<1023x16xf32, #tpu.memory_space<vmem>>, vector<1x16xf32>,
      %get3A_186 = vector.shape_cast %get3A_185 : vector<1x16xf32> to vector<16xf32>
      %sub3A_187 = arith.subf %get3A_180, %get3A_186 : vector<16xf32>
      %sub3A_188 = arith.constant 508 : i32
      %sub3A_189 = arith.subi %sub3A_188, %mul3A_161 : i32
      %get3A_190 = arith.index_cast %sub3A_189 : i32 to index
      %get3A_191 = arith.constant 0 : index
      %get3A_192 = tpu.vector_load %arg4[%get3A_190, %get3A_191] {strides = array<i32>} : memref<1023x16xf32, #tpu.memory_space<vmem>>, vector<1x16xf32>,
      %get3A_193 = vector.shape_cast %get3A_192 : vector<1x16xf32> to vector<16xf32>
      %sub3A_194 = arith.constant 1020 : i32
      %sub3A_195 = arith.subi %sub3A_194, %mul3A_161 : i32
      %get3A_196 = arith.index_cast %sub3A_195 : i32 to index
      %get3A_197 = arith.constant 0 : index
      %get3A_198 = tpu.vector_load %arg4[%get3A_196, %get3A_197] {strides = array<i32>} : memref<1023x16xf32, #tpu.memory_space<vmem>>, vector<1x16xf32>,
      %get3A_199 = vector.shape_cast %get3A_198 : vector<1x16xf32> to vector<16xf32>
      %sub3A_200 = arith.subf %get3A_193, %get3A_199 : vector<16xf32>
      %sub3A_201 = arith.constant 507 : i32
      %sub3A_202 = arith.subi %sub3A_201, %mul3A_161 : i32
      %get3A_203 = arith.index_cast %sub3A_202 : i32 to index
      %get3A_204 = arith.constant 0 : index
      %get3A_205 = tpu.vector_load %arg4[%get3A_203, %get3A_204] {strides = array<i32>} : memref<1023x16xf32, #tpu.memory_space<vmem>>, vector<1x16xf32>,
      %get3A_206 = vector.shape_cast %get3A_205 : vector<1x16xf32> to vector<16xf32>
      %sub3A_207 = arith.constant 1019 : i32
      %sub3A_208 = arith.subi %sub3A_207, %mul3A_161 : i32
      %get3A_209 = arith.index_cast %sub3A_208 : i32 to index
      %get3A_210 = arith.constant 0 : index
      %get3A_211 = tpu.vector_load %arg4[%get3A_209, %get3A_210] {strides = array<i32>} : memref<1023x16xf32, #tpu.memory_space<vmem>>, vector<1x16xf32>,
      %get3A_212 = vector.shape_cast %get3A_211 : vector<1x16xf32> to vector<16xf32>
      %sub3A_213 = arith.subf %get3A_206, %get3A_212 : vector<16xf32>
      %add3A_214 = arith.addf %sub3A_174, %sub3A_187 : vector<16xf32>
      %add3A_215 = arith.addf %sub3A_200, %sub3A_213 : vector<16xf32>
      %add3A_216 = arith.addf %add3A_117, %sub3A_174 : vector<16xf32>
      %add3A_217 = arith.addf %add3A_117, %add3A_214 : vector<16xf32>
      %add3A_218 = arith.addf %add3A_217, %sub3A_200 : vector<16xf32>
      %add3A_219 = arith.addf %add3A_214, %add3A_215 : vector<16xf32>
      %add3A_220 = arith.addf %add3A_117, %add3A_219 : vector<16xf32>
      %mul3A_221 = arith.constant 0.001953125 : f32
      %mul3A_222 = vector.broadcast %mul3A_221 : f32 to vector<16xf32>
      %mul3A_223 = arith.mulf %add3A_216, %mul3A_222 : vector<16xf32>
      %add3A_224 = arith.constant 1 : i32
      %add3A_225 = arith.addi %mul3A_161, %add3A_224 : i32
      %swap3A_226 = arith.index_cast %add3A_225 : i32 to index
      %swap3A_227 = arith.constant 0 : index
      %swap3A_228 = tpu.vector_load %arg6[%swap3A_226, %swap3A_227] {strides = array<i32>} : memref<512x16xf32, #tpu.memory_space<vmem>>, vector<1x16xf32>,
      %swap3A_229 = vector.shape_cast %swap3A_228 : vector<1x16xf32> to vector<16xf32>
      %swap3A_230 = vector.shape_cast %mul3A_223 : vector<16xf32> to vector<1x16xf32>
      tpu.vector_store %arg6[%swap3A_226, %swap3A_227], %swap3A_230 {strides = array<i32>} : memref<512x16xf32, #tpu.memory_space<vmem>>, vector<1x16xf32>,
      %mul3A_231 = arith.constant 0.001953125 : f32
      %mul3A_232 = vector.broadcast %mul3A_231 : f32 to vector<16xf32>
      %mul3A_233 = arith.mulf %add3A_217, %mul3A_232 : vector<16xf32>
      %add3A_234 = arith.constant 2 : i32
      %add3A_235 = arith.addi %mul3A_161, %add3A_234 : i32
      %swap3A_236 = arith.index_cast %add3A_235 : i32 to index
      %swap3A_237 = arith.constant 0 : index
      %swap3A_238 = tpu.vector_load %arg6[%swap3A_236, %swap3A_237] {strides = array<i32>} : memref<512x16xf32, #tpu.memory_space<vmem>>, vector<1x16xf32>,
      %swap3A_239 = vector.shape_cast %swap3A_238 : vector<1x16xf32> to vector<16xf32>
      %swap3A_240 = vector.shape_cast %mul3A_233 : vector<16xf32> to vector<1x16xf32>
      tpu.vector_store %arg6[%swap3A_236, %swap3A_237], %swap3A_240 {strides = array<i32>} : memref<512x16xf32, #tpu.memory_space<vmem>>, vector<1x16xf32>,
      %mul3A_241 = arith.constant 0.001953125 : f32
      %mul3A_242 = vector.broadcast %mul3A_241 : f32 to vector<16xf32>
      %mul3A_243 = arith.mulf %add3A_218, %mul3A_242 : vector<16xf32>
      %add3A_244 = arith.constant 3 : i32
      %add3A_245 = arith.addi %mul3A_161, %add3A_244 : i32
      %swap3A_246 = arith.index_cast %add3A_245 : i32 to index
      %swap3A_247 = arith.constant 0 : index
      %swap3A_248 = tpu.vector_load %arg6[%swap3A_246, %swap3A_247] {strides = array<i32>} : memref<512x16xf32, #tpu.memory_space<vmem>>, vector<1x16xf32>,
      %swap3A_249 = vector.shape_cast %swap3A_248 : vector<1x16xf32> to vector<16xf32>
      %swap3A_250 = vector.shape_cast %mul3A_243 : vector<16xf32> to vector<1x16xf32>
      tpu.vector_store %arg6[%swap3A_246, %swap3A_247], %swap3A_250 {strides = array<i32>} : memref<512x16xf32, #tpu.memory_space<vmem>>, vector<1x16xf32>,
      %mul3A_251 = arith.constant 0.001953125 : f32
      %mul3A_252 = vector.broadcast %mul3A_251 : f32 to vector<16xf32>
      %mul3A_253 = arith.mulf %add3A_220, %mul3A_252 : vector<16xf32>
      %add3A_254 = arith.constant 4 : i32
      %add3A_255 = arith.addi %mul3A_161, %add3A_254 : i32
      %swap3A_256 = arith.index_cast %add3A_255 : i32 to index
      %swap3A_257 = arith.constant 0 : index
      %swap3A_258 = tpu.vector_load %arg6[%swap3A_256, %swap3A_257] {strides = array<i32>} : memref<512x16xf32, #tpu.memory_space<vmem>>, vector<1x16xf32>,
      %swap3A_259 = vector.shape_cast %swap3A_258 : vector<1x16xf32> to vector<16xf32>
      %swap3A_260 = vector.shape_cast %mul3A_253 : vector<16xf32> to vector<1x16xf32>
      tpu.vector_store %arg6[%swap3A_256, %swap3A_257], %swap3A_260 {strides = array<i32>} : memref<512x16xf32, #tpu.memory_space<vmem>>, vector<1x16xf32>,
      %scan3A_261 = arith.constant 126 : i32
      %scan3A_262 = arith.addi %scan3A_52, %scan3A_261 : i32
      %mul3A_263 = arith.constant 4 : i32
      %mul3A_264 = arith.muli %mul3A_263, %scan3A_262 : i32
      %sub3A_265 = arith.constant 510 : i32
      %sub3A_266 = arith.subi %sub3A_265, %mul3A_264 : i32
      %get3A_267 = arith.index_cast %sub3A_266 : i32 to index
      %get3A_268 = arith.constant 0 : index
      %get3A_269 = tpu.vector_load %arg4[%get3A_267, %get3A_268] {strides = array<i32>} : memref<1023x16xf32, #tpu.memory_space<vmem>>, vector<1x16xf32>,
      %get3A_270 = vector.shape_cast %get3A_269 : vector<1x16xf32> to vector<16xf32>
      %sub3A_271 = arith.constant 1022 : i32
      %sub3A_272 = arith.subi %sub3A_271, %mul3A_264 : i32
      %get3A_273 = arith.index_cast %sub3A_272 : i32 to index
      %get3A_274 = arith.constant 0 : index
      %get3A_275 = tpu.vector_load %arg4[%get3A_273, %get3A_274] {strides = array<i32>} : memref<1023x16xf32, #tpu.memory_space<vmem>>, vector<1x16xf32>,
      %get3A_276 = vector.shape_cast %get3A_275 : vector<1x16xf32> to vector<16xf32>
      %sub3A_277 = arith.subf %get3A_270, %get3A_276 : vector<16xf32>
      %sub3A_278 = arith.constant 509 : i32
      %sub3A_279 = arith.subi %sub3A_278, %mul3A_264 : i32
      %get3A_280 = arith.index_cast %sub3A_279 : i32 to index
      %get3A_281 = arith.constant 0 : index
      %get3A_282 = tpu.vector_load %arg4[%get3A_280, %get3A_281] {strides = array<i32>} : memref<1023x16xf32, #tpu.memory_space<vmem>>, vector<1x16xf32>,
      %get3A_283 = vector.shape_cast %get3A_282 : vector<1x16xf32> to vector<16xf32>
      %sub3A_284 = arith.constant 1021 : i32
      %sub3A_285 = arith.subi %sub3A_284, %mul3A_264 : i32
      %get3A_286 = arith.index_cast %sub3A_285 : i32 to index
      %get3A_287 = arith.constant 0 : index
      %get3A_288 = tpu.vector_load %arg4[%get3A_286, %get3A_287] {strides = array<i32>} : memref<1023x16xf32, #tpu.memory_space<vmem>>, vector<1x16xf32>,
      %get3A_289 = vector.shape_cast %get3A_288 : vector<1x16xf32> to vector<16xf32>
      %sub3A_290 = arith.subf %get3A_283, %get3A_289 : vector<16xf32>
      %sub3A_291 = arith.constant 508 : i32
      %sub3A_292 = arith.subi %sub3A_291, %mul3A_264 : i32
      %get3A_293 = arith.index_cast %sub3A_292 : i32 to index
      %get3A_294 = arith.constant 0 : index
      %get3A_295 = tpu.vector_load %arg4[%get3A_293, %get3A_294] {strides = array<i32>} : memref<1023x16xf32, #tpu.memory_space<vmem>>, vector<1x16xf32>,
      %get3A_296 = vector.shape_cast %get3A_295 : vector<1x16xf32> to vector<16xf32>
      %sub3A_297 = arith.constant 1020 : i32
      %sub3A_298 = arith.subi %sub3A_297, %mul3A_264 : i32
      %get3A_299 = arith.index_cast %sub3A_298 : i32 to index
      %get3A_300 = arith.constant 0 : index
      %get3A_301 = tpu.vector_load %arg4[%get3A_299, %get3A_300] {strides = array<i32>} : memref<1023x16xf32, #tpu.memory_space<vmem>>, vector<1x16xf32>,
      %get3A_302 = vector.shape_cast %get3A_301 : vector<1x16xf32> to vector<16xf32>
      %sub3A_303 = arith.subf %get3A_296, %get3A_302 : vector<16xf32>
      %sub3A_304 = arith.constant 507 : i32
      %sub3A_305 = arith.subi %sub3A_304, %mul3A_264 : i32
      %get3A_306 = arith.index_cast %sub3A_305 : i32 to index
      %get3A_307 = arith.constant 0 : index
      %get3A_308 = tpu.vector_load %arg4[%get3A_306, %get3A_307] {strides = array<i32>} : memref<1023x16xf32, #tpu.memory_space<vmem>>, vector<1x16xf32>,
      %get3A_309 = vector.shape_cast %get3A_308 : vector<1x16xf32> to vector<16xf32>
      %sub3A_310 = arith.constant 1019 : i32
      %sub3A_311 = arith.subi %sub3A_310, %mul3A_264 : i32
      %get3A_312 = arith.index_cast %sub3A_311 : i32 to index
      %get3A_313 = arith.constant 0 : index
      %get3A_314 = tpu.vector_load %arg4[%get3A_312, %get3A_313] {strides = array<i32>} : memref<1023x16xf32, #tpu.memory_space<vmem>>, vector<1x16xf32>,
      %get3A_315 = vector.shape_cast %get3A_314 : vector<1x16xf32> to vector<16xf32>
      %sub3A_316 = arith.subf %get3A_309, %get3A_315 : vector<16xf32>
      %add3A_317 = arith.addf %sub3A_277, %sub3A_290 : vector<16xf32>
      %add3A_318 = arith.addf %sub3A_303, %sub3A_316 : vector<16xf32>
      %add3A_319 = arith.addf %add3A_220, %sub3A_277 : vector<16xf32>
      %add3A_320 = arith.addf %add3A_220, %add3A_317 : vector<16xf32>
      %add3A_321 = arith.addf %add3A_320, %sub3A_303 : vector<16xf32>
      %add3A_322 = arith.addf %add3A_317, %add3A_318 : vector<16xf32>
      %add3A_323 = arith.addf %add3A_220, %add3A_322 : vector<16xf32>
      %mul3A_324 = arith.constant 0.001953125 : f32
      %mul3A_325 = vector.broadcast %mul3A_324 : f32 to vector<16xf32>
      %mul3A_326 = arith.mulf %add3A_319, %mul3A_325 : vector<16xf32>
      %add3A_327 = arith.constant 1 : i32
      %add3A_328 = arith.addi %mul3A_264, %add3A_327 : i32
      %swap3A_329 = arith.index_cast %add3A_328 : i32 to index
      %swap3A_330 = arith.constant 0 : index
      %swap3A_331 = tpu.vector_load %arg6[%swap3A_329, %swap3A_330] {strides = array<i32>} : memref<512x16xf32, #tpu.memory_space<vmem>>, vector<1x16xf32>,
      %swap3A_332 = vector.shape_cast %swap3A_331 : vector<1x16xf32> to vector<16xf32>
      %swap3A_333 = vector.shape_cast %mul3A_326 : vector<16xf32> to vector<1x16xf32>
      tpu.vector_store %arg6[%swap3A_329, %swap3A_330], %swap3A_333 {strides = array<i32>} : memref<512x16xf32, #tpu.memory_space<vmem>>, vector<1x16xf32>,
      %mul3A_334 = arith.constant 0.001953125 : f32
      %mul3A_335 = vector.broadcast %mul3A_334 : f32 to vector<16xf32>
      %mul3A_336 = arith.mulf %add3A_320, %mul3A_335 : vector<16xf32>
      %add3A_337 = arith.constant 2 : i32
      %add3A_338 = arith.addi %mul3A_264, %add3A_337 : i32
      %swap3A_339 = arith.index_cast %add3A_338 : i32 to index
      %swap3A_340 = arith.constant 0 : index
      %swap3A_341 = tpu.vector_load %arg6[%swap3A_339, %swap3A_340] {strides = array<i32>} : memref<512x16xf32, #tpu.memory_space<vmem>>, vector<1x16xf32>,
      %swap3A_342 = vector.shape_cast %swap3A_341 : vector<1x16xf32> to vector<16xf32>
      %swap3A_343 = vector.shape_cast %mul3A_336 : vector<16xf32> to vector<1x16xf32>
      tpu.vector_store %arg6[%swap3A_339, %swap3A_340], %swap3A_343 {strides = array<i32>} : memref<512x16xf32, #tpu.memory_space<vmem>>, vector<1x16xf32>,
      %mul3A_344 = arith.constant 0.001953125 : f32
      %mul3A_345 = vector.broadcast %mul3A_344 : f32 to vector<16xf32>
      %mul3A_346 = arith.mulf %add3A_321, %mul3A_345 : vector<16xf32>
      %add3A_347 = arith.constant 3 : i32
      %add3A_348 = arith.addi %mul3A_264, %add3A_347 : i32
      %swap3A_349 = arith.index_cast %add3A_348 : i32 to index
      %swap3A_350 = arith.constant 0 : index
      %swap3A_351 = tpu.vector_load %arg6[%swap3A_349, %swap3A_350] {strides = array<i32>} : memref<512x16xf32, #tpu.memory_space<vmem>>, vector<1x16xf32>,
      %swap3A_352 = vector.shape_cast %swap3A_351 : vector<1x16xf32> to vector<16xf32>
      %swap3A_353 = vector.shape_cast %mul3A_346 : vector<16xf32> to vector<1x16xf32>
      tpu.vector_store %arg6[%swap3A_349, %swap3A_350], %swap3A_353 {strides = array<i32>} : memref<512x16xf32, #tpu.memory_space<vmem>>, vector<1x16xf32>,
      %mul3A_354 = arith.constant 0.001953125 : f32
      %mul3A_355 = vector.broadcast %mul3A_354 : f32 to vector<16xf32>
      %mul3A_356 = arith.mulf %add3A_323, %mul3A_355 : vector<16xf32>
      %add3A_357 = arith.constant 4 : i32
      %add3A_358 = arith.addi %mul3A_264, %add3A_357 : i32
      %swap3A_359 = arith.index_cast %add3A_358 : i32 to index
      %swap3A_360 = arith.constant 0 : index
      %swap3A_361 = tpu.vector_load %arg6[%swap3A_359, %swap3A_360] {strides = array<i32>} : memref<512x16xf32, #tpu.memory_space<vmem>>, vector<1x16xf32>,
      %swap3A_362 = vector.shape_cast %swap3A_361 : vector<1x16xf32> to vector<16xf32>
      %swap3A_363 = vector.shape_cast %mul3A_356 : vector<16xf32> to vector<1x16xf32>
      tpu.vector_store %arg6[%swap3A_359, %swap3A_360], %swap3A_363 {strides = array<i32>} : memref<512x16xf32, #tpu.memory_space<vmem>>, vector<1x16xf32>,
      %scan3A_364 = arith.constant 127 : i32
      %scan3A_365 = arith.constant 509 : i32
      %sub3A_366 = arith.constant 511 : i32
      %sub3A_367 = arith.subi %sub3A_366, %scan3A_365 : i32
      %get3A_368 = arith.index_cast %sub3A_367 : i32 to index
      %get3A_369 = arith.constant 0 : index
      %get3A_370 = tpu.vector_load %arg4[%get3A_368, %get3A_369] {strides = array<i32>} : memref<1023x16xf32, #tpu.memory_space<vmem>>, vector<1x16xf32>,
      %get3A_371 = vector.shape_cast %get3A_370 : vector<1x16xf32> to vector<16xf32>
      %add3A_372 = arith.addf %add3A_323, %get3A_371 : vector<16xf32>
      %sub3A_373 = arith.constant 1023 : i32
      %sub3A_374 = arith.subi %sub3A_373, %scan3A_365 : i32
      %get3A_375 = arith.index_cast %sub3A_374 : i32 to index
      %get3A_376 = arith.constant 0 : index
      %get3A_377 = tpu.vector_load %arg4[%get3A_375, %get3A_376] {strides = array<i32>} : memref<1023x16xf32, #tpu.memory_space<vmem>>, vector<1x16xf32>,
      %get3A_378 = vector.shape_cast %get3A_377 : vector<1x16xf32> to vector<16xf32>
      %sub3A_379 = arith.subf %add3A_372, %get3A_378 : vector<16xf32>
      %mul3A_380 = arith.constant 0.001953125 : f32
      %mul3A_381 = vector.broadcast %mul3A_380 : f32 to vector<16xf32>
      %mul3A_382 = arith.mulf %sub3A_379, %mul3A_381 : vector<16xf32>
      %swap3A_383 = arith.index_cast %scan3A_365 : i32 to index
      %swap3A_384 = arith.constant 0 : index
      %swap3A_385 = tpu.vector_load %arg6[%swap3A_383, %swap3A_384] {strides = array<i32>} : memref<512x16xf32, #tpu.memory_space<vmem>>, vector<1x16xf32>,
      %swap3A_386 = vector.shape_cast %swap3A_385 : vector<1x16xf32> to vector<16xf32>
      %swap3A_387 = vector.shape_cast %mul3A_382 : vector<16xf32> to vector<1x16xf32>
      tpu.vector_store %arg6[%swap3A_383, %swap3A_384], %swap3A_387 {strides = array<i32>} : memref<512x16xf32, #tpu.memory_space<vmem>>, vector<1x16xf32>,
      %scan3A_388 = arith.constant 510 : i32
      %sub3A_389 = arith.constant 511 : i32
      %sub3A_390 = arith.subi %sub3A_389, %scan3A_388 : i32
      %get3A_391 = arith.index_cast %sub3A_390 : i32 to index
      %get3A_392 = arith.constant 0 : index
      %get3A_393 = tpu.vector_load %arg4[%get3A_391, %get3A_392] {strides = array<i32>} : memref<1023x16xf32, #tpu.memory_space<vmem>>, vector<1x16xf32>,
      %get3A_394 = vector.shape_cast %get3A_393 : vector<1x16xf32> to vector<16xf32>
      %add3A_395 = arith.addf %sub3A_379, %get3A_394 : vector<16xf32>
      %sub3A_396 = arith.constant 1023 : i32
      %sub3A_397 = arith.subi %sub3A_396, %scan3A_388 : i32
      %get3A_398 = arith.index_cast %sub3A_397 : i32 to index
      %get3A_399 = arith.constant 0 : index
      %get3A_400 = tpu.vector_load %arg4[%get3A_398, %get3A_399] {strides = array<i32>} : memref<1023x16xf32, #tpu.memory_space<vmem>>, vector<1x16xf32>,
      %get3A_401 = vector.shape_cast %get3A_400 : vector<1x16xf32> to vector<16xf32>
      %sub3A_402 = arith.subf %add3A_395, %get3A_401 : vector<16xf32>
      %mul3A_403 = arith.constant 0.001953125 : f32
      %mul3A_404 = vector.broadcast %mul3A_403 : f32 to vector<16xf32>
      %mul3A_405 = arith.mulf %sub3A_402, %mul3A_404 : vector<16xf32>
      %swap3A_406 = arith.index_cast %scan3A_388 : i32 to index
      %swap3A_407 = arith.constant 0 : index
      %swap3A_408 = tpu.vector_load %arg6[%swap3A_406, %swap3A_407] {strides = array<i32>} : memref<512x16xf32, #tpu.memory_space<vmem>>, vector<1x16xf32>,
      %swap3A_409 = vector.shape_cast %swap3A_408 : vector<1x16xf32> to vector<16xf32>
      %swap3A_410 = vector.shape_cast %mul3A_405 : vector<16xf32> to vector<1x16xf32>
      tpu.vector_store %arg6[%swap3A_406, %swap3A_407], %swap3A_410 {strides = array<i32>} : memref<512x16xf32, #tpu.memory_space<vmem>>, vector<1x16xf32>,
      %scan3A_411 = arith.constant 511 : i32
      %sub3A_412 = arith.constant 511 : i32
      %sub3A_413 = arith.subi %sub3A_412, %scan3A_411 : i32
      %get3A_414 = arith.index_cast %sub3A_413 : i32 to index
      %get3A_415 = arith.constant 0 : index
      %get3A_416 = tpu.vector_load %arg4[%get3A_414, %get3A_415] {strides = array<i32>} : memref<1023x16xf32, #tpu.memory_space<vmem>>, vector<1x16xf32>,
      %get3A_417 = vector.shape_cast %get3A_416 : vector<1x16xf32> to vector<16xf32>
      %add3A_418 = arith.addf %sub3A_402, %get3A_417 : vector<16xf32>
      %sub3A_419 = arith.constant 1023 : i32
      %sub3A_420 = arith.subi %sub3A_419, %scan3A_411 : i32
      %get3A_421 = arith.index_cast %sub3A_420 : i32 to index
      %get3A_422 = arith.constant 0 : index
      %get3A_423 = tpu.vector_load %arg4[%get3A_421, %get3A_422] {strides = array<i32>} : memref<1023x16xf32, #tpu.memory_space<vmem>>, vector<1x16xf32>,
      %get3A_424 = vector.shape_cast %get3A_423 : vector<1x16xf32> to vector<16xf32>
      %sub3A_425 = arith.subf %add3A_418, %get3A_424 : vector<16xf32>
      %mul3A_426 = arith.constant 0.001953125 : f32
      %mul3A_427 = vector.broadcast %mul3A_426 : f32 to vector<16xf32>
      %mul3A_428 = arith.mulf %sub3A_425, %mul3A_427 : vector<16xf32>
      %swap3A_429 = arith.index_cast %scan3A_411 : i32 to index
      %swap3A_430 = arith.constant 0 : index
      %swap3A_431 = tpu.vector_load %arg6[%swap3A_429, %swap3A_430] {strides = array<i32>} : memref<512x16xf32, #tpu.memory_space<vmem>>, vector<1x16xf32>,
      %swap3A_432 = vector.shape_cast %swap3A_431 : vector<1x16xf32> to vector<16xf32>
      %swap3A_433 = vector.shape_cast %mul3A_428 : vector<16xf32> to vector<1x16xf32>
      tpu.vector_store %arg6[%swap3A_429, %swap3A_430], %swap3A_433 {strides = array<i32>} : memref<512x16xf32, #tpu.memory_space<vmem>>, vector<1x16xf32>,
      %scan3A_434 = arith.constant 3 : i32
      %sub3A_435 = arith.constant 0 : i32
      %sub3A_436 = arith.subi %add3A_2, %sub3A_435 : i32
      %mul3A_437 = arith.constant 16 : i32
      %mul3A_438 = arith.muli %sub3A_436, %mul3A_437 : i32
      %dma_start3A = arith.constant 0 : i32
      %dma_start3A_439 = tpu.memref_slice %arg3[%dma_start3A, %mul3A_438] : memref<512x384xf32, #tpu.memory_space<hbm>> -> memref<512x16xf32, #tpu.memory_space<hbm>>
      %dma_start3A_440 = arith.constant 0 : i32
      %dma_start3A_441 = tpu.memref_slice %arg3[%dma_start3A_440, %mul3A_438] : memref<512x384xf32, #tpu.memory_space<hbm>> -> memref<512x16xf32, #tpu.memory_space<hbm>>
      tpu.enqueue_dma source(%arg6 : memref<512x16xf32, #tpu.memory_space<vmem>>) target(%dma_start3A_441 : memref<512x16xf32, #tpu.memory_space<hbm>>) target_semaphore(%arg10 : memref<!tpu.dma_semaphore, #tpu.memory_space<semaphore_mem>>)
    } else {
    }
    %convert_element_type3A_21 = arith.extui %and3A : i1 to i32
    %cond3A_22 = arith.constant 0 : i32
    %cond3A_23 = arith.cmpi ne, %convert_element_type3A_21, %cond3A_22 : i32
    scf.if %cond3A_23 {
      %mul3A_30 = arith.constant 16 : i32
      %mul3A_31 = arith.muli %add3A_6, %mul3A_30 : i32
      %dma_wait3A = arith.constant 3584 : i32
      %dma_wait3A_32 = tpu.memref_slice %arg2[%dma_wait3A, %mul3A_31] : memref<8191x768xf32, #tpu.memory_space<hbm>> -> memref<1023x16xf32, #tpu.memory_space<hbm>>
      %dma_wait3A_33 = arith.constant 3584 : i32
      %dma_wait3A_34 = tpu.memref_slice %arg2[%dma_wait3A_33, %mul3A_31] : memref<8191x768xf32, #tpu.memory_space<hbm>> -> memref<1023x16xf32, #tpu.memory_space<hbm>>
      tpu.wait_dma2 semaphore(%arg9 : memref<!tpu.dma_semaphore, #tpu.memory_space<semaphore_mem>>) src(%dma_wait3A_34 : memref<1023x16xf32, #tpu.memory_space<hbm>>) dst(%arg5 : memref<1023x16xf32, #tpu.memory_space<vmem>>)
      %broadcast_in_dim3A = arith.constant 0.000000e+00 : f32
      %broadcast_in_dim3A_35 = vector.broadcast %broadcast_in_dim3A : f32 to vector<16xf32>
      %scan3A = arith.constant 0 : i32
      %scan3A_36 = arith.constant 128 : i32
      %scan3A_37 = arith.addi %scan3A, %scan3A_36 : i32
      %scan3A_38 = arith.constant 8 : i32
      %scan3A_39:4 = scf.for %scan3A_442 = %scan3A to %scan3A_37 step %scan3A_38 iter_args(%scan3A_443 = %broadcast_in_dim3A_35, %scan3A_444 = %broadcast_in_dim3A_35, %scan3A_445 = %broadcast_in_dim3A_35, %scan3A_446 = %broadcast_in_dim3A_35) -> (vector<16xf32>, vector<16xf32>, vector<16xf32>, vector<16xf32>)  : i32 {
        %mul3A_447 = arith.constant 4 : i32
        %mul3A_448 = arith.muli %mul3A_447, %scan3A_442 : i32
        %add3A_449 = arith.constant 511 : i32
        %add3A_450 = arith.addi %add3A_449, %mul3A_448 : i32
        %get3A_451 = arith.index_cast %add3A_450 : i32 to index
        %get3A_452 = arith.constant 0 : index
        %get3A_453 = tpu.vector_load %arg5[%get3A_451, %get3A_452] {strides = array<i32>} : memref<1023x16xf32, #tpu.memory_space<vmem>>, vector<1x16xf32>,
        %get3A_454 = vector.shape_cast %get3A_453 : vector<1x16xf32> to vector<16xf32>
        %add3A_455 = arith.addf %scan3A_443, %get3A_454 : vector<16xf32>
        %add3A_456 = arith.constant 1 : i32
        %add3A_457 = arith.addi %add3A_450, %add3A_456 : i32
        %get3A_458 = arith.index_cast %add3A_457 : i32 to index
        %get3A_459 = arith.constant 0 : index
        %get3A_460 = tpu.vector_load %arg5[%get3A_458, %get3A_459] {strides = array<i32>} : memref<1023x16xf32, #tpu.memory_space<vmem>>, vector<1x16xf32>,
        %get3A_461 = vector.shape_cast %get3A_460 : vector<1x16xf32> to vector<16xf32>
        %add3A_462 = arith.addf %scan3A_444, %get3A_461 : vector<16xf32>
        %add3A_463 = arith.constant 2 : i32
        %add3A_464 = arith.addi %add3A_450, %add3A_463 : i32
        %get3A_465 = arith.index_cast %add3A_464 : i32 to index
        %get3A_466 = arith.constant 0 : index
        %get3A_467 = tpu.vector_load %arg5[%get3A_465, %get3A_466] {strides = array<i32>} : memref<1023x16xf32, #tpu.memory_space<vmem>>, vector<1x16xf32>,
        %get3A_468 = vector.shape_cast %get3A_467 : vector<1x16xf32> to vector<16xf32>
        %add3A_469 = arith.addf %scan3A_445, %get3A_468 : vector<16xf32>
        %add3A_470 = arith.constant 3 : i32
        %add3A_471 = arith.addi %add3A_450, %add3A_470 : i32
        %get3A_472 = arith.index_cast %add3A_471 : i32 to index
        %get3A_473 = arith.constant 0 : index
        %get3A_474 = tpu.vector_load %arg5[%get3A_472, %get3A_473] {strides = array<i32>} : memref<1023x16xf32, #tpu.memory_space<vmem>>, vector<1x16xf32>,
        %get3A_475 = vector.shape_cast %get3A_474 : vector<1x16xf32> to vector<16xf32>
        %add3A_476 = arith.addf %scan3A_446, %get3A_475 : vector<16xf32>
        %scan3A_477 = arith.constant 1 : i32
        %scan3A_478 = arith.addi %scan3A_442, %scan3A_477 : i32
        %mul3A_479 = arith.constant 4 : i32
        %mul3A_480 = arith.muli %mul3A_479, %scan3A_478 : i32
        %add3A_481 = arith.constant 511 : i32
        %add3A_482 = arith.addi %add3A_481, %mul3A_480 : i32
        %get3A_483 = arith.index_cast %add3A_482 : i32 to index
        %get3A_484 = arith.constant 0 : index
        %get3A_485 = tpu.vector_load %arg5[%get3A_483, %get3A_484] {strides = array<i32>} : memref<1023x16xf32, #tpu.memory_space<vmem>>, vector<1x16xf32>,
        %get3A_486 = vector.shape_cast %get3A_485 : vector<1x16xf32> to vector<16xf32>
        %add3A_487 = arith.addf %add3A_455, %get3A_486 : vector<16xf32>
        %add3A_488 = arith.constant 1 : i32
        %add3A_489 = arith.addi %add3A_482, %add3A_488 : i32
        %get3A_490 = arith.index_cast %add3A_489 : i32 to index
        %get3A_491 = arith.constant 0 : index
        %get3A_492 = tpu.vector_load %arg5[%get3A_490, %get3A_491] {strides = array<i32>} : memref<1023x16xf32, #tpu.memory_space<vmem>>, vector<1x16xf32>,
        %get3A_493 = vector.shape_cast %get3A_492 : vector<1x16xf32> to vector<16xf32>
        %add3A_494 = arith.addf %add3A_462, %get3A_493 : vector<16xf32>
        %add3A_495 = arith.constant 2 : i32
        %add3A_496 = arith.addi %add3A_482, %add3A_495 : i32
        %get3A_497 = arith.index_cast %add3A_496 : i32 to index
        %get3A_498 = arith.constant 0 : index
        %get3A_499 = tpu.vector_load %arg5[%get3A_497, %get3A_498] {strides = array<i32>} : memref<1023x16xf32, #tpu.memory_space<vmem>>, vector<1x16xf32>,
        %get3A_500 = vector.shape_cast %get3A_499 : vector<1x16xf32> to vector<16xf32>
        %add3A_501 = arith.addf %add3A_469, %get3A_500 : vector<16xf32>
        %add3A_502 = arith.constant 3 : i32
        %add3A_503 = arith.addi %add3A_482, %add3A_502 : i32
        %get3A_504 = arith.index_cast %add3A_503 : i32 to index
        %get3A_505 = arith.constant 0 : index
        %get3A_506 = tpu.vector_load %arg5[%get3A_504, %get3A_505] {strides = array<i32>} : memref<1023x16xf32, #tpu.memory_space<vmem>>, vector<1x16xf32>,
        %get3A_507 = vector.shape_cast %get3A_506 : vector<1x16xf32> to vector<16xf32>
        %add3A_508 = arith.addf %add3A_476, %get3A_507 : vector<16xf32>
        %scan3A_509 = arith.constant 2 : i32
        %scan3A_510 = arith.addi %scan3A_442, %scan3A_509 : i32
        %mul3A_511 = arith.constant 4 : i32
        %mul3A_512 = arith.muli %mul3A_511, %scan3A_510 : i32
        %add3A_513 = arith.constant 511 : i32
        %add3A_514 = arith.addi %add3A_513, %mul3A_512 : i32
        %get3A_515 = arith.index_cast %add3A_514 : i32 to index
        %get3A_516 = arith.constant 0 : index
        %get3A_517 = tpu.vector_load %arg5[%get3A_515, %get3A_516] {strides = array<i32>} : memref<1023x16xf32, #tpu.memory_space<vmem>>, vector<1x16xf32>,
        %get3A_518 = vector.shape_cast %get3A_517 : vector<1x16xf32> to vector<16xf32>
        %add3A_519 = arith.addf %add3A_487, %get3A_518 : vector<16xf32>
        %add3A_520 = arith.constant 1 : i32
        %add3A_521 = arith.addi %add3A_514, %add3A_520 : i32
        %get3A_522 = arith.index_cast %add3A_521 : i32 to index
        %get3A_523 = arith.constant 0 : index
        %get3A_524 = tpu.vector_load %arg5[%get3A_522, %get3A_523] {strides = array<i32>} : memref<1023x16xf32, #tpu.memory_space<vmem>>, vector<1x16xf32>,
        %get3A_525 = vector.shape_cast %get3A_524 : vector<1x16xf32> to vector<16xf32>
        %add3A_526 = arith.addf %add3A_494, %get3A_525 : vector<16xf32>
        %add3A_527 = arith.constant 2 : i32
        %add3A_528 = arith.addi %add3A_514, %add3A_527 : i32
        %get3A_529 = arith.index_cast %add3A_528 : i32 to index
        %get3A_530 = arith.constant 0 : index
        %get3A_531 = tpu.vector_load %arg5[%get3A_529, %get3A_530] {strides = array<i32>} : memref<1023x16xf32, #tpu.memory_space<vmem>>, vector<1x16xf32>,
        %get3A_532 = vector.shape_cast %get3A_531 : vector<1x16xf32> to vector<16xf32>
        %add3A_533 = arith.addf %add3A_501, %get3A_532 : vector<16xf32>
        %add3A_534 = arith.constant 3 : i32
        %add3A_535 = arith.addi %add3A_514, %add3A_534 : i32
        %get3A_536 = arith.index_cast %add3A_535 : i32 to index
        %get3A_537 = arith.constant 0 : index
        %get3A_538 = tpu.vector_load %arg5[%get3A_536, %get3A_537] {strides = array<i32>} : memref<1023x16xf32, #tpu.memory_space<vmem>>, vector<1x16xf32>,
        %get3A_539 = vector.shape_cast %get3A_538 : vector<1x16xf32> to vector<16xf32>
        %add3A_540 = arith.addf %add3A_508, %get3A_539 : vector<16xf32>
        %scan3A_541 = arith.constant 3 : i32
        %scan3A_542 = arith.addi %scan3A_442, %scan3A_541 : i32
        %mul3A_543 = arith.constant 4 : i32
        %mul3A_544 = arith.muli %mul3A_543, %scan3A_542 : i32
        %add3A_545 = arith.constant 511 : i32
        %add3A_546 = arith.addi %add3A_545, %mul3A_544 : i32
        %get3A_547 = arith.index_cast %add3A_546 : i32 to index
        %get3A_548 = arith.constant 0 : index
        %get3A_549 = tpu.vector_load %arg5[%get3A_547, %get3A_548] {strides = array<i32>} : memref<1023x16xf32, #tpu.memory_space<vmem>>, vector<1x16xf32>,
        %get3A_550 = vector.shape_cast %get3A_549 : vector<1x16xf32> to vector<16xf32>
        %add3A_551 = arith.addf %add3A_519, %get3A_550 : vector<16xf32>
        %add3A_552 = arith.constant 1 : i32
        %add3A_553 = arith.addi %add3A_546, %add3A_552 : i32
        %get3A_554 = arith.index_cast %add3A_553 : i32 to index
        %get3A_555 = arith.constant 0 : index
        %get3A_556 = tpu.vector_load %arg5[%get3A_554, %get3A_555] {strides = array<i32>} : memref<1023x16xf32, #tpu.memory_space<vmem>>, vector<1x16xf32>,
        %get3A_557 = vector.shape_cast %get3A_556 : vector<1x16xf32> to vector<16xf32>
        %add3A_558 = arith.addf %add3A_526, %get3A_557 : vector<16xf32>
        %add3A_559 = arith.constant 2 : i32
        %add3A_560 = arith.addi %add3A_546, %add3A_559 : i32
        %get3A_561 = arith.index_cast %add3A_560 : i32 to index
        %get3A_562 = arith.constant 0 : index
        %get3A_563 = tpu.vector_load %arg5[%get3A_561, %get3A_562] {strides = array<i32>} : memref<1023x16xf32, #tpu.memory_space<vmem>>, vector<1x16xf32>,
        %get3A_564 = vector.shape_cast %get3A_563 : vector<1x16xf32> to vector<16xf32>
        %add3A_565 = arith.addf %add3A_533, %get3A_564 : vector<16xf32>
        %add3A_566 = arith.constant 3 : i32
        %add3A_567 = arith.addi %add3A_546, %add3A_566 : i32
        %get3A_568 = arith.index_cast %add3A_567 : i32 to index
        %get3A_569 = arith.constant 0 : index
        %get3A_570 = tpu.vector_load %arg5[%get3A_568, %get3A_569] {strides = array<i32>} : memref<1023x16xf32, #tpu.memory_space<vmem>>, vector<1x16xf32>,
        %get3A_571 = vector.shape_cast %get3A_570 : vector<1x16xf32> to vector<16xf32>
        %add3A_572 = arith.addf %add3A_540, %get3A_571 : vector<16xf32>
        %scan3A_573 = arith.constant 4 : i32
        %scan3A_574 = arith.addi %scan3A_442, %scan3A_573 : i32
        %mul3A_575 = arith.constant 4 : i32
        %mul3A_576 = arith.muli %mul3A_575, %scan3A_574 : i32
        %add3A_577 = arith.constant 511 : i32
        %add3A_578 = arith.addi %add3A_577, %mul3A_576 : i32
        %get3A_579 = arith.index_cast %add3A_578 : i32 to index
        %get3A_580 = arith.constant 0 : index
        %get3A_581 = tpu.vector_load %arg5[%get3A_579, %get3A_580] {strides = array<i32>} : memref<1023x16xf32, #tpu.memory_space<vmem>>, vector<1x16xf32>,
        %get3A_582 = vector.shape_cast %get3A_581 : vector<1x16xf32> to vector<16xf32>
        %add3A_583 = arith.addf %add3A_551, %get3A_582 : vector<16xf32>
        %add3A_584 = arith.constant 1 : i32
        %add3A_585 = arith.addi %add3A_578, %add3A_584 : i32
        %get3A_586 = arith.index_cast %add3A_585 : i32 to index
        %get3A_587 = arith.constant 0 : index
        %get3A_588 = tpu.vector_load %arg5[%get3A_586, %get3A_587] {strides = array<i32>} : memref<1023x16xf32, #tpu.memory_space<vmem>>, vector<1x16xf32>,
        %get3A_589 = vector.shape_cast %get3A_588 : vector<1x16xf32> to vector<16xf32>
        %add3A_590 = arith.addf %add3A_558, %get3A_589 : vector<16xf32>
        %add3A_591 = arith.constant 2 : i32
        %add3A_592 = arith.addi %add3A_578, %add3A_591 : i32
        %get3A_593 = arith.index_cast %add3A_592 : i32 to index
        %get3A_594 = arith.constant 0 : index
        %get3A_595 = tpu.vector_load %arg5[%get3A_593, %get3A_594] {strides = array<i32>} : memref<1023x16xf32, #tpu.memory_space<vmem>>, vector<1x16xf32>,
        %get3A_596 = vector.shape_cast %get3A_595 : vector<1x16xf32> to vector<16xf32>
        %add3A_597 = arith.addf %add3A_565, %get3A_596 : vector<16xf32>
        %add3A_598 = arith.constant 3 : i32
        %add3A_599 = arith.addi %add3A_578, %add3A_598 : i32
        %get3A_600 = arith.index_cast %add3A_599 : i32 to index
        %get3A_601 = arith.constant 0 : index
        %get3A_602 = tpu.vector_load %arg5[%get3A_600, %get3A_601] {strides = array<i32>} : memref<1023x16xf32, #tpu.memory_space<vmem>>, vector<1x16xf32>,
        %get3A_603 = vector.shape_cast %get3A_602 : vector<1x16xf32> to vector<16xf32>
        %add3A_604 = arith.addf %add3A_572, %get3A_603 : vector<16xf32>
        %scan3A_605 = arith.constant 5 : i32
        %scan3A_606 = arith.addi %scan3A_442, %scan3A_605 : i32
        %mul3A_607 = arith.constant 4 : i32
        %mul3A_608 = arith.muli %mul3A_607, %scan3A_606 : i32
        %add3A_609 = arith.constant 511 : i32
        %add3A_610 = arith.addi %add3A_609, %mul3A_608 : i32
        %get3A_611 = arith.index_cast %add3A_610 : i32 to index
        %get3A_612 = arith.constant 0 : index
        %get3A_613 = tpu.vector_load %arg5[%get3A_611, %get3A_612] {strides = array<i32>} : memref<1023x16xf32, #tpu.memory_space<vmem>>, vector<1x16xf32>,
        %get3A_614 = vector.shape_cast %get3A_613 : vector<1x16xf32> to vector<16xf32>
        %add3A_615 = arith.addf %add3A_583, %get3A_614 : vector<16xf32>
        %add3A_616 = arith.constant 1 : i32
        %add3A_617 = arith.addi %add3A_610, %add3A_616 : i32
        %get3A_618 = arith.index_cast %add3A_617 : i32 to index
        %get3A_619 = arith.constant 0 : index
        %get3A_620 = tpu.vector_load %arg5[%get3A_618, %get3A_619] {strides = array<i32>} : memref<1023x16xf32, #tpu.memory_space<vmem>>, vector<1x16xf32>,
        %get3A_621 = vector.shape_cast %get3A_620 : vector<1x16xf32> to vector<16xf32>
        %add3A_622 = arith.addf %add3A_590, %get3A_621 : vector<16xf32>
        %add3A_623 = arith.constant 2 : i32
        %add3A_624 = arith.addi %add3A_610, %add3A_623 : i32
        %get3A_625 = arith.index_cast %add3A_624 : i32 to index
        %get3A_626 = arith.constant 0 : index
        %get3A_627 = tpu.vector_load %arg5[%get3A_625, %get3A_626] {strides = array<i32>} : memref<1023x16xf32, #tpu.memory_space<vmem>>, vector<1x16xf32>,
        %get3A_628 = vector.shape_cast %get3A_627 : vector<1x16xf32> to vector<16xf32>
        %add3A_629 = arith.addf %add3A_597, %get3A_628 : vector<16xf32>
        %add3A_630 = arith.constant 3 : i32
        %add3A_631 = arith.addi %add3A_610, %add3A_630 : i32
        %get3A_632 = arith.index_cast %add3A_631 : i32 to index
        %get3A_633 = arith.constant 0 : index
        %get3A_634 = tpu.vector_load %arg5[%get3A_632, %get3A_633] {strides = array<i32>} : memref<1023x16xf32, #tpu.memory_space<vmem>>, vector<1x16xf32>,
        %get3A_635 = vector.shape_cast %get3A_634 : vector<1x16xf32> to vector<16xf32>
        %add3A_636 = arith.addf %add3A_604, %get3A_635 : vector<16xf32>
        %scan3A_637 = arith.constant 6 : i32
        %scan3A_638 = arith.addi %scan3A_442, %scan3A_637 : i32
        %mul3A_639 = arith.constant 4 : i32
        %mul3A_640 = arith.muli %mul3A_639, %scan3A_638 : i32
        %add3A_641 = arith.constant 511 : i32
        %add3A_642 = arith.addi %add3A_641, %mul3A_640 : i32
        %get3A_643 = arith.index_cast %add3A_642 : i32 to index
        %get3A_644 = arith.constant 0 : index
        %get3A_645 = tpu.vector_load %arg5[%get3A_643, %get3A_644] {strides = array<i32>} : memref<1023x16xf32, #tpu.memory_space<vmem>>, vector<1x16xf32>,
        %get3A_646 = vector.shape_cast %get3A_645 : vector<1x16xf32> to vector<16xf32>
        %add3A_647 = arith.addf %add3A_615, %get3A_646 : vector<16xf32>
        %add3A_648 = arith.constant 1 : i32
        %add3A_649 = arith.addi %add3A_642, %add3A_648 : i32
        %get3A_650 = arith.index_cast %add3A_649 : i32 to index
        %get3A_651 = arith.constant 0 : index
        %get3A_652 = tpu.vector_load %arg5[%get3A_650, %get3A_651] {strides = array<i32>} : memref<1023x16xf32, #tpu.memory_space<vmem>>, vector<1x16xf32>,
        %get3A_653 = vector.shape_cast %get3A_652 : vector<1x16xf32> to vector<16xf32>
        %add3A_654 = arith.addf %add3A_622, %get3A_653 : vector<16xf32>
        %add3A_655 = arith.constant 2 : i32
        %add3A_656 = arith.addi %add3A_642, %add3A_655 : i32
        %get3A_657 = arith.index_cast %add3A_656 : i32 to index
        %get3A_658 = arith.constant 0 : index
        %get3A_659 = tpu.vector_load %arg5[%get3A_657, %get3A_658] {strides = array<i32>} : memref<1023x16xf32, #tpu.memory_space<vmem>>, vector<1x16xf32>,
        %get3A_660 = vector.shape_cast %get3A_659 : vector<1x16xf32> to vector<16xf32>
        %add3A_661 = arith.addf %add3A_629, %get3A_660 : vector<16xf32>
        %add3A_662 = arith.constant 3 : i32
        %add3A_663 = arith.addi %add3A_642, %add3A_662 : i32
        %get3A_664 = arith.index_cast %add3A_663 : i32 to index
        %get3A_665 = arith.constant 0 : index
        %get3A_666 = tpu.vector_load %arg5[%get3A_664, %get3A_665] {strides = array<i32>} : memref<1023x16xf32, #tpu.memory_space<vmem>>, vector<1x16xf32>,
        %get3A_667 = vector.shape_cast %get3A_666 : vector<1x16xf32> to vector<16xf32>
        %add3A_668 = arith.addf %add3A_636, %get3A_667 : vector<16xf32>
        %scan3A_669 = arith.constant 7 : i32
        %scan3A_670 = arith.addi %scan3A_442, %scan3A_669 : i32
        %mul3A_671 = arith.constant 4 : i32
        %mul3A_672 = arith.muli %mul3A_671, %scan3A_670 : i32
        %add3A_673 = arith.constant 511 : i32
        %add3A_674 = arith.addi %add3A_673, %mul3A_672 : i32
        %get3A_675 = arith.index_cast %add3A_674 : i32 to index
        %get3A_676 = arith.constant 0 : index
        %get3A_677 = tpu.vector_load %arg5[%get3A_675, %get3A_676] {strides = array<i32>} : memref<1023x16xf32, #tpu.memory_space<vmem>>, vector<1x16xf32>,
        %get3A_678 = vector.shape_cast %get3A_677 : vector<1x16xf32> to vector<16xf32>
        %add3A_679 = arith.addf %add3A_647, %get3A_678 : vector<16xf32>
        %add3A_680 = arith.constant 1 : i32
        %add3A_681 = arith.addi %add3A_674, %add3A_680 : i32
        %get3A_682 = arith.index_cast %add3A_681 : i32 to index
        %get3A_683 = arith.constant 0 : index
        %get3A_684 = tpu.vector_load %arg5[%get3A_682, %get3A_683] {strides = array<i32>} : memref<1023x16xf32, #tpu.memory_space<vmem>>, vector<1x16xf32>,
        %get3A_685 = vector.shape_cast %get3A_684 : vector<1x16xf32> to vector<16xf32>
        %add3A_686 = arith.addf %add3A_654, %get3A_685 : vector<16xf32>
        %add3A_687 = arith.constant 2 : i32
        %add3A_688 = arith.addi %add3A_674, %add3A_687 : i32
        %get3A_689 = arith.index_cast %add3A_688 : i32 to index
        %get3A_690 = arith.constant 0 : index
        %get3A_691 = tpu.vector_load %arg5[%get3A_689, %get3A_690] {strides = array<i32>} : memref<1023x16xf32, #tpu.memory_space<vmem>>, vector<1x16xf32>,
        %get3A_692 = vector.shape_cast %get3A_691 : vector<1x16xf32> to vector<16xf32>
        %add3A_693 = arith.addf %add3A_661, %get3A_692 : vector<16xf32>
        %add3A_694 = arith.constant 3 : i32
        %add3A_695 = arith.addi %add3A_674, %add3A_694 : i32
        %get3A_696 = arith.index_cast %add3A_695 : i32 to index
        %get3A_697 = arith.constant 0 : index
        %get3A_698 = tpu.vector_load %arg5[%get3A_696, %get3A_697] {strides = array<i32>} : memref<1023x16xf32, #tpu.memory_space<vmem>>, vector<1x16xf32>,
        %get3A_699 = vector.shape_cast %get3A_698 : vector<1x16xf32> to vector<16xf32>
        %add3A_700 = arith.addf %add3A_668, %get3A_699 : vector<16xf32>
        scf.yield %add3A_679, %add3A_686, %add3A_693, %add3A_700 : vector<16xf32>, vector<16xf32>, vector<16xf32>, vector<16xf32>
      }
      %scan3A_40 = arith.constant 128 : i32
      %add3A_41 = arith.addf %scan3A_39#0, %scan3A_39#1 : vector<16xf32>
      %add3A_42 = arith.addf %scan3A_39#2, %scan3A_39#3 : vector<16xf32>
      %add3A_43 = arith.addf %add3A_41, %add3A_42 : vector<16xf32>
      %mul3A_44 = arith.constant 0.001953125 : f32
      %mul3A_45 = vector.broadcast %mul3A_44 : f32 to vector<16xf32>
      %mul3A_46 = arith.mulf %add3A_43, %mul3A_45 : vector<16xf32>
      %swap3A = arith.constant 0 : i32
      %swap3A_47 = arith.index_cast %swap3A : i32 to index
      %swap3A_48 = arith.constant 0 : index
      %swap3A_49 = tpu.vector_load %arg7[%swap3A_47, %swap3A_48] {strides = array<i32>} : memref<512x16xf32, #tpu.memory_space<vmem>>, vector<1x16xf32>,
      %swap3A_50 = vector.shape_cast %swap3A_49 : vector<1x16xf32> to vector<16xf32>
      %swap3A_51 = vector.shape_cast %mul3A_46 : vector<16xf32> to vector<1x16xf32>
      tpu.vector_store %arg7[%swap3A_47, %swap3A_48], %swap3A_51 {strides = array<i32>} : memref<512x16xf32, #tpu.memory_space<vmem>>, vector<1x16xf32>,
      %scan3A_52 = arith.constant 0 : i32
      %scan3A_53 = arith.constant 124 : i32
      %scan3A_54 = arith.addi %scan3A_52, %scan3A_53 : i32
      %scan3A_55 = arith.constant 4 : i32
      %scan3A_56 = scf.for %scan3A_442 = %scan3A_52 to %scan3A_54 step %scan3A_55 iter_args(%scan3A_443 = %add3A_43) -> (vector<16xf32>)  : i32 {
        %mul3A_444 = arith.constant 4 : i32
        %mul3A_445 = arith.muli %mul3A_444, %scan3A_442 : i32
        %sub3A_446 = arith.constant 510 : i32
        %sub3A_447 = arith.subi %sub3A_446, %mul3A_445 : i32
        %get3A_448 = arith.index_cast %sub3A_447 : i32 to index
        %get3A_449 = arith.constant 0 : index
        %get3A_450 = tpu.vector_load %arg5[%get3A_448, %get3A_449] {strides = array<i32>} : memref<1023x16xf32, #tpu.memory_space<vmem>>, vector<1x16xf32>,
        %get3A_451 = vector.shape_cast %get3A_450 : vector<1x16xf32> to vector<16xf32>
        %sub3A_452 = arith.constant 1022 : i32
        %sub3A_453 = arith.subi %sub3A_452, %mul3A_445 : i32
        %get3A_454 = arith.index_cast %sub3A_453 : i32 to index
        %get3A_455 = arith.constant 0 : index
        %get3A_456 = tpu.vector_load %arg5[%get3A_454, %get3A_455] {strides = array<i32>} : memref<1023x16xf32, #tpu.memory_space<vmem>>, vector<1x16xf32>,
        %get3A_457 = vector.shape_cast %get3A_456 : vector<1x16xf32> to vector<16xf32>
        %sub3A_458 = arith.subf %get3A_451, %get3A_457 : vector<16xf32>
        %sub3A_459 = arith.constant 509 : i32
        %sub3A_460 = arith.subi %sub3A_459, %mul3A_445 : i32
        %get3A_461 = arith.index_cast %sub3A_460 : i32 to index
        %get3A_462 = arith.constant 0 : index
        %get3A_463 = tpu.vector_load %arg5[%get3A_461, %get3A_462] {strides = array<i32>} : memref<1023x16xf32, #tpu.memory_space<vmem>>, vector<1x16xf32>,
        %get3A_464 = vector.shape_cast %get3A_463 : vector<1x16xf32> to vector<16xf32>
        %sub3A_465 = arith.constant 1021 : i32
        %sub3A_466 = arith.subi %sub3A_465, %mul3A_445 : i32
        %get3A_467 = arith.index_cast %sub3A_466 : i32 to index
        %get3A_468 = arith.constant 0 : index
        %get3A_469 = tpu.vector_load %arg5[%get3A_467, %get3A_468] {strides = array<i32>} : memref<1023x16xf32, #tpu.memory_space<vmem>>, vector<1x16xf32>,
        %get3A_470 = vector.shape_cast %get3A_469 : vector<1x16xf32> to vector<16xf32>
        %sub3A_471 = arith.subf %get3A_464, %get3A_470 : vector<16xf32>
        %sub3A_472 = arith.constant 508 : i32
        %sub3A_473 = arith.subi %sub3A_472, %mul3A_445 : i32
        %get3A_474 = arith.index_cast %sub3A_473 : i32 to index
        %get3A_475 = arith.constant 0 : index
        %get3A_476 = tpu.vector_load %arg5[%get3A_474, %get3A_475] {strides = array<i32>} : memref<1023x16xf32, #tpu.memory_space<vmem>>, vector<1x16xf32>,
        %get3A_477 = vector.shape_cast %get3A_476 : vector<1x16xf32> to vector<16xf32>
        %sub3A_478 = arith.constant 1020 : i32
        %sub3A_479 = arith.subi %sub3A_478, %mul3A_445 : i32
        %get3A_480 = arith.index_cast %sub3A_479 : i32 to index
        %get3A_481 = arith.constant 0 : index
        %get3A_482 = tpu.vector_load %arg5[%get3A_480, %get3A_481] {strides = array<i32>} : memref<1023x16xf32, #tpu.memory_space<vmem>>, vector<1x16xf32>,
        %get3A_483 = vector.shape_cast %get3A_482 : vector<1x16xf32> to vector<16xf32>
        %sub3A_484 = arith.subf %get3A_477, %get3A_483 : vector<16xf32>
        %sub3A_485 = arith.constant 507 : i32
        %sub3A_486 = arith.subi %sub3A_485, %mul3A_445 : i32
        %get3A_487 = arith.index_cast %sub3A_486 : i32 to index
        %get3A_488 = arith.constant 0 : index
        %get3A_489 = tpu.vector_load %arg5[%get3A_487, %get3A_488] {strides = array<i32>} : memref<1023x16xf32, #tpu.memory_space<vmem>>, vector<1x16xf32>,
        %get3A_490 = vector.shape_cast %get3A_489 : vector<1x16xf32> to vector<16xf32>
        %sub3A_491 = arith.constant 1019 : i32
        %sub3A_492 = arith.subi %sub3A_491, %mul3A_445 : i32
        %get3A_493 = arith.index_cast %sub3A_492 : i32 to index
        %get3A_494 = arith.constant 0 : index
        %get3A_495 = tpu.vector_load %arg5[%get3A_493, %get3A_494] {strides = array<i32>} : memref<1023x16xf32, #tpu.memory_space<vmem>>, vector<1x16xf32>,
        %get3A_496 = vector.shape_cast %get3A_495 : vector<1x16xf32> to vector<16xf32>
        %sub3A_497 = arith.subf %get3A_490, %get3A_496 : vector<16xf32>
        %add3A_498 = arith.addf %sub3A_458, %sub3A_471 : vector<16xf32>
        %add3A_499 = arith.addf %sub3A_484, %sub3A_497 : vector<16xf32>
        %add3A_500 = arith.addf %scan3A_443, %sub3A_458 : vector<16xf32>
        %add3A_501 = arith.addf %scan3A_443, %add3A_498 : vector<16xf32>
        %add3A_502 = arith.addf %add3A_501, %sub3A_484 : vector<16xf32>
        %add3A_503 = arith.addf %add3A_498, %add3A_499 : vector<16xf32>
        %add3A_504 = arith.addf %scan3A_443, %add3A_503 : vector<16xf32>
        %mul3A_505 = arith.constant 0.001953125 : f32
        %mul3A_506 = vector.broadcast %mul3A_505 : f32 to vector<16xf32>
        %mul3A_507 = arith.mulf %add3A_500, %mul3A_506 : vector<16xf32>
        %add3A_508 = arith.constant 1 : i32
        %add3A_509 = arith.addi %mul3A_445, %add3A_508 : i32
        %swap3A_510 = arith.index_cast %add3A_509 : i32 to index
        %swap3A_511 = arith.constant 0 : index
        %swap3A_512 = tpu.vector_load %arg7[%swap3A_510, %swap3A_511] {strides = array<i32>} : memref<512x16xf32, #tpu.memory_space<vmem>>, vector<1x16xf32>,
        %swap3A_513 = vector.shape_cast %swap3A_512 : vector<1x16xf32> to vector<16xf32>
        %swap3A_514 = vector.shape_cast %mul3A_507 : vector<16xf32> to vector<1x16xf32>
        tpu.vector_store %arg7[%swap3A_510, %swap3A_511], %swap3A_514 {strides = array<i32>} : memref<512x16xf32, #tpu.memory_space<vmem>>, vector<1x16xf32>,
        %mul3A_515 = arith.constant 0.001953125 : f32
        %mul3A_516 = vector.broadcast %mul3A_515 : f32 to vector<16xf32>
        %mul3A_517 = arith.mulf %add3A_501, %mul3A_516 : vector<16xf32>
        %add3A_518 = arith.constant 2 : i32
        %add3A_519 = arith.addi %mul3A_445, %add3A_518 : i32
        %swap3A_520 = arith.index_cast %add3A_519 : i32 to index
        %swap3A_521 = arith.constant 0 : index
        %swap3A_522 = tpu.vector_load %arg7[%swap3A_520, %swap3A_521] {strides = array<i32>} : memref<512x16xf32, #tpu.memory_space<vmem>>, vector<1x16xf32>,
        %swap3A_523 = vector.shape_cast %swap3A_522 : vector<1x16xf32> to vector<16xf32>
        %swap3A_524 = vector.shape_cast %mul3A_517 : vector<16xf32> to vector<1x16xf32>
        tpu.vector_store %arg7[%swap3A_520, %swap3A_521], %swap3A_524 {strides = array<i32>} : memref<512x16xf32, #tpu.memory_space<vmem>>, vector<1x16xf32>,
        %mul3A_525 = arith.constant 0.001953125 : f32
        %mul3A_526 = vector.broadcast %mul3A_525 : f32 to vector<16xf32>
        %mul3A_527 = arith.mulf %add3A_502, %mul3A_526 : vector<16xf32>
        %add3A_528 = arith.constant 3 : i32
        %add3A_529 = arith.addi %mul3A_445, %add3A_528 : i32
        %swap3A_530 = arith.index_cast %add3A_529 : i32 to index
        %swap3A_531 = arith.constant 0 : index
        %swap3A_532 = tpu.vector_load %arg7[%swap3A_530, %swap3A_531] {strides = array<i32>} : memref<512x16xf32, #tpu.memory_space<vmem>>, vector<1x16xf32>,
        %swap3A_533 = vector.shape_cast %swap3A_532 : vector<1x16xf32> to vector<16xf32>
        %swap3A_534 = vector.shape_cast %mul3A_527 : vector<16xf32> to vector<1x16xf32>
        tpu.vector_store %arg7[%swap3A_530, %swap3A_531], %swap3A_534 {strides = array<i32>} : memref<512x16xf32, #tpu.memory_space<vmem>>, vector<1x16xf32>,
        %mul3A_535 = arith.constant 0.001953125 : f32
        %mul3A_536 = vector.broadcast %mul3A_535 : f32 to vector<16xf32>
        %mul3A_537 = arith.mulf %add3A_504, %mul3A_536 : vector<16xf32>
        %add3A_538 = arith.constant 4 : i32
        %add3A_539 = arith.addi %mul3A_445, %add3A_538 : i32
        %swap3A_540 = arith.index_cast %add3A_539 : i32 to index
        %swap3A_541 = arith.constant 0 : index
        %swap3A_542 = tpu.vector_load %arg7[%swap3A_540, %swap3A_541] {strides = array<i32>} : memref<512x16xf32, #tpu.memory_space<vmem>>, vector<1x16xf32>,
        %swap3A_543 = vector.shape_cast %swap3A_542 : vector<1x16xf32> to vector<16xf32>
        %swap3A_544 = vector.shape_cast %mul3A_537 : vector<16xf32> to vector<1x16xf32>
        tpu.vector_store %arg7[%swap3A_540, %swap3A_541], %swap3A_544 {strides = array<i32>} : memref<512x16xf32, #tpu.memory_space<vmem>>, vector<1x16xf32>,
        %scan3A_545 = arith.constant 1 : i32
        %scan3A_546 = arith.addi %scan3A_442, %scan3A_545 : i32
        %mul3A_547 = arith.constant 4 : i32
        %mul3A_548 = arith.muli %mul3A_547, %scan3A_546 : i32
        %sub3A_549 = arith.constant 510 : i32
        %sub3A_550 = arith.subi %sub3A_549, %mul3A_548 : i32
        %get3A_551 = arith.index_cast %sub3A_550 : i32 to index
        %get3A_552 = arith.constant 0 : index
        %get3A_553 = tpu.vector_load %arg5[%get3A_551, %get3A_552] {strides = array<i32>} : memref<1023x16xf32, #tpu.memory_space<vmem>>, vector<1x16xf32>,
        %get3A_554 = vector.shape_cast %get3A_553 : vector<1x16xf32> to vector<16xf32>
        %sub3A_555 = arith.constant 1022 : i32
        %sub3A_556 = arith.subi %sub3A_555, %mul3A_548 : i32
        %get3A_557 = arith.index_cast %sub3A_556 : i32 to index
        %get3A_558 = arith.constant 0 : index
        %get3A_559 = tpu.vector_load %arg5[%get3A_557, %get3A_558] {strides = array<i32>} : memref<1023x16xf32, #tpu.memory_space<vmem>>, vector<1x16xf32>,
        %get3A_560 = vector.shape_cast %get3A_559 : vector<1x16xf32> to vector<16xf32>
        %sub3A_561 = arith.subf %get3A_554, %get3A_560 : vector<16xf32>
        %sub3A_562 = arith.constant 509 : i32
        %sub3A_563 = arith.subi %sub3A_562, %mul3A_548 : i32
        %get3A_564 = arith.index_cast %sub3A_563 : i32 to index
        %get3A_565 = arith.constant 0 : index
        %get3A_566 = tpu.vector_load %arg5[%get3A_564, %get3A_565] {strides = array<i32>} : memref<1023x16xf32, #tpu.memory_space<vmem>>, vector<1x16xf32>,
        %get3A_567 = vector.shape_cast %get3A_566 : vector<1x16xf32> to vector<16xf32>
        %sub3A_568 = arith.constant 1021 : i32
        %sub3A_569 = arith.subi %sub3A_568, %mul3A_548 : i32
        %get3A_570 = arith.index_cast %sub3A_569 : i32 to index
        %get3A_571 = arith.constant 0 : index
        %get3A_572 = tpu.vector_load %arg5[%get3A_570, %get3A_571] {strides = array<i32>} : memref<1023x16xf32, #tpu.memory_space<vmem>>, vector<1x16xf32>,
        %get3A_573 = vector.shape_cast %get3A_572 : vector<1x16xf32> to vector<16xf32>
        %sub3A_574 = arith.subf %get3A_567, %get3A_573 : vector<16xf32>
        %sub3A_575 = arith.constant 508 : i32
        %sub3A_576 = arith.subi %sub3A_575, %mul3A_548 : i32
        %get3A_577 = arith.index_cast %sub3A_576 : i32 to index
        %get3A_578 = arith.constant 0 : index
        %get3A_579 = tpu.vector_load %arg5[%get3A_577, %get3A_578] {strides = array<i32>} : memref<1023x16xf32, #tpu.memory_space<vmem>>, vector<1x16xf32>,
        %get3A_580 = vector.shape_cast %get3A_579 : vector<1x16xf32> to vector<16xf32>
        %sub3A_581 = arith.constant 1020 : i32
        %sub3A_582 = arith.subi %sub3A_581, %mul3A_548 : i32
        %get3A_583 = arith.index_cast %sub3A_582 : i32 to index
        %get3A_584 = arith.constant 0 : index
        %get3A_585 = tpu.vector_load %arg5[%get3A_583, %get3A_584] {strides = array<i32>} : memref<1023x16xf32, #tpu.memory_space<vmem>>, vector<1x16xf32>,
        %get3A_586 = vector.shape_cast %get3A_585 : vector<1x16xf32> to vector<16xf32>
        %sub3A_587 = arith.subf %get3A_580, %get3A_586 : vector<16xf32>
        %sub3A_588 = arith.constant 507 : i32
        %sub3A_589 = arith.subi %sub3A_588, %mul3A_548 : i32
        %get3A_590 = arith.index_cast %sub3A_589 : i32 to index
        %get3A_591 = arith.constant 0 : index
        %get3A_592 = tpu.vector_load %arg5[%get3A_590, %get3A_591] {strides = array<i32>} : memref<1023x16xf32, #tpu.memory_space<vmem>>, vector<1x16xf32>,
        %get3A_593 = vector.shape_cast %get3A_592 : vector<1x16xf32> to vector<16xf32>
        %sub3A_594 = arith.constant 1019 : i32
        %sub3A_595 = arith.subi %sub3A_594, %mul3A_548 : i32
        %get3A_596 = arith.index_cast %sub3A_595 : i32 to index
        %get3A_597 = arith.constant 0 : index
        %get3A_598 = tpu.vector_load %arg5[%get3A_596, %get3A_597] {strides = array<i32>} : memref<1023x16xf32, #tpu.memory_space<vmem>>, vector<1x16xf32>,
        %get3A_599 = vector.shape_cast %get3A_598 : vector<1x16xf32> to vector<16xf32>
        %sub3A_600 = arith.subf %get3A_593, %get3A_599 : vector<16xf32>
        %add3A_601 = arith.addf %sub3A_561, %sub3A_574 : vector<16xf32>
        %add3A_602 = arith.addf %sub3A_587, %sub3A_600 : vector<16xf32>
        %add3A_603 = arith.addf %add3A_504, %sub3A_561 : vector<16xf32>
        %add3A_604 = arith.addf %add3A_504, %add3A_601 : vector<16xf32>
        %add3A_605 = arith.addf %add3A_604, %sub3A_587 : vector<16xf32>
        %add3A_606 = arith.addf %add3A_601, %add3A_602 : vector<16xf32>
        %add3A_607 = arith.addf %add3A_504, %add3A_606 : vector<16xf32>
        %mul3A_608 = arith.constant 0.001953125 : f32
        %mul3A_609 = vector.broadcast %mul3A_608 : f32 to vector<16xf32>
        %mul3A_610 = arith.mulf %add3A_603, %mul3A_609 : vector<16xf32>
        %add3A_611 = arith.constant 1 : i32
        %add3A_612 = arith.addi %mul3A_548, %add3A_611 : i32
        %swap3A_613 = arith.index_cast %add3A_612 : i32 to index
        %swap3A_614 = arith.constant 0 : index
        %swap3A_615 = tpu.vector_load %arg7[%swap3A_613, %swap3A_614] {strides = array<i32>} : memref<512x16xf32, #tpu.memory_space<vmem>>, vector<1x16xf32>,
        %swap3A_616 = vector.shape_cast %swap3A_615 : vector<1x16xf32> to vector<16xf32>
        %swap3A_617 = vector.shape_cast %mul3A_610 : vector<16xf32> to vector<1x16xf32>
        tpu.vector_store %arg7[%swap3A_613, %swap3A_614], %swap3A_617 {strides = array<i32>} : memref<512x16xf32, #tpu.memory_space<vmem>>, vector<1x16xf32>,
        %mul3A_618 = arith.constant 0.001953125 : f32
        %mul3A_619 = vector.broadcast %mul3A_618 : f32 to vector<16xf32>
        %mul3A_620 = arith.mulf %add3A_604, %mul3A_619 : vector<16xf32>
        %add3A_621 = arith.constant 2 : i32
        %add3A_622 = arith.addi %mul3A_548, %add3A_621 : i32
        %swap3A_623 = arith.index_cast %add3A_622 : i32 to index
        %swap3A_624 = arith.constant 0 : index
        %swap3A_625 = tpu.vector_load %arg7[%swap3A_623, %swap3A_624] {strides = array<i32>} : memref<512x16xf32, #tpu.memory_space<vmem>>, vector<1x16xf32>,
        %swap3A_626 = vector.shape_cast %swap3A_625 : vector<1x16xf32> to vector<16xf32>
        %swap3A_627 = vector.shape_cast %mul3A_620 : vector<16xf32> to vector<1x16xf32>
        tpu.vector_store %arg7[%swap3A_623, %swap3A_624], %swap3A_627 {strides = array<i32>} : memref<512x16xf32, #tpu.memory_space<vmem>>, vector<1x16xf32>,
        %mul3A_628 = arith.constant 0.001953125 : f32
        %mul3A_629 = vector.broadcast %mul3A_628 : f32 to vector<16xf32>
        %mul3A_630 = arith.mulf %add3A_605, %mul3A_629 : vector<16xf32>
        %add3A_631 = arith.constant 3 : i32
        %add3A_632 = arith.addi %mul3A_548, %add3A_631 : i32
        %swap3A_633 = arith.index_cast %add3A_632 : i32 to index
        %swap3A_634 = arith.constant 0 : index
        %swap3A_635 = tpu.vector_load %arg7[%swap3A_633, %swap3A_634] {strides = array<i32>} : memref<512x16xf32, #tpu.memory_space<vmem>>, vector<1x16xf32>,
        %swap3A_636 = vector.shape_cast %swap3A_635 : vector<1x16xf32> to vector<16xf32>
        %swap3A_637 = vector.shape_cast %mul3A_630 : vector<16xf32> to vector<1x16xf32>
        tpu.vector_store %arg7[%swap3A_633, %swap3A_634], %swap3A_637 {strides = array<i32>} : memref<512x16xf32, #tpu.memory_space<vmem>>, vector<1x16xf32>,
        %mul3A_638 = arith.constant 0.001953125 : f32
        %mul3A_639 = vector.broadcast %mul3A_638 : f32 to vector<16xf32>
        %mul3A_640 = arith.mulf %add3A_607, %mul3A_639 : vector<16xf32>
        %add3A_641 = arith.constant 4 : i32
        %add3A_642 = arith.addi %mul3A_548, %add3A_641 : i32
        %swap3A_643 = arith.index_cast %add3A_642 : i32 to index
        %swap3A_644 = arith.constant 0 : index
        %swap3A_645 = tpu.vector_load %arg7[%swap3A_643, %swap3A_644] {strides = array<i32>} : memref<512x16xf32, #tpu.memory_space<vmem>>, vector<1x16xf32>,
        %swap3A_646 = vector.shape_cast %swap3A_645 : vector<1x16xf32> to vector<16xf32>
        %swap3A_647 = vector.shape_cast %mul3A_640 : vector<16xf32> to vector<1x16xf32>
        tpu.vector_store %arg7[%swap3A_643, %swap3A_644], %swap3A_647 {strides = array<i32>} : memref<512x16xf32, #tpu.memory_space<vmem>>, vector<1x16xf32>,
        %scan3A_648 = arith.constant 2 : i32
        %scan3A_649 = arith.addi %scan3A_442, %scan3A_648 : i32
        %mul3A_650 = arith.constant 4 : i32
        %mul3A_651 = arith.muli %mul3A_650, %scan3A_649 : i32
        %sub3A_652 = arith.constant 510 : i32
        %sub3A_653 = arith.subi %sub3A_652, %mul3A_651 : i32
        %get3A_654 = arith.index_cast %sub3A_653 : i32 to index
        %get3A_655 = arith.constant 0 : index
        %get3A_656 = tpu.vector_load %arg5[%get3A_654, %get3A_655] {strides = array<i32>} : memref<1023x16xf32, #tpu.memory_space<vmem>>, vector<1x16xf32>,
        %get3A_657 = vector.shape_cast %get3A_656 : vector<1x16xf32> to vector<16xf32>
        %sub3A_658 = arith.constant 1022 : i32
        %sub3A_659 = arith.subi %sub3A_658, %mul3A_651 : i32
        %get3A_660 = arith.index_cast %sub3A_659 : i32 to index
        %get3A_661 = arith.constant 0 : index
        %get3A_662 = tpu.vector_load %arg5[%get3A_660, %get3A_661] {strides = array<i32>} : memref<1023x16xf32, #tpu.memory_space<vmem>>, vector<1x16xf32>,
        %get3A_663 = vector.shape_cast %get3A_662 : vector<1x16xf32> to vector<16xf32>
        %sub3A_664 = arith.subf %get3A_657, %get3A_663 : vector<16xf32>
        %sub3A_665 = arith.constant 509 : i32
        %sub3A_666 = arith.subi %sub3A_665, %mul3A_651 : i32
        %get3A_667 = arith.index_cast %sub3A_666 : i32 to index
        %get3A_668 = arith.constant 0 : index
        %get3A_669 = tpu.vector_load %arg5[%get3A_667, %get3A_668] {strides = array<i32>} : memref<1023x16xf32, #tpu.memory_space<vmem>>, vector<1x16xf32>,
        %get3A_670 = vector.shape_cast %get3A_669 : vector<1x16xf32> to vector<16xf32>
        %sub3A_671 = arith.constant 1021 : i32
        %sub3A_672 = arith.subi %sub3A_671, %mul3A_651 : i32
        %get3A_673 = arith.index_cast %sub3A_672 : i32 to index
        %get3A_674 = arith.constant 0 : index
        %get3A_675 = tpu.vector_load %arg5[%get3A_673, %get3A_674] {strides = array<i32>} : memref<1023x16xf32, #tpu.memory_space<vmem>>, vector<1x16xf32>,
        %get3A_676 = vector.shape_cast %get3A_675 : vector<1x16xf32> to vector<16xf32>
        %sub3A_677 = arith.subf %get3A_670, %get3A_676 : vector<16xf32>
        %sub3A_678 = arith.constant 508 : i32
        %sub3A_679 = arith.subi %sub3A_678, %mul3A_651 : i32
        %get3A_680 = arith.index_cast %sub3A_679 : i32 to index
        %get3A_681 = arith.constant 0 : index
        %get3A_682 = tpu.vector_load %arg5[%get3A_680, %get3A_681] {strides = array<i32>} : memref<1023x16xf32, #tpu.memory_space<vmem>>, vector<1x16xf32>,
        %get3A_683 = vector.shape_cast %get3A_682 : vector<1x16xf32> to vector<16xf32>
        %sub3A_684 = arith.constant 1020 : i32
        %sub3A_685 = arith.subi %sub3A_684, %mul3A_651 : i32
        %get3A_686 = arith.index_cast %sub3A_685 : i32 to index
        %get3A_687 = arith.constant 0 : index
        %get3A_688 = tpu.vector_load %arg5[%get3A_686, %get3A_687] {strides = array<i32>} : memref<1023x16xf32, #tpu.memory_space<vmem>>, vector<1x16xf32>,
        %get3A_689 = vector.shape_cast %get3A_688 : vector<1x16xf32> to vector<16xf32>
        %sub3A_690 = arith.subf %get3A_683, %get3A_689 : vector<16xf32>
        %sub3A_691 = arith.constant 507 : i32
        %sub3A_692 = arith.subi %sub3A_691, %mul3A_651 : i32
        %get3A_693 = arith.index_cast %sub3A_692 : i32 to index
        %get3A_694 = arith.constant 0 : index
        %get3A_695 = tpu.vector_load %arg5[%get3A_693, %get3A_694] {strides = array<i32>} : memref<1023x16xf32, #tpu.memory_space<vmem>>, vector<1x16xf32>,
        %get3A_696 = vector.shape_cast %get3A_695 : vector<1x16xf32> to vector<16xf32>
        %sub3A_697 = arith.constant 1019 : i32
        %sub3A_698 = arith.subi %sub3A_697, %mul3A_651 : i32
        %get3A_699 = arith.index_cast %sub3A_698 : i32 to index
        %get3A_700 = arith.constant 0 : index
        %get3A_701 = tpu.vector_load %arg5[%get3A_699, %get3A_700] {strides = array<i32>} : memref<1023x16xf32, #tpu.memory_space<vmem>>, vector<1x16xf32>,
        %get3A_702 = vector.shape_cast %get3A_701 : vector<1x16xf32> to vector<16xf32>
        %sub3A_703 = arith.subf %get3A_696, %get3A_702 : vector<16xf32>
        %add3A_704 = arith.addf %sub3A_664, %sub3A_677 : vector<16xf32>
        %add3A_705 = arith.addf %sub3A_690, %sub3A_703 : vector<16xf32>
        %add3A_706 = arith.addf %add3A_607, %sub3A_664 : vector<16xf32>
        %add3A_707 = arith.addf %add3A_607, %add3A_704 : vector<16xf32>
        %add3A_708 = arith.addf %add3A_707, %sub3A_690 : vector<16xf32>
        %add3A_709 = arith.addf %add3A_704, %add3A_705 : vector<16xf32>
        %add3A_710 = arith.addf %add3A_607, %add3A_709 : vector<16xf32>
        %mul3A_711 = arith.constant 0.001953125 : f32
        %mul3A_712 = vector.broadcast %mul3A_711 : f32 to vector<16xf32>
        %mul3A_713 = arith.mulf %add3A_706, %mul3A_712 : vector<16xf32>
        %add3A_714 = arith.constant 1 : i32
        %add3A_715 = arith.addi %mul3A_651, %add3A_714 : i32
        %swap3A_716 = arith.index_cast %add3A_715 : i32 to index
        %swap3A_717 = arith.constant 0 : index
        %swap3A_718 = tpu.vector_load %arg7[%swap3A_716, %swap3A_717] {strides = array<i32>} : memref<512x16xf32, #tpu.memory_space<vmem>>, vector<1x16xf32>,
        %swap3A_719 = vector.shape_cast %swap3A_718 : vector<1x16xf32> to vector<16xf32>
        %swap3A_720 = vector.shape_cast %mul3A_713 : vector<16xf32> to vector<1x16xf32>
        tpu.vector_store %arg7[%swap3A_716, %swap3A_717], %swap3A_720 {strides = array<i32>} : memref<512x16xf32, #tpu.memory_space<vmem>>, vector<1x16xf32>,
        %mul3A_721 = arith.constant 0.001953125 : f32
        %mul3A_722 = vector.broadcast %mul3A_721 : f32 to vector<16xf32>
        %mul3A_723 = arith.mulf %add3A_707, %mul3A_722 : vector<16xf32>
        %add3A_724 = arith.constant 2 : i32
        %add3A_725 = arith.addi %mul3A_651, %add3A_724 : i32
        %swap3A_726 = arith.index_cast %add3A_725 : i32 to index
        %swap3A_727 = arith.constant 0 : index
        %swap3A_728 = tpu.vector_load %arg7[%swap3A_726, %swap3A_727] {strides = array<i32>} : memref<512x16xf32, #tpu.memory_space<vmem>>, vector<1x16xf32>,
        %swap3A_729 = vector.shape_cast %swap3A_728 : vector<1x16xf32> to vector<16xf32>
        %swap3A_730 = vector.shape_cast %mul3A_723 : vector<16xf32> to vector<1x16xf32>
        tpu.vector_store %arg7[%swap3A_726, %swap3A_727], %swap3A_730 {strides = array<i32>} : memref<512x16xf32, #tpu.memory_space<vmem>>, vector<1x16xf32>,
        %mul3A_731 = arith.constant 0.001953125 : f32
        %mul3A_732 = vector.broadcast %mul3A_731 : f32 to vector<16xf32>
        %mul3A_733 = arith.mulf %add3A_708, %mul3A_732 : vector<16xf32>
        %add3A_734 = arith.constant 3 : i32
        %add3A_735 = arith.addi %mul3A_651, %add3A_734 : i32
        %swap3A_736 = arith.index_cast %add3A_735 : i32 to index
        %swap3A_737 = arith.constant 0 : index
        %swap3A_738 = tpu.vector_load %arg7[%swap3A_736, %swap3A_737] {strides = array<i32>} : memref<512x16xf32, #tpu.memory_space<vmem>>, vector<1x16xf32>,
        %swap3A_739 = vector.shape_cast %swap3A_738 : vector<1x16xf32> to vector<16xf32>
        %swap3A_740 = vector.shape_cast %mul3A_733 : vector<16xf32> to vector<1x16xf32>
        tpu.vector_store %arg7[%swap3A_736, %swap3A_737], %swap3A_740 {strides = array<i32>} : memref<512x16xf32, #tpu.memory_space<vmem>>, vector<1x16xf32>,
        %mul3A_741 = arith.constant 0.001953125 : f32
        %mul3A_742 = vector.broadcast %mul3A_741 : f32 to vector<16xf32>
        %mul3A_743 = arith.mulf %add3A_710, %mul3A_742 : vector<16xf32>
        %add3A_744 = arith.constant 4 : i32
        %add3A_745 = arith.addi %mul3A_651, %add3A_744 : i32
        %swap3A_746 = arith.index_cast %add3A_745 : i32 to index
        %swap3A_747 = arith.constant 0 : index
        %swap3A_748 = tpu.vector_load %arg7[%swap3A_746, %swap3A_747] {strides = array<i32>} : memref<512x16xf32, #tpu.memory_space<vmem>>, vector<1x16xf32>,
        %swap3A_749 = vector.shape_cast %swap3A_748 : vector<1x16xf32> to vector<16xf32>
        %swap3A_750 = vector.shape_cast %mul3A_743 : vector<16xf32> to vector<1x16xf32>
        tpu.vector_store %arg7[%swap3A_746, %swap3A_747], %swap3A_750 {strides = array<i32>} : memref<512x16xf32, #tpu.memory_space<vmem>>, vector<1x16xf32>,
        %scan3A_751 = arith.constant 3 : i32
        %scan3A_752 = arith.addi %scan3A_442, %scan3A_751 : i32
        %mul3A_753 = arith.constant 4 : i32
        %mul3A_754 = arith.muli %mul3A_753, %scan3A_752 : i32
        %sub3A_755 = arith.constant 510 : i32
        %sub3A_756 = arith.subi %sub3A_755, %mul3A_754 : i32
        %get3A_757 = arith.index_cast %sub3A_756 : i32 to index
        %get3A_758 = arith.constant 0 : index
        %get3A_759 = tpu.vector_load %arg5[%get3A_757, %get3A_758] {strides = array<i32>} : memref<1023x16xf32, #tpu.memory_space<vmem>>, vector<1x16xf32>,
        %get3A_760 = vector.shape_cast %get3A_759 : vector<1x16xf32> to vector<16xf32>
        %sub3A_761 = arith.constant 1022 : i32
        %sub3A_762 = arith.subi %sub3A_761, %mul3A_754 : i32
        %get3A_763 = arith.index_cast %sub3A_762 : i32 to index
        %get3A_764 = arith.constant 0 : index
        %get3A_765 = tpu.vector_load %arg5[%get3A_763, %get3A_764] {strides = array<i32>} : memref<1023x16xf32, #tpu.memory_space<vmem>>, vector<1x16xf32>,
        %get3A_766 = vector.shape_cast %get3A_765 : vector<1x16xf32> to vector<16xf32>
        %sub3A_767 = arith.subf %get3A_760, %get3A_766 : vector<16xf32>
        %sub3A_768 = arith.constant 509 : i32
        %sub3A_769 = arith.subi %sub3A_768, %mul3A_754 : i32
        %get3A_770 = arith.index_cast %sub3A_769 : i32 to index
        %get3A_771 = arith.constant 0 : index
        %get3A_772 = tpu.vector_load %arg5[%get3A_770, %get3A_771] {strides = array<i32>} : memref<1023x16xf32, #tpu.memory_space<vmem>>, vector<1x16xf32>,
        %get3A_773 = vector.shape_cast %get3A_772 : vector<1x16xf32> to vector<16xf32>
        %sub3A_774 = arith.constant 1021 : i32
        %sub3A_775 = arith.subi %sub3A_774, %mul3A_754 : i32
        %get3A_776 = arith.index_cast %sub3A_775 : i32 to index
        %get3A_777 = arith.constant 0 : index
        %get3A_778 = tpu.vector_load %arg5[%get3A_776, %get3A_777] {strides = array<i32>} : memref<1023x16xf32, #tpu.memory_space<vmem>>, vector<1x16xf32>,
        %get3A_779 = vector.shape_cast %get3A_778 : vector<1x16xf32> to vector<16xf32>
        %sub3A_780 = arith.subf %get3A_773, %get3A_779 : vector<16xf32>
        %sub3A_781 = arith.constant 508 : i32
        %sub3A_782 = arith.subi %sub3A_781, %mul3A_754 : i32
        %get3A_783 = arith.index_cast %sub3A_782 : i32 to index
        %get3A_784 = arith.constant 0 : index
        %get3A_785 = tpu.vector_load %arg5[%get3A_783, %get3A_784] {strides = array<i32>} : memref<1023x16xf32, #tpu.memory_space<vmem>>, vector<1x16xf32>,
        %get3A_786 = vector.shape_cast %get3A_785 : vector<1x16xf32> to vector<16xf32>
        %sub3A_787 = arith.constant 1020 : i32
        %sub3A_788 = arith.subi %sub3A_787, %mul3A_754 : i32
        %get3A_789 = arith.index_cast %sub3A_788 : i32 to index
        %get3A_790 = arith.constant 0 : index
        %get3A_791 = tpu.vector_load %arg5[%get3A_789, %get3A_790] {strides = array<i32>} : memref<1023x16xf32, #tpu.memory_space<vmem>>, vector<1x16xf32>,
        %get3A_792 = vector.shape_cast %get3A_791 : vector<1x16xf32> to vector<16xf32>
        %sub3A_793 = arith.subf %get3A_786, %get3A_792 : vector<16xf32>
        %sub3A_794 = arith.constant 507 : i32
        %sub3A_795 = arith.subi %sub3A_794, %mul3A_754 : i32
        %get3A_796 = arith.index_cast %sub3A_795 : i32 to index
        %get3A_797 = arith.constant 0 : index
        %get3A_798 = tpu.vector_load %arg5[%get3A_796, %get3A_797] {strides = array<i32>} : memref<1023x16xf32, #tpu.memory_space<vmem>>, vector<1x16xf32>,
        %get3A_799 = vector.shape_cast %get3A_798 : vector<1x16xf32> to vector<16xf32>
        %sub3A_800 = arith.constant 1019 : i32
        %sub3A_801 = arith.subi %sub3A_800, %mul3A_754 : i32
        %get3A_802 = arith.index_cast %sub3A_801 : i32 to index
        %get3A_803 = arith.constant 0 : index
        %get3A_804 = tpu.vector_load %arg5[%get3A_802, %get3A_803] {strides = array<i32>} : memref<1023x16xf32, #tpu.memory_space<vmem>>, vector<1x16xf32>,
        %get3A_805 = vector.shape_cast %get3A_804 : vector<1x16xf32> to vector<16xf32>
        %sub3A_806 = arith.subf %get3A_799, %get3A_805 : vector<16xf32>
        %add3A_807 = arith.addf %sub3A_767, %sub3A_780 : vector<16xf32>
        %add3A_808 = arith.addf %sub3A_793, %sub3A_806 : vector<16xf32>
        %add3A_809 = arith.addf %add3A_710, %sub3A_767 : vector<16xf32>
        %add3A_810 = arith.addf %add3A_710, %add3A_807 : vector<16xf32>
        %add3A_811 = arith.addf %add3A_810, %sub3A_793 : vector<16xf32>
        %add3A_812 = arith.addf %add3A_807, %add3A_808 : vector<16xf32>
        %add3A_813 = arith.addf %add3A_710, %add3A_812 : vector<16xf32>
        %mul3A_814 = arith.constant 0.001953125 : f32
        %mul3A_815 = vector.broadcast %mul3A_814 : f32 to vector<16xf32>
        %mul3A_816 = arith.mulf %add3A_809, %mul3A_815 : vector<16xf32>
        %add3A_817 = arith.constant 1 : i32
        %add3A_818 = arith.addi %mul3A_754, %add3A_817 : i32
        %swap3A_819 = arith.index_cast %add3A_818 : i32 to index
        %swap3A_820 = arith.constant 0 : index
        %swap3A_821 = tpu.vector_load %arg7[%swap3A_819, %swap3A_820] {strides = array<i32>} : memref<512x16xf32, #tpu.memory_space<vmem>>, vector<1x16xf32>,
        %swap3A_822 = vector.shape_cast %swap3A_821 : vector<1x16xf32> to vector<16xf32>
        %swap3A_823 = vector.shape_cast %mul3A_816 : vector<16xf32> to vector<1x16xf32>
        tpu.vector_store %arg7[%swap3A_819, %swap3A_820], %swap3A_823 {strides = array<i32>} : memref<512x16xf32, #tpu.memory_space<vmem>>, vector<1x16xf32>,
        %mul3A_824 = arith.constant 0.001953125 : f32
        %mul3A_825 = vector.broadcast %mul3A_824 : f32 to vector<16xf32>
        %mul3A_826 = arith.mulf %add3A_810, %mul3A_825 : vector<16xf32>
        %add3A_827 = arith.constant 2 : i32
        %add3A_828 = arith.addi %mul3A_754, %add3A_827 : i32
        %swap3A_829 = arith.index_cast %add3A_828 : i32 to index
        %swap3A_830 = arith.constant 0 : index
        %swap3A_831 = tpu.vector_load %arg7[%swap3A_829, %swap3A_830] {strides = array<i32>} : memref<512x16xf32, #tpu.memory_space<vmem>>, vector<1x16xf32>,
        %swap3A_832 = vector.shape_cast %swap3A_831 : vector<1x16xf32> to vector<16xf32>
        %swap3A_833 = vector.shape_cast %mul3A_826 : vector<16xf32> to vector<1x16xf32>
        tpu.vector_store %arg7[%swap3A_829, %swap3A_830], %swap3A_833 {strides = array<i32>} : memref<512x16xf32, #tpu.memory_space<vmem>>, vector<1x16xf32>,
        %mul3A_834 = arith.constant 0.001953125 : f32
        %mul3A_835 = vector.broadcast %mul3A_834 : f32 to vector<16xf32>
        %mul3A_836 = arith.mulf %add3A_811, %mul3A_835 : vector<16xf32>
        %add3A_837 = arith.constant 3 : i32
        %add3A_838 = arith.addi %mul3A_754, %add3A_837 : i32
        %swap3A_839 = arith.index_cast %add3A_838 : i32 to index
        %swap3A_840 = arith.constant 0 : index
        %swap3A_841 = tpu.vector_load %arg7[%swap3A_839, %swap3A_840] {strides = array<i32>} : memref<512x16xf32, #tpu.memory_space<vmem>>, vector<1x16xf32>,
        %swap3A_842 = vector.shape_cast %swap3A_841 : vector<1x16xf32> to vector<16xf32>
        %swap3A_843 = vector.shape_cast %mul3A_836 : vector<16xf32> to vector<1x16xf32>
        tpu.vector_store %arg7[%swap3A_839, %swap3A_840], %swap3A_843 {strides = array<i32>} : memref<512x16xf32, #tpu.memory_space<vmem>>, vector<1x16xf32>,
        %mul3A_844 = arith.constant 0.001953125 : f32
        %mul3A_845 = vector.broadcast %mul3A_844 : f32 to vector<16xf32>
        %mul3A_846 = arith.mulf %add3A_813, %mul3A_845 : vector<16xf32>
        %add3A_847 = arith.constant 4 : i32
        %add3A_848 = arith.addi %mul3A_754, %add3A_847 : i32
        %swap3A_849 = arith.index_cast %add3A_848 : i32 to index
        %swap3A_850 = arith.constant 0 : index
        %swap3A_851 = tpu.vector_load %arg7[%swap3A_849, %swap3A_850] {strides = array<i32>} : memref<512x16xf32, #tpu.memory_space<vmem>>, vector<1x16xf32>,
        %swap3A_852 = vector.shape_cast %swap3A_851 : vector<1x16xf32> to vector<16xf32>
        %swap3A_853 = vector.shape_cast %mul3A_846 : vector<16xf32> to vector<1x16xf32>
        tpu.vector_store %arg7[%swap3A_849, %swap3A_850], %swap3A_853 {strides = array<i32>} : memref<512x16xf32, #tpu.memory_space<vmem>>, vector<1x16xf32>,
        scf.yield %add3A_813 : vector<16xf32>
      }
      %scan3A_57 = arith.constant 124 : i32
      %scan3A_58 = arith.addi %scan3A_52, %scan3A_57 : i32
      %mul3A_59 = arith.constant 4 : i32
      %mul3A_60 = arith.muli %mul3A_59, %scan3A_58 : i32
      %sub3A = arith.constant 510 : i32
      %sub3A_61 = arith.subi %sub3A, %mul3A_60 : i32
      %get3A = arith.index_cast %sub3A_61 : i32 to index
      %get3A_62 = arith.constant 0 : index
      %get3A_63 = tpu.vector_load %arg5[%get3A, %get3A_62] {strides = array<i32>} : memref<1023x16xf32, #tpu.memory_space<vmem>>, vector<1x16xf32>,
      %get3A_64 = vector.shape_cast %get3A_63 : vector<1x16xf32> to vector<16xf32>
      %sub3A_65 = arith.constant 1022 : i32
      %sub3A_66 = arith.subi %sub3A_65, %mul3A_60 : i32
      %get3A_67 = arith.index_cast %sub3A_66 : i32 to index
      %get3A_68 = arith.constant 0 : index
      %get3A_69 = tpu.vector_load %arg5[%get3A_67, %get3A_68] {strides = array<i32>} : memref<1023x16xf32, #tpu.memory_space<vmem>>, vector<1x16xf32>,
      %get3A_70 = vector.shape_cast %get3A_69 : vector<1x16xf32> to vector<16xf32>
      %sub3A_71 = arith.subf %get3A_64, %get3A_70 : vector<16xf32>
      %sub3A_72 = arith.constant 509 : i32
      %sub3A_73 = arith.subi %sub3A_72, %mul3A_60 : i32
      %get3A_74 = arith.index_cast %sub3A_73 : i32 to index
      %get3A_75 = arith.constant 0 : index
      %get3A_76 = tpu.vector_load %arg5[%get3A_74, %get3A_75] {strides = array<i32>} : memref<1023x16xf32, #tpu.memory_space<vmem>>, vector<1x16xf32>,
      %get3A_77 = vector.shape_cast %get3A_76 : vector<1x16xf32> to vector<16xf32>
      %sub3A_78 = arith.constant 1021 : i32
      %sub3A_79 = arith.subi %sub3A_78, %mul3A_60 : i32
      %get3A_80 = arith.index_cast %sub3A_79 : i32 to index
      %get3A_81 = arith.constant 0 : index
      %get3A_82 = tpu.vector_load %arg5[%get3A_80, %get3A_81] {strides = array<i32>} : memref<1023x16xf32, #tpu.memory_space<vmem>>, vector<1x16xf32>,
      %get3A_83 = vector.shape_cast %get3A_82 : vector<1x16xf32> to vector<16xf32>
      %sub3A_84 = arith.subf %get3A_77, %get3A_83 : vector<16xf32>
      %sub3A_85 = arith.constant 508 : i32
      %sub3A_86 = arith.subi %sub3A_85, %mul3A_60 : i32
      %get3A_87 = arith.index_cast %sub3A_86 : i32 to index
      %get3A_88 = arith.constant 0 : index
      %get3A_89 = tpu.vector_load %arg5[%get3A_87, %get3A_88] {strides = array<i32>} : memref<1023x16xf32, #tpu.memory_space<vmem>>, vector<1x16xf32>,
      %get3A_90 = vector.shape_cast %get3A_89 : vector<1x16xf32> to vector<16xf32>
      %sub3A_91 = arith.constant 1020 : i32
      %sub3A_92 = arith.subi %sub3A_91, %mul3A_60 : i32
      %get3A_93 = arith.index_cast %sub3A_92 : i32 to index
      %get3A_94 = arith.constant 0 : index
      %get3A_95 = tpu.vector_load %arg5[%get3A_93, %get3A_94] {strides = array<i32>} : memref<1023x16xf32, #tpu.memory_space<vmem>>, vector<1x16xf32>,
      %get3A_96 = vector.shape_cast %get3A_95 : vector<1x16xf32> to vector<16xf32>
      %sub3A_97 = arith.subf %get3A_90, %get3A_96 : vector<16xf32>
      %sub3A_98 = arith.constant 507 : i32
      %sub3A_99 = arith.subi %sub3A_98, %mul3A_60 : i32
      %get3A_100 = arith.index_cast %sub3A_99 : i32 to index
      %get3A_101 = arith.constant 0 : index
      %get3A_102 = tpu.vector_load %arg5[%get3A_100, %get3A_101] {strides = array<i32>} : memref<1023x16xf32, #tpu.memory_space<vmem>>, vector<1x16xf32>,
      %get3A_103 = vector.shape_cast %get3A_102 : vector<1x16xf32> to vector<16xf32>
      %sub3A_104 = arith.constant 1019 : i32
      %sub3A_105 = arith.subi %sub3A_104, %mul3A_60 : i32
      %get3A_106 = arith.index_cast %sub3A_105 : i32 to index
      %get3A_107 = arith.constant 0 : index
      %get3A_108 = tpu.vector_load %arg5[%get3A_106, %get3A_107] {strides = array<i32>} : memref<1023x16xf32, #tpu.memory_space<vmem>>, vector<1x16xf32>,
      %get3A_109 = vector.shape_cast %get3A_108 : vector<1x16xf32> to vector<16xf32>
      %sub3A_110 = arith.subf %get3A_103, %get3A_109 : vector<16xf32>
      %add3A_111 = arith.addf %sub3A_71, %sub3A_84 : vector<16xf32>
      %add3A_112 = arith.addf %sub3A_97, %sub3A_110 : vector<16xf32>
      %add3A_113 = arith.addf %scan3A_56, %sub3A_71 : vector<16xf32>
      %add3A_114 = arith.addf %scan3A_56, %add3A_111 : vector<16xf32>
      %add3A_115 = arith.addf %add3A_114, %sub3A_97 : vector<16xf32>
      %add3A_116 = arith.addf %add3A_111, %add3A_112 : vector<16xf32>
      %add3A_117 = arith.addf %scan3A_56, %add3A_116 : vector<16xf32>
      %mul3A_118 = arith.constant 0.001953125 : f32
      %mul3A_119 = vector.broadcast %mul3A_118 : f32 to vector<16xf32>
      %mul3A_120 = arith.mulf %add3A_113, %mul3A_119 : vector<16xf32>
      %add3A_121 = arith.constant 1 : i32
      %add3A_122 = arith.addi %mul3A_60, %add3A_121 : i32
      %swap3A_123 = arith.index_cast %add3A_122 : i32 to index
      %swap3A_124 = arith.constant 0 : index
      %swap3A_125 = tpu.vector_load %arg7[%swap3A_123, %swap3A_124] {strides = array<i32>} : memref<512x16xf32, #tpu.memory_space<vmem>>, vector<1x16xf32>,
      %swap3A_126 = vector.shape_cast %swap3A_125 : vector<1x16xf32> to vector<16xf32>
      %swap3A_127 = vector.shape_cast %mul3A_120 : vector<16xf32> to vector<1x16xf32>
      tpu.vector_store %arg7[%swap3A_123, %swap3A_124], %swap3A_127 {strides = array<i32>} : memref<512x16xf32, #tpu.memory_space<vmem>>, vector<1x16xf32>,
      %mul3A_128 = arith.constant 0.001953125 : f32
      %mul3A_129 = vector.broadcast %mul3A_128 : f32 to vector<16xf32>
      %mul3A_130 = arith.mulf %add3A_114, %mul3A_129 : vector<16xf32>
      %add3A_131 = arith.constant 2 : i32
      %add3A_132 = arith.addi %mul3A_60, %add3A_131 : i32
      %swap3A_133 = arith.index_cast %add3A_132 : i32 to index
      %swap3A_134 = arith.constant 0 : index
      %swap3A_135 = tpu.vector_load %arg7[%swap3A_133, %swap3A_134] {strides = array<i32>} : memref<512x16xf32, #tpu.memory_space<vmem>>, vector<1x16xf32>,
      %swap3A_136 = vector.shape_cast %swap3A_135 : vector<1x16xf32> to vector<16xf32>
      %swap3A_137 = vector.shape_cast %mul3A_130 : vector<16xf32> to vector<1x16xf32>
      tpu.vector_store %arg7[%swap3A_133, %swap3A_134], %swap3A_137 {strides = array<i32>} : memref<512x16xf32, #tpu.memory_space<vmem>>, vector<1x16xf32>,
      %mul3A_138 = arith.constant 0.001953125 : f32
      %mul3A_139 = vector.broadcast %mul3A_138 : f32 to vector<16xf32>
      %mul3A_140 = arith.mulf %add3A_115, %mul3A_139 : vector<16xf32>
      %add3A_141 = arith.constant 3 : i32
      %add3A_142 = arith.addi %mul3A_60, %add3A_141 : i32
      %swap3A_143 = arith.index_cast %add3A_142 : i32 to index
      %swap3A_144 = arith.constant 0 : index
      %swap3A_145 = tpu.vector_load %arg7[%swap3A_143, %swap3A_144] {strides = array<i32>} : memref<512x16xf32, #tpu.memory_space<vmem>>, vector<1x16xf32>,
      %swap3A_146 = vector.shape_cast %swap3A_145 : vector<1x16xf32> to vector<16xf32>
      %swap3A_147 = vector.shape_cast %mul3A_140 : vector<16xf32> to vector<1x16xf32>
      tpu.vector_store %arg7[%swap3A_143, %swap3A_144], %swap3A_147 {strides = array<i32>} : memref<512x16xf32, #tpu.memory_space<vmem>>, vector<1x16xf32>,
      %mul3A_148 = arith.constant 0.001953125 : f32
      %mul3A_149 = vector.broadcast %mul3A_148 : f32 to vector<16xf32>
      %mul3A_150 = arith.mulf %add3A_117, %mul3A_149 : vector<16xf32>
      %add3A_151 = arith.constant 4 : i32
      %add3A_152 = arith.addi %mul3A_60, %add3A_151 : i32
      %swap3A_153 = arith.index_cast %add3A_152 : i32 to index
      %swap3A_154 = arith.constant 0 : index
      %swap3A_155 = tpu.vector_load %arg7[%swap3A_153, %swap3A_154] {strides = array<i32>} : memref<512x16xf32, #tpu.memory_space<vmem>>, vector<1x16xf32>,
      %swap3A_156 = vector.shape_cast %swap3A_155 : vector<1x16xf32> to vector<16xf32>
      %swap3A_157 = vector.shape_cast %mul3A_150 : vector<16xf32> to vector<1x16xf32>
      tpu.vector_store %arg7[%swap3A_153, %swap3A_154], %swap3A_157 {strides = array<i32>} : memref<512x16xf32, #tpu.memory_space<vmem>>, vector<1x16xf32>,
      %scan3A_158 = arith.constant 125 : i32
      %scan3A_159 = arith.addi %scan3A_52, %scan3A_158 : i32
      %mul3A_160 = arith.constant 4 : i32
      %mul3A_161 = arith.muli %mul3A_160, %scan3A_159 : i32
      %sub3A_162 = arith.constant 510 : i32
      %sub3A_163 = arith.subi %sub3A_162, %mul3A_161 : i32
      %get3A_164 = arith.index_cast %sub3A_163 : i32 to index
      %get3A_165 = arith.constant 0 : index
      %get3A_166 = tpu.vector_load %arg5[%get3A_164, %get3A_165] {strides = array<i32>} : memref<1023x16xf32, #tpu.memory_space<vmem>>, vector<1x16xf32>,
      %get3A_167 = vector.shape_cast %get3A_166 : vector<1x16xf32> to vector<16xf32>
      %sub3A_168 = arith.constant 1022 : i32
      %sub3A_169 = arith.subi %sub3A_168, %mul3A_161 : i32
      %get3A_170 = arith.index_cast %sub3A_169 : i32 to index
      %get3A_171 = arith.constant 0 : index
      %get3A_172 = tpu.vector_load %arg5[%get3A_170, %get3A_171] {strides = array<i32>} : memref<1023x16xf32, #tpu.memory_space<vmem>>, vector<1x16xf32>,
      %get3A_173 = vector.shape_cast %get3A_172 : vector<1x16xf32> to vector<16xf32>
      %sub3A_174 = arith.subf %get3A_167, %get3A_173 : vector<16xf32>
      %sub3A_175 = arith.constant 509 : i32
      %sub3A_176 = arith.subi %sub3A_175, %mul3A_161 : i32
      %get3A_177 = arith.index_cast %sub3A_176 : i32 to index
      %get3A_178 = arith.constant 0 : index
      %get3A_179 = tpu.vector_load %arg5[%get3A_177, %get3A_178] {strides = array<i32>} : memref<1023x16xf32, #tpu.memory_space<vmem>>, vector<1x16xf32>,
      %get3A_180 = vector.shape_cast %get3A_179 : vector<1x16xf32> to vector<16xf32>
      %sub3A_181 = arith.constant 1021 : i32
      %sub3A_182 = arith.subi %sub3A_181, %mul3A_161 : i32
      %get3A_183 = arith.index_cast %sub3A_182 : i32 to index
      %get3A_184 = arith.constant 0 : index
      %get3A_185 = tpu.vector_load %arg5[%get3A_183, %get3A_184] {strides = array<i32>} : memref<1023x16xf32, #tpu.memory_space<vmem>>, vector<1x16xf32>,
      %get3A_186 = vector.shape_cast %get3A_185 : vector<1x16xf32> to vector<16xf32>
      %sub3A_187 = arith.subf %get3A_180, %get3A_186 : vector<16xf32>
      %sub3A_188 = arith.constant 508 : i32
      %sub3A_189 = arith.subi %sub3A_188, %mul3A_161 : i32
      %get3A_190 = arith.index_cast %sub3A_189 : i32 to index
      %get3A_191 = arith.constant 0 : index
      %get3A_192 = tpu.vector_load %arg5[%get3A_190, %get3A_191] {strides = array<i32>} : memref<1023x16xf32, #tpu.memory_space<vmem>>, vector<1x16xf32>,
      %get3A_193 = vector.shape_cast %get3A_192 : vector<1x16xf32> to vector<16xf32>
      %sub3A_194 = arith.constant 1020 : i32
      %sub3A_195 = arith.subi %sub3A_194, %mul3A_161 : i32
      %get3A_196 = arith.index_cast %sub3A_195 : i32 to index
      %get3A_197 = arith.constant 0 : index
      %get3A_198 = tpu.vector_load %arg5[%get3A_196, %get3A_197] {strides = array<i32>} : memref<1023x16xf32, #tpu.memory_space<vmem>>, vector<1x16xf32>,
      %get3A_199 = vector.shape_cast %get3A_198 : vector<1x16xf32> to vector<16xf32>
      %sub3A_200 = arith.subf %get3A_193, %get3A_199 : vector<16xf32>
      %sub3A_201 = arith.constant 507 : i32
      %sub3A_202 = arith.subi %sub3A_201, %mul3A_161 : i32
      %get3A_203 = arith.index_cast %sub3A_202 : i32 to index
      %get3A_204 = arith.constant 0 : index
      %get3A_205 = tpu.vector_load %arg5[%get3A_203, %get3A_204] {strides = array<i32>} : memref<1023x16xf32, #tpu.memory_space<vmem>>, vector<1x16xf32>,
      %get3A_206 = vector.shape_cast %get3A_205 : vector<1x16xf32> to vector<16xf32>
      %sub3A_207 = arith.constant 1019 : i32
      %sub3A_208 = arith.subi %sub3A_207, %mul3A_161 : i32
      %get3A_209 = arith.index_cast %sub3A_208 : i32 to index
      %get3A_210 = arith.constant 0 : index
      %get3A_211 = tpu.vector_load %arg5[%get3A_209, %get3A_210] {strides = array<i32>} : memref<1023x16xf32, #tpu.memory_space<vmem>>, vector<1x16xf32>,
      %get3A_212 = vector.shape_cast %get3A_211 : vector<1x16xf32> to vector<16xf32>
      %sub3A_213 = arith.subf %get3A_206, %get3A_212 : vector<16xf32>
      %add3A_214 = arith.addf %sub3A_174, %sub3A_187 : vector<16xf32>
      %add3A_215 = arith.addf %sub3A_200, %sub3A_213 : vector<16xf32>
      %add3A_216 = arith.addf %add3A_117, %sub3A_174 : vector<16xf32>
      %add3A_217 = arith.addf %add3A_117, %add3A_214 : vector<16xf32>
      %add3A_218 = arith.addf %add3A_217, %sub3A_200 : vector<16xf32>
      %add3A_219 = arith.addf %add3A_214, %add3A_215 : vector<16xf32>
      %add3A_220 = arith.addf %add3A_117, %add3A_219 : vector<16xf32>
      %mul3A_221 = arith.constant 0.001953125 : f32
      %mul3A_222 = vector.broadcast %mul3A_221 : f32 to vector<16xf32>
      %mul3A_223 = arith.mulf %add3A_216, %mul3A_222 : vector<16xf32>
      %add3A_224 = arith.constant 1 : i32
      %add3A_225 = arith.addi %mul3A_161, %add3A_224 : i32
      %swap3A_226 = arith.index_cast %add3A_225 : i32 to index
      %swap3A_227 = arith.constant 0 : index
      %swap3A_228 = tpu.vector_load %arg7[%swap3A_226, %swap3A_227] {strides = array<i32>} : memref<512x16xf32, #tpu.memory_space<vmem>>, vector<1x16xf32>,
      %swap3A_229 = vector.shape_cast %swap3A_228 : vector<1x16xf32> to vector<16xf32>
      %swap3A_230 = vector.shape_cast %mul3A_223 : vector<16xf32> to vector<1x16xf32>
      tpu.vector_store %arg7[%swap3A_226, %swap3A_227], %swap3A_230 {strides = array<i32>} : memref<512x16xf32, #tpu.memory_space<vmem>>, vector<1x16xf32>,
      %mul3A_231 = arith.constant 0.001953125 : f32
      %mul3A_232 = vector.broadcast %mul3A_231 : f32 to vector<16xf32>
      %mul3A_233 = arith.mulf %add3A_217, %mul3A_232 : vector<16xf32>
      %add3A_234 = arith.constant 2 : i32
      %add3A_235 = arith.addi %mul3A_161, %add3A_234 : i32
      %swap3A_236 = arith.index_cast %add3A_235 : i32 to index
      %swap3A_237 = arith.constant 0 : index
      %swap3A_238 = tpu.vector_load %arg7[%swap3A_236, %swap3A_237] {strides = array<i32>} : memref<512x16xf32, #tpu.memory_space<vmem>>, vector<1x16xf32>,
      %swap3A_239 = vector.shape_cast %swap3A_238 : vector<1x16xf32> to vector<16xf32>
      %swap3A_240 = vector.shape_cast %mul3A_233 : vector<16xf32> to vector<1x16xf32>
      tpu.vector_store %arg7[%swap3A_236, %swap3A_237], %swap3A_240 {strides = array<i32>} : memref<512x16xf32, #tpu.memory_space<vmem>>, vector<1x16xf32>,
      %mul3A_241 = arith.constant 0.001953125 : f32
      %mul3A_242 = vector.broadcast %mul3A_241 : f32 to vector<16xf32>
      %mul3A_243 = arith.mulf %add3A_218, %mul3A_242 : vector<16xf32>
      %add3A_244 = arith.constant 3 : i32
      %add3A_245 = arith.addi %mul3A_161, %add3A_244 : i32
      %swap3A_246 = arith.index_cast %add3A_245 : i32 to index
      %swap3A_247 = arith.constant 0 : index
      %swap3A_248 = tpu.vector_load %arg7[%swap3A_246, %swap3A_247] {strides = array<i32>} : memref<512x16xf32, #tpu.memory_space<vmem>>, vector<1x16xf32>,
      %swap3A_249 = vector.shape_cast %swap3A_248 : vector<1x16xf32> to vector<16xf32>
      %swap3A_250 = vector.shape_cast %mul3A_243 : vector<16xf32> to vector<1x16xf32>
      tpu.vector_store %arg7[%swap3A_246, %swap3A_247], %swap3A_250 {strides = array<i32>} : memref<512x16xf32, #tpu.memory_space<vmem>>, vector<1x16xf32>,
      %mul3A_251 = arith.constant 0.001953125 : f32
      %mul3A_252 = vector.broadcast %mul3A_251 : f32 to vector<16xf32>
      %mul3A_253 = arith.mulf %add3A_220, %mul3A_252 : vector<16xf32>
      %add3A_254 = arith.constant 4 : i32
      %add3A_255 = arith.addi %mul3A_161, %add3A_254 : i32
      %swap3A_256 = arith.index_cast %add3A_255 : i32 to index
      %swap3A_257 = arith.constant 0 : index
      %swap3A_258 = tpu.vector_load %arg7[%swap3A_256, %swap3A_257] {strides = array<i32>} : memref<512x16xf32, #tpu.memory_space<vmem>>, vector<1x16xf32>,
      %swap3A_259 = vector.shape_cast %swap3A_258 : vector<1x16xf32> to vector<16xf32>
      %swap3A_260 = vector.shape_cast %mul3A_253 : vector<16xf32> to vector<1x16xf32>
      tpu.vector_store %arg7[%swap3A_256, %swap3A_257], %swap3A_260 {strides = array<i32>} : memref<512x16xf32, #tpu.memory_space<vmem>>, vector<1x16xf32>,
      %scan3A_261 = arith.constant 126 : i32
      %scan3A_262 = arith.addi %scan3A_52, %scan3A_261 : i32
      %mul3A_263 = arith.constant 4 : i32
      %mul3A_264 = arith.muli %mul3A_263, %scan3A_262 : i32
      %sub3A_265 = arith.constant 510 : i32
      %sub3A_266 = arith.subi %sub3A_265, %mul3A_264 : i32
      %get3A_267 = arith.index_cast %sub3A_266 : i32 to index
      %get3A_268 = arith.constant 0 : index
      %get3A_269 = tpu.vector_load %arg5[%get3A_267, %get3A_268] {strides = array<i32>} : memref<1023x16xf32, #tpu.memory_space<vmem>>, vector<1x16xf32>,
      %get3A_270 = vector.shape_cast %get3A_269 : vector<1x16xf32> to vector<16xf32>
      %sub3A_271 = arith.constant 1022 : i32
      %sub3A_272 = arith.subi %sub3A_271, %mul3A_264 : i32
      %get3A_273 = arith.index_cast %sub3A_272 : i32 to index
      %get3A_274 = arith.constant 0 : index
      %get3A_275 = tpu.vector_load %arg5[%get3A_273, %get3A_274] {strides = array<i32>} : memref<1023x16xf32, #tpu.memory_space<vmem>>, vector<1x16xf32>,
      %get3A_276 = vector.shape_cast %get3A_275 : vector<1x16xf32> to vector<16xf32>
      %sub3A_277 = arith.subf %get3A_270, %get3A_276 : vector<16xf32>
      %sub3A_278 = arith.constant 509 : i32
      %sub3A_279 = arith.subi %sub3A_278, %mul3A_264 : i32
      %get3A_280 = arith.index_cast %sub3A_279 : i32 to index
      %get3A_281 = arith.constant 0 : index
      %get3A_282 = tpu.vector_load %arg5[%get3A_280, %get3A_281] {strides = array<i32>} : memref<1023x16xf32, #tpu.memory_space<vmem>>, vector<1x16xf32>,
      %get3A_283 = vector.shape_cast %get3A_282 : vector<1x16xf32> to vector<16xf32>
      %sub3A_284 = arith.constant 1021 : i32
      %sub3A_285 = arith.subi %sub3A_284, %mul3A_264 : i32
      %get3A_286 = arith.index_cast %sub3A_285 : i32 to index
      %get3A_287 = arith.constant 0 : index
      %get3A_288 = tpu.vector_load %arg5[%get3A_286, %get3A_287] {strides = array<i32>} : memref<1023x16xf32, #tpu.memory_space<vmem>>, vector<1x16xf32>,
      %get3A_289 = vector.shape_cast %get3A_288 : vector<1x16xf32> to vector<16xf32>
      %sub3A_290 = arith.subf %get3A_283, %get3A_289 : vector<16xf32>
      %sub3A_291 = arith.constant 508 : i32
      %sub3A_292 = arith.subi %sub3A_291, %mul3A_264 : i32
      %get3A_293 = arith.index_cast %sub3A_292 : i32 to index
      %get3A_294 = arith.constant 0 : index
      %get3A_295 = tpu.vector_load %arg5[%get3A_293, %get3A_294] {strides = array<i32>} : memref<1023x16xf32, #tpu.memory_space<vmem>>, vector<1x16xf32>,
      %get3A_296 = vector.shape_cast %get3A_295 : vector<1x16xf32> to vector<16xf32>
      %sub3A_297 = arith.constant 1020 : i32
      %sub3A_298 = arith.subi %sub3A_297, %mul3A_264 : i32
      %get3A_299 = arith.index_cast %sub3A_298 : i32 to index
      %get3A_300 = arith.constant 0 : index
      %get3A_301 = tpu.vector_load %arg5[%get3A_299, %get3A_300] {strides = array<i32>} : memref<1023x16xf32, #tpu.memory_space<vmem>>, vector<1x16xf32>,
      %get3A_302 = vector.shape_cast %get3A_301 : vector<1x16xf32> to vector<16xf32>
      %sub3A_303 = arith.subf %get3A_296, %get3A_302 : vector<16xf32>
      %sub3A_304 = arith.constant 507 : i32
      %sub3A_305 = arith.subi %sub3A_304, %mul3A_264 : i32
      %get3A_306 = arith.index_cast %sub3A_305 : i32 to index
      %get3A_307 = arith.constant 0 : index
      %get3A_308 = tpu.vector_load %arg5[%get3A_306, %get3A_307] {strides = array<i32>} : memref<1023x16xf32, #tpu.memory_space<vmem>>, vector<1x16xf32>,
      %get3A_309 = vector.shape_cast %get3A_308 : vector<1x16xf32> to vector<16xf32>
      %sub3A_310 = arith.constant 1019 : i32
      %sub3A_311 = arith.subi %sub3A_310, %mul3A_264 : i32
      %get3A_312 = arith.index_cast %sub3A_311 : i32 to index
      %get3A_313 = arith.constant 0 : index
      %get3A_314 = tpu.vector_load %arg5[%get3A_312, %get3A_313] {strides = array<i32>} : memref<1023x16xf32, #tpu.memory_space<vmem>>, vector<1x16xf32>,
      %get3A_315 = vector.shape_cast %get3A_314 : vector<1x16xf32> to vector<16xf32>
      %sub3A_316 = arith.subf %get3A_309, %get3A_315 : vector<16xf32>
      %add3A_317 = arith.addf %sub3A_277, %sub3A_290 : vector<16xf32>
      %add3A_318 = arith.addf %sub3A_303, %sub3A_316 : vector<16xf32>
      %add3A_319 = arith.addf %add3A_220, %sub3A_277 : vector<16xf32>
      %add3A_320 = arith.addf %add3A_220, %add3A_317 : vector<16xf32>
      %add3A_321 = arith.addf %add3A_320, %sub3A_303 : vector<16xf32>
      %add3A_322 = arith.addf %add3A_317, %add3A_318 : vector<16xf32>
      %add3A_323 = arith.addf %add3A_220, %add3A_322 : vector<16xf32>
      %mul3A_324 = arith.constant 0.001953125 : f32
      %mul3A_325 = vector.broadcast %mul3A_324 : f32 to vector<16xf32>
      %mul3A_326 = arith.mulf %add3A_319, %mul3A_325 : vector<16xf32>
      %add3A_327 = arith.constant 1 : i32
      %add3A_328 = arith.addi %mul3A_264, %add3A_327 : i32
      %swap3A_329 = arith.index_cast %add3A_328 : i32 to index
      %swap3A_330 = arith.constant 0 : index
      %swap3A_331 = tpu.vector_load %arg7[%swap3A_329, %swap3A_330] {strides = array<i32>} : memref<512x16xf32, #tpu.memory_space<vmem>>, vector<1x16xf32>,
      %swap3A_332 = vector.shape_cast %swap3A_331 : vector<1x16xf32> to vector<16xf32>
      %swap3A_333 = vector.shape_cast %mul3A_326 : vector<16xf32> to vector<1x16xf32>
      tpu.vector_store %arg7[%swap3A_329, %swap3A_330], %swap3A_333 {strides = array<i32>} : memref<512x16xf32, #tpu.memory_space<vmem>>, vector<1x16xf32>,
      %mul3A_334 = arith.constant 0.001953125 : f32
      %mul3A_335 = vector.broadcast %mul3A_334 : f32 to vector<16xf32>
      %mul3A_336 = arith.mulf %add3A_320, %mul3A_335 : vector<16xf32>
      %add3A_337 = arith.constant 2 : i32
      %add3A_338 = arith.addi %mul3A_264, %add3A_337 : i32
      %swap3A_339 = arith.index_cast %add3A_338 : i32 to index
      %swap3A_340 = arith.constant 0 : index
      %swap3A_341 = tpu.vector_load %arg7[%swap3A_339, %swap3A_340] {strides = array<i32>} : memref<512x16xf32, #tpu.memory_space<vmem>>, vector<1x16xf32>,
      %swap3A_342 = vector.shape_cast %swap3A_341 : vector<1x16xf32> to vector<16xf32>
      %swap3A_343 = vector.shape_cast %mul3A_336 : vector<16xf32> to vector<1x16xf32>
      tpu.vector_store %arg7[%swap3A_339, %swap3A_340], %swap3A_343 {strides = array<i32>} : memref<512x16xf32, #tpu.memory_space<vmem>>, vector<1x16xf32>,
      %mul3A_344 = arith.constant 0.001953125 : f32
      %mul3A_345 = vector.broadcast %mul3A_344 : f32 to vector<16xf32>
      %mul3A_346 = arith.mulf %add3A_321, %mul3A_345 : vector<16xf32>
      %add3A_347 = arith.constant 3 : i32
      %add3A_348 = arith.addi %mul3A_264, %add3A_347 : i32
      %swap3A_349 = arith.index_cast %add3A_348 : i32 to index
      %swap3A_350 = arith.constant 0 : index
      %swap3A_351 = tpu.vector_load %arg7[%swap3A_349, %swap3A_350] {strides = array<i32>} : memref<512x16xf32, #tpu.memory_space<vmem>>, vector<1x16xf32>,
      %swap3A_352 = vector.shape_cast %swap3A_351 : vector<1x16xf32> to vector<16xf32>
      %swap3A_353 = vector.shape_cast %mul3A_346 : vector<16xf32> to vector<1x16xf32>
      tpu.vector_store %arg7[%swap3A_349, %swap3A_350], %swap3A_353 {strides = array<i32>} : memref<512x16xf32, #tpu.memory_space<vmem>>, vector<1x16xf32>,
      %mul3A_354 = arith.constant 0.001953125 : f32
      %mul3A_355 = vector.broadcast %mul3A_354 : f32 to vector<16xf32>
      %mul3A_356 = arith.mulf %add3A_323, %mul3A_355 : vector<16xf32>
      %add3A_357 = arith.constant 4 : i32
      %add3A_358 = arith.addi %mul3A_264, %add3A_357 : i32
      %swap3A_359 = arith.index_cast %add3A_358 : i32 to index
      %swap3A_360 = arith.constant 0 : index
      %swap3A_361 = tpu.vector_load %arg7[%swap3A_359, %swap3A_360] {strides = array<i32>} : memref<512x16xf32, #tpu.memory_space<vmem>>, vector<1x16xf32>,
      %swap3A_362 = vector.shape_cast %swap3A_361 : vector<1x16xf32> to vector<16xf32>
      %swap3A_363 = vector.shape_cast %mul3A_356 : vector<16xf32> to vector<1x16xf32>
      tpu.vector_store %arg7[%swap3A_359, %swap3A_360], %swap3A_363 {strides = array<i32>} : memref<512x16xf32, #tpu.memory_space<vmem>>, vector<1x16xf32>,
      %scan3A_364 = arith.constant 127 : i32
      %scan3A_365 = arith.constant 509 : i32
      %sub3A_366 = arith.constant 511 : i32
      %sub3A_367 = arith.subi %sub3A_366, %scan3A_365 : i32
      %get3A_368 = arith.index_cast %sub3A_367 : i32 to index
      %get3A_369 = arith.constant 0 : index
      %get3A_370 = tpu.vector_load %arg5[%get3A_368, %get3A_369] {strides = array<i32>} : memref<1023x16xf32, #tpu.memory_space<vmem>>, vector<1x16xf32>,
      %get3A_371 = vector.shape_cast %get3A_370 : vector<1x16xf32> to vector<16xf32>
      %add3A_372 = arith.addf %add3A_323, %get3A_371 : vector<16xf32>
      %sub3A_373 = arith.constant 1023 : i32
      %sub3A_374 = arith.subi %sub3A_373, %scan3A_365 : i32
      %get3A_375 = arith.index_cast %sub3A_374 : i32 to index
      %get3A_376 = arith.constant 0 : index
      %get3A_377 = tpu.vector_load %arg5[%get3A_375, %get3A_376] {strides = array<i32>} : memref<1023x16xf32, #tpu.memory_space<vmem>>, vector<1x16xf32>,
      %get3A_378 = vector.shape_cast %get3A_377 : vector<1x16xf32> to vector<16xf32>
      %sub3A_379 = arith.subf %add3A_372, %get3A_378 : vector<16xf32>
      %mul3A_380 = arith.constant 0.001953125 : f32
      %mul3A_381 = vector.broadcast %mul3A_380 : f32 to vector<16xf32>
      %mul3A_382 = arith.mulf %sub3A_379, %mul3A_381 : vector<16xf32>
      %swap3A_383 = arith.index_cast %scan3A_365 : i32 to index
      %swap3A_384 = arith.constant 0 : index
      %swap3A_385 = tpu.vector_load %arg7[%swap3A_383, %swap3A_384] {strides = array<i32>} : memref<512x16xf32, #tpu.memory_space<vmem>>, vector<1x16xf32>,
      %swap3A_386 = vector.shape_cast %swap3A_385 : vector<1x16xf32> to vector<16xf32>
      %swap3A_387 = vector.shape_cast %mul3A_382 : vector<16xf32> to vector<1x16xf32>
      tpu.vector_store %arg7[%swap3A_383, %swap3A_384], %swap3A_387 {strides = array<i32>} : memref<512x16xf32, #tpu.memory_space<vmem>>, vector<1x16xf32>,
      %scan3A_388 = arith.constant 510 : i32
      %sub3A_389 = arith.constant 511 : i32
      %sub3A_390 = arith.subi %sub3A_389, %scan3A_388 : i32
      %get3A_391 = arith.index_cast %sub3A_390 : i32 to index
      %get3A_392 = arith.constant 0 : index
      %get3A_393 = tpu.vector_load %arg5[%get3A_391, %get3A_392] {strides = array<i32>} : memref<1023x16xf32, #tpu.memory_space<vmem>>, vector<1x16xf32>,
      %get3A_394 = vector.shape_cast %get3A_393 : vector<1x16xf32> to vector<16xf32>
      %add3A_395 = arith.addf %sub3A_379, %get3A_394 : vector<16xf32>
      %sub3A_396 = arith.constant 1023 : i32
      %sub3A_397 = arith.subi %sub3A_396, %scan3A_388 : i32
      %get3A_398 = arith.index_cast %sub3A_397 : i32 to index
      %get3A_399 = arith.constant 0 : index
      %get3A_400 = tpu.vector_load %arg5[%get3A_398, %get3A_399] {strides = array<i32>} : memref<1023x16xf32, #tpu.memory_space<vmem>>, vector<1x16xf32>,
      %get3A_401 = vector.shape_cast %get3A_400 : vector<1x16xf32> to vector<16xf32>
      %sub3A_402 = arith.subf %add3A_395, %get3A_401 : vector<16xf32>
      %mul3A_403 = arith.constant 0.001953125 : f32
      %mul3A_404 = vector.broadcast %mul3A_403 : f32 to vector<16xf32>
      %mul3A_405 = arith.mulf %sub3A_402, %mul3A_404 : vector<16xf32>
      %swap3A_406 = arith.index_cast %scan3A_388 : i32 to index
      %swap3A_407 = arith.constant 0 : index
      %swap3A_408 = tpu.vector_load %arg7[%swap3A_406, %swap3A_407] {strides = array<i32>} : memref<512x16xf32, #tpu.memory_space<vmem>>, vector<1x16xf32>,
      %swap3A_409 = vector.shape_cast %swap3A_408 : vector<1x16xf32> to vector<16xf32>
      %swap3A_410 = vector.shape_cast %mul3A_405 : vector<16xf32> to vector<1x16xf32>
      tpu.vector_store %arg7[%swap3A_406, %swap3A_407], %swap3A_410 {strides = array<i32>} : memref<512x16xf32, #tpu.memory_space<vmem>>, vector<1x16xf32>,
      %scan3A_411 = arith.constant 511 : i32
      %sub3A_412 = arith.constant 511 : i32
      %sub3A_413 = arith.subi %sub3A_412, %scan3A_411 : i32
      %get3A_414 = arith.index_cast %sub3A_413 : i32 to index
      %get3A_415 = arith.constant 0 : index
      %get3A_416 = tpu.vector_load %arg5[%get3A_414, %get3A_415] {strides = array<i32>} : memref<1023x16xf32, #tpu.memory_space<vmem>>, vector<1x16xf32>,
      %get3A_417 = vector.shape_cast %get3A_416 : vector<1x16xf32> to vector<16xf32>
      %add3A_418 = arith.addf %sub3A_402, %get3A_417 : vector<16xf32>
      %sub3A_419 = arith.constant 1023 : i32
      %sub3A_420 = arith.subi %sub3A_419, %scan3A_411 : i32
      %get3A_421 = arith.index_cast %sub3A_420 : i32 to index
      %get3A_422 = arith.constant 0 : index
      %get3A_423 = tpu.vector_load %arg5[%get3A_421, %get3A_422] {strides = array<i32>} : memref<1023x16xf32, #tpu.memory_space<vmem>>, vector<1x16xf32>,
      %get3A_424 = vector.shape_cast %get3A_423 : vector<1x16xf32> to vector<16xf32>
      %sub3A_425 = arith.subf %add3A_418, %get3A_424 : vector<16xf32>
      %mul3A_426 = arith.constant 0.001953125 : f32
      %mul3A_427 = vector.broadcast %mul3A_426 : f32 to vector<16xf32>
      %mul3A_428 = arith.mulf %sub3A_425, %mul3A_427 : vector<16xf32>
      %swap3A_429 = arith.index_cast %scan3A_411 : i32 to index
      %swap3A_430 = arith.constant 0 : index
      %swap3A_431 = tpu.vector_load %arg7[%swap3A_429, %swap3A_430] {strides = array<i32>} : memref<512x16xf32, #tpu.memory_space<vmem>>, vector<1x16xf32>,
      %swap3A_432 = vector.shape_cast %swap3A_431 : vector<1x16xf32> to vector<16xf32>
      %swap3A_433 = vector.shape_cast %mul3A_428 : vector<16xf32> to vector<1x16xf32>
      tpu.vector_store %arg7[%swap3A_429, %swap3A_430], %swap3A_433 {strides = array<i32>} : memref<512x16xf32, #tpu.memory_space<vmem>>, vector<1x16xf32>,
      %scan3A_434 = arith.constant 3 : i32
      %sub3A_435 = arith.constant 0 : i32
      %sub3A_436 = arith.subi %add3A_6, %sub3A_435 : i32
      %mul3A_437 = arith.constant 16 : i32
      %mul3A_438 = arith.muli %sub3A_436, %mul3A_437 : i32
      %dma_start3A = arith.constant 0 : i32
      %dma_start3A_439 = tpu.memref_slice %arg3[%dma_start3A, %mul3A_438] : memref<512x384xf32, #tpu.memory_space<hbm>> -> memref<512x16xf32, #tpu.memory_space<hbm>>
      %dma_start3A_440 = arith.constant 0 : i32
      %dma_start3A_441 = tpu.memref_slice %arg3[%dma_start3A_440, %mul3A_438] : memref<512x384xf32, #tpu.memory_space<hbm>> -> memref<512x16xf32, #tpu.memory_space<hbm>>
      tpu.enqueue_dma source(%arg7 : memref<512x16xf32, #tpu.memory_space<vmem>>) target(%dma_start3A_441 : memref<512x16xf32, #tpu.memory_space<hbm>>) target_semaphore(%arg11 : memref<!tpu.dma_semaphore, #tpu.memory_space<semaphore_mem>>)
    } else {
    }
    %convert_element_type3A_24 = arith.extui %lt3A_13 : i1 to i32
    %cond3A_25 = arith.constant 0 : i32
    %cond3A_26 = arith.cmpi ne, %convert_element_type3A_24, %cond3A_25 : i32
    scf.if %cond3A_26 {
      %sub3A = arith.constant 0 : i32
      %sub3A_30 = arith.subi %add3A_2, %sub3A : i32
      %mul3A_31 = arith.constant 16 : i32
      %mul3A_32 = arith.muli %sub3A_30, %mul3A_31 : i32
      %dma_wait3A = arith.constant 0 : i32
      %dma_wait3A_33 = tpu.memref_slice %arg3[%dma_wait3A, %mul3A_32] : memref<512x384xf32, #tpu.memory_space<hbm>> -> memref<512x16xf32, #tpu.memory_space<hbm>>
      %dma_wait3A_34 = arith.constant 0 : i32
      %dma_wait3A_35 = tpu.memref_slice %arg3[%dma_wait3A_34, %mul3A_32] : memref<512x384xf32, #tpu.memory_space<hbm>> -> memref<512x16xf32, #tpu.memory_space<hbm>>
      tpu.wait_dma2 semaphore(%arg10 : memref<!tpu.dma_semaphore, #tpu.memory_space<semaphore_mem>>) src(%arg6 : memref<512x16xf32, #tpu.memory_space<vmem>>) dst(%dma_wait3A_35 : memref<512x16xf32, #tpu.memory_space<hbm>>)
    } else {
    }
    %convert_element_type3A_27 = arith.extui %and3A : i1 to i32
    %cond3A_28 = arith.constant 0 : i32
    %cond3A_29 = arith.cmpi ne, %convert_element_type3A_27, %cond3A_28 : i32
    scf.if %cond3A_29 {
      %sub3A = arith.constant 0 : i32
      %sub3A_30 = arith.subi %add3A_6, %sub3A : i32
      %mul3A_31 = arith.constant 16 : i32
      %mul3A_32 = arith.muli %sub3A_30, %mul3A_31 : i32
      %dma_wait3A = arith.constant 0 : i32
      %dma_wait3A_33 = tpu.memref_slice %arg3[%dma_wait3A, %mul3A_32] : memref<512x384xf32, #tpu.memory_space<hbm>> -> memref<512x16xf32, #tpu.memory_space<hbm>>
      %dma_wait3A_34 = arith.constant 0 : i32
      %dma_wait3A_35 = tpu.memref_slice %arg3[%dma_wait3A_34, %mul3A_32] : memref<512x384xf32, #tpu.memory_space<hbm>> -> memref<512x16xf32, #tpu.memory_space<hbm>>
      tpu.wait_dma2 semaphore(%arg11 : memref<!tpu.dma_semaphore, #tpu.memory_space<semaphore_mem>>) src(%arg7 : memref<512x16xf32, #tpu.memory_space<vmem>>) dst(%dma_wait3A_35 : memref<512x16xf32, #tpu.memory_space<hbm>>)
    } else {
    }
    return
  }
}

module attributes {stable_mosaic.version = 14 : i64} {
  func.func @_add_body(%arg0: i32, %arg1: memref<512x384xf32, #tpu.memory_space<vmem>>, %arg2: memref<512x384xf32, #tpu.memory_space<vmem>>, %arg3: memref<1x512x768xf32, #tpu.memory_space<vmem>>, %arg4: memref<1x512x768xf32, #tpu.memory_space<vmem>>) attributes {dimension_semantics = [#tpu.dimension_semantics<arbitrary>], iteration_bounds = array<i64: 4>, scalar_prefetch = 0 : i64, scratch_operands = 0 : i64, tpu.core_type = #tpu.core_type<tc>, window_params = [{pipeline_mode = #tpu.pipeline_mode<synchronous>, transform_indices = @transform_0, window_bounds = array<i64: 512, 384>}, {pipeline_mode = #tpu.pipeline_mode<synchronous>, transform_indices = @transform_1, window_bounds = array<i64: 512, 384>}, {transform_indices = @transform_2, window_bounds = array<i64: 1, 512, 768>}, {transform_indices = @transform_3, window_bounds = array<i64: 1, 512, 768>}]} {
    %get3A = arith.constant 0 : index
    %get3A_0 = arith.constant 0 : index
    %get3A_1 = vector.load %arg1[%get3A, %get3A_0] : memref<512x384xf32, #tpu.memory_space<vmem>>, vector<512x384xf32>
    %get3A_2 = arith.constant 0 : index
    %get3A_3 = arith.constant 0 : index
    %get3A_4 = vector.load %arg2[%get3A_2, %get3A_3] : memref<512x384xf32, #tpu.memory_space<vmem>>, vector<512x384xf32>
    %concatenate3A = tpu.concatenate %get3A_1, %get3A_4 in 1 : vector<512x384xf32>, vector<512x384xf32> -> vector<512x768xf32>
    %get3A_5 = arith.constant 0 : index
    %get3A_6 = arith.constant 0 : index
    %get3A_7 = arith.constant 0 : index
    %get3A_8 = vector.load %arg3[%get3A_5, %get3A_6, %get3A_7] : memref<1x512x768xf32, #tpu.memory_space<vmem>>, vector<1x512x768xf32>
    %broadcast_in_dim3A = vector.shape_cast %concatenate3A : vector<512x768xf32> to vector<1x512x768xf32>
    %add3A = arith.addf %get3A_8, %broadcast_in_dim3A : vector<1x512x768xf32>
    %swap3A = arith.constant 0 : index
    %swap3A_9 = arith.constant 0 : index
    %swap3A_10 = arith.constant 0 : index
    %swap3A_11 = vector.load %arg4[%swap3A, %swap3A_9, %swap3A_10] : memref<1x512x768xf32, #tpu.memory_space<vmem>>, vector<1x512x768xf32>
    tpu.vector_store %arg4[%swap3A, %swap3A_9, %swap3A_10], %add3A {strides = array<i32>} : memref<1x512x768xf32, #tpu.memory_space<vmem>>, vector<1x512x768xf32>,
    return
  }
  func.func @transform_0(%arg0: i32) -> (i32, i32) {
    %c0_i32 = arith.constant 0 : i32
    %c0_i32_0 = arith.constant 0 : i32
    %c0_i32_1 = arith.constant 0 : i32
    return %c0_i32, %c0_i32_0 : i32, i32
  }
  func.func @transform_1(%arg0: i32) -> (i32, i32) {
    %c0_i32 = arith.constant 0 : i32
    %c0_i32_0 = arith.constant 0 : i32
    %c0_i32_1 = arith.constant 0 : i32
    return %c0_i32, %c0_i32_0 : i32, i32
  }
  func.func @transform_2(%arg0: i32) -> (i32, i32, i32) {
    %c0_i32 = arith.constant 0 : i32
    %c0_i32_0 = arith.constant 0 : i32
    %c0_i32_1 = arith.constant 0 : i32
    return %arg0, %c0_i32, %c0_i32_0 : i32, i32, i32
  }
  func.func @transform_3(%arg0: i32) -> (i32, i32, i32) {
    %c0_i32 = arith.constant 0 : i32
    %c0_i32_0 = arith.constant 0 : i32
    %c0_i32_1 = arith.constant 0 : i32
    return %arg0, %c0_i32, %c0_i32_0 : i32, i32, i32
  }
}

</mosaic_0001>

<sc_bundles>
// kernel: kernel.5.cloned.1.call-start
scs
__scs_entry_jumppad:
0x0: {  	(pc) =	sbr.rel $0x88, $3  }
0x1: {  	(tag) =	ssettag $0x0;
	lr =	simm.s32 $0x1  }
0x2: {  	[smem:$0x3F9F] =	sst lr;
	_ =	strace $0xD0000000  }
0x3: {  	_ = 	snop  }
0x4: {  	_ = 	snop  }
0x5: {  	_ = 	snop  }
0x6: {  	_ = 	snop  }
0x7: {  	_ = 	snop  }
__scs_overlays_trampoline_lowered:
0x8: {  	[smem:$0x3FAE] =	sst s0  }
0x9: {  	[smem:$0x3FAF] =	sst s1  }
0xa: {  	[smem:$0x3FB0] =	sst s2  }
0xb: {  	[smem:$0x3FB1] =	sst s3  }
0xc: {  	[smem:$0x3FB2] =	sst s4  }
0xd: {  	[smem:$0x3FB3] =	sst s5  }
0xe: {  	[smem:$0x3FB4] =	sst s6  }
0xf: {  	[smem:$0x3FB5] =	sst s7  }
0x10: {  	[smem:$0x3FB6] =	sst s8  }
0x11: {  	[smem:$0x3FB7] =	sst s9;
	s0 =	simm.s32 @!p0 $0x0  }
0x12: {  	s1 =	sld [smem:$0x3F9D];
	s0 =	simm.s32 @p0 $0x1  }
0x13: {  	[smem:$0x3FB8] =	sst s0;
	s0 =	simm.s32 @!p1 $0x0  }
0x14: {  	s2 =	sld [smem:$0x3F9C];
	s0 =	simm.s32 @p1 $0x1  }
0x15: {  	[smem:$0x3FB9] =	sst s0;
	s0 =	simm.s32 @!p2 $0x0  }
0x16: {  	s3 =	sld [smem:$0x3FDB];
	s0 =	simm.s32 @p2 $0x1  }
0x17: {  	s4 =	simm.s32 $0x1BF5;
	[smem:$0x3FBB] =	sst s0  }
0x18: {  	s0 =	sld [smem:$0x3F9E];
	_ =	swait.ge [sflag:s4], $0x0  }
0x19: {  	s7 =	sld [smem:$0x3F9F]  }
0x1a: {  	s8 =	sadd.s32 $0xFFFFE003, lr  }
0x1b: {  	s9 =	sadd.s32 $0xFFFFFEF7, lr;
	s5 =	simm.s32 $0xFFFFFFFF;
	p2 =	slt.u32 s8, $0xFFFFF086  }
0x1c: {  	p1 =	slt.u32 s9, $0xF7A;
	s5 =	simm.s32 @!p2 $0x0  }
0x1d: {  	s5 =	simm.s32 @p1 $0x1;
	p0 =	seq.s32 s7, s2  }
0x1e: {  	s7 =	smul.u32 @!p0 $0xF7A, s2;
	p2 =	seq.s32 @!p0 s5, $0x0  }
0x1f: {  	s9 =	smul.u32 $0xF7A, s1;
	s8 =	simm.s32 @!p0 $0x1BF5;
	p2 =	por !p2, p0  }
0x20: {  	[sflag:s8] =	ssyncset.s32 @!p0 $0xFFFFF086;
	s6 =	sadd.s32 @!p0 s3, s7;
	s7 =	simm.s32 @!p0 $0x108  }
0x21: {  	s3 =	sadd.s32 s3, s9;
	s6 =	sadd.s32 @!p0 $0x88, s6;
	s7 =	simm.s32 @p2 $0x1082  }
0x22: {  	[simem:s7], [sflag:s8] =	dma.local @!p0 [hbm:s6], $0xF7A  }
0x23: {  	s9 =	sor.u32 $0xD0000000, s2;
	s6 =	simm.s32 $0x108;
	_ =	swait.ge @!p0 [sflag:s8], $0x0  }
0x24: {  	s3 =	sadd.s32 $0x88, s3;
	s6 =	simm.s32 @!p1 $0x1082;
	[sflag:s4] =	ssyncset.s32 $0xFFFFF086  }
0x25: {  	[simem:s6], [sflag:s4] =	dma.local [hbm:s3], $0xF7A  }
0x26: {  	[smem:$0x3F9F] =	sst s1;
	(tag) =	ssettag s2;
	_ =	strace s9  }
0x27: {  	s1 =	sld [smem:$0x3FAF]  }
0x28: {  	s2 =	sld [smem:$0x3FB0]  }
0x29: {  	s4 =	sld [smem:$0x3FB2]  }
0x2a: {  	p0 =	seq.s32 s5, $0x0;
	s5 =	sld [smem:$0x3FB3]  }
0x2b: {  	s6 =	sld [smem:$0x3FB4]  }
0x2c: {  	s7 =	sld [smem:$0x3FB5]  }
0x2d: {  	s3 =	simm.s32 $0x108;
	s8 =	sld [smem:$0x3FB6]  }
0x2e: {  	s3 =	simm.s32 @!p0 $0x1082;
	s9 =	sld [smem:$0x3FB7]  }
0x2f: {  	lr =	sadd.s32 s0, s3;
	s0 =	sld [smem:$0x3FAE]  }
0x30: {  	s3 =	sld [smem:$0x3FB1]  }
0x31: {  	[smem:$0x3FBA] =	sst s10  }
0x32: {  	s10 =	sld [smem:$0x3FB8];
	_ =	sdelay $0x3  }
0x33: {  	p0 =	seq.s32 s10, $0x1;
	s10 =	sld [smem:$0x3FBA];
	_ =	sdelay $0x3  }
0x34: {  	[smem:$0x3FBA] =	sst s10  }
0x35: {  	s10 =	sld [smem:$0x3FB9];
	_ =	sdelay $0x3  }
0x36: {  	p1 =	seq.s32 s10, $0x1;
	s10 =	sld [smem:$0x3FBA];
	_ =	sdelay $0x3  }
0x37: {  	[smem:$0x3FBA] =	sst s10  }
0x38: {  	s10 =	sld [smem:$0x3FBB]  }
0x39: {  	_ = 	snop;
	(pc) =	sbr.ind lr, $3  }
0x3a: {  	_ = 	snop  }
0x3b: {  	_ = 	snop  }
0x3c: {  	p2 =	seq.s32 s10, $0x1;
	s10 =	sld [smem:$0x3FBA]  }
0x3d: {  	_ =	shalt  }
0x3e: {  	_ =	shalt  }
0x3f: {  	_ =	shalt  }
0x40: {  	_ =	shalt  }
0x41: {  	_ =	shalt  }
0x42: {  	_ =	shalt  }
0x43: {  	_ =	shalt  }
0x44: {  	_ =	shalt  }
0x45: {  	_ =	shalt  }
0x46: {  	_ =	shalt  }
0x47: {  	_ =	shalt  }
0x48: {  	_ =	shalt  }
0x49: {  	_ =	shalt  }
0x4a: {  	_ =	shalt  }
0x4b: {  	_ =	shalt  }
0x4c: {  	_ =	shalt  }
0x4d: {  	_ =	shalt  }
0x4e: {  	_ =	shalt  }
0x4f: {  	_ =	shalt  }
0x50: {  	_ =	shalt  }
0x51: {  	_ =	shalt  }
0x52: {  	_ =	shalt  }
0x53: {  	_ =	shalt  }
0x54: {  	_ =	shalt  }
0x55: {  	_ =	shalt  }
0x56: {  	_ =	shalt  }
0x57: {  	_ =	shalt  }
0x58: {  	_ =	shalt  }
0x59: {  	_ =	shalt  }
0x5a: {  	_ =	shalt  }
0x5b: {  	_ =	shalt  }
0x5c: {  	_ =	shalt  }
0x5d: {  	_ =	shalt  }
0x5e: {  	_ =	shalt  }
0x5f: {  	_ =	shalt  }
0x60: {  	_ =	shalt  }
0x61: {  	_ =	shalt  }
0x62: {  	_ =	shalt  }
0x63: {  	_ =	shalt  }
0x64: {  	_ =	shalt  }
0x65: {  	_ =	shalt  }
0x66: {  	_ =	shalt  }
0x67: {  	_ =	shalt  }
0x68: {  	_ =	shalt  }
0x69: {  	_ =	shalt  }
0x6a: {  	_ =	shalt  }
0x6b: {  	_ =	shalt  }
0x6c: {  	_ =	shalt  }
0x6d: {  	_ =	shalt  }
0x6e: {  	_ =	shalt  }
0x6f: {  	_ =	shalt  }
0x70: {  	_ =	shalt  }
0x71: {  	_ =	shalt  }
0x72: {  	_ =	shalt  }
0x73: {  	_ =	shalt  }
0x74: {  	_ =	shalt  }
0x75: {  	_ =	shalt  }
0x76: {  	_ =	shalt  }
0x77: {  	_ =	shalt  }
0x78: {  	_ =	shalt  }
0x79: {  	_ =	shalt  }
0x7a: {  	_ =	shalt  }
0x7b: {  	_ =	shalt  }
0x7c: {  	_ =	shalt  }
0x7d: {  	_ =	shalt  }
0x7e: {  	_ =	shalt  }
0x7f: {  	_ =	shalt  }
0x80: {  	_ =	shalt  }
0x81: {  	_ =	shalt  }
0x82: {  	_ =	shalt  }
0x83: {  	_ =	shalt  }
0x84: {  	_ =	shalt  }
0x85: {  	_ =	shalt  }
0x86: {  	_ =	shalt  }
0x87: {  	_ =	shalt  }
.Lfunc_end0:
.L_simem_size_0:
called_computation_lowered:
.L_overlay_start_0:
0x88: {  	s2 =	sld [smem:$0x3FD9]  }
0x89: {  	s3 =	sld [smem:$0x3FFE];
	_ =	sdelay $0x1  }
0x8a: {  	s1 =	srdreg.scid  }
0x8b: {  	s0 =	sand.u32 $0x1, s1  }
0x8c: {  	s17 =	sshll.u32 s0, $0xA;
	s2 =	sadd.s32 s3, s2  }
0x8d: {  	s2 =	sadd.s32 s2, s17  }
0x8e: {  	[smem:$0x3FC6] =	sst s2  }
0x8f: {  	_ = 	snop  }
0x90: {  	s18 =	sld [smem:$0x3FD0];
	(tm) =	ssettm $0x1  }
0x91: {  	s19 =	sld [smem:$0x3FFB];
	_ =	sdelay $0x3  }
0x92: {  	_ =	strace s19  }
0x93: {  	s2 =	sld [smem:$0x3FFC];
	_ =	sdelay $0x3  }
0x94: {  	_ =	strace s2  }
0x95: {  	s2 =	sld [smem:$0x3FFD];
	_ =	sdelay $0x3  }
0x96: {  	_ =	strace s2  }
0x97: {  	_ =	strace $0x8FFFFFFF  }
0x98: {  	s20 =	sld [smem:$0x3FDB];
	_ =	sdelay $0x1  }
0x99: {  	s4 =	simm.s32 $_scs_section_size  }
0x9a: {  	s5 =	simm.s32 $_size__tile_overlayer_lowered;
	s6 =	simm.s32 $_tile_overlayer_lowered  }
0x9b: {  	s7 =	simm.s32 $0x1BFF;
	s21 =	sshll.u32 s6, $0x1;
	s4 =	sadd.s32 s4, s20  }
0x9c: {  	s22 =	simm.s32 $0x0;
	s5 =	sshll.u32 s5, $0x1;
	s6 =	sadd.s32 s21, s4  }
0x9d: {  	[timem:s22], [sflag:s7] =	dma.local [hbm:s6], s5  }
0x9e: {  	_ =	swait.ge [sflag:s7], s5  }
0x9f: {  	s5 =	ssub.s32 $0x0, s5;
	[sflag:s7] =	ssyncset.done $0x0  }
0xa0: {  	[sflag:s7] =	ssyncadd.s32 s5;
	_ =	sdelay $0x1  }
0xa1: {  	s23 =	simm.s32 $0x1B8B  }
0xa2: {  	_ =	swait.ge [sflag:s23], $0x1  }
0xa3: {  	[sflag:s23] =	ssyncset.done $0x0  }
0xa4: {  	[sflag:s23] =	ssyncadd.s32 $0xFFFFFFFF  }
0xa5: {  	s5 =	sld [smem:$0x0]  }
0xa6: {  	s6 =	sand.u32 $0xFFFFFFFE, s1  }
0xa7: {  	p0 =	sne.s32 s1, s6  }
0xa8: {  	s6 =	sshll.u32 @p0 s6, $0xE  }
0xa9: {  	s6 =	sadd.s32 @p0 $0x11B8D, s6;
	s7 =	sshll.u32 @p0 s5, $0x11  }
0xaa: {  	s6 =	sor.u32 @p0 s7, s6  }
0xab: {  	[sflag:s6] =	ssyncadd.remote.s32 @p0 $0x1;
	_ =	sdelay $0x1  }
0xac: {  	s6 =	simm.s32 @p0 $0x1B8D  }
0xad: {  	_ =	swait.eq @p0 [sflag:s6], $0x1  }
0xae: {  	[sflag:s6] =	ssyncadd.s32 @p0 $0xFFFFFFFF  }
0xaf: {  	s7 =	sshll.u32 @!p0 s1, $0xE  }
0xb0: {  	s7 =	sor.u32 @!p0 $0x4000, s7;
	s6 =	simm.s32 @!p0 $0x1B8D  }
0xb1: {  	s5 =	sshll.u32 @!p0 s5, $0x11;
	s7 =	sadd.s32 @!p0 $0x11B8D, s7;
	_ =	swait.eq @!p0 [sflag:s6], $0x1  }
0xb2: {  	s5 =	sor.u32 @!p0 s5, s7;
	[sflag:s6] =	ssyncadd.s32 @!p0 $0xFFFFFFFF  }
0xb3: {  	s25 =	simm.s32 $0x1B8E;
	s24 =	sld [smem:$0x3FFE];
	[sflag:s5] =	ssyncadd.remote.s32 @!p0 $0x1  }
0xb4: {  	s26 =	simm.s32 $execute0_lowered;
	[smem:$0x3FD2] =	sst s25  }
0xb5: {  	s6 =	sshll.u32 s26, $0x1;
	_ =	strace $0x80000049;
	[dreg:$0x1] =	wrdreg $0xFFFFFFFF  }
0xb6: {  	s28 =	simm.s32 $_size_execute0_lowered;
	s4 =	sadd.s32 s4, s6;
	[dreg:$0x0] =	wrdreg $0x0  }
0xb7: {  	s6 =	sshll.u32 s28, $0x1;
	[dreg:$0x2] =	wrdreg s4  }
0xb8: {  	[dreg:$0x3] =	wrdreg s6  }
0xb9: {  	[dreg:$0x4] =	wrdreg $0xC0  }
0xba: {  	_ =	task [dreg:s22], $0x5FFFF  }
0xbb: {  	[dreg:$0x1] =	wrdreg $0xFFFFFFFF  }
0xbc: {  	[dreg:$0x0] =	wrdreg $0x60  }
0xbd: {  	[dreg:$0x2] =	wrdreg s24  }
0xbe: {  	[dreg:$0x3] =	wrdreg s18  }
0xbf: {  	[dreg:$0x4] =	wrdreg $0x9  }
0xc0: {  	_ =	task.clear_ibuf [dreg:s22], $0x5FFFF;
	_ =	strace $0x90000049  }
0xc1: {  	s29 =	simm.s32 $0x9;
	_ =	strace $0x8000004B  }
0xc2: {  	_ =	swait.ge [sflag:s29], $0x1  }
0xc3: {  	[sflag:s29] =	ssyncadd.s32 $0xFFFFFFFF  }
0xc4: {  	_ =	strace $0x9000004B  }
0xc5: {  	_ =	sfence  }
0xc6: {  	s30 =	sld [smem:$0x0];
	_ =	sdelay $0x2  }
0xc7: {  	s31 =	sshll.u32 s1, $0xD;
	s1 =	sshrl.u32 s1, $0x2  }
0xc8: {  	s4 =	sand.u32 $0x4000, s31;
	s1 =	sadd.s32 s1, s30  }
0xc9: {  	s0 =	sor.u32 s4, s0;
	s1 =	sshll.u32 s1, $0x11  }
0xca: {  	s0 =	sor.u32 s1, s0  }
0xcb: {  	s0 =	sadd.s32 $0x8F2B, s0  }
0xcc: {  	[sflag:s0] =	ssyncadd.remote.s32 $0x1  }
0xcd: {  	_ =	sfence.sel $0xFFFF  }
0xce: {  	[dreg:$0x0] =	wrdreg $0xFFFFFFFF;
	(pc) =	sbr.abs _section_cstart, $3  }
0xcf: {  	[dreg:$0x1] =	wrdreg $0xFFFFFFFF  }
0xd0: {  	_ =	task.clear_ibuf [dreg:s22], $0x2FFFF;
	_ =	strace $0x9FFFFFFF  }
0xd1: {  	(tm) =	ssettm $0x7FFFFFFF  }
tec
execute0_lowered:
.L_overlay_start_1:
0x0: {  	(tag) =	ssettag $0x1  }
0x1: {  	s1 =	stileid.u32  }
0x2: {  	p0 =	sgt.u32 s1, $0xB  }
.Ltmp0:
0x3: {  	_ = 	snop;
	(pc) =	sbr.rel @p0 .LBB2_7-.Ltmp0, $4  }
0x4: {  	s4 =	rddreg [dreg:$0x0]  }
0x5: {  	s3 =	rddreg [dreg:$0x1];
	s2 =	simm.s32 $0x0  }
0x6: {  	[smem:$0x7FF] =	sst s2  }
0x7: {  	s0 =	rddreg [dreg:$0x2];
	_ =	strace $0x8000004A  }
0x8: {  	s5 =	srdreg.scid;
	s6 =	sshll.u32 s1, $0x2  }
0x9: {  	s4 =	sadd.s32 $0x1000, s4;
	s8 =	simm.s32 $0x1;
	s9 =	simm.s32 $0x180  }
0xa: {  	s10 =	simm.s32 $0x7FE0;
	s11 =	simm.s32 $0x3;
	s5 =	sand.u32 $0x1, s5  }
0xb: {  	s12 =	simm.s32 $0x0;
	s7 =	sshll.u32 s5, $0x1;
	s5 =	ssub.s32 $0x2, s5  }
0xc: {  	s6 =	sor.u32 s7, s6;
	s31 =	sshrl.u32 s5, $0x1;
	s7 =	simm.s32 $0x300  }
0xd: {  	s3 =	sadd.s32 s3, s6;
	s5 =	ssub.s32 s5, s31;
	s4 =	sadd.s32 s6, s4  }
0xe: {  	s6 =	simm.s32 $0x10;
	s4 =	sadd.s32 $0x54000, s4;
	s5 =	smax.u32 s5, $0x1  }
.LBB2_2:
0xf: {  	[tilespmem:s2], [sflag:$0x1] =	stream.strided.gather [hbm4b:s4+s6], $0x3FF0, s7, s6, $0x38;
	[tilespmem:$0xBFE0] =	vst v63  }
0x10: {  	_ =	swait.ge [sflag:s8], $0x3FF0  }
0x11: {  	[sflag:s8] =	ssyncset.done $0x0  }
0x12: {  	s14 =	simm.s32 $0x21E0;
	[sflag:s8] =	ssyncadd.s32 $0xFFFFC010  }
0x13: {  	v0 =	vld [tilespmem:s14+$0xFFFFFFD0]  }
0x14: {  	v2 =	vld [tilespmem:s14+$0xFFFFFFE0]  }
0x15: {  	v1 =	vld [tilespmem:s14+$0xFFFFFF90]  }
0x16: {  	v3 =	vld [tilespmem:s14+$0xFFFFFFA0]  }
0x17: {  	v9 =	vld [tilespmem:s14+$0xFFFFFF50]  }
0x18: {  	v13 =	vld [tilespmem:s14+$0xFFFFFF60]  }
0x19: {  	v6 =	vld [tilespmem:s14+$0xFFFFFF10]  }
0x1a: {  	v8 =	vld [tilespmem:s14+$0xFFFFFF20]  }
0x1b: {  	v5 =	vld [tilespmem:s14+$0xFFFFFED0]  }
0x1c: {  	v7 =	vld [tilespmem:s14+$0xFFFFFEE0]  }
0x1d: {  	v4 =	vld [tilespmem:s14+$0xFFFFFE90]  }
0x1e: {  	v10 =	vld [tilespmem:s14+$0xFFFFFEA0]  }
0x1f: {  	v11 =	vld [tilespmem:s14+$0xFFFFFE50]  }
0x20: {  	v12 =	vld [tilespmem:s14+$0xFFFFFE60]  }
0x21: {  	v14 =	vld [tilespmem:s14+$0xFFFFFE10]  }
0x22: {  	v15 =	vld [tilespmem:s14+$0xFFFFFE20]  }
0x23: {  	v16 =	vld [tilespmem:s14+$0xFFFFFE30]  }
0x24: {  	v17 =	vld [tilespmem:s14+$0xFFFFFE40]  }
0x25: {  	v18 =	vld [tilespmem:s14+$0xFFFFFE70]  }
0x26: {  	v19 =	vld [tilespmem:s14+$0xFFFFFE80]  }
0x27: {  	v20 =	vimm.f32 $0.0e+00;
	v21 =	vld [tilespmem:s14+$0xFFFFFEB0]  }
0x28: {  	v22 =	vld [tilespmem:s14+$0xFFFFFEC0];
	v14 =	vadd.f32 v14, v20;
	v15 =	vadd.f32 v15, v20  }
0x29: {  	v59 =	vld [tilespmem:s14+$0xFFFFFEF0];
	v16 =	vadd.f32 v16, v20;
	v17 =	vadd.f32 v17, v20  }
0x2a: {  	v11 =	vadd.f32 v11, v14;
	v12 =	vadd.f32 v12, v15;
	v14 =	vld [tilespmem:s14+$0xFFFFFF00]  }
0x2b: {  	v61 =	vld [tilespmem:s14+$0xFFFFFF30];
	v15 =	vadd.f32 v18, v16;
	v60 =	vadd.f32 v19, v17  }
0x2c: {  	v11 =	vadd.f32 v4, v11;
	v10 =	vadd.f32 v10, v12;
	v12 =	vld [tilespmem:s14+$0xFFFFFF40]  }
0x2d: {  	v15 =	vadd.f32 v21, v15;
	v16 =	vadd.f32 v22, v60;
	v4 =	vld [tilespmem:s14+$0xFFFFFF70]  }
0x2e: {  	v11 =	vadd.f32 v5, v11;
	v10 =	vadd.f32 v7, v10;
	v7 =	vld [tilespmem:s14+$0xFFFFFF80]  }
0x2f: {  	v15 =	vadd.f32 v59, v15;
	v5 =	vld [tilespmem:s14+$0xFFFFFFB0];
	v14 =	vadd.f32 v14, v16  }
0x30: {  	v62 =	vadd.f32 v6, v11;
	v63 =	vadd.f32 v8, v10;
	v8 =	vld [tilespmem:s14+$0xFFFFFFC0]  }
0x31: {  	v10 =	vadd.f32 v61, v15;
	v6 =	vld [tilespmem:s14+$0xFFFFFFF0];
	v11 =	vadd.f32 v12, v14  }
0x32: {  	s13 =	simm.s32 $0x0;
	v12 =	vadd.f32 v9, v62;
	v13 =	vadd.f32 v13, v63;
	v9 =	vld [tilespmem:s14+$0x0];
	s14 =	simm.s32 $0x23E0  }
.LBB2_3:
0x33: {  	v14 =	vld [tilespmem:s14+$0xFFFFFFD0];
	v4 =	vadd.f32 v4, v10;
	v7 =	vadd.f32 v7, v11  }
0x34: {  	v10 =	vld [tilespmem:s14+$0xFFFFFFE0];
	v11 =	vadd.f32 v1, v12;
	v12 =	vadd.f32 v3, v13  }
0x35: {  	v1 =	vld [tilespmem:s14+$0xFFFFFF90];
	v4 =	vadd.f32 v5, v4;
	v5 =	vadd.f32 v8, v7  }
0x36: {  	v3 =	vld [tilespmem:s14+$0xFFFFFFA0];
	v7 =	vadd.f32 v0, v11;
	v8 =	vadd.f32 v2, v12  }
0x37: {  	v12 =	vld [tilespmem:s14+$0xFFFFFF50];
	v4 =	vadd.f32 v6, v4;
	v5 =	vadd.f32 v9, v5  }
0x38: {  	v9 =	vld [tilespmem:s14+$0xFFFFFF60];
	v0 =	vmov v14  }
0x39: {  	v6 =	vld [tilespmem:s14+$0xFFFFFF10];
	v2 =	vmov v10  }
0x3a: {  	v10 =	vld [tilespmem:s14+$0xFFFFFF20]  }
0x3b: {  	v11 =	vld [tilespmem:s14+$0xFFFFFED0]  }
0x3c: {  	v13 =	vld [tilespmem:s14+$0xFFFFFEE0]  }
0x3d: {  	v14 =	vld [tilespmem:s14+$0xFFFFFE90]  }
0x3e: {  	v15 =	vld [tilespmem:s14+$0xFFFFFEA0]  }
0x3f: {  	v16 =	vld [tilespmem:s14+$0xFFFFFE50]  }
0x40: {  	v17 =	vld [tilespmem:s14+$0xFFFFFE60]  }
0x41: {  	v18 =	vld [tilespmem:s14+$0xFFFFFE10]  }
0x42: {  	v19 =	vld [tilespmem:s14+$0xFFFFFE20]  }
0x43: {  	v20 =	vld [tilespmem:s14+$0xFFFFFE30]  }
0x44: {  	s13 =	sadd.s32 $0x8, s13;
	v21 =	vld [tilespmem:s14+$0xFFFFFE40]  }
0x45: {  	p0 =	slt.u32 s13, $0x78;
	v22 =	vld [tilespmem:s14+$0xFFFFFE70]  }
0x46: {  	v23 =	vld [tilespmem:s14+$0xFFFFFE80]  }
0x47: {  	v24 =	vld [tilespmem:s14+$0xFFFFFEB0]  }
0x48: {  	v7 =	vadd.f32 v18, v7;
	v8 =	vadd.f32 v19, v8;
	v18 =	vld [tilespmem:s14+$0xFFFFFEC0]  }
0x49: {  	v4 =	vadd.f32 v20, v4;
	v5 =	vadd.f32 v21, v5;
	v19 =	vld [tilespmem:s14+$0xFFFFFEF0]  }
0x4a: {  	v7 =	vadd.f32 v16, v7;
	v8 =	vadd.f32 v17, v8;
	v16 =	vld [tilespmem:s14+$0xFFFFFF00]  }
0x4b: {  	v4 =	vadd.f32 v22, v4;
	v5 =	vadd.f32 v23, v5;
	v17 =	vld [tilespmem:s14+$0xFFFFFF30]  }
0x4c: {  	v7 =	vadd.f32 v14, v7;
	v8 =	vadd.f32 v15, v8;
	v14 =	vld [tilespmem:s14+$0xFFFFFF40]  }
0x4d: {  	v15 =	vadd.f32 v24, v4;
	v5 =	vadd.f32 v18, v5;
	v4 =	vld [tilespmem:s14+$0xFFFFFF70]  }
.Ltmp1:
0x4e: {  	v11 =	vadd.f32 v11, v7;
	v8 =	vadd.f32 v13, v8;
	v7 =	vld [tilespmem:s14+$0xFFFFFF80];
	(pc) =	sbr.rel @p0 .LBB2_3-.Ltmp1, $4  }
0x4f: {  	v13 =	vadd.f32 v19, v15;
	v15 =	vadd.f32 v16, v5;
	v5 =	vld [tilespmem:s14+$0xFFFFFFB0]  }
0x50: {  	v16 =	vadd.f32 v6, v11;
	v18 =	vadd.f32 v10, v8;
	v8 =	vld [tilespmem:s14+$0xFFFFFFC0]  }
0x51: {  	v10 =	vadd.f32 v17, v13;
	v11 =	vadd.f32 v14, v15;
	v6 =	vld [tilespmem:s14+$0xFFFFFFF0]  }
0x52: {  	v12 =	vadd.f32 v12, v16;
	v13 =	vadd.f32 v9, v18;
	v9 =	vld [tilespmem:s14+$0x0];
	s14 =	sadd.s32 $0x200, s14  }
0x53: {  	v4 =	vadd.f32 v4, v10;
	v7 =	vadd.f32 v7, v11  }
0x54: {  	v1 =	vadd.f32 v1, v12;
	v3 =	vadd.f32 v3, v13  }
0x55: {  	v4 =	vadd.f32 v5, v4;
	v63 =	vadd.f32 v8, v7  }
0x56: {  	v0 =	vadd.f32 v0, v1;
	v1 =	vadd.f32 v2, v3  }
0x57: {  	v2 =	vadd.f32 v6, v4;
	v3 =	vadd.f32 v9, v63;
	_ =	sdelay $0x1  }
0x58: {  	v0 =	vadd.f32 v1, v0;
	v1 =	vadd.f32 v3, v2;
	_ =	sdelay $0x1  }
0x59: {  	v0 =	vadd.f32 v1, v0;
	_ =	sdelay $0x1  }
0x5a: {  	v1 =	vmul.f32 $1.953125000e-03, v0;
	_ =	sdelay $0x1  }
0x5b: {  	s13 =	simm.s32 $0xFFFFFFFC;
	s14 =	simm.s32 $0x3EF0;
	s15 =	simm.s32 $0x8060;
	[tilespmem:$0x7FE0] =	vst v1  }
.LBB2_5:
0x5c: {  	v1 =	vld [tilespmem:s14+$0xFFFFE0F0]  }
0x5d: {  	v2 =	vld [tilespmem:s14+$0xF0]  }
0x5e: {  	v3 =	vld [tilespmem:s14+$0xFFFFE0E0]  }
0x5f: {  	v4 =	vld [tilespmem:s14+$0xE0]  }
0x60: {  	v5 =	vld [tilespmem:s14+$0xFFFFE0D0]  }
0x61: {  	v6 =	vld [tilespmem:s14+$0xD0]  }
0x62: {  	v7 =	vld [tilespmem:s14+$0xFFFFE0C0]  }
0x63: {  	v8 =	vld [tilespmem:s14+$0xC0];
	_ =	sdelay $0x3  }
0x64: {  	v1 =	vsub.f32 v1, v2;
	v2 =	vsub.f32 v3, v4  }
0x65: {  	v3 =	vsub.f32 v5, v6;
	v41 =	vsub.f32 v7, v8  }
0x66: {  	v2 =	vadd.f32 v2, v1  }
0x67: {  	v4 =	vadd.f32 v41, v3  }
0x68: {  	v1 =	vadd.f32 v1, v0;
	v42 =	vadd.f32 v2, v0  }
0x69: {  	v2 =	vadd.f32 v4, v2  }
0x6a: {  	v1 =	vmul.f32 $1.953125000e-03, v1;
	v3 =	vadd.f32 v3, v42  }
0x6b: {  	v0 =	vadd.f32 v2, v0;
	v2 =	vmul.f32 $1.953125000e-03, v42  }
0x6c: {  	[tilespmem:s15+$0xFFFFFF90] =	vst v1;
	v1 =	vmul.f32 $1.953125000e-03, v3  }
0x6d: {  	[tilespmem:s15+$0xFFFFFFA0] =	vst v2;
	v2 =	vmul.f32 $1.953125000e-03, v0  }
0x6e: {  	[tilespmem:s15+$0xFFFFFFB0] =	vst v1  }
0x6f: {  	[tilespmem:s15+$0xFFFFFFC0] =	vst v2  }
0x70: {  	v1 =	vld [tilespmem:s14+$0xFFFFE0B0]  }
0x71: {  	v2 =	vld [tilespmem:s14+$0xB0]  }
0x72: {  	v3 =	vld [tilespmem:s14+$0xFFFFE0A0]  }
0x73: {  	v43 =	vld [tilespmem:s14+$0xA0]  }
0x74: {  	v44 =	vld [tilespmem:s14+$0xFFFFE090]  }
0x75: {  	v45 =	vld [tilespmem:s14+$0x90]  }
0x76: {  	v46 =	vld [tilespmem:s14+$0xFFFFE080]  }
0x77: {  	v47 =	vld [tilespmem:s14+$0x80];
	_ =	sdelay $0x3  }
0x78: {  	v1 =	vsub.f32 v1, v2;
	v2 =	vsub.f32 v3, v43  }
0x79: {  	v3 =	vsub.f32 v44, v45;
	v48 =	vsub.f32 v46, v47  }
0x7a: {  	v2 =	vadd.f32 v2, v1  }
0x7b: {  	v4 =	vadd.f32 v48, v3  }
0x7c: {  	v1 =	vadd.f32 v1, v0;
	v49 =	vadd.f32 v2, v0  }
0x7d: {  	v2 =	vadd.f32 v4, v2  }
0x7e: {  	v1 =	vmul.f32 $1.953125000e-03, v1;
	v3 =	vadd.f32 v3, v49  }
0x7f: {  	v0 =	vadd.f32 v2, v0;
	v2 =	vmul.f32 $1.953125000e-03, v49  }
0x80: {  	[tilespmem:s15+$0xFFFFFFD0] =	vst v1;
	v1 =	vmul.f32 $1.953125000e-03, v3  }
0x81: {  	[tilespmem:s15+$0xFFFFFFE0] =	vst v2;
	v2 =	vmul.f32 $1.953125000e-03, v0  }
0x82: {  	[tilespmem:s15+$0xFFFFFFF0] =	vst v1  }
0x83: {  	[tilespmem:s15+$0x0] =	vst v2  }
0x84: {  	v1 =	vld [tilespmem:s14+$0xFFFFE070]  }
0x85: {  	v2 =	vld [tilespmem:s14+$0x70]  }
0x86: {  	v3 =	vld [tilespmem:s14+$0xFFFFE060]  }
0x87: {  	v50 =	vld [tilespmem:s14+$0x60]  }
0x88: {  	v51 =	vld [tilespmem:s14+$0xFFFFE050]  }
0x89: {  	v52 =	vld [tilespmem:s14+$0x50]  }
0x8a: {  	v53 =	vld [tilespmem:s14+$0xFFFFE040]  }
0x8b: {  	v54 =	vld [tilespmem:s14+$0x40];
	_ =	sdelay $0x3  }
0x8c: {  	v1 =	vsub.f32 v1, v2;
	v2 =	vsub.f32 v3, v50  }
0x8d: {  	v3 =	vsub.f32 v51, v52;
	v55 =	vsub.f32 v53, v54  }
0x8e: {  	v2 =	vadd.f32 v2, v1  }
0x8f: {  	v4 =	vadd.f32 v55, v3  }
0x90: {  	v1 =	vadd.f32 v1, v0;
	v56 =	vadd.f32 v2, v0  }
0x91: {  	v2 =	vadd.f32 v4, v2  }
0x92: {  	v1 =	vmul.f32 $1.953125000e-03, v1;
	v3 =	vadd.f32 v3, v56  }
0x93: {  	v0 =	vadd.f32 v2, v0;
	v2 =	vmul.f32 $1.953125000e-03, v56  }
0x94: {  	[tilespmem:s15+$0x10] =	vst v1;
	v1 =	vmul.f32 $1.953125000e-03, v3  }
0x95: {  	[tilespmem:s15+$0x20] =	vst v2;
	v2 =	vmul.f32 $1.953125000e-03, v0  }
0x96: {  	[tilespmem:s15+$0x30] =	vst v1  }
0x97: {  	[tilespmem:s15+$0x40] =	vst v2  }
0x98: {  	v1 =	vld [tilespmem:s14+$0xFFFFE030]  }
0x99: {  	v2 =	vld [tilespmem:s14+$0x30]  }
0x9a: {  	v3 =	vld [tilespmem:s14+$0xFFFFE020]  }
0x9b: {  	v57 =	vld [tilespmem:s14+$0x20]  }
0x9c: {  	v58 =	vld [tilespmem:s14+$0xFFFFE010]  }
0x9d: {  	v59 =	vld [tilespmem:s14+$0x10]  }
0x9e: {  	v60 =	vld [tilespmem:s14+$0xFFFFE000]  }
0x9f: {  	v61 =	vld [tilespmem:s14+$0x0];
	_ =	sdelay $0x3  }
0xa0: {  	v1 =	vsub.f32 v1, v2;
	v2 =	vsub.f32 v3, v57  }
0xa1: {  	v3 =	vsub.f32 v58, v59;
	v62 =	vsub.f32 v60, v61  }
0xa2: {  	v2 =	vadd.f32 v2, v1  }
0xa3: {  	v4 =	vadd.f32 v62, v3  }
0xa4: {  	v1 =	vadd.f32 v1, v0;
	v63 =	vadd.f32 v2, v0  }
0xa5: {  	s13 =	sadd.s32 $0x4, s13;
	v2 =	vadd.f32 v4, v2  }
0xa6: {  	p0 =	slt.u32 s13, $0x78;
	v1 =	vmul.f32 $1.953125000e-03, v1;
	v3 =	vadd.f32 v3, v63  }
.Ltmp2:
0xa7: {  	v0 =	vadd.f32 v2, v0;
	v2 =	vmul.f32 $1.953125000e-03, v63;
	(pc) =	sbr.rel @p0 .LBB2_5-.Ltmp2, $4  }
0xa8: {  	[tilespmem:s15+$0x50] =	vst v1;
	v1 =	vmul.f32 $1.953125000e-03, v3  }
0xa9: {  	[tilespmem:s15+$0x60] =	vst v2;
	v2 =	vmul.f32 $1.953125000e-03, v0  }
0xaa: {  	[tilespmem:s15+$0x70] =	vst v1  }
0xab: {  	s14 =	sadd.s32 $0xFFFFFF00, s14;
	[tilespmem:s15+$0x80] =	vst v2;
	s15 =	sadd.s32 $0x100, s15  }
0xac: {  	v1 =	vld [tilespmem:$0xE0]  }
0xad: {  	v2 =	vld [tilespmem:$0x20E0]  }
0xae: {  	v3 =	vld [tilespmem:$0xD0]  }
0xaf: {  	v4 =	vld [tilespmem:$0x20D0]  }
0xb0: {  	v5 =	vld [tilespmem:$0xC0]  }
0xb1: {  	v6 =	vld [tilespmem:$0x20C0]  }
0xb2: {  	v7 =	vld [tilespmem:$0xB0]  }
0xb3: {  	v8 =	vld [tilespmem:$0x20B0]  }
0xb4: {  	v9 =	vld [tilespmem:$0xA0]  }
0xb5: {  	v10 =	vld [tilespmem:$0x20A0]  }
0xb6: {  	v11 =	vld [tilespmem:$0x90]  }
0xb7: {  	v12 =	vld [tilespmem:$0x2090]  }
0xb8: {  	v13 =	vld [tilespmem:$0x80]  }
0xb9: {  	v14 =	vld [tilespmem:$0x2080]  }
0xba: {  	v15 =	vld [tilespmem:$0x70]  }
0xbb: {  	v16 =	vld [tilespmem:$0x2070]  }
0xbc: {  	v17 =	vld [tilespmem:$0x60]  }
0xbd: {  	v18 =	vld [tilespmem:$0x2060]  }
0xbe: {  	v19 =	vld [tilespmem:$0x50]  }
0xbf: {  	v20 =	vld [tilespmem:$0x2050]  }
0xc0: {  	v25 =	vld [tilespmem:$0x40]  }
0xc1: {  	v27 =	vld [tilespmem:$0x2040];
	v1 =	vsub.f32 v1, v2  }
0xc2: {  	v30 =	vld [tilespmem:$0x30];
	v3 =	vsub.f32 v3, v4;
	v26 =	vsub.f32 v5, v6  }
0xc3: {  	v33 =	vld [tilespmem:$0x2030];
	v28 =	vsub.f32 v7, v8;
	v29 =	vsub.f32 v9, v10  }
0xc4: {  	v31 =	vsub.f32 v11, v12;
	v32 =	vsub.f32 v13, v14  }
0xc5: {  	v34 =	vsub.f32 v15, v16;
	v35 =	vsub.f32 v17, v18  }
0xc6: {  	v36 =	vsub.f32 v19, v20;
	v2 =	vsub.f32 v25, v27  }
0xc7: {  	v3 =	vadd.f32 v3, v1;
	v6 =	vadd.f32 v28, v26  }
0xc8: {  	v37 =	vsub.f32 v30, v33;
	v9 =	vadd.f32 v31, v29  }
0xc9: {  	v12 =	vadd.f32 v34, v32;
	v6 =	vadd.f32 v6, v3  }
0xca: {  	v39 =	vadd.f32 v36, v35;
	v5 =	vadd.f32 v37, v2  }
0xcb: {  	v38 =	vadd.f32 v12, v9;
	v6 =	vadd.f32 v6, v0  }
0xcc: {  	v41 =	vld [tilespmem:$0x20];
	v1 =	vadd.f32 v1, v0;
	v40 =	vadd.f32 v3, v0  }
0xcd: {  	v5 =	vadd.f32 v5, v39;
	v8 =	vadd.f32 v38, v6  }
0xce: {  	v42 =	vld [tilespmem:$0x2020]  }
0xcf: {  	v1 =	vmul.f32 $1.953125000e-03, v1;
	v4 =	vadd.f32 v26, v40;
	v5 =	vadd.f32 v5, v8  }
0xd0: {  	v43 =	vld [tilespmem:$0x10];
	v0 =	vmul.f32 $1.953125000e-03, v40  }
0xd1: {  	[tilespmem:$0x9EF0] =	vst v1;
	v7 =	vadd.f32 v29, v6;
	v44 =	vmul.f32 $1.953125000e-03, v4;
	v3 =	vadd.f32 v41, v5  }
0xd2: {  	v47 =	vld [tilespmem:$0x2010];
	v45 =	vadd.f32 v9, v6;
	[tilespmem:$0x9F00] =	vst v0;
	v46 =	vmul.f32 $1.953125000e-03, v6  }
0xd3: {  	[tilespmem:$0x9F10] =	vst v44;
	v7 =	vmul.f32 $1.953125000e-03, v7;
	v48 =	vsub.f32 v3, v42  }
0xd4: {  	v52 =	vld [tilespmem:$0x0];
	[tilespmem:$0x9F20] =	vst v46;
	v50 =	vmul.f32 $1.953125000e-03, v45;
	v51 =	vadd.f32 v35, v8  }
0xd5: {  	v53 =	vadd.f32 v39, v8;
	v55 =	vmul.f32 $1.953125000e-03, v8;
	[tilespmem:$0x9F30] =	vst v7;
	v54 =	vadd.f32 v43, v48  }
0xd6: {  	v56 =	vld [tilespmem:$0x2000];
	[tilespmem:$0x9F40] =	vst v50;
	v4 =	vmul.f32 $1.953125000e-03, v51  }
0xd7: {  	v49 =	vadd.f32 v32, v45;
	[tilespmem:$0x9F60] =	vst v55;
	v58 =	vmul.f32 $1.953125000e-03, v53;
	v57 =	vsub.f32 v54, v47  }
0xd8: {  	v2 =	vadd.f32 v2, v53;
	v60 =	vmul.f32 $1.953125000e-03, v5;
	[tilespmem:$0x9F70] =	vst v4  }
0xd9: {  	v3 =	vmul.f32 $1.953125000e-03, v49;
	[tilespmem:$0x9F80] =	vst v58;
	v59 =	vadd.f32 v52, v57  }
0xda: {  	v2 =	vmul.f32 $1.953125000e-03, v2;
	[tilespmem:$0x9FA0] =	vst v60  }
0xdb: {  	[tilespmem:$0x9F50] =	vst v3;
	v1 =	vmul.f32 $1.953125000e-03, v48;
	v61 =	vsub.f32 v59, v56  }
0xdc: {  	[tilespmem:$0x9F90] =	vst v2;
	v62 =	vmul.f32 $1.953125000e-03, v57  }
0xdd: {  	s12 =	sadd.s32 $0x1, s12;
	[tilespmem:$0x9FB0] =	vst v1;
	v63 =	vmul.f32 $1.953125000e-03, v61  }
0xde: {  	p0 =	sne.s32 s12, s5;
	[tilespmem:$0x9FC0] =	vst v62  }
.Ltmp3:
0xdf: {  	[tilespmem:$0x9FD0] =	vst v63;
	(pc) =	sbr.rel @p0 .LBB2_2-.Ltmp3, $4  }
0xe0: {  	[hbm4b:s3+s6] =	stream.strided.scatter [tilespmem:s10], [sflag:$0x3], $0x2000, s9, s6, $0x38;
	[tilespmem:$0xBFE0] =	vst v63  }
0xe1: {  	_ =	swait.ge [sflag:s11], $0x2000  }
0xe2: {  	[sflag:s11] =	ssyncset.done $0x0  }
0xe3: {  	[sflag:s11] =	ssyncadd.s32 $0xFFFFE000  }
.LBB2_7:
0xe4: {  	_ =	sfence.sel $0x180000  }
0xe5: {  	[bflag:$0x0] =	sbarrier.arrive $0xFFFF  }
0xe6: {  	p0 =	sne.s32 s1, $0x0;
	_ =	strace $0x9000004A  }
0xe7: {  	s0 =	sadd.s32 @!p0 $0x100000, s0;
	[bflag:$0x2] =	sbarrier.arrive $0xFFFF  }
0xe8: {  	[sflag:s0] =	ssyncadd.tile.s32 @!p0 $0x1;
	_ =	shalt  }
.Lfunc_end2:
_tile_overlayer_lowered:
.L_overlay_start_2:
0xe9: {  	(tag) =	ssettag $0x2  }
0xea: {  	s0 =	rddreg [dreg:$0x0];
	s2 =	stileid.u32  }
0xeb: {  	s1 =	rddreg [dreg:$0x1];
	p0 =	sne.s32 s2, $0x0  }
0xec: {  	s3 =	rddreg [dreg:$0x2];
	[bflag:$0x3] =	sbarrier.arrive $0xFFFF;
	s2 =	simm.s32 @!p0 $0x1C05  }
0xed: {  	[timem:s3], [sflag:s2] =	dma.local @!p0 [hbm:s0], s1  }
0xee: {  	s0 =	simm.s32 @!p0 $0x5  }
0xef: {  	_ =	swait.ge @!p0 [sflag:s0], s1  }
0xf0: {  	s1 =	ssub.s32 @!p0 $0x0, s1;
	[sflag:s0] =	ssyncset.done @!p0 $0x0  }
0xf1: {  	[sflag:s0] =	ssyncadd.s32 @!p0 s1  }
0xf2: {  	[bflag:$0x3] =	sbarrier.arrive $0xFFFF  }
0xf3: {  	_ =	shalt  }

// kernel: kernel.8.cloned.1.call-start
scs
__scs_entry_jumppad:
0x0: {  	(pc) =	sbr.rel $0x88, $3  }
0x1: {  	(tag) =	ssettag $0x0;
	lr =	simm.s32 $0x1  }
0x2: {  	[smem:$0x3F9F] =	sst lr;
	_ =	strace $0xD0000000  }
0x3: {  	_ = 	snop  }
0x4: {  	_ = 	snop  }
0x5: {  	_ = 	snop  }
0x6: {  	_ = 	snop  }
0x7: {  	_ = 	snop  }
__scs_overlays_trampoline_lowered:
0x8: {  	[smem:$0x3FAE] =	sst s0  }
0x9: {  	[smem:$0x3FAF] =	sst s1  }
0xa: {  	[smem:$0x3FB0] =	sst s2  }
0xb: {  	[smem:$0x3FB1] =	sst s3  }
0xc: {  	[smem:$0x3FB2] =	sst s4  }
0xd: {  	[smem:$0x3FB3] =	sst s5  }
0xe: {  	[smem:$0x3FB4] =	sst s6  }
0xf: {  	[smem:$0x3FB5] =	sst s7  }
0x10: {  	[smem:$0x3FB6] =	sst s8  }
0x11: {  	[smem:$0x3FB7] =	sst s9;
	s0 =	simm.s32 @!p0 $0x0  }
0x12: {  	s1 =	sld [smem:$0x3F9D];
	s0 =	simm.s32 @p0 $0x1  }
0x13: {  	[smem:$0x3FB8] =	sst s0;
	s0 =	simm.s32 @!p1 $0x0  }
0x14: {  	s2 =	sld [smem:$0x3F9C];
	s0 =	simm.s32 @p1 $0x1  }
0x15: {  	[smem:$0x3FB9] =	sst s0;
	s0 =	simm.s32 @!p2 $0x0  }
0x16: {  	s3 =	sld [smem:$0x3FDB];
	s0 =	simm.s32 @p2 $0x1  }
0x17: {  	s4 =	simm.s32 $0x1BF5;
	[smem:$0x3FBB] =	sst s0  }
0x18: {  	s0 =	sld [smem:$0x3F9E];
	_ =	swait.ge [sflag:s4], $0x0  }
0x19: {  	s7 =	sld [smem:$0x3F9F]  }
0x1a: {  	s8 =	sadd.s32 $0xFFFFE003, lr  }
0x1b: {  	s9 =	sadd.s32 $0xFFFFFEF7, lr;
	s5 =	simm.s32 $0xFFFFFFFF;
	p2 =	slt.u32 s8, $0xFFFFF086  }
0x1c: {  	p1 =	slt.u32 s9, $0xF7A;
	s5 =	simm.s32 @!p2 $0x0  }
0x1d: {  	s5 =	simm.s32 @p1 $0x1;
	p0 =	seq.s32 s7, s2  }
0x1e: {  	s7 =	smul.u32 @!p0 $0xF7A, s2;
	p2 =	seq.s32 @!p0 s5, $0x0  }
0x1f: {  	s9 =	smul.u32 $0xF7A, s1;
	s8 =	simm.s32 @!p0 $0x1BF5;
	p2 =	por !p2, p0  }
0x20: {  	[sflag:s8] =	ssyncset.s32 @!p0 $0xFFFFF086;
	s6 =	sadd.s32 @!p0 s3, s7;
	s7 =	simm.s32 @!p0 $0x108  }
0x21: {  	s3 =	sadd.s32 s3, s9;
	s6 =	sadd.s32 @!p0 $0x88, s6;
	s7 =	simm.s32 @p2 $0x1082  }
0x22: {  	[simem:s7], [sflag:s8] =	dma.local @!p0 [hbm:s6], $0xF7A  }
0x23: {  	s9 =	sor.u32 $0xD0000000, s2;
	s6 =	simm.s32 $0x108;
	_ =	swait.ge @!p0 [sflag:s8], $0x0  }
0x24: {  	s3 =	sadd.s32 $0x88, s3;
	s6 =	simm.s32 @!p1 $0x1082;
	[sflag:s4] =	ssyncset.s32 $0xFFFFF086  }
0x25: {  	[simem:s6], [sflag:s4] =	dma.local [hbm:s3], $0xF7A  }
0x26: {  	[smem:$0x3F9F] =	sst s1;
	(tag) =	ssettag s2;
	_ =	strace s9  }
0x27: {  	s1 =	sld [smem:$0x3FAF]  }
0x28: {  	s2 =	sld [smem:$0x3FB0]  }
0x29: {  	s4 =	sld [smem:$0x3FB2]  }
0x2a: {  	p0 =	seq.s32 s5, $0x0;
	s5 =	sld [smem:$0x3FB3]  }
0x2b: {  	s6 =	sld [smem:$0x3FB4]  }
0x2c: {  	s7 =	sld [smem:$0x3FB5]  }
0x2d: {  	s3 =	simm.s32 $0x108;
	s8 =	sld [smem:$0x3FB6]  }
0x2e: {  	s3 =	simm.s32 @!p0 $0x1082;
	s9 =	sld [smem:$0x3FB7]  }
0x2f: {  	lr =	sadd.s32 s0, s3;
	s0 =	sld [smem:$0x3FAE]  }
0x30: {  	s3 =	sld [smem:$0x3FB1]  }
0x31: {  	[smem:$0x3FBA] =	sst s10  }
0x32: {  	s10 =	sld [smem:$0x3FB8];
	_ =	sdelay $0x3  }
0x33: {  	p0 =	seq.s32 s10, $0x1;
	s10 =	sld [smem:$0x3FBA];
	_ =	sdelay $0x3  }
0x34: {  	[smem:$0x3FBA] =	sst s10  }
0x35: {  	s10 =	sld [smem:$0x3FB9];
	_ =	sdelay $0x3  }
0x36: {  	p1 =	seq.s32 s10, $0x1;
	s10 =	sld [smem:$0x3FBA];
	_ =	sdelay $0x3  }
0x37: {  	[smem:$0x3FBA] =	sst s10  }
0x38: {  	s10 =	sld [smem:$0x3FBB]  }
0x39: {  	_ = 	snop;
	(pc) =	sbr.ind lr, $3  }
0x3a: {  	_ = 	snop  }
0x3b: {  	_ = 	snop  }
0x3c: {  	p2 =	seq.s32 s10, $0x1;
	s10 =	sld [smem:$0x3FBA]  }
0x3d: {  	_ =	shalt  }
0x3e: {  	_ =	shalt  }
0x3f: {  	_ =	shalt  }
0x40: {  	_ =	shalt  }
0x41: {  	_ =	shalt  }
0x42: {  	_ =	shalt  }
0x43: {  	_ =	shalt  }
0x44: {  	_ =	shalt  }
0x45: {  	_ =	shalt  }
0x46: {  	_ =	shalt  }
0x47: {  	_ =	shalt  }
0x48: {  	_ =	shalt  }
0x49: {  	_ =	shalt  }
0x4a: {  	_ =	shalt  }
0x4b: {  	_ =	shalt  }
0x4c: {  	_ =	shalt  }
0x4d: {  	_ =	shalt  }
0x4e: {  	_ =	shalt  }
0x4f: {  	_ =	shalt  }
0x50: {  	_ =	shalt  }
0x51: {  	_ =	shalt  }
0x52: {  	_ =	shalt  }
0x53: {  	_ =	shalt  }
0x54: {  	_ =	shalt  }
0x55: {  	_ =	shalt  }
0x56: {  	_ =	shalt  }
0x57: {  	_ =	shalt  }
0x58: {  	_ =	shalt  }
0x59: {  	_ =	shalt  }
0x5a: {  	_ =	shalt  }
0x5b: {  	_ =	shalt  }
0x5c: {  	_ =	shalt  }
0x5d: {  	_ =	shalt  }
0x5e: {  	_ =	shalt  }
0x5f: {  	_ =	shalt  }
0x60: {  	_ =	shalt  }
0x61: {  	_ =	shalt  }
0x62: {  	_ =	shalt  }
0x63: {  	_ =	shalt  }
0x64: {  	_ =	shalt  }
0x65: {  	_ =	shalt  }
0x66: {  	_ =	shalt  }
0x67: {  	_ =	shalt  }
0x68: {  	_ =	shalt  }
0x69: {  	_ =	shalt  }
0x6a: {  	_ =	shalt  }
0x6b: {  	_ =	shalt  }
0x6c: {  	_ =	shalt  }
0x6d: {  	_ =	shalt  }
0x6e: {  	_ =	shalt  }
0x6f: {  	_ =	shalt  }
0x70: {  	_ =	shalt  }
0x71: {  	_ =	shalt  }
0x72: {  	_ =	shalt  }
0x73: {  	_ =	shalt  }
0x74: {  	_ =	shalt  }
0x75: {  	_ =	shalt  }
0x76: {  	_ =	shalt  }
0x77: {  	_ =	shalt  }
0x78: {  	_ =	shalt  }
0x79: {  	_ =	shalt  }
0x7a: {  	_ =	shalt  }
0x7b: {  	_ =	shalt  }
0x7c: {  	_ =	shalt  }
0x7d: {  	_ =	shalt  }
0x7e: {  	_ =	shalt  }
0x7f: {  	_ =	shalt  }
0x80: {  	_ =	shalt  }
0x81: {  	_ =	shalt  }
0x82: {  	_ =	shalt  }
0x83: {  	_ =	shalt  }
0x84: {  	_ =	shalt  }
0x85: {  	_ =	shalt  }
0x86: {  	_ =	shalt  }
0x87: {  	_ =	shalt  }
.Lfunc_end0:
.L_simem_size_0:
called_computation.1_lowered:
.L_overlay_start_0:
0x88: {  	s2 =	sld [smem:$0x3FD9]  }
0x89: {  	s3 =	sld [smem:$0x3FFE];
	_ =	sdelay $0x1  }
0x8a: {  	s1 =	srdreg.scid  }
0x8b: {  	s0 =	sand.u32 $0x1, s1  }
0x8c: {  	s16 =	sshll.u32 s0, $0xA;
	s2 =	sadd.s32 s3, s2  }
0x8d: {  	s2 =	sadd.s32 s2, s16  }
0x8e: {  	[smem:$0x3FC6] =	sst s2  }
0x8f: {  	_ = 	snop  }
0x90: {  	(tm) =	ssettm $0x1  }
0x91: {  	s17 =	sld [smem:$0x3FFB];
	_ =	sdelay $0x3  }
0x92: {  	_ =	strace s17  }
0x93: {  	s2 =	sld [smem:$0x3FFC];
	_ =	sdelay $0x3  }
0x94: {  	_ =	strace s2  }
0x95: {  	s2 =	sld [smem:$0x3FFD];
	_ =	sdelay $0x3  }
0x96: {  	_ =	strace s2  }
0x97: {  	_ =	strace $0x8FFFFFFF  }
0x98: {  	s18 =	sld [smem:$0x3FDB];
	_ =	sdelay $0x1  }
0x99: {  	s19 =	simm.s32 $_scs_section_size  }
0x9a: {  	s4 =	simm.s32 $_size__tile_overlayer_lowered;
	s5 =	simm.s32 $_tile_overlayer_lowered  }
0x9b: {  	s22 =	simm.s32 $0x1BFF;
	s21 =	sshll.u32 s5, $0x1;
	s2 =	sadd.s32 s19, s18  }
0x9c: {  	s6 =	simm.s32 $0x0;
	s20 =	sshll.u32 s4, $0x1;
	s4 =	sadd.s32 s21, s2  }
0x9d: {  	[timem:s6], [sflag:s22] =	dma.local [hbm:s4], s20  }
0x9e: {  	_ =	swait.ge [sflag:s22], s20  }
0x9f: {  	s3 =	ssub.s32 $0x0, s20;
	[sflag:s22] =	ssyncset.done $0x0  }
0xa0: {  	[sflag:s22] =	ssyncadd.s32 s3;
	_ =	sdelay $0x1  }
0xa1: {  	s23 =	simm.s32 $0x1B8B  }
0xa2: {  	_ =	swait.ge [sflag:s23], $0x1  }
0xa3: {  	[sflag:s23] =	ssyncset.done $0x0  }
0xa4: {  	s25 =	simm.s32 $0x1B8E;
	s24 =	sld [smem:$0x3FFE];
	[sflag:s23] =	ssyncadd.s32 $0xFFFFFFFF  }
0xa5: {  	s26 =	simm.s32 $execute0_lowered;
	[smem:$0x3FD2] =	sst s25  }
0xa6: {  	s4 =	sshll.u32 s26, $0x1;
	_ =	strace $0x80000046;
	[dreg:$0x1] =	wrdreg $0xFFFFFFFF  }
0xa7: {  	s28 =	simm.s32 $_size_execute0_lowered;
	s2 =	sadd.s32 s2, s4;
	[dreg:$0x0] =	wrdreg $0x0  }
0xa8: {  	s4 =	sshll.u32 s28, $0x1;
	[dreg:$0x2] =	wrdreg s2  }
0xa9: {  	[dreg:$0x3] =	wrdreg s4  }
0xaa: {  	[dreg:$0x4] =	wrdreg $0xC0  }
0xab: {  	_ =	task [dreg:s6], $0x5FFFF  }
0xac: {  	[dreg:$0x1] =	wrdreg $0xFFFFFFFF  }
0xad: {  	[dreg:$0x0] =	wrdreg $0x60  }
0xae: {  	[dreg:$0x2] =	wrdreg s24  }
0xaf: {  	[dreg:$0x3] =	wrdreg $0xA  }
0xb0: {  	_ =	task.clear_ibuf [dreg:s6], $0x4FFFF;
	_ =	strace $0x90000046  }
0xb1: {  	s29 =	simm.s32 $0xA;
	_ =	strace $0x80000048  }
0xb2: {  	_ =	swait.ge [sflag:s29], $0x1  }
0xb3: {  	[sflag:s29] =	ssyncadd.s32 $0xFFFFFFFF  }
0xb4: {  	_ =	strace $0x90000048  }
0xb5: {  	_ =	sfence  }
0xb6: {  	s30 =	sld [smem:$0x0];
	_ =	sdelay $0x2  }
0xb7: {  	s31 =	sshll.u32 s1, $0xD;
	s1 =	sshrl.u32 s1, $0x2  }
0xb8: {  	s3 =	sand.u32 $0x4000, s31;
	s1 =	sadd.s32 s1, s30  }
0xb9: {  	s0 =	sor.u32 s3, s0;
	s1 =	sshll.u32 s1, $0x11  }
0xba: {  	s0 =	sor.u32 s1, s0  }
0xbb: {  	s0 =	sadd.s32 $0x8F2B, s0  }
0xbc: {  	[sflag:s0] =	ssyncadd.remote.s32 $0x1  }
0xbd: {  	_ =	sfence.sel $0xFFFF  }
0xbe: {  	[dreg:$0x0] =	wrdreg $0xFFFFFFFF;
	(pc) =	sbr.abs _section_cstart, $3  }
0xbf: {  	[dreg:$0x1] =	wrdreg $0xFFFFFFFF  }
0xc0: {  	_ =	task.clear_ibuf [dreg:s6], $0x2FFFF;
	_ =	strace $0x9FFFFFFF  }
0xc1: {  	(tm) =	ssettm $0x7FFFFFFF  }
tec
execute0_lowered:
.L_overlay_start_1:
0x0: {  	(tag) =	ssettag $0x1  }
0x1: {  	s1 =	stileid.u32  }
0x2: {  	p0 =	sgt.u32 s1, $0xB  }
.Ltmp0:
0x3: {  	_ = 	snop;
	(pc) =	sbr.rel @p0 .LBB2_7-.Ltmp0, $4  }
0x4: {  	_ = 	snop  }
0x5: {  	s3 =	rddreg [dreg:$0x0];
	s2 =	simm.s32 $0x0  }
0x6: {  	[smem:$0x7FF] =	sst s2  }
0x7: {  	s0 =	rddreg [dreg:$0x1];
	_ =	strace $0x80000047  }
0x8: {  	s4 =	srdreg.scid;
	s5 =	sshll.u32 s1, $0x2;
	s29 =	sadd.s32 $0x1000, s3  }
0x9: {  	s8 =	simm.s32 $0x1;
	s9 =	simm.s32 $0x180;
	s4 =	sand.u32 $0x1, s4  }
0xa: {  	s10 =	simm.s32 $0x7FE0;
	s11 =	simm.s32 $0x3;
	s6 =	sshll.u32 s4, $0x1  }
0xb: {  	s12 =	simm.s32 $0x0;
	s4 =	ssub.s32 $0x2, s4;
	s5 =	sor.u32 s6, s5  }
0xc: {  	s7 =	sshrl.u32 s4, $0x1;
	s6 =	simm.s32 $0x10;
	s30 =	sadd.s32 s5, s3  }
0xd: {  	s7 =	ssub.s32 s4, s7;
	s31 =	sadd.s32 s5, s29;
	s3 =	sadd.s32 $0xC1000, s30  }
0xe: {  	s4 =	sadd.s32 $0x54030, s31;
	s5 =	smax.u32 s7, $0x1;
	s7 =	simm.s32 $0x300  }
.LBB2_2:
0xf: {  	[tilespmem:s2], [sflag:$0x1] =	stream.strided.gather [hbm4b:s4+s6], $0x3FF0, s7, s6, $0x38;
	[tilespmem:$0xBFE0] =	vst v63  }
0x10: {  	_ =	swait.ge [sflag:s8], $0x3FF0  }
0x11: {  	[sflag:s8] =	ssyncset.done $0x0  }
0x12: {  	s14 =	simm.s32 $0x21E0;
	[sflag:s8] =	ssyncadd.s32 $0xFFFFC010  }
0x13: {  	v0 =	vld [tilespmem:s14+$0xFFFFFFD0]  }
0x14: {  	v2 =	vld [tilespmem:s14+$0xFFFFFFE0]  }
0x15: {  	v1 =	vld [tilespmem:s14+$0xFFFFFF90]  }
0x16: {  	v3 =	vld [tilespmem:s14+$0xFFFFFFA0]  }
0x17: {  	v9 =	vld [tilespmem:s14+$0xFFFFFF50]  }
0x18: {  	v13 =	vld [tilespmem:s14+$0xFFFFFF60]  }
0x19: {  	v6 =	vld [tilespmem:s14+$0xFFFFFF10]  }
0x1a: {  	v8 =	vld [tilespmem:s14+$0xFFFFFF20]  }
0x1b: {  	v5 =	vld [tilespmem:s14+$0xFFFFFED0]  }
0x1c: {  	v7 =	vld [tilespmem:s14+$0xFFFFFEE0]  }
0x1d: {  	v4 =	vld [tilespmem:s14+$0xFFFFFE90]  }
0x1e: {  	v10 =	vld [tilespmem:s14+$0xFFFFFEA0]  }
0x1f: {  	v11 =	vld [tilespmem:s14+$0xFFFFFE50]  }
0x20: {  	v12 =	vld [tilespmem:s14+$0xFFFFFE60]  }
0x21: {  	v14 =	vld [tilespmem:s14+$0xFFFFFE10]  }
0x22: {  	v15 =	vld [tilespmem:s14+$0xFFFFFE20]  }
0x23: {  	v16 =	vld [tilespmem:s14+$0xFFFFFE30]  }
0x24: {  	v17 =	vld [tilespmem:s14+$0xFFFFFE40]  }
0x25: {  	v18 =	vld [tilespmem:s14+$0xFFFFFE70]  }
0x26: {  	v19 =	vld [tilespmem:s14+$0xFFFFFE80]  }
0x27: {  	v20 =	vimm.f32 $0.0e+00;
	v21 =	vld [tilespmem:s14+$0xFFFFFEB0]  }
0x28: {  	v22 =	vld [tilespmem:s14+$0xFFFFFEC0];
	v14 =	vadd.f32 v14, v20;
	v15 =	vadd.f32 v15, v20  }
0x29: {  	v59 =	vld [tilespmem:s14+$0xFFFFFEF0];
	v16 =	vadd.f32 v16, v20;
	v17 =	vadd.f32 v17, v20  }
0x2a: {  	v11 =	vadd.f32 v11, v14;
	v12 =	vadd.f32 v12, v15;
	v14 =	vld [tilespmem:s14+$0xFFFFFF00]  }
0x2b: {  	v61 =	vld [tilespmem:s14+$0xFFFFFF30];
	v15 =	vadd.f32 v18, v16;
	v60 =	vadd.f32 v19, v17  }
0x2c: {  	v11 =	vadd.f32 v4, v11;
	v10 =	vadd.f32 v10, v12;
	v12 =	vld [tilespmem:s14+$0xFFFFFF40]  }
0x2d: {  	v15 =	vadd.f32 v21, v15;
	v16 =	vadd.f32 v22, v60;
	v4 =	vld [tilespmem:s14+$0xFFFFFF70]  }
0x2e: {  	v11 =	vadd.f32 v5, v11;
	v10 =	vadd.f32 v7, v10;
	v7 =	vld [tilespmem:s14+$0xFFFFFF80]  }
0x2f: {  	v15 =	vadd.f32 v59, v15;
	v5 =	vld [tilespmem:s14+$0xFFFFFFB0];
	v14 =	vadd.f32 v14, v16  }
0x30: {  	v62 =	vadd.f32 v6, v11;
	v63 =	vadd.f32 v8, v10;
	v8 =	vld [tilespmem:s14+$0xFFFFFFC0]  }
0x31: {  	v10 =	vadd.f32 v61, v15;
	v6 =	vld [tilespmem:s14+$0xFFFFFFF0];
	v11 =	vadd.f32 v12, v14  }
0x32: {  	s13 =	simm.s32 $0x0;
	v12 =	vadd.f32 v9, v62;
	v13 =	vadd.f32 v13, v63;
	v9 =	vld [tilespmem:s14+$0x0];
	s14 =	simm.s32 $0x23E0  }
.LBB2_3:
0x33: {  	v14 =	vld [tilespmem:s14+$0xFFFFFFD0];
	v4 =	vadd.f32 v4, v10;
	v7 =	vadd.f32 v7, v11  }
0x34: {  	v10 =	vld [tilespmem:s14+$0xFFFFFFE0];
	v11 =	vadd.f32 v1, v12;
	v12 =	vadd.f32 v3, v13  }
0x35: {  	v1 =	vld [tilespmem:s14+$0xFFFFFF90];
	v4 =	vadd.f32 v5, v4;
	v5 =	vadd.f32 v8, v7  }
0x36: {  	v3 =	vld [tilespmem:s14+$0xFFFFFFA0];
	v7 =	vadd.f32 v0, v11;
	v8 =	vadd.f32 v2, v12  }
0x37: {  	v12 =	vld [tilespmem:s14+$0xFFFFFF50];
	v4 =	vadd.f32 v6, v4;
	v5 =	vadd.f32 v9, v5  }
0x38: {  	v9 =	vld [tilespmem:s14+$0xFFFFFF60];
	v0 =	vmov v14  }
0x39: {  	v6 =	vld [tilespmem:s14+$0xFFFFFF10];
	v2 =	vmov v10  }
0x3a: {  	v10 =	vld [tilespmem:s14+$0xFFFFFF20]  }
0x3b: {  	v11 =	vld [tilespmem:s14+$0xFFFFFED0]  }
0x3c: {  	v13 =	vld [tilespmem:s14+$0xFFFFFEE0]  }
0x3d: {  	v14 =	vld [tilespmem:s14+$0xFFFFFE90]  }
0x3e: {  	v15 =	vld [tilespmem:s14+$0xFFFFFEA0]  }
0x3f: {  	v16 =	vld [tilespmem:s14+$0xFFFFFE50]  }
0x40: {  	v17 =	vld [tilespmem:s14+$0xFFFFFE60]  }
0x41: {  	v18 =	vld [tilespmem:s14+$0xFFFFFE10]  }
0x42: {  	v19 =	vld [tilespmem:s14+$0xFFFFFE20]  }
0x43: {  	v20 =	vld [tilespmem:s14+$0xFFFFFE30]  }
0x44: {  	s13 =	sadd.s32 $0x8, s13;
	v21 =	vld [tilespmem:s14+$0xFFFFFE40]  }
0x45: {  	p0 =	slt.u32 s13, $0x78;
	v22 =	vld [tilespmem:s14+$0xFFFFFE70]  }
0x46: {  	v23 =	vld [tilespmem:s14+$0xFFFFFE80]  }
0x47: {  	v24 =	vld [tilespmem:s14+$0xFFFFFEB0]  }
0x48: {  	v7 =	vadd.f32 v18, v7;
	v8 =	vadd.f32 v19, v8;
	v18 =	vld [tilespmem:s14+$0xFFFFFEC0]  }
0x49: {  	v4 =	vadd.f32 v20, v4;
	v5 =	vadd.f32 v21, v5;
	v19 =	vld [tilespmem:s14+$0xFFFFFEF0]  }
0x4a: {  	v7 =	vadd.f32 v16, v7;
	v8 =	vadd.f32 v17, v8;
	v16 =	vld [tilespmem:s14+$0xFFFFFF00]  }
0x4b: {  	v4 =	vadd.f32 v22, v4;
	v5 =	vadd.f32 v23, v5;
	v17 =	vld [tilespmem:s14+$0xFFFFFF30]  }
0x4c: {  	v7 =	vadd.f32 v14, v7;
	v8 =	vadd.f32 v15, v8;
	v14 =	vld [tilespmem:s14+$0xFFFFFF40]  }
0x4d: {  	v15 =	vadd.f32 v24, v4;
	v5 =	vadd.f32 v18, v5;
	v4 =	vld [tilespmem:s14+$0xFFFFFF70]  }
.Ltmp1:
0x4e: {  	v11 =	vadd.f32 v11, v7;
	v8 =	vadd.f32 v13, v8;
	v7 =	vld [tilespmem:s14+$0xFFFFFF80];
	(pc) =	sbr.rel @p0 .LBB2_3-.Ltmp1, $4  }
0x4f: {  	v13 =	vadd.f32 v19, v15;
	v15 =	vadd.f32 v16, v5;
	v5 =	vld [tilespmem:s14+$0xFFFFFFB0]  }
0x50: {  	v16 =	vadd.f32 v6, v11;
	v18 =	vadd.f32 v10, v8;
	v8 =	vld [tilespmem:s14+$0xFFFFFFC0]  }
0x51: {  	v10 =	vadd.f32 v17, v13;
	v11 =	vadd.f32 v14, v15;
	v6 =	vld [tilespmem:s14+$0xFFFFFFF0]  }
0x52: {  	v12 =	vadd.f32 v12, v16;
	v13 =	vadd.f32 v9, v18;
	v9 =	vld [tilespmem:s14+$0x0];
	s14 =	sadd.s32 $0x200, s14  }
0x53: {  	v4 =	vadd.f32 v4, v10;
	v7 =	vadd.f32 v7, v11  }
0x54: {  	v1 =	vadd.f32 v1, v12;
	v3 =	vadd.f32 v3, v13  }
0x55: {  	v4 =	vadd.f32 v5, v4;
	v63 =	vadd.f32 v8, v7  }
0x56: {  	v0 =	vadd.f32 v0, v1;
	v1 =	vadd.f32 v2, v3  }
0x57: {  	v2 =	vadd.f32 v6, v4;
	v3 =	vadd.f32 v9, v63;
	_ =	sdelay $0x1  }
0x58: {  	v0 =	vadd.f32 v1, v0;
	v1 =	vadd.f32 v3, v2;
	_ =	sdelay $0x1  }
0x59: {  	v0 =	vadd.f32 v1, v0;
	_ =	sdelay $0x1  }
0x5a: {  	v1 =	vmul.f32 $1.953125000e-03, v0;
	_ =	sdelay $0x1  }
0x5b: {  	s13 =	simm.s32 $0xFFFFFFFC;
	s14 =	simm.s32 $0x3EF0;
	s15 =	simm.s32 $0x8060;
	[tilespmem:$0x7FE0] =	vst v1  }
.LBB2_5:
0x5c: {  	v1 =	vld [tilespmem:s14+$0xFFFFE0F0]  }
0x5d: {  	v2 =	vld [tilespmem:s14+$0xF0]  }
0x5e: {  	v3 =	vld [tilespmem:s14+$0xFFFFE0E0]  }
0x5f: {  	v4 =	vld [tilespmem:s14+$0xE0]  }
0x60: {  	v5 =	vld [tilespmem:s14+$0xFFFFE0D0]  }
0x61: {  	v6 =	vld [tilespmem:s14+$0xD0]  }
0x62: {  	v7 =	vld [tilespmem:s14+$0xFFFFE0C0]  }
0x63: {  	v8 =	vld [tilespmem:s14+$0xC0];
	_ =	sdelay $0x3  }
0x64: {  	v1 =	vsub.f32 v1, v2;
	v2 =	vsub.f32 v3, v4  }
0x65: {  	v3 =	vsub.f32 v5, v6;
	v41 =	vsub.f32 v7, v8  }
0x66: {  	v2 =	vadd.f32 v2, v1  }
0x67: {  	v4 =	vadd.f32 v41, v3  }
0x68: {  	v1 =	vadd.f32 v1, v0;
	v42 =	vadd.f32 v2, v0  }
0x69: {  	v2 =	vadd.f32 v4, v2  }
0x6a: {  	v1 =	vmul.f32 $1.953125000e-03, v1;
	v3 =	vadd.f32 v3, v42  }
0x6b: {  	v0 =	vadd.f32 v2, v0;
	v2 =	vmul.f32 $1.953125000e-03, v42  }
0x6c: {  	[tilespmem:s15+$0xFFFFFF90] =	vst v1;
	v1 =	vmul.f32 $1.953125000e-03, v3  }
0x6d: {  	[tilespmem:s15+$0xFFFFFFA0] =	vst v2;
	v2 =	vmul.f32 $1.953125000e-03, v0  }
0x6e: {  	[tilespmem:s15+$0xFFFFFFB0] =	vst v1  }
0x6f: {  	[tilespmem:s15+$0xFFFFFFC0] =	vst v2  }
0x70: {  	v1 =	vld [tilespmem:s14+$0xFFFFE0B0]  }
0x71: {  	v2 =	vld [tilespmem:s14+$0xB0]  }
0x72: {  	v3 =	vld [tilespmem:s14+$0xFFFFE0A0]  }
0x73: {  	v43 =	vld [tilespmem:s14+$0xA0]  }
0x74: {  	v44 =	vld [tilespmem:s14+$0xFFFFE090]  }
0x75: {  	v45 =	vld [tilespmem:s14+$0x90]  }
0x76: {  	v46 =	vld [tilespmem:s14+$0xFFFFE080]  }
0x77: {  	v47 =	vld [tilespmem:s14+$0x80];
	_ =	sdelay $0x3  }
0x78: {  	v1 =	vsub.f32 v1, v2;
	v2 =	vsub.f32 v3, v43  }
0x79: {  	v3 =	vsub.f32 v44, v45;
	v48 =	vsub.f32 v46, v47  }
0x7a: {  	v2 =	vadd.f32 v2, v1  }
0x7b: {  	v4 =	vadd.f32 v48, v3  }
0x7c: {  	v1 =	vadd.f32 v1, v0;
	v49 =	vadd.f32 v2, v0  }
0x7d: {  	v2 =	vadd.f32 v4, v2  }
0x7e: {  	v1 =	vmul.f32 $1.953125000e-03, v1;
	v3 =	vadd.f32 v3, v49  }
0x7f: {  	v0 =	vadd.f32 v2, v0;
	v2 =	vmul.f32 $1.953125000e-03, v49  }
0x80: {  	[tilespmem:s15+$0xFFFFFFD0] =	vst v1;
	v1 =	vmul.f32 $1.953125000e-03, v3  }
0x81: {  	[tilespmem:s15+$0xFFFFFFE0] =	vst v2;
	v2 =	vmul.f32 $1.953125000e-03, v0  }
0x82: {  	[tilespmem:s15+$0xFFFFFFF0] =	vst v1  }
0x83: {  	[tilespmem:s15+$0x0] =	vst v2  }
0x84: {  	v1 =	vld [tilespmem:s14+$0xFFFFE070]  }
0x85: {  	v2 =	vld [tilespmem:s14+$0x70]  }
0x86: {  	v3 =	vld [tilespmem:s14+$0xFFFFE060]  }
0x87: {  	v50 =	vld [tilespmem:s14+$0x60]  }
0x88: {  	v51 =	vld [tilespmem:s14+$0xFFFFE050]  }
0x89: {  	v52 =	vld [tilespmem:s14+$0x50]  }
0x8a: {  	v53 =	vld [tilespmem:s14+$0xFFFFE040]  }
0x8b: {  	v54 =	vld [tilespmem:s14+$0x40];
	_ =	sdelay $0x3  }
0x8c: {  	v1 =	vsub.f32 v1, v2;
	v2 =	vsub.f32 v3, v50  }
0x8d: {  	v3 =	vsub.f32 v51, v52;
	v55 =	vsub.f32 v53, v54  }
0x8e: {  	v2 =	vadd.f32 v2, v1  }
0x8f: {  	v4 =	vadd.f32 v55, v3  }
0x90: {  	v1 =	vadd.f32 v1, v0;
	v56 =	vadd.f32 v2, v0  }
0x91: {  	v2 =	vadd.f32 v4, v2  }
0x92: {  	v1 =	vmul.f32 $1.953125000e-03, v1;
	v3 =	vadd.f32 v3, v56  }
0x93: {  	v0 =	vadd.f32 v2, v0;
	v2 =	vmul.f32 $1.953125000e-03, v56  }
0x94: {  	[tilespmem:s15+$0x10] =	vst v1;
	v1 =	vmul.f32 $1.953125000e-03, v3  }
0x95: {  	[tilespmem:s15+$0x20] =	vst v2;
	v2 =	vmul.f32 $1.953125000e-03, v0  }
0x96: {  	[tilespmem:s15+$0x30] =	vst v1  }
0x97: {  	[tilespmem:s15+$0x40] =	vst v2  }
0x98: {  	v1 =	vld [tilespmem:s14+$0xFFFFE030]  }
0x99: {  	v2 =	vld [tilespmem:s14+$0x30]  }
0x9a: {  	v3 =	vld [tilespmem:s14+$0xFFFFE020]  }
0x9b: {  	v57 =	vld [tilespmem:s14+$0x20]  }
0x9c: {  	v58 =	vld [tilespmem:s14+$0xFFFFE010]  }
0x9d: {  	v59 =	vld [tilespmem:s14+$0x10]  }
0x9e: {  	v60 =	vld [tilespmem:s14+$0xFFFFE000]  }
0x9f: {  	v61 =	vld [tilespmem:s14+$0x0];
	_ =	sdelay $0x3  }
0xa0: {  	v1 =	vsub.f32 v1, v2;
	v2 =	vsub.f32 v3, v57  }
0xa1: {  	v3 =	vsub.f32 v58, v59;
	v62 =	vsub.f32 v60, v61  }
0xa2: {  	v2 =	vadd.f32 v2, v1  }
0xa3: {  	v4 =	vadd.f32 v62, v3  }
0xa4: {  	v1 =	vadd.f32 v1, v0;
	v63 =	vadd.f32 v2, v0  }
0xa5: {  	s13 =	sadd.s32 $0x4, s13;
	v2 =	vadd.f32 v4, v2  }
0xa6: {  	p0 =	slt.u32 s13, $0x78;
	v1 =	vmul.f32 $1.953125000e-03, v1;
	v3 =	vadd.f32 v3, v63  }
.Ltmp2:
0xa7: {  	v0 =	vadd.f32 v2, v0;
	v2 =	vmul.f32 $1.953125000e-03, v63;
	(pc) =	sbr.rel @p0 .LBB2_5-.Ltmp2, $4  }
0xa8: {  	[tilespmem:s15+$0x50] =	vst v1;
	v1 =	vmul.f32 $1.953125000e-03, v3  }
0xa9: {  	[tilespmem:s15+$0x60] =	vst v2;
	v2 =	vmul.f32 $1.953125000e-03, v0  }
0xaa: {  	[tilespmem:s15+$0x70] =	vst v1  }
0xab: {  	s14 =	sadd.s32 $0xFFFFFF00, s14;
	[tilespmem:s15+$0x80] =	vst v2;
	s15 =	sadd.s32 $0x100, s15  }
0xac: {  	v1 =	vld [tilespmem:$0xE0]  }
0xad: {  	v2 =	vld [tilespmem:$0x20E0]  }
0xae: {  	v3 =	vld [tilespmem:$0xD0]  }
0xaf: {  	v4 =	vld [tilespmem:$0x20D0]  }
0xb0: {  	v5 =	vld [tilespmem:$0xC0]  }
0xb1: {  	v6 =	vld [tilespmem:$0x20C0]  }
0xb2: {  	v7 =	vld [tilespmem:$0xB0]  }
0xb3: {  	v8 =	vld [tilespmem:$0x20B0]  }
0xb4: {  	v9 =	vld [tilespmem:$0xA0]  }
0xb5: {  	v10 =	vld [tilespmem:$0x20A0]  }
0xb6: {  	v11 =	vld [tilespmem:$0x90]  }
0xb7: {  	v12 =	vld [tilespmem:$0x2090]  }
0xb8: {  	v13 =	vld [tilespmem:$0x80]  }
0xb9: {  	v14 =	vld [tilespmem:$0x2080]  }
0xba: {  	v15 =	vld [tilespmem:$0x70]  }
0xbb: {  	v16 =	vld [tilespmem:$0x2070]  }
0xbc: {  	v17 =	vld [tilespmem:$0x60]  }
0xbd: {  	v18 =	vld [tilespmem:$0x2060]  }
0xbe: {  	v19 =	vld [tilespmem:$0x50]  }
0xbf: {  	v20 =	vld [tilespmem:$0x2050]  }
0xc0: {  	v25 =	vld [tilespmem:$0x40]  }
0xc1: {  	v27 =	vld [tilespmem:$0x2040];
	v1 =	vsub.f32 v1, v2  }
0xc2: {  	v30 =	vld [tilespmem:$0x30];
	v3 =	vsub.f32 v3, v4;
	v26 =	vsub.f32 v5, v6  }
0xc3: {  	v33 =	vld [tilespmem:$0x2030];
	v28 =	vsub.f32 v7, v8;
	v29 =	vsub.f32 v9, v10  }
0xc4: {  	v31 =	vsub.f32 v11, v12;
	v32 =	vsub.f32 v13, v14  }
0xc5: {  	v34 =	vsub.f32 v15, v16;
	v35 =	vsub.f32 v17, v18  }
0xc6: {  	v36 =	vsub.f32 v19, v20;
	v2 =	vsub.f32 v25, v27  }
0xc7: {  	v3 =	vadd.f32 v3, v1;
	v6 =	vadd.f32 v28, v26  }
0xc8: {  	v37 =	vsub.f32 v30, v33;
	v9 =	vadd.f32 v31, v29  }
0xc9: {  	v12 =	vadd.f32 v34, v32;
	v6 =	vadd.f32 v6, v3  }
0xca: {  	v39 =	vadd.f32 v36, v35;
	v5 =	vadd.f32 v37, v2  }
0xcb: {  	v38 =	vadd.f32 v12, v9;
	v6 =	vadd.f32 v6, v0  }
0xcc: {  	v41 =	vld [tilespmem:$0x20];
	v1 =	vadd.f32 v1, v0;
	v40 =	vadd.f32 v3, v0  }
0xcd: {  	v5 =	vadd.f32 v5, v39;
	v8 =	vadd.f32 v38, v6  }
0xce: {  	v42 =	vld [tilespmem:$0x2020]  }
0xcf: {  	v1 =	vmul.f32 $1.953125000e-03, v1;
	v4 =	vadd.f32 v26, v40;
	v5 =	vadd.f32 v5, v8  }
0xd0: {  	v43 =	vld [tilespmem:$0x10];
	v0 =	vmul.f32 $1.953125000e-03, v40  }
0xd1: {  	[tilespmem:$0x9EF0] =	vst v1;
	v7 =	vadd.f32 v29, v6;
	v44 =	vmul.f32 $1.953125000e-03, v4;
	v3 =	vadd.f32 v41, v5  }
0xd2: {  	v47 =	vld [tilespmem:$0x2010];
	v45 =	vadd.f32 v9, v6;
	[tilespmem:$0x9F00] =	vst v0;
	v46 =	vmul.f32 $1.953125000e-03, v6  }
0xd3: {  	[tilespmem:$0x9F10] =	vst v44;
	v7 =	vmul.f32 $1.953125000e-03, v7;
	v48 =	vsub.f32 v3, v42  }
0xd4: {  	v52 =	vld [tilespmem:$0x0];
	[tilespmem:$0x9F20] =	vst v46;
	v50 =	vmul.f32 $1.953125000e-03, v45;
	v51 =	vadd.f32 v35, v8  }
0xd5: {  	v53 =	vadd.f32 v39, v8;
	v55 =	vmul.f32 $1.953125000e-03, v8;
	[tilespmem:$0x9F30] =	vst v7;
	v54 =	vadd.f32 v43, v48  }
0xd6: {  	v56 =	vld [tilespmem:$0x2000];
	[tilespmem:$0x9F40] =	vst v50;
	v4 =	vmul.f32 $1.953125000e-03, v51  }
0xd7: {  	v49 =	vadd.f32 v32, v45;
	[tilespmem:$0x9F60] =	vst v55;
	v58 =	vmul.f32 $1.953125000e-03, v53;
	v57 =	vsub.f32 v54, v47  }
0xd8: {  	v2 =	vadd.f32 v2, v53;
	v60 =	vmul.f32 $1.953125000e-03, v5;
	[tilespmem:$0x9F70] =	vst v4  }
0xd9: {  	v3 =	vmul.f32 $1.953125000e-03, v49;
	[tilespmem:$0x9F80] =	vst v58;
	v59 =	vadd.f32 v52, v57  }
0xda: {  	v2 =	vmul.f32 $1.953125000e-03, v2;
	[tilespmem:$0x9FA0] =	vst v60  }
0xdb: {  	[tilespmem:$0x9F50] =	vst v3;
	v1 =	vmul.f32 $1.953125000e-03, v48;
	v61 =	vsub.f32 v59, v56  }
0xdc: {  	[tilespmem:$0x9F90] =	vst v2;
	v62 =	vmul.f32 $1.953125000e-03, v57  }
0xdd: {  	s12 =	sadd.s32 $0x1, s12;
	[tilespmem:$0x9FB0] =	vst v1;
	v63 =	vmul.f32 $1.953125000e-03, v61  }
0xde: {  	p0 =	sne.s32 s12, s5;
	[tilespmem:$0x9FC0] =	vst v62  }
.Ltmp3:
0xdf: {  	[tilespmem:$0x9FD0] =	vst v63;
	(pc) =	sbr.rel @p0 .LBB2_2-.Ltmp3, $4  }
0xe0: {  	[hbm4b:s3+s6] =	stream.strided.scatter [tilespmem:s10], [sflag:$0x3], $0x2000, s9, s6, $0x38;
	[tilespmem:$0xBFE0] =	vst v63  }
0xe1: {  	_ =	swait.ge [sflag:s11], $0x2000  }
0xe2: {  	[sflag:s11] =	ssyncset.done $0x0  }
0xe3: {  	[sflag:s11] =	ssyncadd.s32 $0xFFFFE000  }
.LBB2_7:
0xe4: {  	_ =	sfence.sel $0x180000  }
0xe5: {  	[bflag:$0x0] =	sbarrier.arrive $0xFFFF  }
0xe6: {  	p0 =	sne.s32 s1, $0x0;
	_ =	strace $0x90000047  }
0xe7: {  	s0 =	sadd.s32 @!p0 $0x100000, s0;
	[bflag:$0x2] =	sbarrier.arrive $0xFFFF  }
0xe8: {  	[sflag:s0] =	ssyncadd.tile.s32 @!p0 $0x1;
	_ =	shalt  }
.Lfunc_end2:
_tile_overlayer_lowered:
.L_overlay_start_2:
0xe9: {  	(tag) =	ssettag $0x2  }
0xea: {  	s0 =	rddreg [dreg:$0x0];
	s2 =	stileid.u32  }
0xeb: {  	s1 =	rddreg [dreg:$0x1];
	p0 =	sne.s32 s2, $0x0  }
0xec: {  	s3 =	rddreg [dreg:$0x2];
	[bflag:$0x3] =	sbarrier.arrive $0xFFFF;
	s2 =	simm.s32 @!p0 $0x1C05  }
0xed: {  	[timem:s3], [sflag:s2] =	dma.local @!p0 [hbm:s0], s1  }
0xee: {  	s0 =	simm.s32 @!p0 $0x5  }
0xef: {  	_ =	swait.ge @!p0 [sflag:s0], s1  }
0xf0: {  	s1 =	ssub.s32 @!p0 $0x0, s1;
	[sflag:s0] =	ssyncset.done @!p0 $0x0  }
0xf1: {  	[sflag:s0] =	ssyncadd.s32 @!p0 s1  }
0xf2: {  	[bflag:$0x3] =	sbarrier.arrive $0xFFFF  }
0xf3: {  	_ =	shalt  }

</sc_bundles>
